<compile_context>
chip_gen: v7x
topology: tpu7x:2x2x1
jax: 0.10.2.dev20260603
libtpu: 0.0.44.dev20260713+nightly
codegen_flags: <defaults>
</compile_context>

<pallas_src>
import functools

import jax
import jax.numpy as jnp
from jax import lax
from jax.experimental import pallas as pl
from jax.experimental.pallas import tpu as pltpu
from jax.experimental.pallas import tpu_sc as plsc

N = 100000
E = 1600000
IN_DIM = 5
HIDDEN = 32
OUT_DIM = 2

HALF = 16
CW = 128
NPAD = 102272
DUMP = NPAD - N
ROWS_PER_TILE = NPAD // 16

Q_E = 400
Q_F = 800
P = 40
NCHPAD = 12840
EPAD = NCHPAD * CW

_mesh = plsc.VectorSubcoreMesh(core_axis_name="c", subcore_axis_name="s")



def _make_agg(feature_split):
  Q = Q_F if feature_split else Q_E
  PH = Q // P
  NI = P // 4

  @functools.partial(
      pl.kernel,
      out_type=jax.ShapeDtypeStruct((2, NPAD, HALF), jnp.float32),
      mesh=_mesh,
      compiler_params=pltpu.CompilerParams(use_tc_tiling_on_sc=False),
      scratch_types=[
          pltpu.VMEM((P, CW), jnp.int32),
          pltpu.VMEM((P, CW), jnp.int32),
          pltpu.VMEM((P, CW), jnp.int32),
          pltpu.VMEM((P, CW), jnp.int32),
          pltpu.VMEM((2, CW, HALF), jnp.float32),
          pltpu.VMEM((2, CW, HALF), jnp.float32),
          pltpu.VMEM_SHARED((NPAD, HALF), jnp.float32),
          pltpu.SemaphoreType.DMA,
          pltpu.SemaphoreType.DMA,
          pltpu.SemaphoreType.DMA,
          pltpu.SemaphoreType.DMA,
          pltpu.SemaphoreType.DMA,
          pltpu.SemaphoreType.DMA,
      ],
  )
  def agg(table_hbm, src_hbm, dst_hbm, zero_hbm, out_hbm,
          isrc0, idst0, isrc1, idst1, rowsA, rowsB, acc,
          isem0, isem1, gsemA, gsemB, ssemA, ssemB):
    cid = lax.axis_index("c")
    sid = lax.axis_index("s")
    zlo = sid * ROWS_PER_TILE
    pltpu.sync_copy(zero_hbm.at[pl.ds(zlo, ROWS_PER_TILE)],
                    acc.at[pl.ds(zlo, ROWS_PER_TILE)])
    plsc.subcore_barrier()

    if feature_split:
      row0 = sid * Q
      tbl = table_hbm.at[cid]
    else:
      row0 = (cid * 16 + sid) * Q
      tbl = table_hbm.at[0]

    def fetch_idx(pbase, isrc, idst, isem):
      pltpu.async_copy(src_hbm.at[pl.ds(pbase, P)], isrc, isem)
      pltpu.async_copy(dst_hbm.at[pl.ds(pbase, P)], idst, isem)

    def drain_idx(isrc, idst, isem):
      pltpu.make_async_copy(src_hbm.at[pl.ds(row0, P)], isrc, isem).wait()
      pltpu.make_async_copy(dst_hbm.at[pl.ds(row0, P)], idst, isem).wait()

    def run_phase(isrc, idst):
      @pl.loop(0, NI)
      def _(sub):
        jj = 4 * sub
        gA = [pltpu.async_copy(tbl.at[isrc.at[jj + k]],
                               rowsA.at[k], gsemA) for k in range(2)]
        gB = [pltpu.async_copy(tbl.at[isrc.at[jj + 2 + k]],
                               rowsB.at[k], gsemB) for k in range(2)]
        for g in gA:
          g.wait()
        sA = [pltpu.async_copy(rowsA.at[k], acc.at[idst.at[jj + k]],
                               ssemA, add=True) for k in range(2)]
        for g in gB:
          g.wait()
        sB = [pltpu.async_copy(rowsB.at[k], acc.at[idst.at[jj + 2 + k]],
                               ssemB, add=True) for k in range(2)]
        for c in sA:
          c.wait()
        for c in sB:
          c.wait()

    fetch_idx(row0, isrc0, idst0, isem0)

    @pl.loop(0, PH, step=2)
    def _(ph):
      pbase = row0 + ph * P
      drain_idx(isrc0, idst0, isem0)
      fetch_idx(pbase + P, isrc1, idst1, isem1)
      run_phase(isrc0, idst0)
      drain_idx(isrc1, idst1, isem1)
      fetch_idx(pbase + 2 * P, isrc0, idst0, isem0)
      run_phase(isrc1, idst1)

    drain_idx(isrc0, idst0, isem0)

    plsc.subcore_barrier()
    pltpu.sync_copy(acc.at[pl.ds(zlo, ROWS_PER_TILE)],
                    out_hbm.at[cid].at[pl.ds(zlo, ROWS_PER_TILE)])

  return agg


@functools.partial(
    pl.kernel,
    out_type=jax.ShapeDtypeStruct((2, NPAD, HALF), jnp.float32),
    mesh=_mesh,
    compiler_params=pltpu.CompilerParams(use_tc_tiling_on_sc=False),
    scratch_types=[
        pltpu.VMEM((P, CW), jnp.int32),
        pltpu.VMEM((P, CW), jnp.int32),
        pltpu.VMEM((CW, HALF), jnp.float32),
        pltpu.VMEM_SHARED((NPAD, HALF), jnp.float32),
        pltpu.SemaphoreType.DMA,
        pltpu.SemaphoreType.DMA,
        pltpu.SemaphoreType.DMA,
    ],
)
def _degree_kernel(dst_hbm, ones_hbm, zero_hbm, out_hbm,
                   idst0, idst1, ones_v, acc, isem0, isem1, ssem):
  cid = lax.axis_index("c")
  sid = lax.axis_index("s")
  zlo = sid * ROWS_PER_TILE
  pltpu.sync_copy(zero_hbm.at[pl.ds(zlo, ROWS_PER_TILE)],
                  acc.at[pl.ds(zlo, ROWS_PER_TILE)])
  pltpu.sync_copy(ones_hbm, ones_v)
  plsc.subcore_barrier()

  row0 = (cid * 16 + sid) * Q_E
  PH = Q_E // P
  NI = P // 8

  def fetch_idx(pbase, idst, isem):
    pltpu.async_copy(dst_hbm.at[pl.ds(pbase, P)], idst, isem)

  def drain_idx(idst, isem):
    pltpu.make_async_copy(dst_hbm.at[pl.ds(row0, P)], idst, isem).wait()

  def run_phase(idst):
    @pl.loop(0, NI)
    def _(sub):
      jj = 8 * sub
      sc = [pltpu.async_copy(ones_v, acc.at[idst.at[jj + k]], ssem,
                             add=True) for k in range(8)]
      for c in sc:
        c.wait()

  fetch_idx(row0, idst0, isem0)

  @pl.loop(0, PH, step=2)
  def _(ph):
    pbase = row0 + ph * P
    drain_idx(idst0, isem0)
    fetch_idx(pbase + P, idst1, isem1)
    run_phase(idst0)
    drain_idx(idst1, isem1)
    fetch_idx(pbase + 2 * P, idst0, isem0)
    run_phase(idst1)

  drain_idx(idst0, isem0)

  plsc.subcore_barrier()
  pltpu.sync_copy(acc.at[pl.ds(zlo, ROWS_PER_TILE)],
                  out_hbm.at[cid].at[pl.ds(zlo, ROWS_PER_TILE)])


_agg_edge_split = _make_agg(feature_split=False)
_agg_feat_split = _make_agg(feature_split=True)



NP8 = NPAD // 8
BLK8 = 752
GRID8 = NP8 // BLK8


def _tc_prep(degp, xq):
  def body(degp_ref, xq_ref, dinv16_ref, xp_ref):
    deg = degp_ref[0] + degp_ref[1] + 1.0
    dinv = lax.rsqrt(jnp.maximum(deg, 1e-12))
    dinv16_ref[...] = dinv
    xp_ref[...] = dinv * xq_ref[...]

  return pl.pallas_call(
      body,
      grid=(GRID8,),
      in_specs=[
          pl.BlockSpec((2, BLK8, 128), lambda i: (0, i, 0)),
          pl.BlockSpec((BLK8, 128), lambda i: (i, 0)),
      ],
      out_specs=[
          pl.BlockSpec((BLK8, 128), lambda i: (i, 0)),
          pl.BlockSpec((BLK8, 128), lambda i: (i, 0)),
      ],
      out_shape=[
          jax.ShapeDtypeStruct((NP8, 128), jnp.float32),
          jax.ShapeDtypeStruct((NP8, 128), jnp.float32),
      ],
  )(degp, xq)


def _tc_layer1(aggp, xp, dinv16, W1b, b1t, S0, S1):
  def body(agg_ref, xp_ref, d16_ref, w_ref, b_ref, s0_ref, s1_ref, out_ref):
    d16 = d16_ref[...]
    s = d16 * (agg_ref[0] + agg_ref[1] + xp_ref[...])
    h = jnp.dot(s, w_ref[...], preferred_element_type=jnp.float32)
    h = jnp.maximum(h + b_ref[...][None, :], 0.0)
    out_ref[0] = d16 * jnp.dot(h, s0_ref[...],
                               preferred_element_type=jnp.float32)
    out_ref[1] = d16 * jnp.dot(h, s1_ref[...],
                               preferred_element_type=jnp.float32)

  return pl.pallas_call(
      body,
      grid=(GRID8,),
      in_specs=[
          pl.BlockSpec((2, BLK8, 128), lambda i: (0, i, 0)),
          pl.BlockSpec((BLK8, 128), lambda i: (i, 0)),
          pl.BlockSpec((BLK8, 128), lambda i: (i, 0)),
          pl.BlockSpec((128, 256), lambda i: (0, 0)),
          pl.BlockSpec((256,), lambda i: (0,)),
          pl.BlockSpec((256, 128), lambda i: (0, 0)),
          pl.BlockSpec((256, 128), lambda i: (0, 0)),
      ],
      out_specs=pl.BlockSpec((2, BLK8, 128), lambda i: (0, i, 0)),
      out_shape=jax.ShapeDtypeStruct((2, NP8, 128), jnp.float32),
  )(aggp, xp, dinv16, W1b, b1t, S0, S1)


def _tc_mid(aggp, hp_prev, dinv16, Wb0, Wb1, bt, S0, S1):
  def body(agg_ref, hp_ref, d16_ref, w0_ref, w1_ref, b_ref,
           s0_ref, s1_ref, out_ref):
    d16 = d16_ref[...]
    u0 = d16 * (agg_ref[0] + hp_ref[0])
    u1 = d16 * (agg_ref[1] + hp_ref[1])
    h = (jnp.dot(u0, w0_ref[...], preferred_element_type=jnp.float32)
         + jnp.dot(u1, w1_ref[...], preferred_element_type=jnp.float32))
    h = jnp.maximum(h + b_ref[...][None, :], 0.0)
    out_ref[0] = d16 * jnp.dot(h, s0_ref[...],
                               preferred_element_type=jnp.float32)
    out_ref[1] = d16 * jnp.dot(h, s1_ref[...],
                               preferred_element_type=jnp.float32)

  return pl.pallas_call(
      body,
      grid=(GRID8,),
      in_specs=[
          pl.BlockSpec((2, BLK8, 128), lambda i: (0, i, 0)),
          pl.BlockSpec((2, BLK8, 128), lambda i: (0, i, 0)),
          pl.BlockSpec((BLK8, 128), lambda i: (i, 0)),
          pl.BlockSpec((128, 256), lambda i: (0, 0)),
          pl.BlockSpec((128, 256), lambda i: (0, 0)),
          pl.BlockSpec((256,), lambda i: (0,)),
          pl.BlockSpec((256, 128), lambda i: (0, 0)),
          pl.BlockSpec((256, 128), lambda i: (0, 0)),
      ],
      out_specs=pl.BlockSpec((2, BLK8, 128), lambda i: (0, i, 0)),
      out_shape=jax.ShapeDtypeStruct((2, NP8, 128), jnp.float32),
  )(aggp, hp_prev, dinv16, Wb0, Wb1, bt, S0, S1)


def _tc_final(aggp, hp_prev, dinv16, W3b0, W3b1, b3t):
  def body(agg_ref, hp_ref, d16_ref, w0_ref, w1_ref, b_ref, out_ref):
    d16 = d16_ref[...]
    u0 = d16 * (agg_ref[0] + hp_ref[0])
    u1 = d16 * (agg_ref[1] + hp_ref[1])
    o = (jnp.dot(u0, w0_ref[...], preferred_element_type=jnp.float32)
         + jnp.dot(u1, w1_ref[...], preferred_element_type=jnp.float32))
    out_ref[...] = o + b_ref[...][None, :]

  return pl.pallas_call(
      body,
      grid=(GRID8,),
      in_specs=[
          pl.BlockSpec((2, BLK8, 128), lambda i: (0, i, 0)),
          pl.BlockSpec((2, BLK8, 128), lambda i: (0, i, 0)),
          pl.BlockSpec((BLK8, 128), lambda i: (i, 0)),
          pl.BlockSpec((128, 16), lambda i: (0, 0)),
          pl.BlockSpec((128, 16), lambda i: (0, 0)),
          pl.BlockSpec((16,), lambda i: (0,)),
      ],
      out_specs=pl.BlockSpec((BLK8, 16), lambda i: (i, 0)),
      out_shape=jax.ShapeDtypeStruct((NP8, 16), jnp.float32),
  )(aggp, hp_prev, dinv16, W3b0, W3b1, b3t)



def kernel(x, edge_index, W1, b1, W2, b2, W3, b3):
  ei3 = edge_index.reshape(2, E // CW, CW)
  padc = (N + jnp.arange(EPAD - E, dtype=jnp.int32) % DUMP).reshape(
      NCHPAD - E // CW, CW)
  srcc = jnp.concatenate([ei3[0], padc])
  dstc = jnp.concatenate([ei3[1], padc])

  zeros = jnp.zeros((NPAD, HALF), jnp.float32)
  ones128 = jnp.ones((CW, HALF), jnp.float32)
  eye8 = jnp.eye(8, dtype=jnp.float32)
  eye16 = jnp.eye(HALF, dtype=jnp.float32)
  z16 = jnp.zeros((HALF, HALF), jnp.float32)
  W1b = jnp.kron(eye8, jnp.concatenate(
      [W1, jnp.zeros((HALF - IN_DIM, HIDDEN), jnp.float32)], axis=0))
  W2b0 = jnp.kron(eye8, W2[:HALF, :])
  W2b1 = jnp.kron(eye8, W2[HALF:, :])
  W3b0 = jnp.kron(eye8, W3[:HALF, :])
  W3b1 = jnp.kron(eye8, W3[HALF:, :])
  S0 = jnp.kron(eye8, jnp.concatenate([eye16, z16], axis=0))
  S1 = jnp.kron(eye8, jnp.concatenate([z16, eye16], axis=0))
  b1t = jnp.tile(b1, 8)
  b2t = jnp.tile(b2, 8)
  b3t = jnp.tile(b3, 8)
  xq = jnp.pad(x, ((0, NPAD - N), (0, HALF - IN_DIM))).reshape(NP8, 128)

  degp = _degree_kernel(dstc, ones128, zeros)
  dinv16, xp = _tc_prep(degp.reshape(2, NP8, 128), xq)

  agg1 = _agg_edge_split(xp.reshape(1, NPAD, HALF), srcc, dstc, zeros)
  hp1 = _tc_layer1(agg1.reshape(2, NP8, 128), xp, dinv16, W1b, b1t, S0, S1)

  agg2 = _agg_feat_split(hp1.reshape(2, NPAD, HALF), srcc, dstc, zeros)
  hp2 = _tc_mid(agg2.reshape(2, NP8, 128), hp1, dinv16, W2b0, W2b1, b2t,
                S0, S1)

  agg3 = _agg_feat_split(hp2.reshape(2, NPAD, HALF), srcc, dstc, zeros)
  out = _tc_final(agg3.reshape(2, NP8, 128), hp2, dinv16, W3b0, W3b1, b3t)
  return out[:N // 8].reshape(N, OUT_DIM)

# --- scband reference (transcript-rebuilt; emitter-appended) ---
"""Pipeline reference for scband-gcn-38517266710862 (READ-ONLY COPY).

The authoritative reference and input builder live on the scoring server;
editing this copy changes nothing except your own understanding.
"""

import jax, jax.numpy as jnp
import numpy as np

N = 100000
E = 1600000
IN_DIM = 5
HIDDEN = 32
OUT_DIM = 2


def gcn_conv(x, edge_index, W, b):
    # Faithful GCNConv: add self-loops, symmetric normalization D^-1/2 A_hat D^-1/2 X W + b
    n = x.shape[0]
    loop = jnp.arange(n, dtype=edge_index.dtype)
    src = jnp.concatenate([edge_index[0], loop])
    dst = jnp.concatenate([edge_index[1], loop])
    deg = jnp.zeros((n,), x.dtype).at[dst].add(jnp.ones((src.shape[0],), x.dtype))
    dinv = jax.lax.rsqrt(jnp.maximum(deg, 1e-12))
    norm = dinv[src] * dinv[dst]
    h = x @ W
    msg = h[src] * norm[:, None]
    out = jnp.zeros((n, W.shape[1]), x.dtype).at[dst].add(msg)
    return out + b


def setup_inputs(seed: int = 0) -> dict:
    key = jax.random.key(seed)
    ks = jax.random.split(key, 9)
    x = jax.random.normal(ks[0], (N, IN_DIM), dtype=jnp.float32)
    edge_index = jax.random.randint(ks[1], (2, E), 0, N, dtype=jnp.int32)
    W1 = jax.random.normal(ks[2], (IN_DIM, HIDDEN), dtype=jnp.float32) / np.sqrt(IN_DIM)
    b1 = jnp.zeros((HIDDEN,), jnp.float32)
    W2 = jax.random.normal(ks[3], (HIDDEN, HIDDEN), dtype=jnp.float32) / np.sqrt(HIDDEN)
    b2 = jnp.zeros((HIDDEN,), jnp.float32)
    W3 = jax.random.normal(ks[4], (HIDDEN, OUT_DIM), dtype=jnp.float32) / np.sqrt(HIDDEN)
    b3 = jnp.zeros((OUT_DIM,), jnp.float32)
    return {"x": x, "edge_index": edge_index, "W1": W1, "b1": b1, "W2": W2, "b2": b2, "W3": W3, "b3": b3}


def reference(x, edge_index, W1, b1, W2, b2, W3, b3):
    # Dropout is identity at inference time
    h = jax.nn.relu(gcn_conv(x, edge_index, W1, b1))
    h = jax.nn.relu(gcn_conv(h, edge_index, W2, b2))
    out = gcn_conv(h, edge_index, W3, b3)
    return out

if __name__ == "__main__":
    import jax
    _d = setup_inputs()
    print(jax.jit(kernel)(*tuple(_d.values())))

</pallas_src>

<mosaic_0001>
#map = affine_map<(d0, d1) -> (0, 0, 0)>
#map1 = affine_map<(d0, d1) -> (0, 0)>
module attributes {stable_mosaic.version = 14 : i64} {
  func.func @agg(%arg0: i32, %arg1: i32, %arg2: memref<1x102272x16xf32, #tpu.memory_space<hbm>>, %arg3: memref<12840x128xi32, #tpu.memory_space<hbm>>, %arg4: memref<12840x128xi32, #tpu.memory_space<hbm>>, %arg5: memref<102272x16xf32, #tpu.memory_space<hbm>>, %arg6: memref<2x102272x16xf32, #tpu.memory_space<hbm>>, %arg7: memref<40x128xi32, #tpu.memory_space<vmem>>, %arg8: memref<40x128xi32, #tpu.memory_space<vmem>>, %arg9: memref<40x128xi32, #tpu.memory_space<vmem>>, %arg10: memref<40x128xi32, #tpu.memory_space<vmem>>, %arg11: memref<2x128x16xf32, #tpu.memory_space<vmem>>, %arg12: memref<2x128x16xf32, #tpu.memory_space<vmem>>, %arg13: memref<102272x16xf32, #tpu.memory_space<vmem_shared>>, %arg14: memref<!tpu.dma_semaphore, #tpu.memory_space<semaphore_mem>>, %arg15: memref<!tpu.dma_semaphore, #tpu.memory_space<semaphore_mem>>, %arg16: memref<!tpu.dma_semaphore, #tpu.memory_space<semaphore_mem>>, %arg17: memref<!tpu.dma_semaphore, #tpu.memory_space<semaphore_mem>>, %arg18: memref<!tpu.dma_semaphore, #tpu.memory_space<semaphore_mem>>, %arg19: memref<!tpu.dma_semaphore, #tpu.memory_space<semaphore_mem>>) attributes {dimension_semantics = [#tpu.dimension_semantics<core_parallel>, #tpu.dimension_semantics<subcore_parallel>], iteration_bounds = array<i64: 2, 16>, scalar_prefetch = 0 : i64, scratch_operands = 13 : i64, tpu.core_type = #tpu.core_type<sc_vector_subcore>, window_params = [{transform_indices = #map}, {transform_indices = #map1}, {transform_indices = #map1}, {transform_indices = #map1}, {transform_indices = #map}]} {
    %mul3A = arith.constant 6392 : i32
    %mul3A_0 = arith.muli %arg1, %mul3A : i32
    "tpu.region"() ({
      %run_scoped3A = tpu.sem_alloc : memref<!tpu.dma_semaphore, #tpu.memory_space<semaphore_mem>>
      %dma_start3A_25 = arith.constant 0 : i32
      %dma_start3A_26 = tpu.memref_slice %arg13[%mul3A_0, %dma_start3A_25] : memref<102272x16xf32, #tpu.memory_space<vmem_shared>> -> memref<6392x16xf32, #tpu.memory_space<vmem_shared>>
      %dma_start3A_27 = arith.constant 0 : i32
      %dma_start3A_28 = tpu.memref_slice %arg5[%mul3A_0, %dma_start3A_27] : memref<102272x16xf32, #tpu.memory_space<hbm>> -> memref<6392x16xf32, #tpu.memory_space<hbm>>
      tpu.enqueue_dma source(%dma_start3A_28 : memref<6392x16xf32, #tpu.memory_space<hbm>>) target(%dma_start3A_26 : memref<6392x16xf32, #tpu.memory_space<vmem_shared>>) target_semaphore(%run_scoped3A : memref<!tpu.dma_semaphore, #tpu.memory_space<semaphore_mem>>)
      %dma_wait3A_29 = arith.constant 0 : i32
      %dma_wait3A_30 = tpu.memref_slice %arg13[%mul3A_0, %dma_wait3A_29] : memref<102272x16xf32, #tpu.memory_space<vmem_shared>> -> memref<6392x16xf32, #tpu.memory_space<vmem_shared>>
      %dma_wait3A_31 = arith.constant 0 : i32
      %dma_wait3A_32 = tpu.memref_slice %arg5[%mul3A_0, %dma_wait3A_31] : memref<102272x16xf32, #tpu.memory_space<hbm>> -> memref<6392x16xf32, #tpu.memory_space<hbm>>
      tpu.wait_dma2 semaphore(%run_scoped3A : memref<!tpu.dma_semaphore, #tpu.memory_space<semaphore_mem>>) src(%dma_wait3A_32 : memref<6392x16xf32, #tpu.memory_space<hbm>>) dst(%dma_wait3A_30 : memref<6392x16xf32, #tpu.memory_space<vmem_shared>>)
      tpu.yield
    }) : () -> ()
    %barrier3A = arith.constant 0 : index
    tpu.barrier barrier_id(%barrier3A)
    %mul3A_1 = arith.constant 16 : i32
    %mul3A_2 = arith.muli %arg0, %mul3A_1 : i32
    %add3A = arith.addi %mul3A_2, %arg1 : i32
    %mul3A_3 = arith.constant 400 : i32
    %mul3A_4 = arith.muli %add3A, %mul3A_3 : i32
    %dma_start3A = arith.constant 0 : i32
    %dma_start3A_5 = tpu.memref_slice %arg3[%mul3A_4, %dma_start3A] : memref<12840x128xi32, #tpu.memory_space<hbm>> -> memref<40x128xi32, #tpu.memory_space<hbm>>
    %dma_start3A_6 = arith.constant 0 : i32
    %dma_start3A_7 = tpu.memref_slice %arg3[%mul3A_4, %dma_start3A_6] : memref<12840x128xi32, #tpu.memory_space<hbm>> -> memref<40x128xi32, #tpu.memory_space<hbm>>
    tpu.enqueue_dma source(%dma_start3A_7 : memref<40x128xi32, #tpu.memory_space<hbm>>) target(%arg7 : memref<40x128xi32, #tpu.memory_space<vmem>>) target_semaphore(%arg14 : memref<!tpu.dma_semaphore, #tpu.memory_space<semaphore_mem>>)
    %dma_start3A_8 = arith.constant 0 : i32
    %dma_start3A_9 = tpu.memref_slice %arg4[%mul3A_4, %dma_start3A_8] : memref<12840x128xi32, #tpu.memory_space<hbm>> -> memref<40x128xi32, #tpu.memory_space<hbm>>
    %dma_start3A_10 = arith.constant 0 : i32
    %dma_start3A_11 = tpu.memref_slice %arg4[%mul3A_4, %dma_start3A_10] : memref<12840x128xi32, #tpu.memory_space<hbm>> -> memref<40x128xi32, #tpu.memory_space<hbm>>
    tpu.enqueue_dma source(%dma_start3A_11 : memref<40x128xi32, #tpu.memory_space<hbm>>) target(%arg8 : memref<40x128xi32, #tpu.memory_space<vmem>>) target_semaphore(%arg14 : memref<!tpu.dma_semaphore, #tpu.memory_space<semaphore_mem>>)
    %scan3A = arith.constant 0 : i32
    %scan3A_12 = arith.constant 0 : i32
    %scan3A_13 = arith.constant 5 : i32
    %scan3A_14 = arith.addi %scan3A_12, %scan3A_13 : i32
    %scan3A_15 = arith.constant 1 : i32
    scf.for %scan3A_25 = %scan3A_12 to %scan3A_14 step %scan3A_15  : i32 {
      %mul3A_26 = arith.constant 2 : i32
      %mul3A_27 = arith.muli %scan3A_25, %mul3A_26 : i32
      %add3A_28 = arith.constant 0 : i32
      %add3A_29 = arith.addi %add3A_28, %mul3A_27 : i32
      %mul3A_30 = arith.constant 40 : i32
      %mul3A_31 = arith.muli %add3A_29, %mul3A_30 : i32
      %add3A_32 = arith.addi %mul3A_4, %mul3A_31 : i32
      %dma_wait3A_33 = arith.constant 0 : i32
      %dma_wait3A_34 = tpu.memref_slice %arg3[%mul3A_4, %dma_wait3A_33] : memref<12840x128xi32, #tpu.memory_space<hbm>> -> memref<40x128xi32, #tpu.memory_space<hbm>>
      %dma_wait3A_35 = arith.constant 0 : i32
      %dma_wait3A_36 = tpu.memref_slice %arg3[%mul3A_4, %dma_wait3A_35] : memref<12840x128xi32, #tpu.memory_space<hbm>> -> memref<40x128xi32, #tpu.memory_space<hbm>>
      tpu.wait_dma2 semaphore(%arg14 : memref<!tpu.dma_semaphore, #tpu.memory_space<semaphore_mem>>) src(%dma_wait3A_36 : memref<40x128xi32, #tpu.memory_space<hbm>>) dst(%arg7 : memref<40x128xi32, #tpu.memory_space<vmem>>)
      %dma_wait3A_37 = arith.constant 0 : i32
      %dma_wait3A_38 = tpu.memref_slice %arg4[%mul3A_4, %dma_wait3A_37] : memref<12840x128xi32, #tpu.memory_space<hbm>> -> memref<40x128xi32, #tpu.memory_space<hbm>>
      %dma_wait3A_39 = arith.constant 0 : i32
      %dma_wait3A_40 = tpu.memref_slice %arg4[%mul3A_4, %dma_wait3A_39] : memref<12840x128xi32, #tpu.memory_space<hbm>> -> memref<40x128xi32, #tpu.memory_space<hbm>>
      tpu.wait_dma2 semaphore(%arg14 : memref<!tpu.dma_semaphore, #tpu.memory_space<semaphore_mem>>) src(%dma_wait3A_40 : memref<40x128xi32, #tpu.memory_space<hbm>>) dst(%arg8 : memref<40x128xi32, #tpu.memory_space<vmem>>)
      %add3A_41 = arith.constant 40 : i32
      %add3A_42 = arith.addi %add3A_32, %add3A_41 : i32
      %dma_start3A_43 = arith.constant 0 : i32
      %dma_start3A_44 = tpu.memref_slice %arg3[%add3A_42, %dma_start3A_43] : memref<12840x128xi32, #tpu.memory_space<hbm>> -> memref<40x128xi32, #tpu.memory_space<hbm>>
      %dma_start3A_45 = arith.constant 0 : i32
      %dma_start3A_46 = tpu.memref_slice %arg3[%add3A_42, %dma_start3A_45] : memref<12840x128xi32, #tpu.memory_space<hbm>> -> memref<40x128xi32, #tpu.memory_space<hbm>>
      tpu.enqueue_dma source(%dma_start3A_46 : memref<40x128xi32, #tpu.memory_space<hbm>>) target(%arg9 : memref<40x128xi32, #tpu.memory_space<vmem>>) target_semaphore(%arg15 : memref<!tpu.dma_semaphore, #tpu.memory_space<semaphore_mem>>)
      %dma_start3A_47 = arith.constant 0 : i32
      %dma_start3A_48 = tpu.memref_slice %arg4[%add3A_42, %dma_start3A_47] : memref<12840x128xi32, #tpu.memory_space<hbm>> -> memref<40x128xi32, #tpu.memory_space<hbm>>
      %dma_start3A_49 = arith.constant 0 : i32
      %dma_start3A_50 = tpu.memref_slice %arg4[%add3A_42, %dma_start3A_49] : memref<12840x128xi32, #tpu.memory_space<hbm>> -> memref<40x128xi32, #tpu.memory_space<hbm>>
      tpu.enqueue_dma source(%dma_start3A_50 : memref<40x128xi32, #tpu.memory_space<hbm>>) target(%arg10 : memref<40x128xi32, #tpu.memory_space<vmem>>) target_semaphore(%arg15 : memref<!tpu.dma_semaphore, #tpu.memory_space<semaphore_mem>>)
      %scan3A_51 = arith.constant 0 : i32
      %scan3A_52 = arith.constant 10 : i32
      %scan3A_53 = arith.addi %scan3A_51, %scan3A_52 : i32
      %scan3A_54 = arith.constant 1 : i32
      scf.for %scan3A_79 = %scan3A_51 to %scan3A_53 step %scan3A_54  : i32 {
        %mul3A_80 = arith.constant 1 : i32
        %mul3A_81 = arith.muli %scan3A_79, %mul3A_80 : i32
        %add3A_82 = arith.constant 0 : i32
        %add3A_83 = arith.addi %add3A_82, %mul3A_81 : i32
        %mul3A_84 = arith.constant 4 : i32
        %mul3A_85 = arith.muli %mul3A_84, %add3A_83 : i32
        %add3A_86 = arith.constant 0 : i32
        %add3A_87 = arith.addi %mul3A_85, %add3A_86 : i32
        %dma_start3A_88 = arith.constant 0 : i32
        %dma_start3A_89 = arith.constant 0 : i32
        %dma_start3A_90 = arith.constant 0 : i32
        %dma_start3A_91 = tpu.memref_slice %arg11[%dma_start3A_88, %dma_start3A_89, %dma_start3A_90] : memref<2x128x16xf32, #tpu.memory_space<vmem>> -> memref<1x128x16xf32, #tpu.memory_space<vmem>>
        %dma_start3A_92 = tpu.memref_squeeze %dma_start3A_91 : memref<1x128x16xf32, #tpu.memory_space<vmem>> -> memref<128x16xf32, #tpu.memory_space<vmem>>
        %dma_start3A_93 = arith.constant 0 : i32
        %dma_start3A_94 = tpu.memref_slice %arg7[%add3A_87, %dma_start3A_93] : memref<40x128xi32, #tpu.memory_space<vmem>> -> memref<1x128xi32, #tpu.memory_space<vmem>>
        %dma_start3A_95 = tpu.memref_squeeze %dma_start3A_94 : memref<1x128xi32, #tpu.memory_space<vmem>> -> memref<128xi32, #tpu.memory_space<vmem>>
        %dma_start3A_96 = arith.constant 0 : i32
        %dma_start3A_97 = arith.constant 0 : i32
        %dma_start3A_98 = tpu.memref_slice %arg2[%scan3A, %dma_start3A_96, %dma_start3A_97] : memref<1x102272x16xf32, #tpu.memory_space<hbm>> -> memref<1x102272x16xf32, #tpu.memory_space<hbm>>
        %dma_start3A_99 = tpu.memref_squeeze %dma_start3A_98 : memref<1x102272x16xf32, #tpu.memory_space<hbm>> -> memref<102272x16xf32, #tpu.memory_space<hbm>>
        %dma_start3A_100 = arith.constant 0 : i32
        %dma_start3A_101 = arith.constant 0 : i32
        %dma_start3A_102 = tpu.memref_slice %dma_start3A_99[%dma_start3A_100, %dma_start3A_101] : memref<102272x16xf32, #tpu.memory_space<hbm>> -> memref<102272x16xf32, #tpu.memory_space<hbm>>
        tpu.enqueue_indirect_dma source(%dma_start3A_102 : memref<102272x16xf32, #tpu.memory_space<hbm>>) target(%dma_start3A_92 : memref<128x16xf32, #tpu.memory_space<vmem>>) offsets(%dma_start3A_95 : memref<128xi32, #tpu.memory_space<vmem>>) semaphore(%arg16 : memref<!tpu.dma_semaphore, #tpu.memory_space<semaphore_mem>>)
        %add3A_103 = arith.constant 1 : i32
        %add3A_104 = arith.addi %mul3A_85, %add3A_103 : i32
        %dma_start3A_105 = arith.constant 1 : i32
        %dma_start3A_106 = arith.constant 0 : i32
        %dma_start3A_107 = arith.constant 0 : i32
        %dma_start3A_108 = tpu.memref_slice %arg11[%dma_start3A_105, %dma_start3A_106, %dma_start3A_107] : memref<2x128x16xf32, #tpu.memory_space<vmem>> -> memref<1x128x16xf32, #tpu.memory_space<vmem>>
        %dma_start3A_109 = tpu.memref_squeeze %dma_start3A_108 : memref<1x128x16xf32, #tpu.memory_space<vmem>> -> memref<128x16xf32, #tpu.memory_space<vmem>>
        %dma_start3A_110 = arith.constant 0 : i32
        %dma_start3A_111 = tpu.memref_slice %arg7[%add3A_104, %dma_start3A_110] : memref<40x128xi32, #tpu.memory_space<vmem>> -> memref<1x128xi32, #tpu.memory_space<vmem>>
        %dma_start3A_112 = tpu.memref_squeeze %dma_start3A_111 : memref<1x128xi32, #tpu.memory_space<vmem>> -> memref<128xi32, #tpu.memory_space<vmem>>
        %dma_start3A_113 = arith.constant 0 : i32
        %dma_start3A_114 = arith.constant 0 : i32
        %dma_start3A_115 = tpu.memref_slice %arg2[%scan3A, %dma_start3A_113, %dma_start3A_114] : memref<1x102272x16xf32, #tpu.memory_space<hbm>> -> memref<1x102272x16xf32, #tpu.memory_space<hbm>>
        %dma_start3A_116 = tpu.memref_squeeze %dma_start3A_115 : memref<1x102272x16xf32, #tpu.memory_space<hbm>> -> memref<102272x16xf32, #tpu.memory_space<hbm>>
        %dma_start3A_117 = arith.constant 0 : i32
        %dma_start3A_118 = arith.constant 0 : i32
        %dma_start3A_119 = tpu.memref_slice %dma_start3A_116[%dma_start3A_117, %dma_start3A_118] : memref<102272x16xf32, #tpu.memory_space<hbm>> -> memref<102272x16xf32, #tpu.memory_space<hbm>>
        tpu.enqueue_indirect_dma source(%dma_start3A_119 : memref<102272x16xf32, #tpu.memory_space<hbm>>) target(%dma_start3A_109 : memref<128x16xf32, #tpu.memory_space<vmem>>) offsets(%dma_start3A_112 : memref<128xi32, #tpu.memory_space<vmem>>) semaphore(%arg16 : memref<!tpu.dma_semaphore, #tpu.memory_space<semaphore_mem>>)
        %add3A_120 = arith.constant 2 : i32
        %add3A_121 = arith.addi %mul3A_85, %add3A_120 : i32
        %add3A_122 = arith.constant 0 : i32
        %add3A_123 = arith.addi %add3A_121, %add3A_122 : i32
        %dma_start3A_124 = arith.constant 0 : i32
        %dma_start3A_125 = arith.constant 0 : i32
        %dma_start3A_126 = arith.constant 0 : i32
        %dma_start3A_127 = tpu.memref_slice %arg12[%dma_start3A_124, %dma_start3A_125, %dma_start3A_126] : memref<2x128x16xf32, #tpu.memory_space<vmem>> -> memref<1x128x16xf32, #tpu.memory_space<vmem>>
        %dma_start3A_128 = tpu.memref_squeeze %dma_start3A_127 : memref<1x128x16xf32, #tpu.memory_space<vmem>> -> memref<128x16xf32, #tpu.memory_space<vmem>>
        %dma_start3A_129 = arith.constant 0 : i32
        %dma_start3A_130 = tpu.memref_slice %arg7[%add3A_123, %dma_start3A_129] : memref<40x128xi32, #tpu.memory_space<vmem>> -> memref<1x128xi32, #tpu.memory_space<vmem>>
        %dma_start3A_131 = tpu.memref_squeeze %dma_start3A_130 : memref<1x128xi32, #tpu.memory_space<vmem>> -> memref<128xi32, #tpu.memory_space<vmem>>
        %dma_start3A_132 = arith.constant 0 : i32
        %dma_start3A_133 = arith.constant 0 : i32
        %dma_start3A_134 = tpu.memref_slice %arg2[%scan3A, %dma_start3A_132, %dma_start3A_133] : memref<1x102272x16xf32, #tpu.memory_space<hbm>> -> memref<1x102272x16xf32, #tpu.memory_space<hbm>>
        %dma_start3A_135 = tpu.memref_squeeze %dma_start3A_134 : memref<1x102272x16xf32, #tpu.memory_space<hbm>> -> memref<102272x16xf32, #tpu.memory_space<hbm>>
        %dma_start3A_136 = arith.constant 0 : i32
        %dma_start3A_137 = arith.constant 0 : i32
        %dma_start3A_138 = tpu.memref_slice %dma_start3A_135[%dma_start3A_136, %dma_start3A_137] : memref<102272x16xf32, #tpu.memory_space<hbm>> -> memref<102272x16xf32, #tpu.memory_space<hbm>>
        tpu.enqueue_indirect_dma source(%dma_start3A_138 : memref<102272x16xf32, #tpu.memory_space<hbm>>) target(%dma_start3A_128 : memref<128x16xf32, #tpu.memory_space<vmem>>) offsets(%dma_start3A_131 : memref<128xi32, #tpu.memory_space<vmem>>) semaphore(%arg17 : memref<!tpu.dma_semaphore, #tpu.memory_space<semaphore_mem>>)
        %add3A_139 = arith.constant 2 : i32
        %add3A_140 = arith.addi %mul3A_85, %add3A_139 : i32
        %add3A_141 = arith.constant 1 : i32
        %add3A_142 = arith.addi %add3A_140, %add3A_141 : i32
        %dma_start3A_143 = arith.constant 1 : i32
        %dma_start3A_144 = arith.constant 0 : i32
        %dma_start3A_145 = arith.constant 0 : i32
        %dma_start3A_146 = tpu.memref_slice %arg12[%dma_start3A_143, %dma_start3A_144, %dma_start3A_145] : memref<2x128x16xf32, #tpu.memory_space<vmem>> -> memref<1x128x16xf32, #tpu.memory_space<vmem>>
        %dma_start3A_147 = tpu.memref_squeeze %dma_start3A_146 : memref<1x128x16xf32, #tpu.memory_space<vmem>> -> memref<128x16xf32, #tpu.memory_space<vmem>>
        %dma_start3A_148 = arith.constant 0 : i32
        %dma_start3A_149 = tpu.memref_slice %arg7[%add3A_142, %dma_start3A_148] : memref<40x128xi32, #tpu.memory_space<vmem>> -> memref<1x128xi32, #tpu.memory_space<vmem>>
        %dma_start3A_150 = tpu.memref_squeeze %dma_start3A_149 : memref<1x128xi32, #tpu.memory_space<vmem>> -> memref<128xi32, #tpu.memory_space<vmem>>
        %dma_start3A_151 = arith.constant 0 : i32
        %dma_start3A_152 = arith.constant 0 : i32
        %dma_start3A_153 = tpu.memref_slice %arg2[%scan3A, %dma_start3A_151, %dma_start3A_152] : memref<1x102272x16xf32, #tpu.memory_space<hbm>> -> memref<1x102272x16xf32, #tpu.memory_space<hbm>>
        %dma_start3A_154 = tpu.memref_squeeze %dma_start3A_153 : memref<1x102272x16xf32, #tpu.memory_space<hbm>> -> memref<102272x16xf32, #tpu.memory_space<hbm>>
        %dma_start3A_155 = arith.constant 0 : i32
        %dma_start3A_156 = arith.constant 0 : i32
        %dma_start3A_157 = tpu.memref_slice %dma_start3A_154[%dma_start3A_155, %dma_start3A_156] : memref<102272x16xf32, #tpu.memory_space<hbm>> -> memref<102272x16xf32, #tpu.memory_space<hbm>>
        tpu.enqueue_indirect_dma source(%dma_start3A_157 : memref<102272x16xf32, #tpu.memory_space<hbm>>) target(%dma_start3A_147 : memref<128x16xf32, #tpu.memory_space<vmem>>) offsets(%dma_start3A_150 : memref<128xi32, #tpu.memory_space<vmem>>) semaphore(%arg17 : memref<!tpu.dma_semaphore, #tpu.memory_space<semaphore_mem>>)
        %dma_wait3A_158 = arith.constant 0 : i32
        %dma_wait3A_159 = arith.constant 0 : i32
        %dma_wait3A_160 = arith.constant 0 : i32
        %dma_wait3A_161 = tpu.memref_slice %arg11[%dma_wait3A_158, %dma_wait3A_159, %dma_wait3A_160] : memref<2x128x16xf32, #tpu.memory_space<vmem>> -> memref<1x128x16xf32, #tpu.memory_space<vmem>>
        %dma_wait3A_162 = tpu.memref_squeeze %dma_wait3A_161 : memref<1x128x16xf32, #tpu.memory_space<vmem>> -> memref<128x16xf32, #tpu.memory_space<vmem>>
        %dma_wait3A_163 = arith.constant 0 : i32
        %dma_wait3A_164 = tpu.memref_slice %arg7[%add3A_87, %dma_wait3A_163] : memref<40x128xi32, #tpu.memory_space<vmem>> -> memref<1x128xi32, #tpu.memory_space<vmem>>
        %dma_wait3A_165 = tpu.memref_squeeze %dma_wait3A_164 : memref<1x128xi32, #tpu.memory_space<vmem>> -> memref<128xi32, #tpu.memory_space<vmem>>
        %dma_wait3A_166 = arith.constant 0 : i32
        %dma_wait3A_167 = arith.constant 0 : i32
        %dma_wait3A_168 = tpu.memref_slice %arg2[%scan3A, %dma_wait3A_166, %dma_wait3A_167] : memref<1x102272x16xf32, #tpu.memory_space<hbm>> -> memref<1x102272x16xf32, #tpu.memory_space<hbm>>
        %dma_wait3A_169 = tpu.memref_squeeze %dma_wait3A_168 : memref<1x102272x16xf32, #tpu.memory_space<hbm>> -> memref<102272x16xf32, #tpu.memory_space<hbm>>
        %dma_wait3A_170 = arith.constant 0 : i32
        %dma_wait3A_171 = arith.constant 0 : i32
        %dma_wait3A_172 = tpu.memref_slice %dma_wait3A_169[%dma_wait3A_170, %dma_wait3A_171] : memref<102272x16xf32, #tpu.memory_space<hbm>> -> memref<102272x16xf32, #tpu.memory_space<hbm>>
        tpu.wait_indirect_dma semaphore(%arg16 : memref<!tpu.dma_semaphore, #tpu.memory_space<semaphore_mem>>) src(%dma_wait3A_172 : memref<102272x16xf32, #tpu.memory_space<hbm>>) dst(%dma_wait3A_162 : memref<128x16xf32, #tpu.memory_space<vmem>>)
        %dma_wait3A_173 = arith.constant 1 : i32
        %dma_wait3A_174 = arith.constant 0 : i32
        %dma_wait3A_175 = arith.constant 0 : i32
        %dma_wait3A_176 = tpu.memref_slice %arg11[%dma_wait3A_173, %dma_wait3A_174, %dma_wait3A_175] : memref<2x128x16xf32, #tpu.memory_space<vmem>> -> memref<1x128x16xf32, #tpu.memory_space<vmem>>
        %dma_wait3A_177 = tpu.memref_squeeze %dma_wait3A_176 : memref<1x128x16xf32, #tpu.memory_space<vmem>> -> memref<128x16xf32, #tpu.memory_space<vmem>>
        %dma_wait3A_178 = arith.constant 0 : i32
        %dma_wait3A_179 = tpu.memref_slice %arg7[%add3A_104, %dma_wait3A_178] : memref<40x128xi32, #tpu.memory_space<vmem>> -> memref<1x128xi32, #tpu.memory_space<vmem>>
        %dma_wait3A_180 = tpu.memref_squeeze %dma_wait3A_179 : memref<1x128xi32, #tpu.memory_space<vmem>> -> memref<128xi32, #tpu.memory_space<vmem>>
        %dma_wait3A_181 = arith.constant 0 : i32
        %dma_wait3A_182 = arith.constant 0 : i32
        %dma_wait3A_183 = tpu.memref_slice %arg2[%scan3A, %dma_wait3A_181, %dma_wait3A_182] : memref<1x102272x16xf32, #tpu.memory_space<hbm>> -> memref<1x102272x16xf32, #tpu.memory_space<hbm>>
        %dma_wait3A_184 = tpu.memref_squeeze %dma_wait3A_183 : memref<1x102272x16xf32, #tpu.memory_space<hbm>> -> memref<102272x16xf32, #tpu.memory_space<hbm>>
        %dma_wait3A_185 = arith.constant 0 : i32
        %dma_wait3A_186 = arith.constant 0 : i32
        %dma_wait3A_187 = tpu.memref_slice %dma_wait3A_184[%dma_wait3A_185, %dma_wait3A_186] : memref<102272x16xf32, #tpu.memory_space<hbm>> -> memref<102272x16xf32, #tpu.memory_space<hbm>>
        tpu.wait_indirect_dma semaphore(%arg16 : memref<!tpu.dma_semaphore, #tpu.memory_space<semaphore_mem>>) src(%dma_wait3A_187 : memref<102272x16xf32, #tpu.memory_space<hbm>>) dst(%dma_wait3A_177 : memref<128x16xf32, #tpu.memory_space<vmem>>)
        %add3A_188 = arith.constant 0 : i32
        %add3A_189 = arith.addi %mul3A_85, %add3A_188 : i32
        %dma_start3A_190 = arith.constant 0 : i32
        %dma_start3A_191 = arith.constant 0 : i32
        %dma_start3A_192 = arith.constant 0 : i32
        %dma_start3A_193 = tpu.memref_slice %arg11[%dma_start3A_190, %dma_start3A_191, %dma_start3A_192] : memref<2x128x16xf32, #tpu.memory_space<vmem>> -> memref<1x128x16xf32, #tpu.memory_space<vmem>>
        %dma_start3A_194 = tpu.memref_squeeze %dma_start3A_193 : memref<1x128x16xf32, #tpu.memory_space<vmem>> -> memref<128x16xf32, #tpu.memory_space<vmem>>
        %dma_start3A_195 = arith.constant 0 : i32
        %dma_start3A_196 = tpu.memref_slice %arg8[%add3A_189, %dma_start3A_195] : memref<40x128xi32, #tpu.memory_space<vmem>> -> memref<1x128xi32, #tpu.memory_space<vmem>>
        %dma_start3A_197 = tpu.memref_squeeze %dma_start3A_196 : memref<1x128xi32, #tpu.memory_space<vmem>> -> memref<128xi32, #tpu.memory_space<vmem>>
        %dma_start3A_198 = arith.constant 0 : i32
        %dma_start3A_199 = arith.constant 0 : i32
        %dma_start3A_200 = tpu.memref_slice %arg13[%dma_start3A_198, %dma_start3A_199] : memref<102272x16xf32, #tpu.memory_space<vmem_shared>> -> memref<102272x16xf32, #tpu.memory_space<vmem_shared>>
        tpu.enqueue_indirect_dma source(%dma_start3A_194 : memref<128x16xf32, #tpu.memory_space<vmem>>) target(%dma_start3A_200 : memref<102272x16xf32, #tpu.memory_space<vmem_shared>>) offsets(%dma_start3A_197 : memref<128xi32, #tpu.memory_space<vmem>>) semaphore(%arg18 : memref<!tpu.dma_semaphore, #tpu.memory_space<semaphore_mem>>) {add = true}
        %add3A_201 = arith.constant 1 : i32
        %add3A_202 = arith.addi %mul3A_85, %add3A_201 : i32
        %dma_start3A_203 = arith.constant 1 : i32
        %dma_start3A_204 = arith.constant 0 : i32
        %dma_start3A_205 = arith.constant 0 : i32
        %dma_start3A_206 = tpu.memref_slice %arg11[%dma_start3A_203, %dma_start3A_204, %dma_start3A_205] : memref<2x128x16xf32, #tpu.memory_space<vmem>> -> memref<1x128x16xf32, #tpu.memory_space<vmem>>
        %dma_start3A_207 = tpu.memref_squeeze %dma_start3A_206 : memref<1x128x16xf32, #tpu.memory_space<vmem>> -> memref<128x16xf32, #tpu.memory_space<vmem>>
        %dma_start3A_208 = arith.constant 0 : i32
        %dma_start3A_209 = tpu.memref_slice %arg8[%add3A_202, %dma_start3A_208] : memref<40x128xi32, #tpu.memory_space<vmem>> -> memref<1x128xi32, #tpu.memory_space<vmem>>
        %dma_start3A_210 = tpu.memref_squeeze %dma_start3A_209 : memref<1x128xi32, #tpu.memory_space<vmem>> -> memref<128xi32, #tpu.memory_space<vmem>>
        %dma_start3A_211 = arith.constant 0 : i32
        %dma_start3A_212 = arith.constant 0 : i32
        %dma_start3A_213 = tpu.memref_slice %arg13[%dma_start3A_211, %dma_start3A_212] : memref<102272x16xf32, #tpu.memory_space<vmem_shared>> -> memref<102272x16xf32, #tpu.memory_space<vmem_shared>>
        tpu.enqueue_indirect_dma source(%dma_start3A_207 : memref<128x16xf32, #tpu.memory_space<vmem>>) target(%dma_start3A_213 : memref<102272x16xf32, #tpu.memory_space<vmem_shared>>) offsets(%dma_start3A_210 : memref<128xi32, #tpu.memory_space<vmem>>) semaphore(%arg18 : memref<!tpu.dma_semaphore, #tpu.memory_space<semaphore_mem>>) {add = true}
        %dma_wait3A_214 = arith.constant 0 : i32
        %dma_wait3A_215 = arith.constant 0 : i32
        %dma_wait3A_216 = arith.constant 0 : i32
        %dma_wait3A_217 = tpu.memref_slice %arg12[%dma_wait3A_214, %dma_wait3A_215, %dma_wait3A_216] : memref<2x128x16xf32, #tpu.memory_space<vmem>> -> memref<1x128x16xf32, #tpu.memory_space<vmem>>
        %dma_wait3A_218 = tpu.memref_squeeze %dma_wait3A_217 : memref<1x128x16xf32, #tpu.memory_space<vmem>> -> memref<128x16xf32, #tpu.memory_space<vmem>>
        %dma_wait3A_219 = arith.constant 0 : i32
        %dma_wait3A_220 = tpu.memref_slice %arg7[%add3A_123, %dma_wait3A_219] : memref<40x128xi32, #tpu.memory_space<vmem>> -> memref<1x128xi32, #tpu.memory_space<vmem>>
        %dma_wait3A_221 = tpu.memref_squeeze %dma_wait3A_220 : memref<1x128xi32, #tpu.memory_space<vmem>> -> memref<128xi32, #tpu.memory_space<vmem>>
        %dma_wait3A_222 = arith.constant 0 : i32
        %dma_wait3A_223 = arith.constant 0 : i32
        %dma_wait3A_224 = tpu.memref_slice %arg2[%scan3A, %dma_wait3A_222, %dma_wait3A_223] : memref<1x102272x16xf32, #tpu.memory_space<hbm>> -> memref<1x102272x16xf32, #tpu.memory_space<hbm>>
        %dma_wait3A_225 = tpu.memref_squeeze %dma_wait3A_224 : memref<1x102272x16xf32, #tpu.memory_space<hbm>> -> memref<102272x16xf32, #tpu.memory_space<hbm>>
        %dma_wait3A_226 = arith.constant 0 : i32
        %dma_wait3A_227 = arith.constant 0 : i32
        %dma_wait3A_228 = tpu.memref_slice %dma_wait3A_225[%dma_wait3A_226, %dma_wait3A_227] : memref<102272x16xf32, #tpu.memory_space<hbm>> -> memref<102272x16xf32, #tpu.memory_space<hbm>>
        tpu.wait_indirect_dma semaphore(%arg17 : memref<!tpu.dma_semaphore, #tpu.memory_space<semaphore_mem>>) src(%dma_wait3A_228 : memref<102272x16xf32, #tpu.memory_space<hbm>>) dst(%dma_wait3A_218 : memref<128x16xf32, #tpu.memory_space<vmem>>)
        %dma_wait3A_229 = arith.constant 1 : i32
        %dma_wait3A_230 = arith.constant 0 : i32
        %dma_wait3A_231 = arith.constant 0 : i32
        %dma_wait3A_232 = tpu.memref_slice %arg12[%dma_wait3A_229, %dma_wait3A_230, %dma_wait3A_231] : memref<2x128x16xf32, #tpu.memory_space<vmem>> -> memref<1x128x16xf32, #tpu.memory_space<vmem>>
        %dma_wait3A_233 = tpu.memref_squeeze %dma_wait3A_232 : memref<1x128x16xf32, #tpu.memory_space<vmem>> -> memref<128x16xf32, #tpu.memory_space<vmem>>
        %dma_wait3A_234 = arith.constant 0 : i32
        %dma_wait3A_235 = tpu.memref_slice %arg7[%add3A_142, %dma_wait3A_234] : memref<40x128xi32, #tpu.memory_space<vmem>> -> memref<1x128xi32, #tpu.memory_space<vmem>>
        %dma_wait3A_236 = tpu.memref_squeeze %dma_wait3A_235 : memref<1x128xi32, #tpu.memory_space<vmem>> -> memref<128xi32, #tpu.memory_space<vmem>>
        %dma_wait3A_237 = arith.constant 0 : i32
        %dma_wait3A_238 = arith.constant 0 : i32
        %dma_wait3A_239 = tpu.memref_slice %arg2[%scan3A, %dma_wait3A_237, %dma_wait3A_238] : memref<1x102272x16xf32, #tpu.memory_space<hbm>> -> memref<1x102272x16xf32, #tpu.memory_space<hbm>>
        %dma_wait3A_240 = tpu.memref_squeeze %dma_wait3A_239 : memref<1x102272x16xf32, #tpu.memory_space<hbm>> -> memref<102272x16xf32, #tpu.memory_space<hbm>>
        %dma_wait3A_241 = arith.constant 0 : i32
        %dma_wait3A_242 = arith.constant 0 : i32
        %dma_wait3A_243 = tpu.memref_slice %dma_wait3A_240[%dma_wait3A_241, %dma_wait3A_242] : memref<102272x16xf32, #tpu.memory_space<hbm>> -> memref<102272x16xf32, #tpu.memory_space<hbm>>
        tpu.wait_indirect_dma semaphore(%arg17 : memref<!tpu.dma_semaphore, #tpu.memory_space<semaphore_mem>>) src(%dma_wait3A_243 : memref<102272x16xf32, #tpu.memory_space<hbm>>) dst(%dma_wait3A_233 : memref<128x16xf32, #tpu.memory_space<vmem>>)
        %add3A_244 = arith.constant 2 : i32
        %add3A_245 = arith.addi %mul3A_85, %add3A_244 : i32
        %add3A_246 = arith.constant 0 : i32
        %add3A_247 = arith.addi %add3A_245, %add3A_246 : i32
        %dma_start3A_248 = arith.constant 0 : i32
        %dma_start3A_249 = arith.constant 0 : i32
        %dma_start3A_250 = arith.constant 0 : i32
        %dma_start3A_251 = tpu.memref_slice %arg12[%dma_start3A_248, %dma_start3A_249, %dma_start3A_250] : memref<2x128x16xf32, #tpu.memory_space<vmem>> -> memref<1x128x16xf32, #tpu.memory_space<vmem>>
        %dma_start3A_252 = tpu.memref_squeeze %dma_start3A_251 : memref<1x128x16xf32, #tpu.memory_space<vmem>> -> memref<128x16xf32, #tpu.memory_space<vmem>>
        %dma_start3A_253 = arith.constant 0 : i32
        %dma_start3A_254 = tpu.memref_slice %arg8[%add3A_247, %dma_start3A_253] : memref<40x128xi32, #tpu.memory_space<vmem>> -> memref<1x128xi32, #tpu.memory_space<vmem>>
        %dma_start3A_255 = tpu.memref_squeeze %dma_start3A_254 : memref<1x128xi32, #tpu.memory_space<vmem>> -> memref<128xi32, #tpu.memory_space<vmem>>
        %dma_start3A_256 = arith.constant 0 : i32
        %dma_start3A_257 = arith.constant 0 : i32
        %dma_start3A_258 = tpu.memref_slice %arg13[%dma_start3A_256, %dma_start3A_257] : memref<102272x16xf32, #tpu.memory_space<vmem_shared>> -> memref<102272x16xf32, #tpu.memory_space<vmem_shared>>
        tpu.enqueue_indirect_dma source(%dma_start3A_252 : memref<128x16xf32, #tpu.memory_space<vmem>>) target(%dma_start3A_258 : memref<102272x16xf32, #tpu.memory_space<vmem_shared>>) offsets(%dma_start3A_255 : memref<128xi32, #tpu.memory_space<vmem>>) semaphore(%arg19 : memref<!tpu.dma_semaphore, #tpu.memory_space<semaphore_mem>>) {add = true}
        %add3A_259 = arith.constant 2 : i32
        %add3A_260 = arith.addi %mul3A_85, %add3A_259 : i32
        %add3A_261 = arith.constant 1 : i32
        %add3A_262 = arith.addi %add3A_260, %add3A_261 : i32
        %dma_start3A_263 = arith.constant 1 : i32
        %dma_start3A_264 = arith.constant 0 : i32
        %dma_start3A_265 = arith.constant 0 : i32
        %dma_start3A_266 = tpu.memref_slice %arg12[%dma_start3A_263, %dma_start3A_264, %dma_start3A_265] : memref<2x128x16xf32, #tpu.memory_space<vmem>> -> memref<1x128x16xf32, #tpu.memory_space<vmem>>
        %dma_start3A_267 = tpu.memref_squeeze %dma_start3A_266 : memref<1x128x16xf32, #tpu.memory_space<vmem>> -> memref<128x16xf32, #tpu.memory_space<vmem>>
        %dma_start3A_268 = arith.constant 0 : i32
        %dma_start3A_269 = tpu.memref_slice %arg8[%add3A_262, %dma_start3A_268] : memref<40x128xi32, #tpu.memory_space<vmem>> -> memref<1x128xi32, #tpu.memory_space<vmem>>
        %dma_start3A_270 = tpu.memref_squeeze %dma_start3A_269 : memref<1x128xi32, #tpu.memory_space<vmem>> -> memref<128xi32, #tpu.memory_space<vmem>>
        %dma_start3A_271 = arith.constant 0 : i32
        %dma_start3A_272 = arith.constant 0 : i32
        %dma_start3A_273 = tpu.memref_slice %arg13[%dma_start3A_271, %dma_start3A_272] : memref<102272x16xf32, #tpu.memory_space<vmem_shared>> -> memref<102272x16xf32, #tpu.memory_space<vmem_shared>>
        tpu.enqueue_indirect_dma source(%dma_start3A_267 : memref<128x16xf32, #tpu.memory_space<vmem>>) target(%dma_start3A_273 : memref<102272x16xf32, #tpu.memory_space<vmem_shared>>) offsets(%dma_start3A_270 : memref<128xi32, #tpu.memory_space<vmem>>) semaphore(%arg19 : memref<!tpu.dma_semaphore, #tpu.memory_space<semaphore_mem>>) {add = true}
        %dma_wait3A_274 = arith.constant 0 : i32
        %dma_wait3A_275 = arith.constant 0 : i32
        %dma_wait3A_276 = arith.constant 0 : i32
        %dma_wait3A_277 = tpu.memref_slice %arg11[%dma_wait3A_274, %dma_wait3A_275, %dma_wait3A_276] : memref<2x128x16xf32, #tpu.memory_space<vmem>> -> memref<1x128x16xf32, #tpu.memory_space<vmem>>
        %dma_wait3A_278 = tpu.memref_squeeze %dma_wait3A_277 : memref<1x128x16xf32, #tpu.memory_space<vmem>> -> memref<128x16xf32, #tpu.memory_space<vmem>>
        %dma_wait3A_279 = arith.constant 0 : i32
        %dma_wait3A_280 = tpu.memref_slice %arg8[%add3A_189, %dma_wait3A_279] : memref<40x128xi32, #tpu.memory_space<vmem>> -> memref<1x128xi32, #tpu.memory_space<vmem>>
        %dma_wait3A_281 = tpu.memref_squeeze %dma_wait3A_280 : memref<1x128xi32, #tpu.memory_space<vmem>> -> memref<128xi32, #tpu.memory_space<vmem>>
        %dma_wait3A_282 = arith.constant 0 : i32
        %dma_wait3A_283 = arith.constant 0 : i32
        %dma_wait3A_284 = tpu.memref_slice %arg13[%dma_wait3A_282, %dma_wait3A_283] : memref<102272x16xf32, #tpu.memory_space<vmem_shared>> -> memref<102272x16xf32, #tpu.memory_space<vmem_shared>>
        tpu.wait_indirect_dma semaphore(%arg18 : memref<!tpu.dma_semaphore, #tpu.memory_space<semaphore_mem>>) src(%dma_wait3A_278 : memref<128x16xf32, #tpu.memory_space<vmem>>) dst(%dma_wait3A_284 : memref<102272x16xf32, #tpu.memory_space<vmem_shared>>)
        %dma_wait3A_285 = arith.constant 1 : i32
        %dma_wait3A_286 = arith.constant 0 : i32
        %dma_wait3A_287 = arith.constant 0 : i32
        %dma_wait3A_288 = tpu.memref_slice %arg11[%dma_wait3A_285, %dma_wait3A_286, %dma_wait3A_287] : memref<2x128x16xf32, #tpu.memory_space<vmem>> -> memref<1x128x16xf32, #tpu.memory_space<vmem>>
        %dma_wait3A_289 = tpu.memref_squeeze %dma_wait3A_288 : memref<1x128x16xf32, #tpu.memory_space<vmem>> -> memref<128x16xf32, #tpu.memory_space<vmem>>
        %dma_wait3A_290 = arith.constant 0 : i32
        %dma_wait3A_291 = tpu.memref_slice %arg8[%add3A_202, %dma_wait3A_290] : memref<40x128xi32, #tpu.memory_space<vmem>> -> memref<1x128xi32, #tpu.memory_space<vmem>>
        %dma_wait3A_292 = tpu.memref_squeeze %dma_wait3A_291 : memref<1x128xi32, #tpu.memory_space<vmem>> -> memref<128xi32, #tpu.memory_space<vmem>>
        %dma_wait3A_293 = arith.constant 0 : i32
        %dma_wait3A_294 = arith.constant 0 : i32
        %dma_wait3A_295 = tpu.memref_slice %arg13[%dma_wait3A_293, %dma_wait3A_294] : memref<102272x16xf32, #tpu.memory_space<vmem_shared>> -> memref<102272x16xf32, #tpu.memory_space<vmem_shared>>
        tpu.wait_indirect_dma semaphore(%arg18 : memref<!tpu.dma_semaphore, #tpu.memory_space<semaphore_mem>>) src(%dma_wait3A_289 : memref<128x16xf32, #tpu.memory_space<vmem>>) dst(%dma_wait3A_295 : memref<102272x16xf32, #tpu.memory_space<vmem_shared>>)
        %dma_wait3A_296 = arith.constant 0 : i32
        %dma_wait3A_297 = arith.constant 0 : i32
        %dma_wait3A_298 = arith.constant 0 : i32
        %dma_wait3A_299 = tpu.memref_slice %arg12[%dma_wait3A_296, %dma_wait3A_297, %dma_wait3A_298] : memref<2x128x16xf32, #tpu.memory_space<vmem>> -> memref<1x128x16xf32, #tpu.memory_space<vmem>>
        %dma_wait3A_300 = tpu.memref_squeeze %dma_wait3A_299 : memref<1x128x16xf32, #tpu.memory_space<vmem>> -> memref<128x16xf32, #tpu.memory_space<vmem>>
        %dma_wait3A_301 = arith.constant 0 : i32
        %dma_wait3A_302 = tpu.memref_slice %arg8[%add3A_247, %dma_wait3A_301] : memref<40x128xi32, #tpu.memory_space<vmem>> -> memref<1x128xi32, #tpu.memory_space<vmem>>
        %dma_wait3A_303 = tpu.memref_squeeze %dma_wait3A_302 : memref<1x128xi32, #tpu.memory_space<vmem>> -> memref<128xi32, #tpu.memory_space<vmem>>
        %dma_wait3A_304 = arith.constant 0 : i32
        %dma_wait3A_305 = arith.constant 0 : i32
        %dma_wait3A_306 = tpu.memref_slice %arg13[%dma_wait3A_304, %dma_wait3A_305] : memref<102272x16xf32, #tpu.memory_space<vmem_shared>> -> memref<102272x16xf32, #tpu.memory_space<vmem_shared>>
        tpu.wait_indirect_dma semaphore(%arg19 : memref<!tpu.dma_semaphore, #tpu.memory_space<semaphore_mem>>) src(%dma_wait3A_300 : memref<128x16xf32, #tpu.memory_space<vmem>>) dst(%dma_wait3A_306 : memref<102272x16xf32, #tpu.memory_space<vmem_shared>>)
        %dma_wait3A_307 = arith.constant 1 : i32
        %dma_wait3A_308 = arith.constant 0 : i32
        %dma_wait3A_309 = arith.constant 0 : i32
        %dma_wait3A_310 = tpu.memref_slice %arg12[%dma_wait3A_307, %dma_wait3A_308, %dma_wait3A_309] : memref<2x128x16xf32, #tpu.memory_space<vmem>> -> memref<1x128x16xf32, #tpu.memory_space<vmem>>
        %dma_wait3A_311 = tpu.memref_squeeze %dma_wait3A_310 : memref<1x128x16xf32, #tpu.memory_space<vmem>> -> memref<128x16xf32, #tpu.memory_space<vmem>>
        %dma_wait3A_312 = arith.constant 0 : i32
        %dma_wait3A_313 = tpu.memref_slice %arg8[%add3A_262, %dma_wait3A_312] : memref<40x128xi32, #tpu.memory_space<vmem>> -> memref<1x128xi32, #tpu.memory_space<vmem>>
        %dma_wait3A_314 = tpu.memref_squeeze %dma_wait3A_313 : memref<1x128xi32, #tpu.memory_space<vmem>> -> memref<128xi32, #tpu.memory_space<vmem>>
        %dma_wait3A_315 = arith.constant 0 : i32
        %dma_wait3A_316 = arith.constant 0 : i32
        %dma_wait3A_317 = tpu.memref_slice %arg13[%dma_wait3A_315, %dma_wait3A_316] : memref<102272x16xf32, #tpu.memory_space<vmem_shared>> -> memref<102272x16xf32, #tpu.memory_space<vmem_shared>>
        tpu.wait_indirect_dma semaphore(%arg19 : memref<!tpu.dma_semaphore, #tpu.memory_space<semaphore_mem>>) src(%dma_wait3A_311 : memref<128x16xf32, #tpu.memory_space<vmem>>) dst(%dma_wait3A_317 : memref<102272x16xf32, #tpu.memory_space<vmem_shared>>)
      }
      %scan3A_55 = arith.constant 10 : i32
      %dma_wait3A_56 = arith.constant 0 : i32
      %dma_wait3A_57 = tpu.memref_slice %arg3[%mul3A_4, %dma_wait3A_56] : memref<12840x128xi32, #tpu.memory_space<hbm>> -> memref<40x128xi32, #tpu.memory_space<hbm>>
      %dma_wait3A_58 = arith.constant 0 : i32
      %dma_wait3A_59 = tpu.memref_slice %arg3[%mul3A_4, %dma_wait3A_58] : memref<12840x128xi32, #tpu.memory_space<hbm>> -> memref<40x128xi32, #tpu.memory_space<hbm>>
      tpu.wait_dma2 semaphore(%arg15 : memref<!tpu.dma_semaphore, #tpu.memory_space<semaphore_mem>>) src(%dma_wait3A_59 : memref<40x128xi32, #tpu.memory_space<hbm>>) dst(%arg9 : memref<40x128xi32, #tpu.memory_space<vmem>>)
      %dma_wait3A_60 = arith.constant 0 : i32
      %dma_wait3A_61 = tpu.memref_slice %arg4[%mul3A_4, %dma_wait3A_60] : memref<12840x128xi32, #tpu.memory_space<hbm>> -> memref<40x128xi32, #tpu.memory_space<hbm>>
      %dma_wait3A_62 = arith.constant 0 : i32
      %dma_wait3A_63 = tpu.memref_slice %arg4[%mul3A_4, %dma_wait3A_62] : memref<12840x128xi32, #tpu.memory_space<hbm>> -> memref<40x128xi32, #tpu.memory_space<hbm>>
      tpu.wait_dma2 semaphore(%arg15 : memref<!tpu.dma_semaphore, #tpu.memory_space<semaphore_mem>>) src(%dma_wait3A_63 : memref<40x128xi32, #tpu.memory_space<hbm>>) dst(%arg10 : memref<40x128xi32, #tpu.memory_space<vmem>>)
      %add3A_64 = arith.constant 80 : i32
      %add3A_65 = arith.addi %add3A_32, %add3A_64 : i32
      %dma_start3A_66 = arith.constant 0 : i32
      %dma_start3A_67 = tpu.memref_slice %arg3[%add3A_65, %dma_start3A_66] : memref<12840x128xi32, #tpu.memory_space<hbm>> -> memref<40x128xi32, #tpu.memory_space<hbm>>
      %dma_start3A_68 = arith.constant 0 : i32
      %dma_start3A_69 = tpu.memref_slice %arg3[%add3A_65, %dma_start3A_68] : memref<12840x128xi32, #tpu.memory_space<hbm>> -> memref<40x128xi32, #tpu.memory_space<hbm>>
      tpu.enqueue_dma source(%dma_start3A_69 : memref<40x128xi32, #tpu.memory_space<hbm>>) target(%arg7 : memref<40x128xi32, #tpu.memory_space<vmem>>) target_semaphore(%arg14 : memref<!tpu.dma_semaphore, #tpu.memory_space<semaphore_mem>>)
      %dma_start3A_70 = arith.constant 0 : i32
      %dma_start3A_71 = tpu.memref_slice %arg4[%add3A_65, %dma_start3A_70] : memref<12840x128xi32, #tpu.memory_space<hbm>> -> memref<40x128xi32, #tpu.memory_space<hbm>>
      %dma_start3A_72 = arith.constant 0 : i32
      %dma_start3A_73 = tpu.memref_slice %arg4[%add3A_65, %dma_start3A_72] : memref<12840x128xi32, #tpu.memory_space<hbm>> -> memref<40x128xi32, #tpu.memory_space<hbm>>
      tpu.enqueue_dma source(%dma_start3A_73 : memref<40x128xi32, #tpu.memory_space<hbm>>) target(%arg8 : memref<40x128xi32, #tpu.memory_space<vmem>>) target_semaphore(%arg14 : memref<!tpu.dma_semaphore, #tpu.memory_space<semaphore_mem>>)
      %scan3A_74 = arith.constant 0 : i32
      %scan3A_75 = arith.constant 10 : i32
      %scan3A_76 = arith.addi %scan3A_74, %scan3A_75 : i32
      %scan3A_77 = arith.constant 1 : i32
      scf.for %scan3A_79 = %scan3A_74 to %scan3A_76 step %scan3A_77  : i32 {
        %mul3A_80 = arith.constant 1 : i32
        %mul3A_81 = arith.muli %scan3A_79, %mul3A_80 : i32
        %add3A_82 = arith.constant 0 : i32
        %add3A_83 = arith.addi %add3A_82, %mul3A_81 : i32
        %mul3A_84 = arith.constant 4 : i32
        %mul3A_85 = arith.muli %mul3A_84, %add3A_83 : i32
        %add3A_86 = arith.constant 0 : i32
        %add3A_87 = arith.addi %mul3A_85, %add3A_86 : i32
        %dma_start3A_88 = arith.constant 0 : i32
        %dma_start3A_89 = arith.constant 0 : i32
        %dma_start3A_90 = arith.constant 0 : i32
        %dma_start3A_91 = tpu.memref_slice %arg11[%dma_start3A_88, %dma_start3A_89, %dma_start3A_90] : memref<2x128x16xf32, #tpu.memory_space<vmem>> -> memref<1x128x16xf32, #tpu.memory_space<vmem>>
        %dma_start3A_92 = tpu.memref_squeeze %dma_start3A_91 : memref<1x128x16xf32, #tpu.memory_space<vmem>> -> memref<128x16xf32, #tpu.memory_space<vmem>>
        %dma_start3A_93 = arith.constant 0 : i32
        %dma_start3A_94 = tpu.memref_slice %arg9[%add3A_87, %dma_start3A_93] : memref<40x128xi32, #tpu.memory_space<vmem>> -> memref<1x128xi32, #tpu.memory_space<vmem>>
        %dma_start3A_95 = tpu.memref_squeeze %dma_start3A_94 : memref<1x128xi32, #tpu.memory_space<vmem>> -> memref<128xi32, #tpu.memory_space<vmem>>
        %dma_start3A_96 = arith.constant 0 : i32
        %dma_start3A_97 = arith.constant 0 : i32
        %dma_start3A_98 = tpu.memref_slice %arg2[%scan3A, %dma_start3A_96, %dma_start3A_97] : memref<1x102272x16xf32, #tpu.memory_space<hbm>> -> memref<1x102272x16xf32, #tpu.memory_space<hbm>>
        %dma_start3A_99 = tpu.memref_squeeze %dma_start3A_98 : memref<1x102272x16xf32, #tpu.memory_space<hbm>> -> memref<102272x16xf32, #tpu.memory_space<hbm>>
        %dma_start3A_100 = arith.constant 0 : i32
        %dma_start3A_101 = arith.constant 0 : i32
        %dma_start3A_102 = tpu.memref_slice %dma_start3A_99[%dma_start3A_100, %dma_start3A_101] : memref<102272x16xf32, #tpu.memory_space<hbm>> -> memref<102272x16xf32, #tpu.memory_space<hbm>>
        tpu.enqueue_indirect_dma source(%dma_start3A_102 : memref<102272x16xf32, #tpu.memory_space<hbm>>) target(%dma_start3A_92 : memref<128x16xf32, #tpu.memory_space<vmem>>) offsets(%dma_start3A_95 : memref<128xi32, #tpu.memory_space<vmem>>) semaphore(%arg16 : memref<!tpu.dma_semaphore, #tpu.memory_space<semaphore_mem>>)
        %add3A_103 = arith.constant 1 : i32
        %add3A_104 = arith.addi %mul3A_85, %add3A_103 : i32
        %dma_start3A_105 = arith.constant 1 : i32
        %dma_start3A_106 = arith.constant 0 : i32
        %dma_start3A_107 = arith.constant 0 : i32
        %dma_start3A_108 = tpu.memref_slice %arg11[%dma_start3A_105, %dma_start3A_106, %dma_start3A_107] : memref<2x128x16xf32, #tpu.memory_space<vmem>> -> memref<1x128x16xf32, #tpu.memory_space<vmem>>
        %dma_start3A_109 = tpu.memref_squeeze %dma_start3A_108 : memref<1x128x16xf32, #tpu.memory_space<vmem>> -> memref<128x16xf32, #tpu.memory_space<vmem>>
        %dma_start3A_110 = arith.constant 0 : i32
        %dma_start3A_111 = tpu.memref_slice %arg9[%add3A_104, %dma_start3A_110] : memref<40x128xi32, #tpu.memory_space<vmem>> -> memref<1x128xi32, #tpu.memory_space<vmem>>
        %dma_start3A_112 = tpu.memref_squeeze %dma_start3A_111 : memref<1x128xi32, #tpu.memory_space<vmem>> -> memref<128xi32, #tpu.memory_space<vmem>>
        %dma_start3A_113 = arith.constant 0 : i32
        %dma_start3A_114 = arith.constant 0 : i32
        %dma_start3A_115 = tpu.memref_slice %arg2[%scan3A, %dma_start3A_113, %dma_start3A_114] : memref<1x102272x16xf32, #tpu.memory_space<hbm>> -> memref<1x102272x16xf32, #tpu.memory_space<hbm>>
        %dma_start3A_116 = tpu.memref_squeeze %dma_start3A_115 : memref<1x102272x16xf32, #tpu.memory_space<hbm>> -> memref<102272x16xf32, #tpu.memory_space<hbm>>
        %dma_start3A_117 = arith.constant 0 : i32
        %dma_start3A_118 = arith.constant 0 : i32
        %dma_start3A_119 = tpu.memref_slice %dma_start3A_116[%dma_start3A_117, %dma_start3A_118] : memref<102272x16xf32, #tpu.memory_space<hbm>> -> memref<102272x16xf32, #tpu.memory_space<hbm>>
        tpu.enqueue_indirect_dma source(%dma_start3A_119 : memref<102272x16xf32, #tpu.memory_space<hbm>>) target(%dma_start3A_109 : memref<128x16xf32, #tpu.memory_space<vmem>>) offsets(%dma_start3A_112 : memref<128xi32, #tpu.memory_space<vmem>>) semaphore(%arg16 : memref<!tpu.dma_semaphore, #tpu.memory_space<semaphore_mem>>)
        %add3A_120 = arith.constant 2 : i32
        %add3A_121 = arith.addi %mul3A_85, %add3A_120 : i32
        %add3A_122 = arith.constant 0 : i32
        %add3A_123 = arith.addi %add3A_121, %add3A_122 : i32
        %dma_start3A_124 = arith.constant 0 : i32
        %dma_start3A_125 = arith.constant 0 : i32
        %dma_start3A_126 = arith.constant 0 : i32
        %dma_start3A_127 = tpu.memref_slice %arg12[%dma_start3A_124, %dma_start3A_125, %dma_start3A_126] : memref<2x128x16xf32, #tpu.memory_space<vmem>> -> memref<1x128x16xf32, #tpu.memory_space<vmem>>
        %dma_start3A_128 = tpu.memref_squeeze %dma_start3A_127 : memref<1x128x16xf32, #tpu.memory_space<vmem>> -> memref<128x16xf32, #tpu.memory_space<vmem>>
        %dma_start3A_129 = arith.constant 0 : i32
        %dma_start3A_130 = tpu.memref_slice %arg9[%add3A_123, %dma_start3A_129] : memref<40x128xi32, #tpu.memory_space<vmem>> -> memref<1x128xi32, #tpu.memory_space<vmem>>
        %dma_start3A_131 = tpu.memref_squeeze %dma_start3A_130 : memref<1x128xi32, #tpu.memory_space<vmem>> -> memref<128xi32, #tpu.memory_space<vmem>>
        %dma_start3A_132 = arith.constant 0 : i32
        %dma_start3A_133 = arith.constant 0 : i32
        %dma_start3A_134 = tpu.memref_slice %arg2[%scan3A, %dma_start3A_132, %dma_start3A_133] : memref<1x102272x16xf32, #tpu.memory_space<hbm>> -> memref<1x102272x16xf32, #tpu.memory_space<hbm>>
        %dma_start3A_135 = tpu.memref_squeeze %dma_start3A_134 : memref<1x102272x16xf32, #tpu.memory_space<hbm>> -> memref<102272x16xf32, #tpu.memory_space<hbm>>
        %dma_start3A_136 = arith.constant 0 : i32
        %dma_start3A_137 = arith.constant 0 : i32
        %dma_start3A_138 = tpu.memref_slice %dma_start3A_135[%dma_start3A_136, %dma_start3A_137] : memref<102272x16xf32, #tpu.memory_space<hbm>> -> memref<102272x16xf32, #tpu.memory_space<hbm>>
        tpu.enqueue_indirect_dma source(%dma_start3A_138 : memref<102272x16xf32, #tpu.memory_space<hbm>>) target(%dma_start3A_128 : memref<128x16xf32, #tpu.memory_space<vmem>>) offsets(%dma_start3A_131 : memref<128xi32, #tpu.memory_space<vmem>>) semaphore(%arg17 : memref<!tpu.dma_semaphore, #tpu.memory_space<semaphore_mem>>)
        %add3A_139 = arith.constant 2 : i32
        %add3A_140 = arith.addi %mul3A_85, %add3A_139 : i32
        %add3A_141 = arith.constant 1 : i32
        %add3A_142 = arith.addi %add3A_140, %add3A_141 : i32
        %dma_start3A_143 = arith.constant 1 : i32
        %dma_start3A_144 = arith.constant 0 : i32
        %dma_start3A_145 = arith.constant 0 : i32
        %dma_start3A_146 = tpu.memref_slice %arg12[%dma_start3A_143, %dma_start3A_144, %dma_start3A_145] : memref<2x128x16xf32, #tpu.memory_space<vmem>> -> memref<1x128x16xf32, #tpu.memory_space<vmem>>
        %dma_start3A_147 = tpu.memref_squeeze %dma_start3A_146 : memref<1x128x16xf32, #tpu.memory_space<vmem>> -> memref<128x16xf32, #tpu.memory_space<vmem>>
        %dma_start3A_148 = arith.constant 0 : i32
        %dma_start3A_149 = tpu.memref_slice %arg9[%add3A_142, %dma_start3A_148] : memref<40x128xi32, #tpu.memory_space<vmem>> -> memref<1x128xi32, #tpu.memory_space<vmem>>
        %dma_start3A_150 = tpu.memref_squeeze %dma_start3A_149 : memref<1x128xi32, #tpu.memory_space<vmem>> -> memref<128xi32, #tpu.memory_space<vmem>>
        %dma_start3A_151 = arith.constant 0 : i32
        %dma_start3A_152 = arith.constant 0 : i32
        %dma_start3A_153 = tpu.memref_slice %arg2[%scan3A, %dma_start3A_151, %dma_start3A_152] : memref<1x102272x16xf32, #tpu.memory_space<hbm>> -> memref<1x102272x16xf32, #tpu.memory_space<hbm>>
        %dma_start3A_154 = tpu.memref_squeeze %dma_start3A_153 : memref<1x102272x16xf32, #tpu.memory_space<hbm>> -> memref<102272x16xf32, #tpu.memory_space<hbm>>
        %dma_start3A_155 = arith.constant 0 : i32
        %dma_start3A_156 = arith.constant 0 : i32
        %dma_start3A_157 = tpu.memref_slice %dma_start3A_154[%dma_start3A_155, %dma_start3A_156] : memref<102272x16xf32, #tpu.memory_space<hbm>> -> memref<102272x16xf32, #tpu.memory_space<hbm>>
        tpu.enqueue_indirect_dma source(%dma_start3A_157 : memref<102272x16xf32, #tpu.memory_space<hbm>>) target(%dma_start3A_147 : memref<128x16xf32, #tpu.memory_space<vmem>>) offsets(%dma_start3A_150 : memref<128xi32, #tpu.memory_space<vmem>>) semaphore(%arg17 : memref<!tpu.dma_semaphore, #tpu.memory_space<semaphore_mem>>)
        %dma_wait3A_158 = arith.constant 0 : i32
        %dma_wait3A_159 = arith.constant 0 : i32
        %dma_wait3A_160 = arith.constant 0 : i32
        %dma_wait3A_161 = tpu.memref_slice %arg11[%dma_wait3A_158, %dma_wait3A_159, %dma_wait3A_160] : memref<2x128x16xf32, #tpu.memory_space<vmem>> -> memref<1x128x16xf32, #tpu.memory_space<vmem>>
        %dma_wait3A_162 = tpu.memref_squeeze %dma_wait3A_161 : memref<1x128x16xf32, #tpu.memory_space<vmem>> -> memref<128x16xf32, #tpu.memory_space<vmem>>
        %dma_wait3A_163 = arith.constant 0 : i32
        %dma_wait3A_164 = tpu.memref_slice %arg9[%add3A_87, %dma_wait3A_163] : memref<40x128xi32, #tpu.memory_space<vmem>> -> memref<1x128xi32, #tpu.memory_space<vmem>>
        %dma_wait3A_165 = tpu.memref_squeeze %dma_wait3A_164 : memref<1x128xi32, #tpu.memory_space<vmem>> -> memref<128xi32, #tpu.memory_space<vmem>>
        %dma_wait3A_166 = arith.constant 0 : i32
        %dma_wait3A_167 = arith.constant 0 : i32
        %dma_wait3A_168 = tpu.memref_slice %arg2[%scan3A, %dma_wait3A_166, %dma_wait3A_167] : memref<1x102272x16xf32, #tpu.memory_space<hbm>> -> memref<1x102272x16xf32, #tpu.memory_space<hbm>>
        %dma_wait3A_169 = tpu.memref_squeeze %dma_wait3A_168 : memref<1x102272x16xf32, #tpu.memory_space<hbm>> -> memref<102272x16xf32, #tpu.memory_space<hbm>>
        %dma_wait3A_170 = arith.constant 0 : i32
        %dma_wait3A_171 = arith.constant 0 : i32
        %dma_wait3A_172 = tpu.memref_slice %dma_wait3A_169[%dma_wait3A_170, %dma_wait3A_171] : memref<102272x16xf32, #tpu.memory_space<hbm>> -> memref<102272x16xf32, #tpu.memory_space<hbm>>
        tpu.wait_indirect_dma semaphore(%arg16 : memref<!tpu.dma_semaphore, #tpu.memory_space<semaphore_mem>>) src(%dma_wait3A_172 : memref<102272x16xf32, #tpu.memory_space<hbm>>) dst(%dma_wait3A_162 : memref<128x16xf32, #tpu.memory_space<vmem>>)
        %dma_wait3A_173 = arith.constant 1 : i32
        %dma_wait3A_174 = arith.constant 0 : i32
        %dma_wait3A_175 = arith.constant 0 : i32
        %dma_wait3A_176 = tpu.memref_slice %arg11[%dma_wait3A_173, %dma_wait3A_174, %dma_wait3A_175] : memref<2x128x16xf32, #tpu.memory_space<vmem>> -> memref<1x128x16xf32, #tpu.memory_space<vmem>>
        %dma_wait3A_177 = tpu.memref_squeeze %dma_wait3A_176 : memref<1x128x16xf32, #tpu.memory_space<vmem>> -> memref<128x16xf32, #tpu.memory_space<vmem>>
        %dma_wait3A_178 = arith.constant 0 : i32
        %dma_wait3A_179 = tpu.memref_slice %arg9[%add3A_104, %dma_wait3A_178] : memref<40x128xi32, #tpu.memory_space<vmem>> -> memref<1x128xi32, #tpu.memory_space<vmem>>
        %dma_wait3A_180 = tpu.memref_squeeze %dma_wait3A_179 : memref<1x128xi32, #tpu.memory_space<vmem>> -> memref<128xi32, #tpu.memory_space<vmem>>
        %dma_wait3A_181 = arith.constant 0 : i32
        %dma_wait3A_182 = arith.constant 0 : i32
        %dma_wait3A_183 = tpu.memref_slice %arg2[%scan3A, %dma_wait3A_181, %dma_wait3A_182] : memref<1x102272x16xf32, #tpu.memory_space<hbm>> -> memref<1x102272x16xf32, #tpu.memory_space<hbm>>
        %dma_wait3A_184 = tpu.memref_squeeze %dma_wait3A_183 : memref<1x102272x16xf32, #tpu.memory_space<hbm>> -> memref<102272x16xf32, #tpu.memory_space<hbm>>
        %dma_wait3A_185 = arith.constant 0 : i32
        %dma_wait3A_186 = arith.constant 0 : i32
        %dma_wait3A_187 = tpu.memref_slice %dma_wait3A_184[%dma_wait3A_185, %dma_wait3A_186] : memref<102272x16xf32, #tpu.memory_space<hbm>> -> memref<102272x16xf32, #tpu.memory_space<hbm>>
        tpu.wait_indirect_dma semaphore(%arg16 : memref<!tpu.dma_semaphore, #tpu.memory_space<semaphore_mem>>) src(%dma_wait3A_187 : memref<102272x16xf32, #tpu.memory_space<hbm>>) dst(%dma_wait3A_177 : memref<128x16xf32, #tpu.memory_space<vmem>>)
        %add3A_188 = arith.constant 0 : i32
        %add3A_189 = arith.addi %mul3A_85, %add3A_188 : i32
        %dma_start3A_190 = arith.constant 0 : i32
        %dma_start3A_191 = arith.constant 0 : i32
        %dma_start3A_192 = arith.constant 0 : i32
        %dma_start3A_193 = tpu.memref_slice %arg11[%dma_start3A_190, %dma_start3A_191, %dma_start3A_192] : memref<2x128x16xf32, #tpu.memory_space<vmem>> -> memref<1x128x16xf32, #tpu.memory_space<vmem>>
        %dma_start3A_194 = tpu.memref_squeeze %dma_start3A_193 : memref<1x128x16xf32, #tpu.memory_space<vmem>> -> memref<128x16xf32, #tpu.memory_space<vmem>>
        %dma_start3A_195 = arith.constant 0 : i32
        %dma_start3A_196 = tpu.memref_slice %arg10[%add3A_189, %dma_start3A_195] : memref<40x128xi32, #tpu.memory_space<vmem>> -> memref<1x128xi32, #tpu.memory_space<vmem>>
        %dma_start3A_197 = tpu.memref_squeeze %dma_start3A_196 : memref<1x128xi32, #tpu.memory_space<vmem>> -> memref<128xi32, #tpu.memory_space<vmem>>
        %dma_start3A_198 = arith.constant 0 : i32
        %dma_start3A_199 = arith.constant 0 : i32
        %dma_start3A_200 = tpu.memref_slice %arg13[%dma_start3A_198, %dma_start3A_199] : memref<102272x16xf32, #tpu.memory_space<vmem_shared>> -> memref<102272x16xf32, #tpu.memory_space<vmem_shared>>
        tpu.enqueue_indirect_dma source(%dma_start3A_194 : memref<128x16xf32, #tpu.memory_space<vmem>>) target(%dma_start3A_200 : memref<102272x16xf32, #tpu.memory_space<vmem_shared>>) offsets(%dma_start3A_197 : memref<128xi32, #tpu.memory_space<vmem>>) semaphore(%arg18 : memref<!tpu.dma_semaphore, #tpu.memory_space<semaphore_mem>>) {add = true}
        %add3A_201 = arith.constant 1 : i32
        %add3A_202 = arith.addi %mul3A_85, %add3A_201 : i32
        %dma_start3A_203 = arith.constant 1 : i32
        %dma_start3A_204 = arith.constant 0 : i32
        %dma_start3A_205 = arith.constant 0 : i32
        %dma_start3A_206 = tpu.memref_slice %arg11[%dma_start3A_203, %dma_start3A_204, %dma_start3A_205] : memref<2x128x16xf32, #tpu.memory_space<vmem>> -> memref<1x128x16xf32, #tpu.memory_space<vmem>>
        %dma_start3A_207 = tpu.memref_squeeze %dma_start3A_206 : memref<1x128x16xf32, #tpu.memory_space<vmem>> -> memref<128x16xf32, #tpu.memory_space<vmem>>
        %dma_start3A_208 = arith.constant 0 : i32
        %dma_start3A_209 = tpu.memref_slice %arg10[%add3A_202, %dma_start3A_208] : memref<40x128xi32, #tpu.memory_space<vmem>> -> memref<1x128xi32, #tpu.memory_space<vmem>>
        %dma_start3A_210 = tpu.memref_squeeze %dma_start3A_209 : memref<1x128xi32, #tpu.memory_space<vmem>> -> memref<128xi32, #tpu.memory_space<vmem>>
        %dma_start3A_211 = arith.constant 0 : i32
        %dma_start3A_212 = arith.constant 0 : i32
        %dma_start3A_213 = tpu.memref_slice %arg13[%dma_start3A_211, %dma_start3A_212] : memref<102272x16xf32, #tpu.memory_space<vmem_shared>> -> memref<102272x16xf32, #tpu.memory_space<vmem_shared>>
        tpu.enqueue_indirect_dma source(%dma_start3A_207 : memref<128x16xf32, #tpu.memory_space<vmem>>) target(%dma_start3A_213 : memref<102272x16xf32, #tpu.memory_space<vmem_shared>>) offsets(%dma_start3A_210 : memref<128xi32, #tpu.memory_space<vmem>>) semaphore(%arg18 : memref<!tpu.dma_semaphore, #tpu.memory_space<semaphore_mem>>) {add = true}
        %dma_wait3A_214 = arith.constant 0 : i32
        %dma_wait3A_215 = arith.constant 0 : i32
        %dma_wait3A_216 = arith.constant 0 : i32
        %dma_wait3A_217 = tpu.memref_slice %arg12[%dma_wait3A_214, %dma_wait3A_215, %dma_wait3A_216] : memref<2x128x16xf32, #tpu.memory_space<vmem>> -> memref<1x128x16xf32, #tpu.memory_space<vmem>>
        %dma_wait3A_218 = tpu.memref_squeeze %dma_wait3A_217 : memref<1x128x16xf32, #tpu.memory_space<vmem>> -> memref<128x16xf32, #tpu.memory_space<vmem>>
        %dma_wait3A_219 = arith.constant 0 : i32
        %dma_wait3A_220 = tpu.memref_slice %arg9[%add3A_123, %dma_wait3A_219] : memref<40x128xi32, #tpu.memory_space<vmem>> -> memref<1x128xi32, #tpu.memory_space<vmem>>
        %dma_wait3A_221 = tpu.memref_squeeze %dma_wait3A_220 : memref<1x128xi32, #tpu.memory_space<vmem>> -> memref<128xi32, #tpu.memory_space<vmem>>
        %dma_wait3A_222 = arith.constant 0 : i32
        %dma_wait3A_223 = arith.constant 0 : i32
        %dma_wait3A_224 = tpu.memref_slice %arg2[%scan3A, %dma_wait3A_222, %dma_wait3A_223] : memref<1x102272x16xf32, #tpu.memory_space<hbm>> -> memref<1x102272x16xf32, #tpu.memory_space<hbm>>
        %dma_wait3A_225 = tpu.memref_squeeze %dma_wait3A_224 : memref<1x102272x16xf32, #tpu.memory_space<hbm>> -> memref<102272x16xf32, #tpu.memory_space<hbm>>
        %dma_wait3A_226 = arith.constant 0 : i32
        %dma_wait3A_227 = arith.constant 0 : i32
        %dma_wait3A_228 = tpu.memref_slice %dma_wait3A_225[%dma_wait3A_226, %dma_wait3A_227] : memref<102272x16xf32, #tpu.memory_space<hbm>> -> memref<102272x16xf32, #tpu.memory_space<hbm>>
        tpu.wait_indirect_dma semaphore(%arg17 : memref<!tpu.dma_semaphore, #tpu.memory_space<semaphore_mem>>) src(%dma_wait3A_228 : memref<102272x16xf32, #tpu.memory_space<hbm>>) dst(%dma_wait3A_218 : memref<128x16xf32, #tpu.memory_space<vmem>>)
        %dma_wait3A_229 = arith.constant 1 : i32
        %dma_wait3A_230 = arith.constant 0 : i32
        %dma_wait3A_231 = arith.constant 0 : i32
        %dma_wait3A_232 = tpu.memref_slice %arg12[%dma_wait3A_229, %dma_wait3A_230, %dma_wait3A_231] : memref<2x128x16xf32, #tpu.memory_space<vmem>> -> memref<1x128x16xf32, #tpu.memory_space<vmem>>
        %dma_wait3A_233 = tpu.memref_squeeze %dma_wait3A_232 : memref<1x128x16xf32, #tpu.memory_space<vmem>> -> memref<128x16xf32, #tpu.memory_space<vmem>>
        %dma_wait3A_234 = arith.constant 0 : i32
        %dma_wait3A_235 = tpu.memref_slice %arg9[%add3A_142, %dma_wait3A_234] : memref<40x128xi32, #tpu.memory_space<vmem>> -> memref<1x128xi32, #tpu.memory_space<vmem>>
        %dma_wait3A_236 = tpu.memref_squeeze %dma_wait3A_235 : memref<1x128xi32, #tpu.memory_space<vmem>> -> memref<128xi32, #tpu.memory_space<vmem>>
        %dma_wait3A_237 = arith.constant 0 : i32
        %dma_wait3A_238 = arith.constant 0 : i32
        %dma_wait3A_239 = tpu.memref_slice %arg2[%scan3A, %dma_wait3A_237, %dma_wait3A_238] : memref<1x102272x16xf32, #tpu.memory_space<hbm>> -> memref<1x102272x16xf32, #tpu.memory_space<hbm>>
        %dma_wait3A_240 = tpu.memref_squeeze %dma_wait3A_239 : memref<1x102272x16xf32, #tpu.memory_space<hbm>> -> memref<102272x16xf32, #tpu.memory_space<hbm>>
        %dma_wait3A_241 = arith.constant 0 : i32
        %dma_wait3A_242 = arith.constant 0 : i32
        %dma_wait3A_243 = tpu.memref_slice %dma_wait3A_240[%dma_wait3A_241, %dma_wait3A_242] : memref<102272x16xf32, #tpu.memory_space<hbm>> -> memref<102272x16xf32, #tpu.memory_space<hbm>>
        tpu.wait_indirect_dma semaphore(%arg17 : memref<!tpu.dma_semaphore, #tpu.memory_space<semaphore_mem>>) src(%dma_wait3A_243 : memref<102272x16xf32, #tpu.memory_space<hbm>>) dst(%dma_wait3A_233 : memref<128x16xf32, #tpu.memory_space<vmem>>)
        %add3A_244 = arith.constant 2 : i32
        %add3A_245 = arith.addi %mul3A_85, %add3A_244 : i32
        %add3A_246 = arith.constant 0 : i32
        %add3A_247 = arith.addi %add3A_245, %add3A_246 : i32
        %dma_start3A_248 = arith.constant 0 : i32
        %dma_start3A_249 = arith.constant 0 : i32
        %dma_start3A_250 = arith.constant 0 : i32
        %dma_start3A_251 = tpu.memref_slice %arg12[%dma_start3A_248, %dma_start3A_249, %dma_start3A_250] : memref<2x128x16xf32, #tpu.memory_space<vmem>> -> memref<1x128x16xf32, #tpu.memory_space<vmem>>
        %dma_start3A_252 = tpu.memref_squeeze %dma_start3A_251 : memref<1x128x16xf32, #tpu.memory_space<vmem>> -> memref<128x16xf32, #tpu.memory_space<vmem>>
        %dma_start3A_253 = arith.constant 0 : i32
        %dma_start3A_254 = tpu.memref_slice %arg10[%add3A_247, %dma_start3A_253] : memref<40x128xi32, #tpu.memory_space<vmem>> -> memref<1x128xi32, #tpu.memory_space<vmem>>
        %dma_start3A_255 = tpu.memref_squeeze %dma_start3A_254 : memref<1x128xi32, #tpu.memory_space<vmem>> -> memref<128xi32, #tpu.memory_space<vmem>>
        %dma_start3A_256 = arith.constant 0 : i32
        %dma_start3A_257 = arith.constant 0 : i32
        %dma_start3A_258 = tpu.memref_slice %arg13[%dma_start3A_256, %dma_start3A_257] : memref<102272x16xf32, #tpu.memory_space<vmem_shared>> -> memref<102272x16xf32, #tpu.memory_space<vmem_shared>>
        tpu.enqueue_indirect_dma source(%dma_start3A_252 : memref<128x16xf32, #tpu.memory_space<vmem>>) target(%dma_start3A_258 : memref<102272x16xf32, #tpu.memory_space<vmem_shared>>) offsets(%dma_start3A_255 : memref<128xi32, #tpu.memory_space<vmem>>) semaphore(%arg19 : memref<!tpu.dma_semaphore, #tpu.memory_space<semaphore_mem>>) {add = true}
        %add3A_259 = arith.constant 2 : i32
        %add3A_260 = arith.addi %mul3A_85, %add3A_259 : i32
        %add3A_261 = arith.constant 1 : i32
        %add3A_262 = arith.addi %add3A_260, %add3A_261 : i32
        %dma_start3A_263 = arith.constant 1 : i32
        %dma_start3A_264 = arith.constant 0 : i32
        %dma_start3A_265 = arith.constant 0 : i32
        %dma_start3A_266 = tpu.memref_slice %arg12[%dma_start3A_263, %dma_start3A_264, %dma_start3A_265] : memref<2x128x16xf32, #tpu.memory_space<vmem>> -> memref<1x128x16xf32, #tpu.memory_space<vmem>>
        %dma_start3A_267 = tpu.memref_squeeze %dma_start3A_266 : memref<1x128x16xf32, #tpu.memory_space<vmem>> -> memref<128x16xf32, #tpu.memory_space<vmem>>
        %dma_start3A_268 = arith.constant 0 : i32
        %dma_start3A_269 = tpu.memref_slice %arg10[%add3A_262, %dma_start3A_268] : memref<40x128xi32, #tpu.memory_space<vmem>> -> memref<1x128xi32, #tpu.memory_space<vmem>>
        %dma_start3A_270 = tpu.memref_squeeze %dma_start3A_269 : memref<1x128xi32, #tpu.memory_space<vmem>> -> memref<128xi32, #tpu.memory_space<vmem>>
        %dma_start3A_271 = arith.constant 0 : i32
        %dma_start3A_272 = arith.constant 0 : i32
        %dma_start3A_273 = tpu.memref_slice %arg13[%dma_start3A_271, %dma_start3A_272] : memref<102272x16xf32, #tpu.memory_space<vmem_shared>> -> memref<102272x16xf32, #tpu.memory_space<vmem_shared>>
        tpu.enqueue_indirect_dma source(%dma_start3A_267 : memref<128x16xf32, #tpu.memory_space<vmem>>) target(%dma_start3A_273 : memref<102272x16xf32, #tpu.memory_space<vmem_shared>>) offsets(%dma_start3A_270 : memref<128xi32, #tpu.memory_space<vmem>>) semaphore(%arg19 : memref<!tpu.dma_semaphore, #tpu.memory_space<semaphore_mem>>) {add = true}
        %dma_wait3A_274 = arith.constant 0 : i32
        %dma_wait3A_275 = arith.constant 0 : i32
        %dma_wait3A_276 = arith.constant 0 : i32
        %dma_wait3A_277 = tpu.memref_slice %arg11[%dma_wait3A_274, %dma_wait3A_275, %dma_wait3A_276] : memref<2x128x16xf32, #tpu.memory_space<vmem>> -> memref<1x128x16xf32, #tpu.memory_space<vmem>>
        %dma_wait3A_278 = tpu.memref_squeeze %dma_wait3A_277 : memref<1x128x16xf32, #tpu.memory_space<vmem>> -> memref<128x16xf32, #tpu.memory_space<vmem>>
        %dma_wait3A_279 = arith.constant 0 : i32
        %dma_wait3A_280 = tpu.memref_slice %arg10[%add3A_189, %dma_wait3A_279] : memref<40x128xi32, #tpu.memory_space<vmem>> -> memref<1x128xi32, #tpu.memory_space<vmem>>
        %dma_wait3A_281 = tpu.memref_squeeze %dma_wait3A_280 : memref<1x128xi32, #tpu.memory_space<vmem>> -> memref<128xi32, #tpu.memory_space<vmem>>
        %dma_wait3A_282 = arith.constant 0 : i32
        %dma_wait3A_283 = arith.constant 0 : i32
        %dma_wait3A_284 = tpu.memref_slice %arg13[%dma_wait3A_282, %dma_wait3A_283] : memref<102272x16xf32, #tpu.memory_space<vmem_shared>> -> memref<102272x16xf32, #tpu.memory_space<vmem_shared>>
        tpu.wait_indirect_dma semaphore(%arg18 : memref<!tpu.dma_semaphore, #tpu.memory_space<semaphore_mem>>) src(%dma_wait3A_278 : memref<128x16xf32, #tpu.memory_space<vmem>>) dst(%dma_wait3A_284 : memref<102272x16xf32, #tpu.memory_space<vmem_shared>>)
        %dma_wait3A_285 = arith.constant 1 : i32
        %dma_wait3A_286 = arith.constant 0 : i32
        %dma_wait3A_287 = arith.constant 0 : i32
        %dma_wait3A_288 = tpu.memref_slice %arg11[%dma_wait3A_285, %dma_wait3A_286, %dma_wait3A_287] : memref<2x128x16xf32, #tpu.memory_space<vmem>> -> memref<1x128x16xf32, #tpu.memory_space<vmem>>
        %dma_wait3A_289 = tpu.memref_squeeze %dma_wait3A_288 : memref<1x128x16xf32, #tpu.memory_space<vmem>> -> memref<128x16xf32, #tpu.memory_space<vmem>>
        %dma_wait3A_290 = arith.constant 0 : i32
        %dma_wait3A_291 = tpu.memref_slice %arg10[%add3A_202, %dma_wait3A_290] : memref<40x128xi32, #tpu.memory_space<vmem>> -> memref<1x128xi32, #tpu.memory_space<vmem>>
        %dma_wait3A_292 = tpu.memref_squeeze %dma_wait3A_291 : memref<1x128xi32, #tpu.memory_space<vmem>> -> memref<128xi32, #tpu.memory_space<vmem>>
        %dma_wait3A_293 = arith.constant 0 : i32
        %dma_wait3A_294 = arith.constant 0 : i32
        %dma_wait3A_295 = tpu.memref_slice %arg13[%dma_wait3A_293, %dma_wait3A_294] : memref<102272x16xf32, #tpu.memory_space<vmem_shared>> -> memref<102272x16xf32, #tpu.memory_space<vmem_shared>>
        tpu.wait_indirect_dma semaphore(%arg18 : memref<!tpu.dma_semaphore, #tpu.memory_space<semaphore_mem>>) src(%dma_wait3A_289 : memref<128x16xf32, #tpu.memory_space<vmem>>) dst(%dma_wait3A_295 : memref<102272x16xf32, #tpu.memory_space<vmem_shared>>)
        %dma_wait3A_296 = arith.constant 0 : i32
        %dma_wait3A_297 = arith.constant 0 : i32
        %dma_wait3A_298 = arith.constant 0 : i32
        %dma_wait3A_299 = tpu.memref_slice %arg12[%dma_wait3A_296, %dma_wait3A_297, %dma_wait3A_298] : memref<2x128x16xf32, #tpu.memory_space<vmem>> -> memref<1x128x16xf32, #tpu.memory_space<vmem>>
        %dma_wait3A_300 = tpu.memref_squeeze %dma_wait3A_299 : memref<1x128x16xf32, #tpu.memory_space<vmem>> -> memref<128x16xf32, #tpu.memory_space<vmem>>
        %dma_wait3A_301 = arith.constant 0 : i32
        %dma_wait3A_302 = tpu.memref_slice %arg10[%add3A_247, %dma_wait3A_301] : memref<40x128xi32, #tpu.memory_space<vmem>> -> memref<1x128xi32, #tpu.memory_space<vmem>>
        %dma_wait3A_303 = tpu.memref_squeeze %dma_wait3A_302 : memref<1x128xi32, #tpu.memory_space<vmem>> -> memref<128xi32, #tpu.memory_space<vmem>>
        %dma_wait3A_304 = arith.constant 0 : i32
        %dma_wait3A_305 = arith.constant 0 : i32
        %dma_wait3A_306 = tpu.memref_slice %arg13[%dma_wait3A_304, %dma_wait3A_305] : memref<102272x16xf32, #tpu.memory_space<vmem_shared>> -> memref<102272x16xf32, #tpu.memory_space<vmem_shared>>
        tpu.wait_indirect_dma semaphore(%arg19 : memref<!tpu.dma_semaphore, #tpu.memory_space<semaphore_mem>>) src(%dma_wait3A_300 : memref<128x16xf32, #tpu.memory_space<vmem>>) dst(%dma_wait3A_306 : memref<102272x16xf32, #tpu.memory_space<vmem_shared>>)
        %dma_wait3A_307 = arith.constant 1 : i32
        %dma_wait3A_308 = arith.constant 0 : i32
        %dma_wait3A_309 = arith.constant 0 : i32
        %dma_wait3A_310 = tpu.memref_slice %arg12[%dma_wait3A_307, %dma_wait3A_308, %dma_wait3A_309] : memref<2x128x16xf32, #tpu.memory_space<vmem>> -> memref<1x128x16xf32, #tpu.memory_space<vmem>>
        %dma_wait3A_311 = tpu.memref_squeeze %dma_wait3A_310 : memref<1x128x16xf32, #tpu.memory_space<vmem>> -> memref<128x16xf32, #tpu.memory_space<vmem>>
        %dma_wait3A_312 = arith.constant 0 : i32
        %dma_wait3A_313 = tpu.memref_slice %arg10[%add3A_262, %dma_wait3A_312] : memref<40x128xi32, #tpu.memory_space<vmem>> -> memref<1x128xi32, #tpu.memory_space<vmem>>
        %dma_wait3A_314 = tpu.memref_squeeze %dma_wait3A_313 : memref<1x128xi32, #tpu.memory_space<vmem>> -> memref<128xi32, #tpu.memory_space<vmem>>
        %dma_wait3A_315 = arith.constant 0 : i32
        %dma_wait3A_316 = arith.constant 0 : i32
        %dma_wait3A_317 = tpu.memref_slice %arg13[%dma_wait3A_315, %dma_wait3A_316] : memref<102272x16xf32, #tpu.memory_space<vmem_shared>> -> memref<102272x16xf32, #tpu.memory_space<vmem_shared>>
        tpu.wait_indirect_dma semaphore(%arg19 : memref<!tpu.dma_semaphore, #tpu.memory_space<semaphore_mem>>) src(%dma_wait3A_311 : memref<128x16xf32, #tpu.memory_space<vmem>>) dst(%dma_wait3A_317 : memref<102272x16xf32, #tpu.memory_space<vmem_shared>>)
      }
      %scan3A_78 = arith.constant 10 : i32
    }
    %scan3A_16 = arith.constant 5 : i32
    %dma_wait3A = arith.constant 0 : i32
    %dma_wait3A_17 = tpu.memref_slice %arg3[%mul3A_4, %dma_wait3A] : memref<12840x128xi32, #tpu.memory_space<hbm>> -> memref<40x128xi32, #tpu.memory_space<hbm>>
    %dma_wait3A_18 = arith.constant 0 : i32
    %dma_wait3A_19 = tpu.memref_slice %arg3[%mul3A_4, %dma_wait3A_18] : memref<12840x128xi32, #tpu.memory_space<hbm>> -> memref<40x128xi32, #tpu.memory_space<hbm>>
    tpu.wait_dma2 semaphore(%arg14 : memref<!tpu.dma_semaphore, #tpu.memory_space<semaphore_mem>>) src(%dma_wait3A_19 : memref<40x128xi32, #tpu.memory_space<hbm>>) dst(%arg7 : memref<40x128xi32, #tpu.memory_space<vmem>>)
    %dma_wait3A_20 = arith.constant 0 : i32
    %dma_wait3A_21 = tpu.memref_slice %arg4[%mul3A_4, %dma_wait3A_20] : memref<12840x128xi32, #tpu.memory_space<hbm>> -> memref<40x128xi32, #tpu.memory_space<hbm>>
    %dma_wait3A_22 = arith.constant 0 : i32
    %dma_wait3A_23 = tpu.memref_slice %arg4[%mul3A_4, %dma_wait3A_22] : memref<12840x128xi32, #tpu.memory_space<hbm>> -> memref<40x128xi32, #tpu.memory_space<hbm>>
    tpu.wait_dma2 semaphore(%arg14 : memref<!tpu.dma_semaphore, #tpu.memory_space<semaphore_mem>>) src(%dma_wait3A_23 : memref<40x128xi32, #tpu.memory_space<hbm>>) dst(%arg8 : memref<40x128xi32, #tpu.memory_space<vmem>>)
    %barrier3A_24 = arith.constant 0 : index
    tpu.barrier barrier_id(%barrier3A_24)
    "tpu.region"() ({
      %run_scoped3A = tpu.sem_alloc : memref<!tpu.dma_semaphore, #tpu.memory_space<semaphore_mem>>
      %dma_start3A_25 = arith.constant 0 : i32
      %dma_start3A_26 = arith.constant 0 : i32
      %dma_start3A_27 = tpu.memref_slice %arg6[%arg0, %dma_start3A_25, %dma_start3A_26] : memref<2x102272x16xf32, #tpu.memory_space<hbm>> -> memref<1x102272x16xf32, #tpu.memory_space<hbm>>
      %dma_start3A_28 = tpu.memref_squeeze %dma_start3A_27 : memref<1x102272x16xf32, #tpu.memory_space<hbm>> -> memref<102272x16xf32, #tpu.memory_space<hbm>>
      %dma_start3A_29 = arith.constant 0 : i32
      %dma_start3A_30 = tpu.memref_slice %dma_start3A_28[%mul3A_0, %dma_start3A_29] : memref<102272x16xf32, #tpu.memory_space<hbm>> -> memref<6392x16xf32, #tpu.memory_space<hbm>>
      %dma_start3A_31 = arith.constant 0 : i32
      %dma_start3A_32 = tpu.memref_slice %arg13[%mul3A_0, %dma_start3A_31] : memref<102272x16xf32, #tpu.memory_space<vmem_shared>> -> memref<6392x16xf32, #tpu.memory_space<vmem_shared>>
      tpu.enqueue_dma source(%dma_start3A_32 : memref<6392x16xf32, #tpu.memory_space<vmem_shared>>) target(%dma_start3A_30 : memref<6392x16xf32, #tpu.memory_space<hbm>>) target_semaphore(%run_scoped3A : memref<!tpu.dma_semaphore, #tpu.memory_space<semaphore_mem>>)
      %dma_wait3A_33 = arith.constant 0 : i32
      %dma_wait3A_34 = arith.constant 0 : i32
      %dma_wait3A_35 = tpu.memref_slice %arg6[%arg0, %dma_wait3A_33, %dma_wait3A_34] : memref<2x102272x16xf32, #tpu.memory_space<hbm>> -> memref<1x102272x16xf32, #tpu.memory_space<hbm>>
      %dma_wait3A_36 = tpu.memref_squeeze %dma_wait3A_35 : memref<1x102272x16xf32, #tpu.memory_space<hbm>> -> memref<102272x16xf32, #tpu.memory_space<hbm>>
      %dma_wait3A_37 = arith.constant 0 : i32
      %dma_wait3A_38 = tpu.memref_slice %dma_wait3A_36[%mul3A_0, %dma_wait3A_37] : memref<102272x16xf32, #tpu.memory_space<hbm>> -> memref<6392x16xf32, #tpu.memory_space<hbm>>
      %dma_wait3A_39 = arith.constant 0 : i32
      %dma_wait3A_40 = tpu.memref_slice %arg13[%mul3A_0, %dma_wait3A_39] : memref<102272x16xf32, #tpu.memory_space<vmem_shared>> -> memref<6392x16xf32, #tpu.memory_space<vmem_shared>>
      tpu.wait_dma2 semaphore(%run_scoped3A : memref<!tpu.dma_semaphore, #tpu.memory_space<semaphore_mem>>) src(%dma_wait3A_40 : memref<6392x16xf32, #tpu.memory_space<vmem_shared>>) dst(%dma_wait3A_38 : memref<6392x16xf32, #tpu.memory_space<hbm>>)
      tpu.yield
    }) : () -> ()
    return
  }
}

#map = affine_map<(d0, d1) -> (0, 0, 0)>
#map1 = affine_map<(d0, d1) -> (0, 0)>
module attributes {stable_mosaic.version = 14 : i64} {
  func.func @agg(%arg0: i32, %arg1: i32, %arg2: memref<2x102272x16xf32, #tpu.memory_space<hbm>>, %arg3: memref<12840x128xi32, #tpu.memory_space<hbm>>, %arg4: memref<12840x128xi32, #tpu.memory_space<hbm>>, %arg5: memref<102272x16xf32, #tpu.memory_space<hbm>>, %arg6: memref<2x102272x16xf32, #tpu.memory_space<hbm>>, %arg7: memref<40x128xi32, #tpu.memory_space<vmem>>, %arg8: memref<40x128xi32, #tpu.memory_space<vmem>>, %arg9: memref<40x128xi32, #tpu.memory_space<vmem>>, %arg10: memref<40x128xi32, #tpu.memory_space<vmem>>, %arg11: memref<2x128x16xf32, #tpu.memory_space<vmem>>, %arg12: memref<2x128x16xf32, #tpu.memory_space<vmem>>, %arg13: memref<102272x16xf32, #tpu.memory_space<vmem_shared>>, %arg14: memref<!tpu.dma_semaphore, #tpu.memory_space<semaphore_mem>>, %arg15: memref<!tpu.dma_semaphore, #tpu.memory_space<semaphore_mem>>, %arg16: memref<!tpu.dma_semaphore, #tpu.memory_space<semaphore_mem>>, %arg17: memref<!tpu.dma_semaphore, #tpu.memory_space<semaphore_mem>>, %arg18: memref<!tpu.dma_semaphore, #tpu.memory_space<semaphore_mem>>, %arg19: memref<!tpu.dma_semaphore, #tpu.memory_space<semaphore_mem>>) attributes {dimension_semantics = [#tpu.dimension_semantics<core_parallel>, #tpu.dimension_semantics<subcore_parallel>], iteration_bounds = array<i64: 2, 16>, scalar_prefetch = 0 : i64, scratch_operands = 13 : i64, tpu.core_type = #tpu.core_type<sc_vector_subcore>, window_params = [{transform_indices = #map}, {transform_indices = #map1}, {transform_indices = #map1}, {transform_indices = #map1}, {transform_indices = #map}]} {
    %mul3A = arith.constant 6392 : i32
    %mul3A_0 = arith.muli %arg1, %mul3A : i32
    "tpu.region"() ({
      %run_scoped3A = tpu.sem_alloc : memref<!tpu.dma_semaphore, #tpu.memory_space<semaphore_mem>>
      %dma_start3A_22 = arith.constant 0 : i32
      %dma_start3A_23 = tpu.memref_slice %arg13[%mul3A_0, %dma_start3A_22] : memref<102272x16xf32, #tpu.memory_space<vmem_shared>> -> memref<6392x16xf32, #tpu.memory_space<vmem_shared>>
      %dma_start3A_24 = arith.constant 0 : i32
      %dma_start3A_25 = tpu.memref_slice %arg5[%mul3A_0, %dma_start3A_24] : memref<102272x16xf32, #tpu.memory_space<hbm>> -> memref<6392x16xf32, #tpu.memory_space<hbm>>
      tpu.enqueue_dma source(%dma_start3A_25 : memref<6392x16xf32, #tpu.memory_space<hbm>>) target(%dma_start3A_23 : memref<6392x16xf32, #tpu.memory_space<vmem_shared>>) target_semaphore(%run_scoped3A : memref<!tpu.dma_semaphore, #tpu.memory_space<semaphore_mem>>)
      %dma_wait3A_26 = arith.constant 0 : i32
      %dma_wait3A_27 = tpu.memref_slice %arg13[%mul3A_0, %dma_wait3A_26] : memref<102272x16xf32, #tpu.memory_space<vmem_shared>> -> memref<6392x16xf32, #tpu.memory_space<vmem_shared>>
      %dma_wait3A_28 = arith.constant 0 : i32
      %dma_wait3A_29 = tpu.memref_slice %arg5[%mul3A_0, %dma_wait3A_28] : memref<102272x16xf32, #tpu.memory_space<hbm>> -> memref<6392x16xf32, #tpu.memory_space<hbm>>
      tpu.wait_dma2 semaphore(%run_scoped3A : memref<!tpu.dma_semaphore, #tpu.memory_space<semaphore_mem>>) src(%dma_wait3A_29 : memref<6392x16xf32, #tpu.memory_space<hbm>>) dst(%dma_wait3A_27 : memref<6392x16xf32, #tpu.memory_space<vmem_shared>>)
      tpu.yield
    }) : () -> ()
    %barrier3A = arith.constant 0 : index
    tpu.barrier barrier_id(%barrier3A)
    %mul3A_1 = arith.constant 800 : i32
    %mul3A_2 = arith.muli %arg1, %mul3A_1 : i32
    %dma_start3A = arith.constant 0 : i32
    %dma_start3A_3 = tpu.memref_slice %arg3[%mul3A_2, %dma_start3A] : memref<12840x128xi32, #tpu.memory_space<hbm>> -> memref<40x128xi32, #tpu.memory_space<hbm>>
    %dma_start3A_4 = arith.constant 0 : i32
    %dma_start3A_5 = tpu.memref_slice %arg3[%mul3A_2, %dma_start3A_4] : memref<12840x128xi32, #tpu.memory_space<hbm>> -> memref<40x128xi32, #tpu.memory_space<hbm>>
    tpu.enqueue_dma source(%dma_start3A_5 : memref<40x128xi32, #tpu.memory_space<hbm>>) target(%arg7 : memref<40x128xi32, #tpu.memory_space<vmem>>) target_semaphore(%arg14 : memref<!tpu.dma_semaphore, #tpu.memory_space<semaphore_mem>>)
    %dma_start3A_6 = arith.constant 0 : i32
    %dma_start3A_7 = tpu.memref_slice %arg4[%mul3A_2, %dma_start3A_6] : memref<12840x128xi32, #tpu.memory_space<hbm>> -> memref<40x128xi32, #tpu.memory_space<hbm>>
    %dma_start3A_8 = arith.constant 0 : i32
    %dma_start3A_9 = tpu.memref_slice %arg4[%mul3A_2, %dma_start3A_8] : memref<12840x128xi32, #tpu.memory_space<hbm>> -> memref<40x128xi32, #tpu.memory_space<hbm>>
    tpu.enqueue_dma source(%dma_start3A_9 : memref<40x128xi32, #tpu.memory_space<hbm>>) target(%arg8 : memref<40x128xi32, #tpu.memory_space<vmem>>) target_semaphore(%arg14 : memref<!tpu.dma_semaphore, #tpu.memory_space<semaphore_mem>>)
    %scan3A = arith.constant 0 : i32
    %scan3A_10 = arith.constant 10 : i32
    %scan3A_11 = arith.addi %scan3A, %scan3A_10 : i32
    %scan3A_12 = arith.constant 1 : i32
    scf.for %scan3A_22 = %scan3A to %scan3A_11 step %scan3A_12  : i32 {
      %mul3A_23 = arith.constant 2 : i32
      %mul3A_24 = arith.muli %scan3A_22, %mul3A_23 : i32
      %add3A = arith.constant 0 : i32
      %add3A_25 = arith.addi %add3A, %mul3A_24 : i32
      %mul3A_26 = arith.constant 40 : i32
      %mul3A_27 = arith.muli %add3A_25, %mul3A_26 : i32
      %add3A_28 = arith.addi %mul3A_2, %mul3A_27 : i32
      %dma_wait3A_29 = arith.constant 0 : i32
      %dma_wait3A_30 = tpu.memref_slice %arg3[%mul3A_2, %dma_wait3A_29] : memref<12840x128xi32, #tpu.memory_space<hbm>> -> memref<40x128xi32, #tpu.memory_space<hbm>>
      %dma_wait3A_31 = arith.constant 0 : i32
      %dma_wait3A_32 = tpu.memref_slice %arg3[%mul3A_2, %dma_wait3A_31] : memref<12840x128xi32, #tpu.memory_space<hbm>> -> memref<40x128xi32, #tpu.memory_space<hbm>>
      tpu.wait_dma2 semaphore(%arg14 : memref<!tpu.dma_semaphore, #tpu.memory_space<semaphore_mem>>) src(%dma_wait3A_32 : memref<40x128xi32, #tpu.memory_space<hbm>>) dst(%arg7 : memref<40x128xi32, #tpu.memory_space<vmem>>)
      %dma_wait3A_33 = arith.constant 0 : i32
      %dma_wait3A_34 = tpu.memref_slice %arg4[%mul3A_2, %dma_wait3A_33] : memref<12840x128xi32, #tpu.memory_space<hbm>> -> memref<40x128xi32, #tpu.memory_space<hbm>>
      %dma_wait3A_35 = arith.constant 0 : i32
      %dma_wait3A_36 = tpu.memref_slice %arg4[%mul3A_2, %dma_wait3A_35] : memref<12840x128xi32, #tpu.memory_space<hbm>> -> memref<40x128xi32, #tpu.memory_space<hbm>>
      tpu.wait_dma2 semaphore(%arg14 : memref<!tpu.dma_semaphore, #tpu.memory_space<semaphore_mem>>) src(%dma_wait3A_36 : memref<40x128xi32, #tpu.memory_space<hbm>>) dst(%arg8 : memref<40x128xi32, #tpu.memory_space<vmem>>)
      %add3A_37 = arith.constant 40 : i32
      %add3A_38 = arith.addi %add3A_28, %add3A_37 : i32
      %dma_start3A_39 = arith.constant 0 : i32
      %dma_start3A_40 = tpu.memref_slice %arg3[%add3A_38, %dma_start3A_39] : memref<12840x128xi32, #tpu.memory_space<hbm>> -> memref<40x128xi32, #tpu.memory_space<hbm>>
      %dma_start3A_41 = arith.constant 0 : i32
      %dma_start3A_42 = tpu.memref_slice %arg3[%add3A_38, %dma_start3A_41] : memref<12840x128xi32, #tpu.memory_space<hbm>> -> memref<40x128xi32, #tpu.memory_space<hbm>>
      tpu.enqueue_dma source(%dma_start3A_42 : memref<40x128xi32, #tpu.memory_space<hbm>>) target(%arg9 : memref<40x128xi32, #tpu.memory_space<vmem>>) target_semaphore(%arg15 : memref<!tpu.dma_semaphore, #tpu.memory_space<semaphore_mem>>)
      %dma_start3A_43 = arith.constant 0 : i32
      %dma_start3A_44 = tpu.memref_slice %arg4[%add3A_38, %dma_start3A_43] : memref<12840x128xi32, #tpu.memory_space<hbm>> -> memref<40x128xi32, #tpu.memory_space<hbm>>
      %dma_start3A_45 = arith.constant 0 : i32
      %dma_start3A_46 = tpu.memref_slice %arg4[%add3A_38, %dma_start3A_45] : memref<12840x128xi32, #tpu.memory_space<hbm>> -> memref<40x128xi32, #tpu.memory_space<hbm>>
      tpu.enqueue_dma source(%dma_start3A_46 : memref<40x128xi32, #tpu.memory_space<hbm>>) target(%arg10 : memref<40x128xi32, #tpu.memory_space<vmem>>) target_semaphore(%arg15 : memref<!tpu.dma_semaphore, #tpu.memory_space<semaphore_mem>>)
      %scan3A_47 = arith.constant 0 : i32
      %scan3A_48 = arith.constant 10 : i32
      %scan3A_49 = arith.addi %scan3A_47, %scan3A_48 : i32
      %scan3A_50 = arith.constant 1 : i32
      scf.for %scan3A_75 = %scan3A_47 to %scan3A_49 step %scan3A_50  : i32 {
        %mul3A_76 = arith.constant 1 : i32
        %mul3A_77 = arith.muli %scan3A_75, %mul3A_76 : i32
        %add3A_78 = arith.constant 0 : i32
        %add3A_79 = arith.addi %add3A_78, %mul3A_77 : i32
        %mul3A_80 = arith.constant 4 : i32
        %mul3A_81 = arith.muli %mul3A_80, %add3A_79 : i32
        %add3A_82 = arith.constant 0 : i32
        %add3A_83 = arith.addi %mul3A_81, %add3A_82 : i32
        %dma_start3A_84 = arith.constant 0 : i32
        %dma_start3A_85 = arith.constant 0 : i32
        %dma_start3A_86 = arith.constant 0 : i32
        %dma_start3A_87 = tpu.memref_slice %arg11[%dma_start3A_84, %dma_start3A_85, %dma_start3A_86] : memref<2x128x16xf32, #tpu.memory_space<vmem>> -> memref<1x128x16xf32, #tpu.memory_space<vmem>>
        %dma_start3A_88 = tpu.memref_squeeze %dma_start3A_87 : memref<1x128x16xf32, #tpu.memory_space<vmem>> -> memref<128x16xf32, #tpu.memory_space<vmem>>
        %dma_start3A_89 = arith.constant 0 : i32
        %dma_start3A_90 = tpu.memref_slice %arg7[%add3A_83, %dma_start3A_89] : memref<40x128xi32, #tpu.memory_space<vmem>> -> memref<1x128xi32, #tpu.memory_space<vmem>>
        %dma_start3A_91 = tpu.memref_squeeze %dma_start3A_90 : memref<1x128xi32, #tpu.memory_space<vmem>> -> memref<128xi32, #tpu.memory_space<vmem>>
        %dma_start3A_92 = arith.constant 0 : i32
        %dma_start3A_93 = arith.constant 0 : i32
        %dma_start3A_94 = tpu.memref_slice %arg2[%arg0, %dma_start3A_92, %dma_start3A_93] : memref<2x102272x16xf32, #tpu.memory_space<hbm>> -> memref<1x102272x16xf32, #tpu.memory_space<hbm>>
        %dma_start3A_95 = tpu.memref_squeeze %dma_start3A_94 : memref<1x102272x16xf32, #tpu.memory_space<hbm>> -> memref<102272x16xf32, #tpu.memory_space<hbm>>
        %dma_start3A_96 = arith.constant 0 : i32
        %dma_start3A_97 = arith.constant 0 : i32
        %dma_start3A_98 = tpu.memref_slice %dma_start3A_95[%dma_start3A_96, %dma_start3A_97] : memref<102272x16xf32, #tpu.memory_space<hbm>> -> memref<102272x16xf32, #tpu.memory_space<hbm>>
        tpu.enqueue_indirect_dma source(%dma_start3A_98 : memref<102272x16xf32, #tpu.memory_space<hbm>>) target(%dma_start3A_88 : memref<128x16xf32, #tpu.memory_space<vmem>>) offsets(%dma_start3A_91 : memref<128xi32, #tpu.memory_space<vmem>>) semaphore(%arg16 : memref<!tpu.dma_semaphore, #tpu.memory_space<semaphore_mem>>)
        %add3A_99 = arith.constant 1 : i32
        %add3A_100 = arith.addi %mul3A_81, %add3A_99 : i32
        %dma_start3A_101 = arith.constant 1 : i32
        %dma_start3A_102 = arith.constant 0 : i32
        %dma_start3A_103 = arith.constant 0 : i32
        %dma_start3A_104 = tpu.memref_slice %arg11[%dma_start3A_101, %dma_start3A_102, %dma_start3A_103] : memref<2x128x16xf32, #tpu.memory_space<vmem>> -> memref<1x128x16xf32, #tpu.memory_space<vmem>>
        %dma_start3A_105 = tpu.memref_squeeze %dma_start3A_104 : memref<1x128x16xf32, #tpu.memory_space<vmem>> -> memref<128x16xf32, #tpu.memory_space<vmem>>
        %dma_start3A_106 = arith.constant 0 : i32
        %dma_start3A_107 = tpu.memref_slice %arg7[%add3A_100, %dma_start3A_106] : memref<40x128xi32, #tpu.memory_space<vmem>> -> memref<1x128xi32, #tpu.memory_space<vmem>>
        %dma_start3A_108 = tpu.memref_squeeze %dma_start3A_107 : memref<1x128xi32, #tpu.memory_space<vmem>> -> memref<128xi32, #tpu.memory_space<vmem>>
        %dma_start3A_109 = arith.constant 0 : i32
        %dma_start3A_110 = arith.constant 0 : i32
        %dma_start3A_111 = tpu.memref_slice %arg2[%arg0, %dma_start3A_109, %dma_start3A_110] : memref<2x102272x16xf32, #tpu.memory_space<hbm>> -> memref<1x102272x16xf32, #tpu.memory_space<hbm>>
        %dma_start3A_112 = tpu.memref_squeeze %dma_start3A_111 : memref<1x102272x16xf32, #tpu.memory_space<hbm>> -> memref<102272x16xf32, #tpu.memory_space<hbm>>
        %dma_start3A_113 = arith.constant 0 : i32
        %dma_start3A_114 = arith.constant 0 : i32
        %dma_start3A_115 = tpu.memref_slice %dma_start3A_112[%dma_start3A_113, %dma_start3A_114] : memref<102272x16xf32, #tpu.memory_space<hbm>> -> memref<102272x16xf32, #tpu.memory_space<hbm>>
        tpu.enqueue_indirect_dma source(%dma_start3A_115 : memref<102272x16xf32, #tpu.memory_space<hbm>>) target(%dma_start3A_105 : memref<128x16xf32, #tpu.memory_space<vmem>>) offsets(%dma_start3A_108 : memref<128xi32, #tpu.memory_space<vmem>>) semaphore(%arg16 : memref<!tpu.dma_semaphore, #tpu.memory_space<semaphore_mem>>)
        %add3A_116 = arith.constant 2 : i32
        %add3A_117 = arith.addi %mul3A_81, %add3A_116 : i32
        %add3A_118 = arith.constant 0 : i32
        %add3A_119 = arith.addi %add3A_117, %add3A_118 : i32
        %dma_start3A_120 = arith.constant 0 : i32
        %dma_start3A_121 = arith.constant 0 : i32
        %dma_start3A_122 = arith.constant 0 : i32
        %dma_start3A_123 = tpu.memref_slice %arg12[%dma_start3A_120, %dma_start3A_121, %dma_start3A_122] : memref<2x128x16xf32, #tpu.memory_space<vmem>> -> memref<1x128x16xf32, #tpu.memory_space<vmem>>
        %dma_start3A_124 = tpu.memref_squeeze %dma_start3A_123 : memref<1x128x16xf32, #tpu.memory_space<vmem>> -> memref<128x16xf32, #tpu.memory_space<vmem>>
        %dma_start3A_125 = arith.constant 0 : i32
        %dma_start3A_126 = tpu.memref_slice %arg7[%add3A_119, %dma_start3A_125] : memref<40x128xi32, #tpu.memory_space<vmem>> -> memref<1x128xi32, #tpu.memory_space<vmem>>
        %dma_start3A_127 = tpu.memref_squeeze %dma_start3A_126 : memref<1x128xi32, #tpu.memory_space<vmem>> -> memref<128xi32, #tpu.memory_space<vmem>>
        %dma_start3A_128 = arith.constant 0 : i32
        %dma_start3A_129 = arith.constant 0 : i32
        %dma_start3A_130 = tpu.memref_slice %arg2[%arg0, %dma_start3A_128, %dma_start3A_129] : memref<2x102272x16xf32, #tpu.memory_space<hbm>> -> memref<1x102272x16xf32, #tpu.memory_space<hbm>>
        %dma_start3A_131 = tpu.memref_squeeze %dma_start3A_130 : memref<1x102272x16xf32, #tpu.memory_space<hbm>> -> memref<102272x16xf32, #tpu.memory_space<hbm>>
        %dma_start3A_132 = arith.constant 0 : i32
        %dma_start3A_133 = arith.constant 0 : i32
        %dma_start3A_134 = tpu.memref_slice %dma_start3A_131[%dma_start3A_132, %dma_start3A_133] : memref<102272x16xf32, #tpu.memory_space<hbm>> -> memref<102272x16xf32, #tpu.memory_space<hbm>>
        tpu.enqueue_indirect_dma source(%dma_start3A_134 : memref<102272x16xf32, #tpu.memory_space<hbm>>) target(%dma_start3A_124 : memref<128x16xf32, #tpu.memory_space<vmem>>) offsets(%dma_start3A_127 : memref<128xi32, #tpu.memory_space<vmem>>) semaphore(%arg17 : memref<!tpu.dma_semaphore, #tpu.memory_space<semaphore_mem>>)
        %add3A_135 = arith.constant 2 : i32
        %add3A_136 = arith.addi %mul3A_81, %add3A_135 : i32
        %add3A_137 = arith.constant 1 : i32
        %add3A_138 = arith.addi %add3A_136, %add3A_137 : i32
        %dma_start3A_139 = arith.constant 1 : i32
        %dma_start3A_140 = arith.constant 0 : i32
        %dma_start3A_141 = arith.constant 0 : i32
        %dma_start3A_142 = tpu.memref_slice %arg12[%dma_start3A_139, %dma_start3A_140, %dma_start3A_141] : memref<2x128x16xf32, #tpu.memory_space<vmem>> -> memref<1x128x16xf32, #tpu.memory_space<vmem>>
        %dma_start3A_143 = tpu.memref_squeeze %dma_start3A_142 : memref<1x128x16xf32, #tpu.memory_space<vmem>> -> memref<128x16xf32, #tpu.memory_space<vmem>>
        %dma_start3A_144 = arith.constant 0 : i32
        %dma_start3A_145 = tpu.memref_slice %arg7[%add3A_138, %dma_start3A_144] : memref<40x128xi32, #tpu.memory_space<vmem>> -> memref<1x128xi32, #tpu.memory_space<vmem>>
        %dma_start3A_146 = tpu.memref_squeeze %dma_start3A_145 : memref<1x128xi32, #tpu.memory_space<vmem>> -> memref<128xi32, #tpu.memory_space<vmem>>
        %dma_start3A_147 = arith.constant 0 : i32
        %dma_start3A_148 = arith.constant 0 : i32
        %dma_start3A_149 = tpu.memref_slice %arg2[%arg0, %dma_start3A_147, %dma_start3A_148] : memref<2x102272x16xf32, #tpu.memory_space<hbm>> -> memref<1x102272x16xf32, #tpu.memory_space<hbm>>
        %dma_start3A_150 = tpu.memref_squeeze %dma_start3A_149 : memref<1x102272x16xf32, #tpu.memory_space<hbm>> -> memref<102272x16xf32, #tpu.memory_space<hbm>>
        %dma_start3A_151 = arith.constant 0 : i32
        %dma_start3A_152 = arith.constant 0 : i32
        %dma_start3A_153 = tpu.memref_slice %dma_start3A_150[%dma_start3A_151, %dma_start3A_152] : memref<102272x16xf32, #tpu.memory_space<hbm>> -> memref<102272x16xf32, #tpu.memory_space<hbm>>
        tpu.enqueue_indirect_dma source(%dma_start3A_153 : memref<102272x16xf32, #tpu.memory_space<hbm>>) target(%dma_start3A_143 : memref<128x16xf32, #tpu.memory_space<vmem>>) offsets(%dma_start3A_146 : memref<128xi32, #tpu.memory_space<vmem>>) semaphore(%arg17 : memref<!tpu.dma_semaphore, #tpu.memory_space<semaphore_mem>>)
        %dma_wait3A_154 = arith.constant 0 : i32
        %dma_wait3A_155 = arith.constant 0 : i32
        %dma_wait3A_156 = arith.constant 0 : i32
        %dma_wait3A_157 = tpu.memref_slice %arg11[%dma_wait3A_154, %dma_wait3A_155, %dma_wait3A_156] : memref<2x128x16xf32, #tpu.memory_space<vmem>> -> memref<1x128x16xf32, #tpu.memory_space<vmem>>
        %dma_wait3A_158 = tpu.memref_squeeze %dma_wait3A_157 : memref<1x128x16xf32, #tpu.memory_space<vmem>> -> memref<128x16xf32, #tpu.memory_space<vmem>>
        %dma_wait3A_159 = arith.constant 0 : i32
        %dma_wait3A_160 = tpu.memref_slice %arg7[%add3A_83, %dma_wait3A_159] : memref<40x128xi32, #tpu.memory_space<vmem>> -> memref<1x128xi32, #tpu.memory_space<vmem>>
        %dma_wait3A_161 = tpu.memref_squeeze %dma_wait3A_160 : memref<1x128xi32, #tpu.memory_space<vmem>> -> memref<128xi32, #tpu.memory_space<vmem>>
        %dma_wait3A_162 = arith.constant 0 : i32
        %dma_wait3A_163 = arith.constant 0 : i32
        %dma_wait3A_164 = tpu.memref_slice %arg2[%arg0, %dma_wait3A_162, %dma_wait3A_163] : memref<2x102272x16xf32, #tpu.memory_space<hbm>> -> memref<1x102272x16xf32, #tpu.memory_space<hbm>>
        %dma_wait3A_165 = tpu.memref_squeeze %dma_wait3A_164 : memref<1x102272x16xf32, #tpu.memory_space<hbm>> -> memref<102272x16xf32, #tpu.memory_space<hbm>>
        %dma_wait3A_166 = arith.constant 0 : i32
        %dma_wait3A_167 = arith.constant 0 : i32
        %dma_wait3A_168 = tpu.memref_slice %dma_wait3A_165[%dma_wait3A_166, %dma_wait3A_167] : memref<102272x16xf32, #tpu.memory_space<hbm>> -> memref<102272x16xf32, #tpu.memory_space<hbm>>
        tpu.wait_indirect_dma semaphore(%arg16 : memref<!tpu.dma_semaphore, #tpu.memory_space<semaphore_mem>>) src(%dma_wait3A_168 : memref<102272x16xf32, #tpu.memory_space<hbm>>) dst(%dma_wait3A_158 : memref<128x16xf32, #tpu.memory_space<vmem>>)
        %dma_wait3A_169 = arith.constant 1 : i32
        %dma_wait3A_170 = arith.constant 0 : i32
        %dma_wait3A_171 = arith.constant 0 : i32
        %dma_wait3A_172 = tpu.memref_slice %arg11[%dma_wait3A_169, %dma_wait3A_170, %dma_wait3A_171] : memref<2x128x16xf32, #tpu.memory_space<vmem>> -> memref<1x128x16xf32, #tpu.memory_space<vmem>>
        %dma_wait3A_173 = tpu.memref_squeeze %dma_wait3A_172 : memref<1x128x16xf32, #tpu.memory_space<vmem>> -> memref<128x16xf32, #tpu.memory_space<vmem>>
        %dma_wait3A_174 = arith.constant 0 : i32
        %dma_wait3A_175 = tpu.memref_slice %arg7[%add3A_100, %dma_wait3A_174] : memref<40x128xi32, #tpu.memory_space<vmem>> -> memref<1x128xi32, #tpu.memory_space<vmem>>
        %dma_wait3A_176 = tpu.memref_squeeze %dma_wait3A_175 : memref<1x128xi32, #tpu.memory_space<vmem>> -> memref<128xi32, #tpu.memory_space<vmem>>
        %dma_wait3A_177 = arith.constant 0 : i32
        %dma_wait3A_178 = arith.constant 0 : i32
        %dma_wait3A_179 = tpu.memref_slice %arg2[%arg0, %dma_wait3A_177, %dma_wait3A_178] : memref<2x102272x16xf32, #tpu.memory_space<hbm>> -> memref<1x102272x16xf32, #tpu.memory_space<hbm>>
        %dma_wait3A_180 = tpu.memref_squeeze %dma_wait3A_179 : memref<1x102272x16xf32, #tpu.memory_space<hbm>> -> memref<102272x16xf32, #tpu.memory_space<hbm>>
        %dma_wait3A_181 = arith.constant 0 : i32
        %dma_wait3A_182 = arith.constant 0 : i32
        %dma_wait3A_183 = tpu.memref_slice %dma_wait3A_180[%dma_wait3A_181, %dma_wait3A_182] : memref<102272x16xf32, #tpu.memory_space<hbm>> -> memref<102272x16xf32, #tpu.memory_space<hbm>>
        tpu.wait_indirect_dma semaphore(%arg16 : memref<!tpu.dma_semaphore, #tpu.memory_space<semaphore_mem>>) src(%dma_wait3A_183 : memref<102272x16xf32, #tpu.memory_space<hbm>>) dst(%dma_wait3A_173 : memref<128x16xf32, #tpu.memory_space<vmem>>)
        %add3A_184 = arith.constant 0 : i32
        %add3A_185 = arith.addi %mul3A_81, %add3A_184 : i32
        %dma_start3A_186 = arith.constant 0 : i32
        %dma_start3A_187 = arith.constant 0 : i32
        %dma_start3A_188 = arith.constant 0 : i32
        %dma_start3A_189 = tpu.memref_slice %arg11[%dma_start3A_186, %dma_start3A_187, %dma_start3A_188] : memref<2x128x16xf32, #tpu.memory_space<vmem>> -> memref<1x128x16xf32, #tpu.memory_space<vmem>>
        %dma_start3A_190 = tpu.memref_squeeze %dma_start3A_189 : memref<1x128x16xf32, #tpu.memory_space<vmem>> -> memref<128x16xf32, #tpu.memory_space<vmem>>
        %dma_start3A_191 = arith.constant 0 : i32
        %dma_start3A_192 = tpu.memref_slice %arg8[%add3A_185, %dma_start3A_191] : memref<40x128xi32, #tpu.memory_space<vmem>> -> memref<1x128xi32, #tpu.memory_space<vmem>>
        %dma_start3A_193 = tpu.memref_squeeze %dma_start3A_192 : memref<1x128xi32, #tpu.memory_space<vmem>> -> memref<128xi32, #tpu.memory_space<vmem>>
        %dma_start3A_194 = arith.constant 0 : i32
        %dma_start3A_195 = arith.constant 0 : i32
        %dma_start3A_196 = tpu.memref_slice %arg13[%dma_start3A_194, %dma_start3A_195] : memref<102272x16xf32, #tpu.memory_space<vmem_shared>> -> memref<102272x16xf32, #tpu.memory_space<vmem_shared>>
        tpu.enqueue_indirect_dma source(%dma_start3A_190 : memref<128x16xf32, #tpu.memory_space<vmem>>) target(%dma_start3A_196 : memref<102272x16xf32, #tpu.memory_space<vmem_shared>>) offsets(%dma_start3A_193 : memref<128xi32, #tpu.memory_space<vmem>>) semaphore(%arg18 : memref<!tpu.dma_semaphore, #tpu.memory_space<semaphore_mem>>) {add = true}
        %add3A_197 = arith.constant 1 : i32
        %add3A_198 = arith.addi %mul3A_81, %add3A_197 : i32
        %dma_start3A_199 = arith.constant 1 : i32
        %dma_start3A_200 = arith.constant 0 : i32
        %dma_start3A_201 = arith.constant 0 : i32
        %dma_start3A_202 = tpu.memref_slice %arg11[%dma_start3A_199, %dma_start3A_200, %dma_start3A_201] : memref<2x128x16xf32, #tpu.memory_space<vmem>> -> memref<1x128x16xf32, #tpu.memory_space<vmem>>
        %dma_start3A_203 = tpu.memref_squeeze %dma_start3A_202 : memref<1x128x16xf32, #tpu.memory_space<vmem>> -> memref<128x16xf32, #tpu.memory_space<vmem>>
        %dma_start3A_204 = arith.constant 0 : i32
        %dma_start3A_205 = tpu.memref_slice %arg8[%add3A_198, %dma_start3A_204] : memref<40x128xi32, #tpu.memory_space<vmem>> -> memref<1x128xi32, #tpu.memory_space<vmem>>
        %dma_start3A_206 = tpu.memref_squeeze %dma_start3A_205 : memref<1x128xi32, #tpu.memory_space<vmem>> -> memref<128xi32, #tpu.memory_space<vmem>>
        %dma_start3A_207 = arith.constant 0 : i32
        %dma_start3A_208 = arith.constant 0 : i32
        %dma_start3A_209 = tpu.memref_slice %arg13[%dma_start3A_207, %dma_start3A_208] : memref<102272x16xf32, #tpu.memory_space<vmem_shared>> -> memref<102272x16xf32, #tpu.memory_space<vmem_shared>>
        tpu.enqueue_indirect_dma source(%dma_start3A_203 : memref<128x16xf32, #tpu.memory_space<vmem>>) target(%dma_start3A_209 : memref<102272x16xf32, #tpu.memory_space<vmem_shared>>) offsets(%dma_start3A_206 : memref<128xi32, #tpu.memory_space<vmem>>) semaphore(%arg18 : memref<!tpu.dma_semaphore, #tpu.memory_space<semaphore_mem>>) {add = true}
        %dma_wait3A_210 = arith.constant 0 : i32
        %dma_wait3A_211 = arith.constant 0 : i32
        %dma_wait3A_212 = arith.constant 0 : i32
        %dma_wait3A_213 = tpu.memref_slice %arg12[%dma_wait3A_210, %dma_wait3A_211, %dma_wait3A_212] : memref<2x128x16xf32, #tpu.memory_space<vmem>> -> memref<1x128x16xf32, #tpu.memory_space<vmem>>
        %dma_wait3A_214 = tpu.memref_squeeze %dma_wait3A_213 : memref<1x128x16xf32, #tpu.memory_space<vmem>> -> memref<128x16xf32, #tpu.memory_space<vmem>>
        %dma_wait3A_215 = arith.constant 0 : i32
        %dma_wait3A_216 = tpu.memref_slice %arg7[%add3A_119, %dma_wait3A_215] : memref<40x128xi32, #tpu.memory_space<vmem>> -> memref<1x128xi32, #tpu.memory_space<vmem>>
        %dma_wait3A_217 = tpu.memref_squeeze %dma_wait3A_216 : memref<1x128xi32, #tpu.memory_space<vmem>> -> memref<128xi32, #tpu.memory_space<vmem>>
        %dma_wait3A_218 = arith.constant 0 : i32
        %dma_wait3A_219 = arith.constant 0 : i32
        %dma_wait3A_220 = tpu.memref_slice %arg2[%arg0, %dma_wait3A_218, %dma_wait3A_219] : memref<2x102272x16xf32, #tpu.memory_space<hbm>> -> memref<1x102272x16xf32, #tpu.memory_space<hbm>>
        %dma_wait3A_221 = tpu.memref_squeeze %dma_wait3A_220 : memref<1x102272x16xf32, #tpu.memory_space<hbm>> -> memref<102272x16xf32, #tpu.memory_space<hbm>>
        %dma_wait3A_222 = arith.constant 0 : i32
        %dma_wait3A_223 = arith.constant 0 : i32
        %dma_wait3A_224 = tpu.memref_slice %dma_wait3A_221[%dma_wait3A_222, %dma_wait3A_223] : memref<102272x16xf32, #tpu.memory_space<hbm>> -> memref<102272x16xf32, #tpu.memory_space<hbm>>
        tpu.wait_indirect_dma semaphore(%arg17 : memref<!tpu.dma_semaphore, #tpu.memory_space<semaphore_mem>>) src(%dma_wait3A_224 : memref<102272x16xf32, #tpu.memory_space<hbm>>) dst(%dma_wait3A_214 : memref<128x16xf32, #tpu.memory_space<vmem>>)
        %dma_wait3A_225 = arith.constant 1 : i32
        %dma_wait3A_226 = arith.constant 0 : i32
        %dma_wait3A_227 = arith.constant 0 : i32
        %dma_wait3A_228 = tpu.memref_slice %arg12[%dma_wait3A_225, %dma_wait3A_226, %dma_wait3A_227] : memref<2x128x16xf32, #tpu.memory_space<vmem>> -> memref<1x128x16xf32, #tpu.memory_space<vmem>>
        %dma_wait3A_229 = tpu.memref_squeeze %dma_wait3A_228 : memref<1x128x16xf32, #tpu.memory_space<vmem>> -> memref<128x16xf32, #tpu.memory_space<vmem>>
        %dma_wait3A_230 = arith.constant 0 : i32
        %dma_wait3A_231 = tpu.memref_slice %arg7[%add3A_138, %dma_wait3A_230] : memref<40x128xi32, #tpu.memory_space<vmem>> -> memref<1x128xi32, #tpu.memory_space<vmem>>
        %dma_wait3A_232 = tpu.memref_squeeze %dma_wait3A_231 : memref<1x128xi32, #tpu.memory_space<vmem>> -> memref<128xi32, #tpu.memory_space<vmem>>
        %dma_wait3A_233 = arith.constant 0 : i32
        %dma_wait3A_234 = arith.constant 0 : i32
        %dma_wait3A_235 = tpu.memref_slice %arg2[%arg0, %dma_wait3A_233, %dma_wait3A_234] : memref<2x102272x16xf32, #tpu.memory_space<hbm>> -> memref<1x102272x16xf32, #tpu.memory_space<hbm>>
        %dma_wait3A_236 = tpu.memref_squeeze %dma_wait3A_235 : memref<1x102272x16xf32, #tpu.memory_space<hbm>> -> memref<102272x16xf32, #tpu.memory_space<hbm>>
        %dma_wait3A_237 = arith.constant 0 : i32
        %dma_wait3A_238 = arith.constant 0 : i32
        %dma_wait3A_239 = tpu.memref_slice %dma_wait3A_236[%dma_wait3A_237, %dma_wait3A_238] : memref<102272x16xf32, #tpu.memory_space<hbm>> -> memref<102272x16xf32, #tpu.memory_space<hbm>>
        tpu.wait_indirect_dma semaphore(%arg17 : memref<!tpu.dma_semaphore, #tpu.memory_space<semaphore_mem>>) src(%dma_wait3A_239 : memref<102272x16xf32, #tpu.memory_space<hbm>>) dst(%dma_wait3A_229 : memref<128x16xf32, #tpu.memory_space<vmem>>)
        %add3A_240 = arith.constant 2 : i32
        %add3A_241 = arith.addi %mul3A_81, %add3A_240 : i32
        %add3A_242 = arith.constant 0 : i32
        %add3A_243 = arith.addi %add3A_241, %add3A_242 : i32
        %dma_start3A_244 = arith.constant 0 : i32
        %dma_start3A_245 = arith.constant 0 : i32
        %dma_start3A_246 = arith.constant 0 : i32
        %dma_start3A_247 = tpu.memref_slice %arg12[%dma_start3A_244, %dma_start3A_245, %dma_start3A_246] : memref<2x128x16xf32, #tpu.memory_space<vmem>> -> memref<1x128x16xf32, #tpu.memory_space<vmem>>
        %dma_start3A_248 = tpu.memref_squeeze %dma_start3A_247 : memref<1x128x16xf32, #tpu.memory_space<vmem>> -> memref<128x16xf32, #tpu.memory_space<vmem>>
        %dma_start3A_249 = arith.constant 0 : i32
        %dma_start3A_250 = tpu.memref_slice %arg8[%add3A_243, %dma_start3A_249] : memref<40x128xi32, #tpu.memory_space<vmem>> -> memref<1x128xi32, #tpu.memory_space<vmem>>
        %dma_start3A_251 = tpu.memref_squeeze %dma_start3A_250 : memref<1x128xi32, #tpu.memory_space<vmem>> -> memref<128xi32, #tpu.memory_space<vmem>>
        %dma_start3A_252 = arith.constant 0 : i32
        %dma_start3A_253 = arith.constant 0 : i32
        %dma_start3A_254 = tpu.memref_slice %arg13[%dma_start3A_252, %dma_start3A_253] : memref<102272x16xf32, #tpu.memory_space<vmem_shared>> -> memref<102272x16xf32, #tpu.memory_space<vmem_shared>>
        tpu.enqueue_indirect_dma source(%dma_start3A_248 : memref<128x16xf32, #tpu.memory_space<vmem>>) target(%dma_start3A_254 : memref<102272x16xf32, #tpu.memory_space<vmem_shared>>) offsets(%dma_start3A_251 : memref<128xi32, #tpu.memory_space<vmem>>) semaphore(%arg19 : memref<!tpu.dma_semaphore, #tpu.memory_space<semaphore_mem>>) {add = true}
        %add3A_255 = arith.constant 2 : i32
        %add3A_256 = arith.addi %mul3A_81, %add3A_255 : i32
        %add3A_257 = arith.constant 1 : i32
        %add3A_258 = arith.addi %add3A_256, %add3A_257 : i32
        %dma_start3A_259 = arith.constant 1 : i32
        %dma_start3A_260 = arith.constant 0 : i32
        %dma_start3A_261 = arith.constant 0 : i32
        %dma_start3A_262 = tpu.memref_slice %arg12[%dma_start3A_259, %dma_start3A_260, %dma_start3A_261] : memref<2x128x16xf32, #tpu.memory_space<vmem>> -> memref<1x128x16xf32, #tpu.memory_space<vmem>>
        %dma_start3A_263 = tpu.memref_squeeze %dma_start3A_262 : memref<1x128x16xf32, #tpu.memory_space<vmem>> -> memref<128x16xf32, #tpu.memory_space<vmem>>
        %dma_start3A_264 = arith.constant 0 : i32
        %dma_start3A_265 = tpu.memref_slice %arg8[%add3A_258, %dma_start3A_264] : memref<40x128xi32, #tpu.memory_space<vmem>> -> memref<1x128xi32, #tpu.memory_space<vmem>>
        %dma_start3A_266 = tpu.memref_squeeze %dma_start3A_265 : memref<1x128xi32, #tpu.memory_space<vmem>> -> memref<128xi32, #tpu.memory_space<vmem>>
        %dma_start3A_267 = arith.constant 0 : i32
        %dma_start3A_268 = arith.constant 0 : i32
        %dma_start3A_269 = tpu.memref_slice %arg13[%dma_start3A_267, %dma_start3A_268] : memref<102272x16xf32, #tpu.memory_space<vmem_shared>> -> memref<102272x16xf32, #tpu.memory_space<vmem_shared>>
        tpu.enqueue_indirect_dma source(%dma_start3A_263 : memref<128x16xf32, #tpu.memory_space<vmem>>) target(%dma_start3A_269 : memref<102272x16xf32, #tpu.memory_space<vmem_shared>>) offsets(%dma_start3A_266 : memref<128xi32, #tpu.memory_space<vmem>>) semaphore(%arg19 : memref<!tpu.dma_semaphore, #tpu.memory_space<semaphore_mem>>) {add = true}
        %dma_wait3A_270 = arith.constant 0 : i32
        %dma_wait3A_271 = arith.constant 0 : i32
        %dma_wait3A_272 = arith.constant 0 : i32
        %dma_wait3A_273 = tpu.memref_slice %arg11[%dma_wait3A_270, %dma_wait3A_271, %dma_wait3A_272] : memref<2x128x16xf32, #tpu.memory_space<vmem>> -> memref<1x128x16xf32, #tpu.memory_space<vmem>>
        %dma_wait3A_274 = tpu.memref_squeeze %dma_wait3A_273 : memref<1x128x16xf32, #tpu.memory_space<vmem>> -> memref<128x16xf32, #tpu.memory_space<vmem>>
        %dma_wait3A_275 = arith.constant 0 : i32
        %dma_wait3A_276 = tpu.memref_slice %arg8[%add3A_185, %dma_wait3A_275] : memref<40x128xi32, #tpu.memory_space<vmem>> -> memref<1x128xi32, #tpu.memory_space<vmem>>
        %dma_wait3A_277 = tpu.memref_squeeze %dma_wait3A_276 : memref<1x128xi32, #tpu.memory_space<vmem>> -> memref<128xi32, #tpu.memory_space<vmem>>
        %dma_wait3A_278 = arith.constant 0 : i32
        %dma_wait3A_279 = arith.constant 0 : i32
        %dma_wait3A_280 = tpu.memref_slice %arg13[%dma_wait3A_278, %dma_wait3A_279] : memref<102272x16xf32, #tpu.memory_space<vmem_shared>> -> memref<102272x16xf32, #tpu.memory_space<vmem_shared>>
        tpu.wait_indirect_dma semaphore(%arg18 : memref<!tpu.dma_semaphore, #tpu.memory_space<semaphore_mem>>) src(%dma_wait3A_274 : memref<128x16xf32, #tpu.memory_space<vmem>>) dst(%dma_wait3A_280 : memref<102272x16xf32, #tpu.memory_space<vmem_shared>>)
        %dma_wait3A_281 = arith.constant 1 : i32
        %dma_wait3A_282 = arith.constant 0 : i32
        %dma_wait3A_283 = arith.constant 0 : i32
        %dma_wait3A_284 = tpu.memref_slice %arg11[%dma_wait3A_281, %dma_wait3A_282, %dma_wait3A_283] : memref<2x128x16xf32, #tpu.memory_space<vmem>> -> memref<1x128x16xf32, #tpu.memory_space<vmem>>
        %dma_wait3A_285 = tpu.memref_squeeze %dma_wait3A_284 : memref<1x128x16xf32, #tpu.memory_space<vmem>> -> memref<128x16xf32, #tpu.memory_space<vmem>>
        %dma_wait3A_286 = arith.constant 0 : i32
        %dma_wait3A_287 = tpu.memref_slice %arg8[%add3A_198, %dma_wait3A_286] : memref<40x128xi32, #tpu.memory_space<vmem>> -> memref<1x128xi32, #tpu.memory_space<vmem>>
        %dma_wait3A_288 = tpu.memref_squeeze %dma_wait3A_287 : memref<1x128xi32, #tpu.memory_space<vmem>> -> memref<128xi32, #tpu.memory_space<vmem>>
        %dma_wait3A_289 = arith.constant 0 : i32
        %dma_wait3A_290 = arith.constant 0 : i32
        %dma_wait3A_291 = tpu.memref_slice %arg13[%dma_wait3A_289, %dma_wait3A_290] : memref<102272x16xf32, #tpu.memory_space<vmem_shared>> -> memref<102272x16xf32, #tpu.memory_space<vmem_shared>>
        tpu.wait_indirect_dma semaphore(%arg18 : memref<!tpu.dma_semaphore, #tpu.memory_space<semaphore_mem>>) src(%dma_wait3A_285 : memref<128x16xf32, #tpu.memory_space<vmem>>) dst(%dma_wait3A_291 : memref<102272x16xf32, #tpu.memory_space<vmem_shared>>)
        %dma_wait3A_292 = arith.constant 0 : i32
        %dma_wait3A_293 = arith.constant 0 : i32
        %dma_wait3A_294 = arith.constant 0 : i32
        %dma_wait3A_295 = tpu.memref_slice %arg12[%dma_wait3A_292, %dma_wait3A_293, %dma_wait3A_294] : memref<2x128x16xf32, #tpu.memory_space<vmem>> -> memref<1x128x16xf32, #tpu.memory_space<vmem>>
        %dma_wait3A_296 = tpu.memref_squeeze %dma_wait3A_295 : memref<1x128x16xf32, #tpu.memory_space<vmem>> -> memref<128x16xf32, #tpu.memory_space<vmem>>
        %dma_wait3A_297 = arith.constant 0 : i32
        %dma_wait3A_298 = tpu.memref_slice %arg8[%add3A_243, %dma_wait3A_297] : memref<40x128xi32, #tpu.memory_space<vmem>> -> memref<1x128xi32, #tpu.memory_space<vmem>>
        %dma_wait3A_299 = tpu.memref_squeeze %dma_wait3A_298 : memref<1x128xi32, #tpu.memory_space<vmem>> -> memref<128xi32, #tpu.memory_space<vmem>>
        %dma_wait3A_300 = arith.constant 0 : i32
        %dma_wait3A_301 = arith.constant 0 : i32
        %dma_wait3A_302 = tpu.memref_slice %arg13[%dma_wait3A_300, %dma_wait3A_301] : memref<102272x16xf32, #tpu.memory_space<vmem_shared>> -> memref<102272x16xf32, #tpu.memory_space<vmem_shared>>
        tpu.wait_indirect_dma semaphore(%arg19 : memref<!tpu.dma_semaphore, #tpu.memory_space<semaphore_mem>>) src(%dma_wait3A_296 : memref<128x16xf32, #tpu.memory_space<vmem>>) dst(%dma_wait3A_302 : memref<102272x16xf32, #tpu.memory_space<vmem_shared>>)
        %dma_wait3A_303 = arith.constant 1 : i32
        %dma_wait3A_304 = arith.constant 0 : i32
        %dma_wait3A_305 = arith.constant 0 : i32
        %dma_wait3A_306 = tpu.memref_slice %arg12[%dma_wait3A_303, %dma_wait3A_304, %dma_wait3A_305] : memref<2x128x16xf32, #tpu.memory_space<vmem>> -> memref<1x128x16xf32, #tpu.memory_space<vmem>>
        %dma_wait3A_307 = tpu.memref_squeeze %dma_wait3A_306 : memref<1x128x16xf32, #tpu.memory_space<vmem>> -> memref<128x16xf32, #tpu.memory_space<vmem>>
        %dma_wait3A_308 = arith.constant 0 : i32
        %dma_wait3A_309 = tpu.memref_slice %arg8[%add3A_258, %dma_wait3A_308] : memref<40x128xi32, #tpu.memory_space<vmem>> -> memref<1x128xi32, #tpu.memory_space<vmem>>
        %dma_wait3A_310 = tpu.memref_squeeze %dma_wait3A_309 : memref<1x128xi32, #tpu.memory_space<vmem>> -> memref<128xi32, #tpu.memory_space<vmem>>
        %dma_wait3A_311 = arith.constant 0 : i32
        %dma_wait3A_312 = arith.constant 0 : i32
        %dma_wait3A_313 = tpu.memref_slice %arg13[%dma_wait3A_311, %dma_wait3A_312] : memref<102272x16xf32, #tpu.memory_space<vmem_shared>> -> memref<102272x16xf32, #tpu.memory_space<vmem_shared>>
        tpu.wait_indirect_dma semaphore(%arg19 : memref<!tpu.dma_semaphore, #tpu.memory_space<semaphore_mem>>) src(%dma_wait3A_307 : memref<128x16xf32, #tpu.memory_space<vmem>>) dst(%dma_wait3A_313 : memref<102272x16xf32, #tpu.memory_space<vmem_shared>>)
      }
      %scan3A_51 = arith.constant 10 : i32
      %dma_wait3A_52 = arith.constant 0 : i32
      %dma_wait3A_53 = tpu.memref_slice %arg3[%mul3A_2, %dma_wait3A_52] : memref<12840x128xi32, #tpu.memory_space<hbm>> -> memref<40x128xi32, #tpu.memory_space<hbm>>
      %dma_wait3A_54 = arith.constant 0 : i32
      %dma_wait3A_55 = tpu.memref_slice %arg3[%mul3A_2, %dma_wait3A_54] : memref<12840x128xi32, #tpu.memory_space<hbm>> -> memref<40x128xi32, #tpu.memory_space<hbm>>
      tpu.wait_dma2 semaphore(%arg15 : memref<!tpu.dma_semaphore, #tpu.memory_space<semaphore_mem>>) src(%dma_wait3A_55 : memref<40x128xi32, #tpu.memory_space<hbm>>) dst(%arg9 : memref<40x128xi32, #tpu.memory_space<vmem>>)
      %dma_wait3A_56 = arith.constant 0 : i32
      %dma_wait3A_57 = tpu.memref_slice %arg4[%mul3A_2, %dma_wait3A_56] : memref<12840x128xi32, #tpu.memory_space<hbm>> -> memref<40x128xi32, #tpu.memory_space<hbm>>
      %dma_wait3A_58 = arith.constant 0 : i32
      %dma_wait3A_59 = tpu.memref_slice %arg4[%mul3A_2, %dma_wait3A_58] : memref<12840x128xi32, #tpu.memory_space<hbm>> -> memref<40x128xi32, #tpu.memory_space<hbm>>
      tpu.wait_dma2 semaphore(%arg15 : memref<!tpu.dma_semaphore, #tpu.memory_space<semaphore_mem>>) src(%dma_wait3A_59 : memref<40x128xi32, #tpu.memory_space<hbm>>) dst(%arg10 : memref<40x128xi32, #tpu.memory_space<vmem>>)
      %add3A_60 = arith.constant 80 : i32
      %add3A_61 = arith.addi %add3A_28, %add3A_60 : i32
      %dma_start3A_62 = arith.constant 0 : i32
      %dma_start3A_63 = tpu.memref_slice %arg3[%add3A_61, %dma_start3A_62] : memref<12840x128xi32, #tpu.memory_space<hbm>> -> memref<40x128xi32, #tpu.memory_space<hbm>>
      %dma_start3A_64 = arith.constant 0 : i32
      %dma_start3A_65 = tpu.memref_slice %arg3[%add3A_61, %dma_start3A_64] : memref<12840x128xi32, #tpu.memory_space<hbm>> -> memref<40x128xi32, #tpu.memory_space<hbm>>
      tpu.enqueue_dma source(%dma_start3A_65 : memref<40x128xi32, #tpu.memory_space<hbm>>) target(%arg7 : memref<40x128xi32, #tpu.memory_space<vmem>>) target_semaphore(%arg14 : memref<!tpu.dma_semaphore, #tpu.memory_space<semaphore_mem>>)
      %dma_start3A_66 = arith.constant 0 : i32
      %dma_start3A_67 = tpu.memref_slice %arg4[%add3A_61, %dma_start3A_66] : memref<12840x128xi32, #tpu.memory_space<hbm>> -> memref<40x128xi32, #tpu.memory_space<hbm>>
      %dma_start3A_68 = arith.constant 0 : i32
      %dma_start3A_69 = tpu.memref_slice %arg4[%add3A_61, %dma_start3A_68] : memref<12840x128xi32, #tpu.memory_space<hbm>> -> memref<40x128xi32, #tpu.memory_space<hbm>>
      tpu.enqueue_dma source(%dma_start3A_69 : memref<40x128xi32, #tpu.memory_space<hbm>>) target(%arg8 : memref<40x128xi32, #tpu.memory_space<vmem>>) target_semaphore(%arg14 : memref<!tpu.dma_semaphore, #tpu.memory_space<semaphore_mem>>)
      %scan3A_70 = arith.constant 0 : i32
      %scan3A_71 = arith.constant 10 : i32
      %scan3A_72 = arith.addi %scan3A_70, %scan3A_71 : i32
      %scan3A_73 = arith.constant 1 : i32
      scf.for %scan3A_75 = %scan3A_70 to %scan3A_72 step %scan3A_73  : i32 {
        %mul3A_76 = arith.constant 1 : i32
        %mul3A_77 = arith.muli %scan3A_75, %mul3A_76 : i32
        %add3A_78 = arith.constant 0 : i32
        %add3A_79 = arith.addi %add3A_78, %mul3A_77 : i32
        %mul3A_80 = arith.constant 4 : i32
        %mul3A_81 = arith.muli %mul3A_80, %add3A_79 : i32
        %add3A_82 = arith.constant 0 : i32
        %add3A_83 = arith.addi %mul3A_81, %add3A_82 : i32
        %dma_start3A_84 = arith.constant 0 : i32
        %dma_start3A_85 = arith.constant 0 : i32
        %dma_start3A_86 = arith.constant 0 : i32
        %dma_start3A_87 = tpu.memref_slice %arg11[%dma_start3A_84, %dma_start3A_85, %dma_start3A_86] : memref<2x128x16xf32, #tpu.memory_space<vmem>> -> memref<1x128x16xf32, #tpu.memory_space<vmem>>
        %dma_start3A_88 = tpu.memref_squeeze %dma_start3A_87 : memref<1x128x16xf32, #tpu.memory_space<vmem>> -> memref<128x16xf32, #tpu.memory_space<vmem>>
        %dma_start3A_89 = arith.constant 0 : i32
        %dma_start3A_90 = tpu.memref_slice %arg9[%add3A_83, %dma_start3A_89] : memref<40x128xi32, #tpu.memory_space<vmem>> -> memref<1x128xi32, #tpu.memory_space<vmem>>
        %dma_start3A_91 = tpu.memref_squeeze %dma_start3A_90 : memref<1x128xi32, #tpu.memory_space<vmem>> -> memref<128xi32, #tpu.memory_space<vmem>>
        %dma_start3A_92 = arith.constant 0 : i32
        %dma_start3A_93 = arith.constant 0 : i32
        %dma_start3A_94 = tpu.memref_slice %arg2[%arg0, %dma_start3A_92, %dma_start3A_93] : memref<2x102272x16xf32, #tpu.memory_space<hbm>> -> memref<1x102272x16xf32, #tpu.memory_space<hbm>>
        %dma_start3A_95 = tpu.memref_squeeze %dma_start3A_94 : memref<1x102272x16xf32, #tpu.memory_space<hbm>> -> memref<102272x16xf32, #tpu.memory_space<hbm>>
        %dma_start3A_96 = arith.constant 0 : i32
        %dma_start3A_97 = arith.constant 0 : i32
        %dma_start3A_98 = tpu.memref_slice %dma_start3A_95[%dma_start3A_96, %dma_start3A_97] : memref<102272x16xf32, #tpu.memory_space<hbm>> -> memref<102272x16xf32, #tpu.memory_space<hbm>>
        tpu.enqueue_indirect_dma source(%dma_start3A_98 : memref<102272x16xf32, #tpu.memory_space<hbm>>) target(%dma_start3A_88 : memref<128x16xf32, #tpu.memory_space<vmem>>) offsets(%dma_start3A_91 : memref<128xi32, #tpu.memory_space<vmem>>) semaphore(%arg16 : memref<!tpu.dma_semaphore, #tpu.memory_space<semaphore_mem>>)
        %add3A_99 = arith.constant 1 : i32
        %add3A_100 = arith.addi %mul3A_81, %add3A_99 : i32
        %dma_start3A_101 = arith.constant 1 : i32
        %dma_start3A_102 = arith.constant 0 : i32
        %dma_start3A_103 = arith.constant 0 : i32
        %dma_start3A_104 = tpu.memref_slice %arg11[%dma_start3A_101, %dma_start3A_102, %dma_start3A_103] : memref<2x128x16xf32, #tpu.memory_space<vmem>> -> memref<1x128x16xf32, #tpu.memory_space<vmem>>
        %dma_start3A_105 = tpu.memref_squeeze %dma_start3A_104 : memref<1x128x16xf32, #tpu.memory_space<vmem>> -> memref<128x16xf32, #tpu.memory_space<vmem>>
        %dma_start3A_106 = arith.constant 0 : i32
        %dma_start3A_107 = tpu.memref_slice %arg9[%add3A_100, %dma_start3A_106] : memref<40x128xi32, #tpu.memory_space<vmem>> -> memref<1x128xi32, #tpu.memory_space<vmem>>
        %dma_start3A_108 = tpu.memref_squeeze %dma_start3A_107 : memref<1x128xi32, #tpu.memory_space<vmem>> -> memref<128xi32, #tpu.memory_space<vmem>>
        %dma_start3A_109 = arith.constant 0 : i32
        %dma_start3A_110 = arith.constant 0 : i32
        %dma_start3A_111 = tpu.memref_slice %arg2[%arg0, %dma_start3A_109, %dma_start3A_110] : memref<2x102272x16xf32, #tpu.memory_space<hbm>> -> memref<1x102272x16xf32, #tpu.memory_space<hbm>>
        %dma_start3A_112 = tpu.memref_squeeze %dma_start3A_111 : memref<1x102272x16xf32, #tpu.memory_space<hbm>> -> memref<102272x16xf32, #tpu.memory_space<hbm>>
        %dma_start3A_113 = arith.constant 0 : i32
        %dma_start3A_114 = arith.constant 0 : i32
        %dma_start3A_115 = tpu.memref_slice %dma_start3A_112[%dma_start3A_113, %dma_start3A_114] : memref<102272x16xf32, #tpu.memory_space<hbm>> -> memref<102272x16xf32, #tpu.memory_space<hbm>>
        tpu.enqueue_indirect_dma source(%dma_start3A_115 : memref<102272x16xf32, #tpu.memory_space<hbm>>) target(%dma_start3A_105 : memref<128x16xf32, #tpu.memory_space<vmem>>) offsets(%dma_start3A_108 : memref<128xi32, #tpu.memory_space<vmem>>) semaphore(%arg16 : memref<!tpu.dma_semaphore, #tpu.memory_space<semaphore_mem>>)
        %add3A_116 = arith.constant 2 : i32
        %add3A_117 = arith.addi %mul3A_81, %add3A_116 : i32
        %add3A_118 = arith.constant 0 : i32
        %add3A_119 = arith.addi %add3A_117, %add3A_118 : i32
        %dma_start3A_120 = arith.constant 0 : i32
        %dma_start3A_121 = arith.constant 0 : i32
        %dma_start3A_122 = arith.constant 0 : i32
        %dma_start3A_123 = tpu.memref_slice %arg12[%dma_start3A_120, %dma_start3A_121, %dma_start3A_122] : memref<2x128x16xf32, #tpu.memory_space<vmem>> -> memref<1x128x16xf32, #tpu.memory_space<vmem>>
        %dma_start3A_124 = tpu.memref_squeeze %dma_start3A_123 : memref<1x128x16xf32, #tpu.memory_space<vmem>> -> memref<128x16xf32, #tpu.memory_space<vmem>>
        %dma_start3A_125 = arith.constant 0 : i32
        %dma_start3A_126 = tpu.memref_slice %arg9[%add3A_119, %dma_start3A_125] : memref<40x128xi32, #tpu.memory_space<vmem>> -> memref<1x128xi32, #tpu.memory_space<vmem>>
        %dma_start3A_127 = tpu.memref_squeeze %dma_start3A_126 : memref<1x128xi32, #tpu.memory_space<vmem>> -> memref<128xi32, #tpu.memory_space<vmem>>
        %dma_start3A_128 = arith.constant 0 : i32
        %dma_start3A_129 = arith.constant 0 : i32
        %dma_start3A_130 = tpu.memref_slice %arg2[%arg0, %dma_start3A_128, %dma_start3A_129] : memref<2x102272x16xf32, #tpu.memory_space<hbm>> -> memref<1x102272x16xf32, #tpu.memory_space<hbm>>
        %dma_start3A_131 = tpu.memref_squeeze %dma_start3A_130 : memref<1x102272x16xf32, #tpu.memory_space<hbm>> -> memref<102272x16xf32, #tpu.memory_space<hbm>>
        %dma_start3A_132 = arith.constant 0 : i32
        %dma_start3A_133 = arith.constant 0 : i32
        %dma_start3A_134 = tpu.memref_slice %dma_start3A_131[%dma_start3A_132, %dma_start3A_133] : memref<102272x16xf32, #tpu.memory_space<hbm>> -> memref<102272x16xf32, #tpu.memory_space<hbm>>
        tpu.enqueue_indirect_dma source(%dma_start3A_134 : memref<102272x16xf32, #tpu.memory_space<hbm>>) target(%dma_start3A_124 : memref<128x16xf32, #tpu.memory_space<vmem>>) offsets(%dma_start3A_127 : memref<128xi32, #tpu.memory_space<vmem>>) semaphore(%arg17 : memref<!tpu.dma_semaphore, #tpu.memory_space<semaphore_mem>>)
        %add3A_135 = arith.constant 2 : i32
        %add3A_136 = arith.addi %mul3A_81, %add3A_135 : i32
        %add3A_137 = arith.constant 1 : i32
        %add3A_138 = arith.addi %add3A_136, %add3A_137 : i32
        %dma_start3A_139 = arith.constant 1 : i32
        %dma_start3A_140 = arith.constant 0 : i32
        %dma_start3A_141 = arith.constant 0 : i32
        %dma_start3A_142 = tpu.memref_slice %arg12[%dma_start3A_139, %dma_start3A_140, %dma_start3A_141] : memref<2x128x16xf32, #tpu.memory_space<vmem>> -> memref<1x128x16xf32, #tpu.memory_space<vmem>>
        %dma_start3A_143 = tpu.memref_squeeze %dma_start3A_142 : memref<1x128x16xf32, #tpu.memory_space<vmem>> -> memref<128x16xf32, #tpu.memory_space<vmem>>
        %dma_start3A_144 = arith.constant 0 : i32
        %dma_start3A_145 = tpu.memref_slice %arg9[%add3A_138, %dma_start3A_144] : memref<40x128xi32, #tpu.memory_space<vmem>> -> memref<1x128xi32, #tpu.memory_space<vmem>>
        %dma_start3A_146 = tpu.memref_squeeze %dma_start3A_145 : memref<1x128xi32, #tpu.memory_space<vmem>> -> memref<128xi32, #tpu.memory_space<vmem>>
        %dma_start3A_147 = arith.constant 0 : i32
        %dma_start3A_148 = arith.constant 0 : i32
        %dma_start3A_149 = tpu.memref_slice %arg2[%arg0, %dma_start3A_147, %dma_start3A_148] : memref<2x102272x16xf32, #tpu.memory_space<hbm>> -> memref<1x102272x16xf32, #tpu.memory_space<hbm>>
        %dma_start3A_150 = tpu.memref_squeeze %dma_start3A_149 : memref<1x102272x16xf32, #tpu.memory_space<hbm>> -> memref<102272x16xf32, #tpu.memory_space<hbm>>
        %dma_start3A_151 = arith.constant 0 : i32
        %dma_start3A_152 = arith.constant 0 : i32
        %dma_start3A_153 = tpu.memref_slice %dma_start3A_150[%dma_start3A_151, %dma_start3A_152] : memref<102272x16xf32, #tpu.memory_space<hbm>> -> memref<102272x16xf32, #tpu.memory_space<hbm>>
        tpu.enqueue_indirect_dma source(%dma_start3A_153 : memref<102272x16xf32, #tpu.memory_space<hbm>>) target(%dma_start3A_143 : memref<128x16xf32, #tpu.memory_space<vmem>>) offsets(%dma_start3A_146 : memref<128xi32, #tpu.memory_space<vmem>>) semaphore(%arg17 : memref<!tpu.dma_semaphore, #tpu.memory_space<semaphore_mem>>)
        %dma_wait3A_154 = arith.constant 0 : i32
        %dma_wait3A_155 = arith.constant 0 : i32
        %dma_wait3A_156 = arith.constant 0 : i32
        %dma_wait3A_157 = tpu.memref_slice %arg11[%dma_wait3A_154, %dma_wait3A_155, %dma_wait3A_156] : memref<2x128x16xf32, #tpu.memory_space<vmem>> -> memref<1x128x16xf32, #tpu.memory_space<vmem>>
        %dma_wait3A_158 = tpu.memref_squeeze %dma_wait3A_157 : memref<1x128x16xf32, #tpu.memory_space<vmem>> -> memref<128x16xf32, #tpu.memory_space<vmem>>
        %dma_wait3A_159 = arith.constant 0 : i32
        %dma_wait3A_160 = tpu.memref_slice %arg9[%add3A_83, %dma_wait3A_159] : memref<40x128xi32, #tpu.memory_space<vmem>> -> memref<1x128xi32, #tpu.memory_space<vmem>>
        %dma_wait3A_161 = tpu.memref_squeeze %dma_wait3A_160 : memref<1x128xi32, #tpu.memory_space<vmem>> -> memref<128xi32, #tpu.memory_space<vmem>>
        %dma_wait3A_162 = arith.constant 0 : i32
        %dma_wait3A_163 = arith.constant 0 : i32
        %dma_wait3A_164 = tpu.memref_slice %arg2[%arg0, %dma_wait3A_162, %dma_wait3A_163] : memref<2x102272x16xf32, #tpu.memory_space<hbm>> -> memref<1x102272x16xf32, #tpu.memory_space<hbm>>
        %dma_wait3A_165 = tpu.memref_squeeze %dma_wait3A_164 : memref<1x102272x16xf32, #tpu.memory_space<hbm>> -> memref<102272x16xf32, #tpu.memory_space<hbm>>
        %dma_wait3A_166 = arith.constant 0 : i32
        %dma_wait3A_167 = arith.constant 0 : i32
        %dma_wait3A_168 = tpu.memref_slice %dma_wait3A_165[%dma_wait3A_166, %dma_wait3A_167] : memref<102272x16xf32, #tpu.memory_space<hbm>> -> memref<102272x16xf32, #tpu.memory_space<hbm>>
        tpu.wait_indirect_dma semaphore(%arg16 : memref<!tpu.dma_semaphore, #tpu.memory_space<semaphore_mem>>) src(%dma_wait3A_168 : memref<102272x16xf32, #tpu.memory_space<hbm>>) dst(%dma_wait3A_158 : memref<128x16xf32, #tpu.memory_space<vmem>>)
        %dma_wait3A_169 = arith.constant 1 : i32
        %dma_wait3A_170 = arith.constant 0 : i32
        %dma_wait3A_171 = arith.constant 0 : i32
        %dma_wait3A_172 = tpu.memref_slice %arg11[%dma_wait3A_169, %dma_wait3A_170, %dma_wait3A_171] : memref<2x128x16xf32, #tpu.memory_space<vmem>> -> memref<1x128x16xf32, #tpu.memory_space<vmem>>
        %dma_wait3A_173 = tpu.memref_squeeze %dma_wait3A_172 : memref<1x128x16xf32, #tpu.memory_space<vmem>> -> memref<128x16xf32, #tpu.memory_space<vmem>>
        %dma_wait3A_174 = arith.constant 0 : i32
        %dma_wait3A_175 = tpu.memref_slice %arg9[%add3A_100, %dma_wait3A_174] : memref<40x128xi32, #tpu.memory_space<vmem>> -> memref<1x128xi32, #tpu.memory_space<vmem>>
        %dma_wait3A_176 = tpu.memref_squeeze %dma_wait3A_175 : memref<1x128xi32, #tpu.memory_space<vmem>> -> memref<128xi32, #tpu.memory_space<vmem>>
        %dma_wait3A_177 = arith.constant 0 : i32
        %dma_wait3A_178 = arith.constant 0 : i32
        %dma_wait3A_179 = tpu.memref_slice %arg2[%arg0, %dma_wait3A_177, %dma_wait3A_178] : memref<2x102272x16xf32, #tpu.memory_space<hbm>> -> memref<1x102272x16xf32, #tpu.memory_space<hbm>>
        %dma_wait3A_180 = tpu.memref_squeeze %dma_wait3A_179 : memref<1x102272x16xf32, #tpu.memory_space<hbm>> -> memref<102272x16xf32, #tpu.memory_space<hbm>>
        %dma_wait3A_181 = arith.constant 0 : i32
        %dma_wait3A_182 = arith.constant 0 : i32
        %dma_wait3A_183 = tpu.memref_slice %dma_wait3A_180[%dma_wait3A_181, %dma_wait3A_182] : memref<102272x16xf32, #tpu.memory_space<hbm>> -> memref<102272x16xf32, #tpu.memory_space<hbm>>
        tpu.wait_indirect_dma semaphore(%arg16 : memref<!tpu.dma_semaphore, #tpu.memory_space<semaphore_mem>>) src(%dma_wait3A_183 : memref<102272x16xf32, #tpu.memory_space<hbm>>) dst(%dma_wait3A_173 : memref<128x16xf32, #tpu.memory_space<vmem>>)
        %add3A_184 = arith.constant 0 : i32
        %add3A_185 = arith.addi %mul3A_81, %add3A_184 : i32
        %dma_start3A_186 = arith.constant 0 : i32
        %dma_start3A_187 = arith.constant 0 : i32
        %dma_start3A_188 = arith.constant 0 : i32
        %dma_start3A_189 = tpu.memref_slice %arg11[%dma_start3A_186, %dma_start3A_187, %dma_start3A_188] : memref<2x128x16xf32, #tpu.memory_space<vmem>> -> memref<1x128x16xf32, #tpu.memory_space<vmem>>
        %dma_start3A_190 = tpu.memref_squeeze %dma_start3A_189 : memref<1x128x16xf32, #tpu.memory_space<vmem>> -> memref<128x16xf32, #tpu.memory_space<vmem>>
        %dma_start3A_191 = arith.constant 0 : i32
        %dma_start3A_192 = tpu.memref_slice %arg10[%add3A_185, %dma_start3A_191] : memref<40x128xi32, #tpu.memory_space<vmem>> -> memref<1x128xi32, #tpu.memory_space<vmem>>
        %dma_start3A_193 = tpu.memref_squeeze %dma_start3A_192 : memref<1x128xi32, #tpu.memory_space<vmem>> -> memref<128xi32, #tpu.memory_space<vmem>>
        %dma_start3A_194 = arith.constant 0 : i32
        %dma_start3A_195 = arith.constant 0 : i32
        %dma_start3A_196 = tpu.memref_slice %arg13[%dma_start3A_194, %dma_start3A_195] : memref<102272x16xf32, #tpu.memory_space<vmem_shared>> -> memref<102272x16xf32, #tpu.memory_space<vmem_shared>>
        tpu.enqueue_indirect_dma source(%dma_start3A_190 : memref<128x16xf32, #tpu.memory_space<vmem>>) target(%dma_start3A_196 : memref<102272x16xf32, #tpu.memory_space<vmem_shared>>) offsets(%dma_start3A_193 : memref<128xi32, #tpu.memory_space<vmem>>) semaphore(%arg18 : memref<!tpu.dma_semaphore, #tpu.memory_space<semaphore_mem>>) {add = true}
        %add3A_197 = arith.constant 1 : i32
        %add3A_198 = arith.addi %mul3A_81, %add3A_197 : i32
        %dma_start3A_199 = arith.constant 1 : i32
        %dma_start3A_200 = arith.constant 0 : i32
        %dma_start3A_201 = arith.constant 0 : i32
        %dma_start3A_202 = tpu.memref_slice %arg11[%dma_start3A_199, %dma_start3A_200, %dma_start3A_201] : memref<2x128x16xf32, #tpu.memory_space<vmem>> -> memref<1x128x16xf32, #tpu.memory_space<vmem>>
        %dma_start3A_203 = tpu.memref_squeeze %dma_start3A_202 : memref<1x128x16xf32, #tpu.memory_space<vmem>> -> memref<128x16xf32, #tpu.memory_space<vmem>>
        %dma_start3A_204 = arith.constant 0 : i32
        %dma_start3A_205 = tpu.memref_slice %arg10[%add3A_198, %dma_start3A_204] : memref<40x128xi32, #tpu.memory_space<vmem>> -> memref<1x128xi32, #tpu.memory_space<vmem>>
        %dma_start3A_206 = tpu.memref_squeeze %dma_start3A_205 : memref<1x128xi32, #tpu.memory_space<vmem>> -> memref<128xi32, #tpu.memory_space<vmem>>
        %dma_start3A_207 = arith.constant 0 : i32
        %dma_start3A_208 = arith.constant 0 : i32
        %dma_start3A_209 = tpu.memref_slice %arg13[%dma_start3A_207, %dma_start3A_208] : memref<102272x16xf32, #tpu.memory_space<vmem_shared>> -> memref<102272x16xf32, #tpu.memory_space<vmem_shared>>
        tpu.enqueue_indirect_dma source(%dma_start3A_203 : memref<128x16xf32, #tpu.memory_space<vmem>>) target(%dma_start3A_209 : memref<102272x16xf32, #tpu.memory_space<vmem_shared>>) offsets(%dma_start3A_206 : memref<128xi32, #tpu.memory_space<vmem>>) semaphore(%arg18 : memref<!tpu.dma_semaphore, #tpu.memory_space<semaphore_mem>>) {add = true}
        %dma_wait3A_210 = arith.constant 0 : i32
        %dma_wait3A_211 = arith.constant 0 : i32
        %dma_wait3A_212 = arith.constant 0 : i32
        %dma_wait3A_213 = tpu.memref_slice %arg12[%dma_wait3A_210, %dma_wait3A_211, %dma_wait3A_212] : memref<2x128x16xf32, #tpu.memory_space<vmem>> -> memref<1x128x16xf32, #tpu.memory_space<vmem>>
        %dma_wait3A_214 = tpu.memref_squeeze %dma_wait3A_213 : memref<1x128x16xf32, #tpu.memory_space<vmem>> -> memref<128x16xf32, #tpu.memory_space<vmem>>
        %dma_wait3A_215 = arith.constant 0 : i32
        %dma_wait3A_216 = tpu.memref_slice %arg9[%add3A_119, %dma_wait3A_215] : memref<40x128xi32, #tpu.memory_space<vmem>> -> memref<1x128xi32, #tpu.memory_space<vmem>>
        %dma_wait3A_217 = tpu.memref_squeeze %dma_wait3A_216 : memref<1x128xi32, #tpu.memory_space<vmem>> -> memref<128xi32, #tpu.memory_space<vmem>>
        %dma_wait3A_218 = arith.constant 0 : i32
        %dma_wait3A_219 = arith.constant 0 : i32
        %dma_wait3A_220 = tpu.memref_slice %arg2[%arg0, %dma_wait3A_218, %dma_wait3A_219] : memref<2x102272x16xf32, #tpu.memory_space<hbm>> -> memref<1x102272x16xf32, #tpu.memory_space<hbm>>
        %dma_wait3A_221 = tpu.memref_squeeze %dma_wait3A_220 : memref<1x102272x16xf32, #tpu.memory_space<hbm>> -> memref<102272x16xf32, #tpu.memory_space<hbm>>
        %dma_wait3A_222 = arith.constant 0 : i32
        %dma_wait3A_223 = arith.constant 0 : i32
        %dma_wait3A_224 = tpu.memref_slice %dma_wait3A_221[%dma_wait3A_222, %dma_wait3A_223] : memref<102272x16xf32, #tpu.memory_space<hbm>> -> memref<102272x16xf32, #tpu.memory_space<hbm>>
        tpu.wait_indirect_dma semaphore(%arg17 : memref<!tpu.dma_semaphore, #tpu.memory_space<semaphore_mem>>) src(%dma_wait3A_224 : memref<102272x16xf32, #tpu.memory_space<hbm>>) dst(%dma_wait3A_214 : memref<128x16xf32, #tpu.memory_space<vmem>>)
        %dma_wait3A_225 = arith.constant 1 : i32
        %dma_wait3A_226 = arith.constant 0 : i32
        %dma_wait3A_227 = arith.constant 0 : i32
        %dma_wait3A_228 = tpu.memref_slice %arg12[%dma_wait3A_225, %dma_wait3A_226, %dma_wait3A_227] : memref<2x128x16xf32, #tpu.memory_space<vmem>> -> memref<1x128x16xf32, #tpu.memory_space<vmem>>
        %dma_wait3A_229 = tpu.memref_squeeze %dma_wait3A_228 : memref<1x128x16xf32, #tpu.memory_space<vmem>> -> memref<128x16xf32, #tpu.memory_space<vmem>>
        %dma_wait3A_230 = arith.constant 0 : i32
        %dma_wait3A_231 = tpu.memref_slice %arg9[%add3A_138, %dma_wait3A_230] : memref<40x128xi32, #tpu.memory_space<vmem>> -> memref<1x128xi32, #tpu.memory_space<vmem>>
        %dma_wait3A_232 = tpu.memref_squeeze %dma_wait3A_231 : memref<1x128xi32, #tpu.memory_space<vmem>> -> memref<128xi32, #tpu.memory_space<vmem>>
        %dma_wait3A_233 = arith.constant 0 : i32
        %dma_wait3A_234 = arith.constant 0 : i32
        %dma_wait3A_235 = tpu.memref_slice %arg2[%arg0, %dma_wait3A_233, %dma_wait3A_234] : memref<2x102272x16xf32, #tpu.memory_space<hbm>> -> memref<1x102272x16xf32, #tpu.memory_space<hbm>>
        %dma_wait3A_236 = tpu.memref_squeeze %dma_wait3A_235 : memref<1x102272x16xf32, #tpu.memory_space<hbm>> -> memref<102272x16xf32, #tpu.memory_space<hbm>>
        %dma_wait3A_237 = arith.constant 0 : i32
        %dma_wait3A_238 = arith.constant 0 : i32
        %dma_wait3A_239 = tpu.memref_slice %dma_wait3A_236[%dma_wait3A_237, %dma_wait3A_238] : memref<102272x16xf32, #tpu.memory_space<hbm>> -> memref<102272x16xf32, #tpu.memory_space<hbm>>
        tpu.wait_indirect_dma semaphore(%arg17 : memref<!tpu.dma_semaphore, #tpu.memory_space<semaphore_mem>>) src(%dma_wait3A_239 : memref<102272x16xf32, #tpu.memory_space<hbm>>) dst(%dma_wait3A_229 : memref<128x16xf32, #tpu.memory_space<vmem>>)
        %add3A_240 = arith.constant 2 : i32
        %add3A_241 = arith.addi %mul3A_81, %add3A_240 : i32
        %add3A_242 = arith.constant 0 : i32
        %add3A_243 = arith.addi %add3A_241, %add3A_242 : i32
        %dma_start3A_244 = arith.constant 0 : i32
        %dma_start3A_245 = arith.constant 0 : i32
        %dma_start3A_246 = arith.constant 0 : i32
        %dma_start3A_247 = tpu.memref_slice %arg12[%dma_start3A_244, %dma_start3A_245, %dma_start3A_246] : memref<2x128x16xf32, #tpu.memory_space<vmem>> -> memref<1x128x16xf32, #tpu.memory_space<vmem>>
        %dma_start3A_248 = tpu.memref_squeeze %dma_start3A_247 : memref<1x128x16xf32, #tpu.memory_space<vmem>> -> memref<128x16xf32, #tpu.memory_space<vmem>>
        %dma_start3A_249 = arith.constant 0 : i32
        %dma_start3A_250 = tpu.memref_slice %arg10[%add3A_243, %dma_start3A_249] : memref<40x128xi32, #tpu.memory_space<vmem>> -> memref<1x128xi32, #tpu.memory_space<vmem>>
        %dma_start3A_251 = tpu.memref_squeeze %dma_start3A_250 : memref<1x128xi32, #tpu.memory_space<vmem>> -> memref<128xi32, #tpu.memory_space<vmem>>
        %dma_start3A_252 = arith.constant 0 : i32
        %dma_start3A_253 = arith.constant 0 : i32
        %dma_start3A_254 = tpu.memref_slice %arg13[%dma_start3A_252, %dma_start3A_253] : memref<102272x16xf32, #tpu.memory_space<vmem_shared>> -> memref<102272x16xf32, #tpu.memory_space<vmem_shared>>
        tpu.enqueue_indirect_dma source(%dma_start3A_248 : memref<128x16xf32, #tpu.memory_space<vmem>>) target(%dma_start3A_254 : memref<102272x16xf32, #tpu.memory_space<vmem_shared>>) offsets(%dma_start3A_251 : memref<128xi32, #tpu.memory_space<vmem>>) semaphore(%arg19 : memref<!tpu.dma_semaphore, #tpu.memory_space<semaphore_mem>>) {add = true}
        %add3A_255 = arith.constant 2 : i32
        %add3A_256 = arith.addi %mul3A_81, %add3A_255 : i32
        %add3A_257 = arith.constant 1 : i32
        %add3A_258 = arith.addi %add3A_256, %add3A_257 : i32
        %dma_start3A_259 = arith.constant 1 : i32
        %dma_start3A_260 = arith.constant 0 : i32
        %dma_start3A_261 = arith.constant 0 : i32
        %dma_start3A_262 = tpu.memref_slice %arg12[%dma_start3A_259, %dma_start3A_260, %dma_start3A_261] : memref<2x128x16xf32, #tpu.memory_space<vmem>> -> memref<1x128x16xf32, #tpu.memory_space<vmem>>
        %dma_start3A_263 = tpu.memref_squeeze %dma_start3A_262 : memref<1x128x16xf32, #tpu.memory_space<vmem>> -> memref<128x16xf32, #tpu.memory_space<vmem>>
        %dma_start3A_264 = arith.constant 0 : i32
        %dma_start3A_265 = tpu.memref_slice %arg10[%add3A_258, %dma_start3A_264] : memref<40x128xi32, #tpu.memory_space<vmem>> -> memref<1x128xi32, #tpu.memory_space<vmem>>
        %dma_start3A_266 = tpu.memref_squeeze %dma_start3A_265 : memref<1x128xi32, #tpu.memory_space<vmem>> -> memref<128xi32, #tpu.memory_space<vmem>>
        %dma_start3A_267 = arith.constant 0 : i32
        %dma_start3A_268 = arith.constant 0 : i32
        %dma_start3A_269 = tpu.memref_slice %arg13[%dma_start3A_267, %dma_start3A_268] : memref<102272x16xf32, #tpu.memory_space<vmem_shared>> -> memref<102272x16xf32, #tpu.memory_space<vmem_shared>>
        tpu.enqueue_indirect_dma source(%dma_start3A_263 : memref<128x16xf32, #tpu.memory_space<vmem>>) target(%dma_start3A_269 : memref<102272x16xf32, #tpu.memory_space<vmem_shared>>) offsets(%dma_start3A_266 : memref<128xi32, #tpu.memory_space<vmem>>) semaphore(%arg19 : memref<!tpu.dma_semaphore, #tpu.memory_space<semaphore_mem>>) {add = true}
        %dma_wait3A_270 = arith.constant 0 : i32
        %dma_wait3A_271 = arith.constant 0 : i32
        %dma_wait3A_272 = arith.constant 0 : i32
        %dma_wait3A_273 = tpu.memref_slice %arg11[%dma_wait3A_270, %dma_wait3A_271, %dma_wait3A_272] : memref<2x128x16xf32, #tpu.memory_space<vmem>> -> memref<1x128x16xf32, #tpu.memory_space<vmem>>
        %dma_wait3A_274 = tpu.memref_squeeze %dma_wait3A_273 : memref<1x128x16xf32, #tpu.memory_space<vmem>> -> memref<128x16xf32, #tpu.memory_space<vmem>>
        %dma_wait3A_275 = arith.constant 0 : i32
        %dma_wait3A_276 = tpu.memref_slice %arg10[%add3A_185, %dma_wait3A_275] : memref<40x128xi32, #tpu.memory_space<vmem>> -> memref<1x128xi32, #tpu.memory_space<vmem>>
        %dma_wait3A_277 = tpu.memref_squeeze %dma_wait3A_276 : memref<1x128xi32, #tpu.memory_space<vmem>> -> memref<128xi32, #tpu.memory_space<vmem>>
        %dma_wait3A_278 = arith.constant 0 : i32
        %dma_wait3A_279 = arith.constant 0 : i32
        %dma_wait3A_280 = tpu.memref_slice %arg13[%dma_wait3A_278, %dma_wait3A_279] : memref<102272x16xf32, #tpu.memory_space<vmem_shared>> -> memref<102272x16xf32, #tpu.memory_space<vmem_shared>>
        tpu.wait_indirect_dma semaphore(%arg18 : memref<!tpu.dma_semaphore, #tpu.memory_space<semaphore_mem>>) src(%dma_wait3A_274 : memref<128x16xf32, #tpu.memory_space<vmem>>) dst(%dma_wait3A_280 : memref<102272x16xf32, #tpu.memory_space<vmem_shared>>)
        %dma_wait3A_281 = arith.constant 1 : i32
        %dma_wait3A_282 = arith.constant 0 : i32
        %dma_wait3A_283 = arith.constant 0 : i32
        %dma_wait3A_284 = tpu.memref_slice %arg11[%dma_wait3A_281, %dma_wait3A_282, %dma_wait3A_283] : memref<2x128x16xf32, #tpu.memory_space<vmem>> -> memref<1x128x16xf32, #tpu.memory_space<vmem>>
        %dma_wait3A_285 = tpu.memref_squeeze %dma_wait3A_284 : memref<1x128x16xf32, #tpu.memory_space<vmem>> -> memref<128x16xf32, #tpu.memory_space<vmem>>
        %dma_wait3A_286 = arith.constant 0 : i32
        %dma_wait3A_287 = tpu.memref_slice %arg10[%add3A_198, %dma_wait3A_286] : memref<40x128xi32, #tpu.memory_space<vmem>> -> memref<1x128xi32, #tpu.memory_space<vmem>>
        %dma_wait3A_288 = tpu.memref_squeeze %dma_wait3A_287 : memref<1x128xi32, #tpu.memory_space<vmem>> -> memref<128xi32, #tpu.memory_space<vmem>>
        %dma_wait3A_289 = arith.constant 0 : i32
        %dma_wait3A_290 = arith.constant 0 : i32
        %dma_wait3A_291 = tpu.memref_slice %arg13[%dma_wait3A_289, %dma_wait3A_290] : memref<102272x16xf32, #tpu.memory_space<vmem_shared>> -> memref<102272x16xf32, #tpu.memory_space<vmem_shared>>
        tpu.wait_indirect_dma semaphore(%arg18 : memref<!tpu.dma_semaphore, #tpu.memory_space<semaphore_mem>>) src(%dma_wait3A_285 : memref<128x16xf32, #tpu.memory_space<vmem>>) dst(%dma_wait3A_291 : memref<102272x16xf32, #tpu.memory_space<vmem_shared>>)
        %dma_wait3A_292 = arith.constant 0 : i32
        %dma_wait3A_293 = arith.constant 0 : i32
        %dma_wait3A_294 = arith.constant 0 : i32
        %dma_wait3A_295 = tpu.memref_slice %arg12[%dma_wait3A_292, %dma_wait3A_293, %dma_wait3A_294] : memref<2x128x16xf32, #tpu.memory_space<vmem>> -> memref<1x128x16xf32, #tpu.memory_space<vmem>>
        %dma_wait3A_296 = tpu.memref_squeeze %dma_wait3A_295 : memref<1x128x16xf32, #tpu.memory_space<vmem>> -> memref<128x16xf32, #tpu.memory_space<vmem>>
        %dma_wait3A_297 = arith.constant 0 : i32
        %dma_wait3A_298 = tpu.memref_slice %arg10[%add3A_243, %dma_wait3A_297] : memref<40x128xi32, #tpu.memory_space<vmem>> -> memref<1x128xi32, #tpu.memory_space<vmem>>
        %dma_wait3A_299 = tpu.memref_squeeze %dma_wait3A_298 : memref<1x128xi32, #tpu.memory_space<vmem>> -> memref<128xi32, #tpu.memory_space<vmem>>
        %dma_wait3A_300 = arith.constant 0 : i32
        %dma_wait3A_301 = arith.constant 0 : i32
        %dma_wait3A_302 = tpu.memref_slice %arg13[%dma_wait3A_300, %dma_wait3A_301] : memref<102272x16xf32, #tpu.memory_space<vmem_shared>> -> memref<102272x16xf32, #tpu.memory_space<vmem_shared>>
        tpu.wait_indirect_dma semaphore(%arg19 : memref<!tpu.dma_semaphore, #tpu.memory_space<semaphore_mem>>) src(%dma_wait3A_296 : memref<128x16xf32, #tpu.memory_space<vmem>>) dst(%dma_wait3A_302 : memref<102272x16xf32, #tpu.memory_space<vmem_shared>>)
        %dma_wait3A_303 = arith.constant 1 : i32
        %dma_wait3A_304 = arith.constant 0 : i32
        %dma_wait3A_305 = arith.constant 0 : i32
        %dma_wait3A_306 = tpu.memref_slice %arg12[%dma_wait3A_303, %dma_wait3A_304, %dma_wait3A_305] : memref<2x128x16xf32, #tpu.memory_space<vmem>> -> memref<1x128x16xf32, #tpu.memory_space<vmem>>
        %dma_wait3A_307 = tpu.memref_squeeze %dma_wait3A_306 : memref<1x128x16xf32, #tpu.memory_space<vmem>> -> memref<128x16xf32, #tpu.memory_space<vmem>>
        %dma_wait3A_308 = arith.constant 0 : i32
        %dma_wait3A_309 = tpu.memref_slice %arg10[%add3A_258, %dma_wait3A_308] : memref<40x128xi32, #tpu.memory_space<vmem>> -> memref<1x128xi32, #tpu.memory_space<vmem>>
        %dma_wait3A_310 = tpu.memref_squeeze %dma_wait3A_309 : memref<1x128xi32, #tpu.memory_space<vmem>> -> memref<128xi32, #tpu.memory_space<vmem>>
        %dma_wait3A_311 = arith.constant 0 : i32
        %dma_wait3A_312 = arith.constant 0 : i32
        %dma_wait3A_313 = tpu.memref_slice %arg13[%dma_wait3A_311, %dma_wait3A_312] : memref<102272x16xf32, #tpu.memory_space<vmem_shared>> -> memref<102272x16xf32, #tpu.memory_space<vmem_shared>>
        tpu.wait_indirect_dma semaphore(%arg19 : memref<!tpu.dma_semaphore, #tpu.memory_space<semaphore_mem>>) src(%dma_wait3A_307 : memref<128x16xf32, #tpu.memory_space<vmem>>) dst(%dma_wait3A_313 : memref<102272x16xf32, #tpu.memory_space<vmem_shared>>)
      }
      %scan3A_74 = arith.constant 10 : i32
    }
    %scan3A_13 = arith.constant 10 : i32
    %dma_wait3A = arith.constant 0 : i32
    %dma_wait3A_14 = tpu.memref_slice %arg3[%mul3A_2, %dma_wait3A] : memref<12840x128xi32, #tpu.memory_space<hbm>> -> memref<40x128xi32, #tpu.memory_space<hbm>>
    %dma_wait3A_15 = arith.constant 0 : i32
    %dma_wait3A_16 = tpu.memref_slice %arg3[%mul3A_2, %dma_wait3A_15] : memref<12840x128xi32, #tpu.memory_space<hbm>> -> memref<40x128xi32, #tpu.memory_space<hbm>>
    tpu.wait_dma2 semaphore(%arg14 : memref<!tpu.dma_semaphore, #tpu.memory_space<semaphore_mem>>) src(%dma_wait3A_16 : memref<40x128xi32, #tpu.memory_space<hbm>>) dst(%arg7 : memref<40x128xi32, #tpu.memory_space<vmem>>)
    %dma_wait3A_17 = arith.constant 0 : i32
    %dma_wait3A_18 = tpu.memref_slice %arg4[%mul3A_2, %dma_wait3A_17] : memref<12840x128xi32, #tpu.memory_space<hbm>> -> memref<40x128xi32, #tpu.memory_space<hbm>>
    %dma_wait3A_19 = arith.constant 0 : i32
    %dma_wait3A_20 = tpu.memref_slice %arg4[%mul3A_2, %dma_wait3A_19] : memref<12840x128xi32, #tpu.memory_space<hbm>> -> memref<40x128xi32, #tpu.memory_space<hbm>>
    tpu.wait_dma2 semaphore(%arg14 : memref<!tpu.dma_semaphore, #tpu.memory_space<semaphore_mem>>) src(%dma_wait3A_20 : memref<40x128xi32, #tpu.memory_space<hbm>>) dst(%arg8 : memref<40x128xi32, #tpu.memory_space<vmem>>)
    %barrier3A_21 = arith.constant 0 : index
    tpu.barrier barrier_id(%barrier3A_21)
    "tpu.region"() ({
      %run_scoped3A = tpu.sem_alloc : memref<!tpu.dma_semaphore, #tpu.memory_space<semaphore_mem>>
      %dma_start3A_22 = arith.constant 0 : i32
      %dma_start3A_23 = arith.constant 0 : i32
      %dma_start3A_24 = tpu.memref_slice %arg6[%arg0, %dma_start3A_22, %dma_start3A_23] : memref<2x102272x16xf32, #tpu.memory_space<hbm>> -> memref<1x102272x16xf32, #tpu.memory_space<hbm>>
      %dma_start3A_25 = tpu.memref_squeeze %dma_start3A_24 : memref<1x102272x16xf32, #tpu.memory_space<hbm>> -> memref<102272x16xf32, #tpu.memory_space<hbm>>
      %dma_start3A_26 = arith.constant 0 : i32
      %dma_start3A_27 = tpu.memref_slice %dma_start3A_25[%mul3A_0, %dma_start3A_26] : memref<102272x16xf32, #tpu.memory_space<hbm>> -> memref<6392x16xf32, #tpu.memory_space<hbm>>
      %dma_start3A_28 = arith.constant 0 : i32
      %dma_start3A_29 = tpu.memref_slice %arg13[%mul3A_0, %dma_start3A_28] : memref<102272x16xf32, #tpu.memory_space<vmem_shared>> -> memref<6392x16xf32, #tpu.memory_space<vmem_shared>>
      tpu.enqueue_dma source(%dma_start3A_29 : memref<6392x16xf32, #tpu.memory_space<vmem_shared>>) target(%dma_start3A_27 : memref<6392x16xf32, #tpu.memory_space<hbm>>) target_semaphore(%run_scoped3A : memref<!tpu.dma_semaphore, #tpu.memory_space<semaphore_mem>>)
      %dma_wait3A_30 = arith.constant 0 : i32
      %dma_wait3A_31 = arith.constant 0 : i32
      %dma_wait3A_32 = tpu.memref_slice %arg6[%arg0, %dma_wait3A_30, %dma_wait3A_31] : memref<2x102272x16xf32, #tpu.memory_space<hbm>> -> memref<1x102272x16xf32, #tpu.memory_space<hbm>>
      %dma_wait3A_33 = tpu.memref_squeeze %dma_wait3A_32 : memref<1x102272x16xf32, #tpu.memory_space<hbm>> -> memref<102272x16xf32, #tpu.memory_space<hbm>>
      %dma_wait3A_34 = arith.constant 0 : i32
      %dma_wait3A_35 = tpu.memref_slice %dma_wait3A_33[%mul3A_0, %dma_wait3A_34] : memref<102272x16xf32, #tpu.memory_space<hbm>> -> memref<6392x16xf32, #tpu.memory_space<hbm>>
      %dma_wait3A_36 = arith.constant 0 : i32
      %dma_wait3A_37 = tpu.memref_slice %arg13[%mul3A_0, %dma_wait3A_36] : memref<102272x16xf32, #tpu.memory_space<vmem_shared>> -> memref<6392x16xf32, #tpu.memory_space<vmem_shared>>
      tpu.wait_dma2 semaphore(%run_scoped3A : memref<!tpu.dma_semaphore, #tpu.memory_space<semaphore_mem>>) src(%dma_wait3A_37 : memref<6392x16xf32, #tpu.memory_space<vmem_shared>>) dst(%dma_wait3A_35 : memref<6392x16xf32, #tpu.memory_space<hbm>>)
      tpu.yield
    }) : () -> ()
    return
  }
}

#map = affine_map<(d0, d1) -> (0, 0)>
#map1 = affine_map<(d0, d1) -> (0, 0, 0)>
module attributes {stable_mosaic.version = 14 : i64} {
  func.func @_degree_kernel(%arg0: i32, %arg1: i32, %arg2: memref<12840x128xi32, #tpu.memory_space<hbm>>, %arg3: memref<128x16xf32, #tpu.memory_space<hbm>>, %arg4: memref<102272x16xf32, #tpu.memory_space<hbm>>, %arg5: memref<2x102272x16xf32, #tpu.memory_space<hbm>>, %arg6: memref<40x128xi32, #tpu.memory_space<vmem>>, %arg7: memref<40x128xi32, #tpu.memory_space<vmem>>, %arg8: memref<128x16xf32, #tpu.memory_space<vmem>>, %arg9: memref<102272x16xf32, #tpu.memory_space<vmem_shared>>, %arg10: memref<!tpu.dma_semaphore, #tpu.memory_space<semaphore_mem>>, %arg11: memref<!tpu.dma_semaphore, #tpu.memory_space<semaphore_mem>>, %arg12: memref<!tpu.dma_semaphore, #tpu.memory_space<semaphore_mem>>) attributes {dimension_semantics = [#tpu.dimension_semantics<core_parallel>, #tpu.dimension_semantics<subcore_parallel>], iteration_bounds = array<i64: 2, 16>, scalar_prefetch = 0 : i64, scratch_operands = 7 : i64, tpu.core_type = #tpu.core_type<sc_vector_subcore>, window_params = [{transform_indices = #map}, {transform_indices = #map}, {transform_indices = #map}, {transform_indices = #map1}]} {
    %mul3A = arith.constant 6392 : i32
    %mul3A_0 = arith.muli %arg1, %mul3A : i32
    "tpu.region"() ({
      %run_scoped3A = tpu.sem_alloc : memref<!tpu.dma_semaphore, #tpu.memory_space<semaphore_mem>>
      %dma_start3A_16 = arith.constant 0 : i32
      %dma_start3A_17 = tpu.memref_slice %arg9[%mul3A_0, %dma_start3A_16] : memref<102272x16xf32, #tpu.memory_space<vmem_shared>> -> memref<6392x16xf32, #tpu.memory_space<vmem_shared>>
      %dma_start3A_18 = arith.constant 0 : i32
      %dma_start3A_19 = tpu.memref_slice %arg4[%mul3A_0, %dma_start3A_18] : memref<102272x16xf32, #tpu.memory_space<hbm>> -> memref<6392x16xf32, #tpu.memory_space<hbm>>
      tpu.enqueue_dma source(%dma_start3A_19 : memref<6392x16xf32, #tpu.memory_space<hbm>>) target(%dma_start3A_17 : memref<6392x16xf32, #tpu.memory_space<vmem_shared>>) target_semaphore(%run_scoped3A : memref<!tpu.dma_semaphore, #tpu.memory_space<semaphore_mem>>)
      %dma_wait3A_20 = arith.constant 0 : i32
      %dma_wait3A_21 = tpu.memref_slice %arg9[%mul3A_0, %dma_wait3A_20] : memref<102272x16xf32, #tpu.memory_space<vmem_shared>> -> memref<6392x16xf32, #tpu.memory_space<vmem_shared>>
      %dma_wait3A_22 = arith.constant 0 : i32
      %dma_wait3A_23 = tpu.memref_slice %arg4[%mul3A_0, %dma_wait3A_22] : memref<102272x16xf32, #tpu.memory_space<hbm>> -> memref<6392x16xf32, #tpu.memory_space<hbm>>
      tpu.wait_dma2 semaphore(%run_scoped3A : memref<!tpu.dma_semaphore, #tpu.memory_space<semaphore_mem>>) src(%dma_wait3A_23 : memref<6392x16xf32, #tpu.memory_space<hbm>>) dst(%dma_wait3A_21 : memref<6392x16xf32, #tpu.memory_space<vmem_shared>>)
      tpu.yield
    }) : () -> ()
    "tpu.region"() ({
      %run_scoped3A = tpu.sem_alloc : memref<!tpu.dma_semaphore, #tpu.memory_space<semaphore_mem>>
      tpu.enqueue_dma source(%arg3 : memref<128x16xf32, #tpu.memory_space<hbm>>) target(%arg8 : memref<128x16xf32, #tpu.memory_space<vmem>>) target_semaphore(%run_scoped3A : memref<!tpu.dma_semaphore, #tpu.memory_space<semaphore_mem>>)
      tpu.wait_dma2 semaphore(%run_scoped3A : memref<!tpu.dma_semaphore, #tpu.memory_space<semaphore_mem>>) src(%arg3 : memref<128x16xf32, #tpu.memory_space<hbm>>) dst(%arg8 : memref<128x16xf32, #tpu.memory_space<vmem>>)
      tpu.yield
    }) : () -> ()
    %barrier3A = arith.constant 0 : index
    tpu.barrier barrier_id(%barrier3A)
    %mul3A_1 = arith.constant 16 : i32
    %mul3A_2 = arith.muli %arg0, %mul3A_1 : i32
    %add3A = arith.addi %mul3A_2, %arg1 : i32
    %mul3A_3 = arith.constant 400 : i32
    %mul3A_4 = arith.muli %add3A, %mul3A_3 : i32
    %dma_start3A = arith.constant 0 : i32
    %dma_start3A_5 = tpu.memref_slice %arg2[%mul3A_4, %dma_start3A] : memref<12840x128xi32, #tpu.memory_space<hbm>> -> memref<40x128xi32, #tpu.memory_space<hbm>>
    %dma_start3A_6 = arith.constant 0 : i32
    %dma_start3A_7 = tpu.memref_slice %arg2[%mul3A_4, %dma_start3A_6] : memref<12840x128xi32, #tpu.memory_space<hbm>> -> memref<40x128xi32, #tpu.memory_space<hbm>>
    tpu.enqueue_dma source(%dma_start3A_7 : memref<40x128xi32, #tpu.memory_space<hbm>>) target(%arg6 : memref<40x128xi32, #tpu.memory_space<vmem>>) target_semaphore(%arg10 : memref<!tpu.dma_semaphore, #tpu.memory_space<semaphore_mem>>)
    %scan3A = arith.constant 0 : i32
    %scan3A_8 = arith.constant 5 : i32
    %scan3A_9 = arith.addi %scan3A, %scan3A_8 : i32
    %scan3A_10 = arith.constant 1 : i32
    scf.for %scan3A_16 = %scan3A to %scan3A_9 step %scan3A_10  : i32 {
      %mul3A_17 = arith.constant 2 : i32
      %mul3A_18 = arith.muli %scan3A_16, %mul3A_17 : i32
      %add3A_19 = arith.constant 0 : i32
      %add3A_20 = arith.addi %add3A_19, %mul3A_18 : i32
      %mul3A_21 = arith.constant 40 : i32
      %mul3A_22 = arith.muli %add3A_20, %mul3A_21 : i32
      %add3A_23 = arith.addi %mul3A_4, %mul3A_22 : i32
      %dma_wait3A_24 = arith.constant 0 : i32
      %dma_wait3A_25 = tpu.memref_slice %arg2[%mul3A_4, %dma_wait3A_24] : memref<12840x128xi32, #tpu.memory_space<hbm>> -> memref<40x128xi32, #tpu.memory_space<hbm>>
      %dma_wait3A_26 = arith.constant 0 : i32
      %dma_wait3A_27 = tpu.memref_slice %arg2[%mul3A_4, %dma_wait3A_26] : memref<12840x128xi32, #tpu.memory_space<hbm>> -> memref<40x128xi32, #tpu.memory_space<hbm>>
      tpu.wait_dma2 semaphore(%arg10 : memref<!tpu.dma_semaphore, #tpu.memory_space<semaphore_mem>>) src(%dma_wait3A_27 : memref<40x128xi32, #tpu.memory_space<hbm>>) dst(%arg6 : memref<40x128xi32, #tpu.memory_space<vmem>>)
      %add3A_28 = arith.constant 40 : i32
      %add3A_29 = arith.addi %add3A_23, %add3A_28 : i32
      %dma_start3A_30 = arith.constant 0 : i32
      %dma_start3A_31 = tpu.memref_slice %arg2[%add3A_29, %dma_start3A_30] : memref<12840x128xi32, #tpu.memory_space<hbm>> -> memref<40x128xi32, #tpu.memory_space<hbm>>
      %dma_start3A_32 = arith.constant 0 : i32
      %dma_start3A_33 = tpu.memref_slice %arg2[%add3A_29, %dma_start3A_32] : memref<12840x128xi32, #tpu.memory_space<hbm>> -> memref<40x128xi32, #tpu.memory_space<hbm>>
      tpu.enqueue_dma source(%dma_start3A_33 : memref<40x128xi32, #tpu.memory_space<hbm>>) target(%arg7 : memref<40x128xi32, #tpu.memory_space<vmem>>) target_semaphore(%arg11 : memref<!tpu.dma_semaphore, #tpu.memory_space<semaphore_mem>>)
      %scan3A_34 = arith.constant 0 : i32
      %scan3A_35 = arith.constant 5 : i32
      %scan3A_36 = arith.addi %scan3A_34, %scan3A_35 : i32
      %scan3A_37 = arith.constant 1 : i32
      scf.for %scan3A_54 = %scan3A_34 to %scan3A_36 step %scan3A_37  : i32 {
        %mul3A_55 = arith.constant 1 : i32
        %mul3A_56 = arith.muli %scan3A_54, %mul3A_55 : i32
        %add3A_57 = arith.constant 0 : i32
        %add3A_58 = arith.addi %add3A_57, %mul3A_56 : i32
        %mul3A_59 = arith.constant 8 : i32
        %mul3A_60 = arith.muli %mul3A_59, %add3A_58 : i32
        %add3A_61 = arith.constant 0 : i32
        %add3A_62 = arith.addi %mul3A_60, %add3A_61 : i32
        %dma_start3A_63 = arith.constant 0 : i32
        %dma_start3A_64 = tpu.memref_slice %arg6[%add3A_62, %dma_start3A_63] : memref<40x128xi32, #tpu.memory_space<vmem>> -> memref<1x128xi32, #tpu.memory_space<vmem>>
        %dma_start3A_65 = tpu.memref_squeeze %dma_start3A_64 : memref<1x128xi32, #tpu.memory_space<vmem>> -> memref<128xi32, #tpu.memory_space<vmem>>
        %dma_start3A_66 = arith.constant 0 : i32
        %dma_start3A_67 = arith.constant 0 : i32
        %dma_start3A_68 = tpu.memref_slice %arg9[%dma_start3A_66, %dma_start3A_67] : memref<102272x16xf32, #tpu.memory_space<vmem_shared>> -> memref<102272x16xf32, #tpu.memory_space<vmem_shared>>
        tpu.enqueue_indirect_dma source(%arg8 : memref<128x16xf32, #tpu.memory_space<vmem>>) target(%dma_start3A_68 : memref<102272x16xf32, #tpu.memory_space<vmem_shared>>) offsets(%dma_start3A_65 : memref<128xi32, #tpu.memory_space<vmem>>) semaphore(%arg12 : memref<!tpu.dma_semaphore, #tpu.memory_space<semaphore_mem>>) {add = true}
        %add3A_69 = arith.constant 1 : i32
        %add3A_70 = arith.addi %mul3A_60, %add3A_69 : i32
        %dma_start3A_71 = arith.constant 0 : i32
        %dma_start3A_72 = tpu.memref_slice %arg6[%add3A_70, %dma_start3A_71] : memref<40x128xi32, #tpu.memory_space<vmem>> -> memref<1x128xi32, #tpu.memory_space<vmem>>
        %dma_start3A_73 = tpu.memref_squeeze %dma_start3A_72 : memref<1x128xi32, #tpu.memory_space<vmem>> -> memref<128xi32, #tpu.memory_space<vmem>>
        %dma_start3A_74 = arith.constant 0 : i32
        %dma_start3A_75 = arith.constant 0 : i32
        %dma_start3A_76 = tpu.memref_slice %arg9[%dma_start3A_74, %dma_start3A_75] : memref<102272x16xf32, #tpu.memory_space<vmem_shared>> -> memref<102272x16xf32, #tpu.memory_space<vmem_shared>>
        tpu.enqueue_indirect_dma source(%arg8 : memref<128x16xf32, #tpu.memory_space<vmem>>) target(%dma_start3A_76 : memref<102272x16xf32, #tpu.memory_space<vmem_shared>>) offsets(%dma_start3A_73 : memref<128xi32, #tpu.memory_space<vmem>>) semaphore(%arg12 : memref<!tpu.dma_semaphore, #tpu.memory_space<semaphore_mem>>) {add = true}
        %add3A_77 = arith.constant 2 : i32
        %add3A_78 = arith.addi %mul3A_60, %add3A_77 : i32
        %dma_start3A_79 = arith.constant 0 : i32
        %dma_start3A_80 = tpu.memref_slice %arg6[%add3A_78, %dma_start3A_79] : memref<40x128xi32, #tpu.memory_space<vmem>> -> memref<1x128xi32, #tpu.memory_space<vmem>>
        %dma_start3A_81 = tpu.memref_squeeze %dma_start3A_80 : memref<1x128xi32, #tpu.memory_space<vmem>> -> memref<128xi32, #tpu.memory_space<vmem>>
        %dma_start3A_82 = arith.constant 0 : i32
        %dma_start3A_83 = arith.constant 0 : i32
        %dma_start3A_84 = tpu.memref_slice %arg9[%dma_start3A_82, %dma_start3A_83] : memref<102272x16xf32, #tpu.memory_space<vmem_shared>> -> memref<102272x16xf32, #tpu.memory_space<vmem_shared>>
        tpu.enqueue_indirect_dma source(%arg8 : memref<128x16xf32, #tpu.memory_space<vmem>>) target(%dma_start3A_84 : memref<102272x16xf32, #tpu.memory_space<vmem_shared>>) offsets(%dma_start3A_81 : memref<128xi32, #tpu.memory_space<vmem>>) semaphore(%arg12 : memref<!tpu.dma_semaphore, #tpu.memory_space<semaphore_mem>>) {add = true}
        %add3A_85 = arith.constant 3 : i32
        %add3A_86 = arith.addi %mul3A_60, %add3A_85 : i32
        %dma_start3A_87 = arith.constant 0 : i32
        %dma_start3A_88 = tpu.memref_slice %arg6[%add3A_86, %dma_start3A_87] : memref<40x128xi32, #tpu.memory_space<vmem>> -> memref<1x128xi32, #tpu.memory_space<vmem>>
        %dma_start3A_89 = tpu.memref_squeeze %dma_start3A_88 : memref<1x128xi32, #tpu.memory_space<vmem>> -> memref<128xi32, #tpu.memory_space<vmem>>
        %dma_start3A_90 = arith.constant 0 : i32
        %dma_start3A_91 = arith.constant 0 : i32
        %dma_start3A_92 = tpu.memref_slice %arg9[%dma_start3A_90, %dma_start3A_91] : memref<102272x16xf32, #tpu.memory_space<vmem_shared>> -> memref<102272x16xf32, #tpu.memory_space<vmem_shared>>
        tpu.enqueue_indirect_dma source(%arg8 : memref<128x16xf32, #tpu.memory_space<vmem>>) target(%dma_start3A_92 : memref<102272x16xf32, #tpu.memory_space<vmem_shared>>) offsets(%dma_start3A_89 : memref<128xi32, #tpu.memory_space<vmem>>) semaphore(%arg12 : memref<!tpu.dma_semaphore, #tpu.memory_space<semaphore_mem>>) {add = true}
        %add3A_93 = arith.constant 4 : i32
        %add3A_94 = arith.addi %mul3A_60, %add3A_93 : i32
        %dma_start3A_95 = arith.constant 0 : i32
        %dma_start3A_96 = tpu.memref_slice %arg6[%add3A_94, %dma_start3A_95] : memref<40x128xi32, #tpu.memory_space<vmem>> -> memref<1x128xi32, #tpu.memory_space<vmem>>
        %dma_start3A_97 = tpu.memref_squeeze %dma_start3A_96 : memref<1x128xi32, #tpu.memory_space<vmem>> -> memref<128xi32, #tpu.memory_space<vmem>>
        %dma_start3A_98 = arith.constant 0 : i32
        %dma_start3A_99 = arith.constant 0 : i32
        %dma_start3A_100 = tpu.memref_slice %arg9[%dma_start3A_98, %dma_start3A_99] : memref<102272x16xf32, #tpu.memory_space<vmem_shared>> -> memref<102272x16xf32, #tpu.memory_space<vmem_shared>>
        tpu.enqueue_indirect_dma source(%arg8 : memref<128x16xf32, #tpu.memory_space<vmem>>) target(%dma_start3A_100 : memref<102272x16xf32, #tpu.memory_space<vmem_shared>>) offsets(%dma_start3A_97 : memref<128xi32, #tpu.memory_space<vmem>>) semaphore(%arg12 : memref<!tpu.dma_semaphore, #tpu.memory_space<semaphore_mem>>) {add = true}
        %add3A_101 = arith.constant 5 : i32
        %add3A_102 = arith.addi %mul3A_60, %add3A_101 : i32
        %dma_start3A_103 = arith.constant 0 : i32
        %dma_start3A_104 = tpu.memref_slice %arg6[%add3A_102, %dma_start3A_103] : memref<40x128xi32, #tpu.memory_space<vmem>> -> memref<1x128xi32, #tpu.memory_space<vmem>>
        %dma_start3A_105 = tpu.memref_squeeze %dma_start3A_104 : memref<1x128xi32, #tpu.memory_space<vmem>> -> memref<128xi32, #tpu.memory_space<vmem>>
        %dma_start3A_106 = arith.constant 0 : i32
        %dma_start3A_107 = arith.constant 0 : i32
        %dma_start3A_108 = tpu.memref_slice %arg9[%dma_start3A_106, %dma_start3A_107] : memref<102272x16xf32, #tpu.memory_space<vmem_shared>> -> memref<102272x16xf32, #tpu.memory_space<vmem_shared>>
        tpu.enqueue_indirect_dma source(%arg8 : memref<128x16xf32, #tpu.memory_space<vmem>>) target(%dma_start3A_108 : memref<102272x16xf32, #tpu.memory_space<vmem_shared>>) offsets(%dma_start3A_105 : memref<128xi32, #tpu.memory_space<vmem>>) semaphore(%arg12 : memref<!tpu.dma_semaphore, #tpu.memory_space<semaphore_mem>>) {add = true}
        %add3A_109 = arith.constant 6 : i32
        %add3A_110 = arith.addi %mul3A_60, %add3A_109 : i32
        %dma_start3A_111 = arith.constant 0 : i32
        %dma_start3A_112 = tpu.memref_slice %arg6[%add3A_110, %dma_start3A_111] : memref<40x128xi32, #tpu.memory_space<vmem>> -> memref<1x128xi32, #tpu.memory_space<vmem>>
        %dma_start3A_113 = tpu.memref_squeeze %dma_start3A_112 : memref<1x128xi32, #tpu.memory_space<vmem>> -> memref<128xi32, #tpu.memory_space<vmem>>
        %dma_start3A_114 = arith.constant 0 : i32
        %dma_start3A_115 = arith.constant 0 : i32
        %dma_start3A_116 = tpu.memref_slice %arg9[%dma_start3A_114, %dma_start3A_115] : memref<102272x16xf32, #tpu.memory_space<vmem_shared>> -> memref<102272x16xf32, #tpu.memory_space<vmem_shared>>
        tpu.enqueue_indirect_dma source(%arg8 : memref<128x16xf32, #tpu.memory_space<vmem>>) target(%dma_start3A_116 : memref<102272x16xf32, #tpu.memory_space<vmem_shared>>) offsets(%dma_start3A_113 : memref<128xi32, #tpu.memory_space<vmem>>) semaphore(%arg12 : memref<!tpu.dma_semaphore, #tpu.memory_space<semaphore_mem>>) {add = true}
        %add3A_117 = arith.constant 7 : i32
        %add3A_118 = arith.addi %mul3A_60, %add3A_117 : i32
        %dma_start3A_119 = arith.constant 0 : i32
        %dma_start3A_120 = tpu.memref_slice %arg6[%add3A_118, %dma_start3A_119] : memref<40x128xi32, #tpu.memory_space<vmem>> -> memref<1x128xi32, #tpu.memory_space<vmem>>
        %dma_start3A_121 = tpu.memref_squeeze %dma_start3A_120 : memref<1x128xi32, #tpu.memory_space<vmem>> -> memref<128xi32, #tpu.memory_space<vmem>>
        %dma_start3A_122 = arith.constant 0 : i32
        %dma_start3A_123 = arith.constant 0 : i32
        %dma_start3A_124 = tpu.memref_slice %arg9[%dma_start3A_122, %dma_start3A_123] : memref<102272x16xf32, #tpu.memory_space<vmem_shared>> -> memref<102272x16xf32, #tpu.memory_space<vmem_shared>>
        tpu.enqueue_indirect_dma source(%arg8 : memref<128x16xf32, #tpu.memory_space<vmem>>) target(%dma_start3A_124 : memref<102272x16xf32, #tpu.memory_space<vmem_shared>>) offsets(%dma_start3A_121 : memref<128xi32, #tpu.memory_space<vmem>>) semaphore(%arg12 : memref<!tpu.dma_semaphore, #tpu.memory_space<semaphore_mem>>) {add = true}
        %dma_wait3A_125 = arith.constant 0 : i32
        %dma_wait3A_126 = tpu.memref_slice %arg6[%add3A_62, %dma_wait3A_125] : memref<40x128xi32, #tpu.memory_space<vmem>> -> memref<1x128xi32, #tpu.memory_space<vmem>>
        %dma_wait3A_127 = tpu.memref_squeeze %dma_wait3A_126 : memref<1x128xi32, #tpu.memory_space<vmem>> -> memref<128xi32, #tpu.memory_space<vmem>>
        %dma_wait3A_128 = arith.constant 0 : i32
        %dma_wait3A_129 = arith.constant 0 : i32
        %dma_wait3A_130 = tpu.memref_slice %arg9[%dma_wait3A_128, %dma_wait3A_129] : memref<102272x16xf32, #tpu.memory_space<vmem_shared>> -> memref<102272x16xf32, #tpu.memory_space<vmem_shared>>
        tpu.wait_indirect_dma semaphore(%arg12 : memref<!tpu.dma_semaphore, #tpu.memory_space<semaphore_mem>>) src(%arg8 : memref<128x16xf32, #tpu.memory_space<vmem>>) dst(%dma_wait3A_130 : memref<102272x16xf32, #tpu.memory_space<vmem_shared>>)
        %dma_wait3A_131 = arith.constant 0 : i32
        %dma_wait3A_132 = tpu.memref_slice %arg6[%add3A_70, %dma_wait3A_131] : memref<40x128xi32, #tpu.memory_space<vmem>> -> memref<1x128xi32, #tpu.memory_space<vmem>>
        %dma_wait3A_133 = tpu.memref_squeeze %dma_wait3A_132 : memref<1x128xi32, #tpu.memory_space<vmem>> -> memref<128xi32, #tpu.memory_space<vmem>>
        %dma_wait3A_134 = arith.constant 0 : i32
        %dma_wait3A_135 = arith.constant 0 : i32
        %dma_wait3A_136 = tpu.memref_slice %arg9[%dma_wait3A_134, %dma_wait3A_135] : memref<102272x16xf32, #tpu.memory_space<vmem_shared>> -> memref<102272x16xf32, #tpu.memory_space<vmem_shared>>
        tpu.wait_indirect_dma semaphore(%arg12 : memref<!tpu.dma_semaphore, #tpu.memory_space<semaphore_mem>>) src(%arg8 : memref<128x16xf32, #tpu.memory_space<vmem>>) dst(%dma_wait3A_136 : memref<102272x16xf32, #tpu.memory_space<vmem_shared>>)
        %dma_wait3A_137 = arith.constant 0 : i32
        %dma_wait3A_138 = tpu.memref_slice %arg6[%add3A_78, %dma_wait3A_137] : memref<40x128xi32, #tpu.memory_space<vmem>> -> memref<1x128xi32, #tpu.memory_space<vmem>>
        %dma_wait3A_139 = tpu.memref_squeeze %dma_wait3A_138 : memref<1x128xi32, #tpu.memory_space<vmem>> -> memref<128xi32, #tpu.memory_space<vmem>>
        %dma_wait3A_140 = arith.constant 0 : i32
        %dma_wait3A_141 = arith.constant 0 : i32
        %dma_wait3A_142 = tpu.memref_slice %arg9[%dma_wait3A_140, %dma_wait3A_141] : memref<102272x16xf32, #tpu.memory_space<vmem_shared>> -> memref<102272x16xf32, #tpu.memory_space<vmem_shared>>
        tpu.wait_indirect_dma semaphore(%arg12 : memref<!tpu.dma_semaphore, #tpu.memory_space<semaphore_mem>>) src(%arg8 : memref<128x16xf32, #tpu.memory_space<vmem>>) dst(%dma_wait3A_142 : memref<102272x16xf32, #tpu.memory_space<vmem_shared>>)
        %dma_wait3A_143 = arith.constant 0 : i32
        %dma_wait3A_144 = tpu.memref_slice %arg6[%add3A_86, %dma_wait3A_143] : memref<40x128xi32, #tpu.memory_space<vmem>> -> memref<1x128xi32, #tpu.memory_space<vmem>>
        %dma_wait3A_145 = tpu.memref_squeeze %dma_wait3A_144 : memref<1x128xi32, #tpu.memory_space<vmem>> -> memref<128xi32, #tpu.memory_space<vmem>>
        %dma_wait3A_146 = arith.constant 0 : i32
        %dma_wait3A_147 = arith.constant 0 : i32
        %dma_wait3A_148 = tpu.memref_slice %arg9[%dma_wait3A_146, %dma_wait3A_147] : memref<102272x16xf32, #tpu.memory_space<vmem_shared>> -> memref<102272x16xf32, #tpu.memory_space<vmem_shared>>
        tpu.wait_indirect_dma semaphore(%arg12 : memref<!tpu.dma_semaphore, #tpu.memory_space<semaphore_mem>>) src(%arg8 : memref<128x16xf32, #tpu.memory_space<vmem>>) dst(%dma_wait3A_148 : memref<102272x16xf32, #tpu.memory_space<vmem_shared>>)
        %dma_wait3A_149 = arith.constant 0 : i32
        %dma_wait3A_150 = tpu.memref_slice %arg6[%add3A_94, %dma_wait3A_149] : memref<40x128xi32, #tpu.memory_space<vmem>> -> memref<1x128xi32, #tpu.memory_space<vmem>>
        %dma_wait3A_151 = tpu.memref_squeeze %dma_wait3A_150 : memref<1x128xi32, #tpu.memory_space<vmem>> -> memref<128xi32, #tpu.memory_space<vmem>>
        %dma_wait3A_152 = arith.constant 0 : i32
        %dma_wait3A_153 = arith.constant 0 : i32
        %dma_wait3A_154 = tpu.memref_slice %arg9[%dma_wait3A_152, %dma_wait3A_153] : memref<102272x16xf32, #tpu.memory_space<vmem_shared>> -> memref<102272x16xf32, #tpu.memory_space<vmem_shared>>
        tpu.wait_indirect_dma semaphore(%arg12 : memref<!tpu.dma_semaphore, #tpu.memory_space<semaphore_mem>>) src(%arg8 : memref<128x16xf32, #tpu.memory_space<vmem>>) dst(%dma_wait3A_154 : memref<102272x16xf32, #tpu.memory_space<vmem_shared>>)
        %dma_wait3A_155 = arith.constant 0 : i32
        %dma_wait3A_156 = tpu.memref_slice %arg6[%add3A_102, %dma_wait3A_155] : memref<40x128xi32, #tpu.memory_space<vmem>> -> memref<1x128xi32, #tpu.memory_space<vmem>>
        %dma_wait3A_157 = tpu.memref_squeeze %dma_wait3A_156 : memref<1x128xi32, #tpu.memory_space<vmem>> -> memref<128xi32, #tpu.memory_space<vmem>>
        %dma_wait3A_158 = arith.constant 0 : i32
        %dma_wait3A_159 = arith.constant 0 : i32
        %dma_wait3A_160 = tpu.memref_slice %arg9[%dma_wait3A_158, %dma_wait3A_159] : memref<102272x16xf32, #tpu.memory_space<vmem_shared>> -> memref<102272x16xf32, #tpu.memory_space<vmem_shared>>
        tpu.wait_indirect_dma semaphore(%arg12 : memref<!tpu.dma_semaphore, #tpu.memory_space<semaphore_mem>>) src(%arg8 : memref<128x16xf32, #tpu.memory_space<vmem>>) dst(%dma_wait3A_160 : memref<102272x16xf32, #tpu.memory_space<vmem_shared>>)
        %dma_wait3A_161 = arith.constant 0 : i32
        %dma_wait3A_162 = tpu.memref_slice %arg6[%add3A_110, %dma_wait3A_161] : memref<40x128xi32, #tpu.memory_space<vmem>> -> memref<1x128xi32, #tpu.memory_space<vmem>>
        %dma_wait3A_163 = tpu.memref_squeeze %dma_wait3A_162 : memref<1x128xi32, #tpu.memory_space<vmem>> -> memref<128xi32, #tpu.memory_space<vmem>>
        %dma_wait3A_164 = arith.constant 0 : i32
        %dma_wait3A_165 = arith.constant 0 : i32
        %dma_wait3A_166 = tpu.memref_slice %arg9[%dma_wait3A_164, %dma_wait3A_165] : memref<102272x16xf32, #tpu.memory_space<vmem_shared>> -> memref<102272x16xf32, #tpu.memory_space<vmem_shared>>
        tpu.wait_indirect_dma semaphore(%arg12 : memref<!tpu.dma_semaphore, #tpu.memory_space<semaphore_mem>>) src(%arg8 : memref<128x16xf32, #tpu.memory_space<vmem>>) dst(%dma_wait3A_166 : memref<102272x16xf32, #tpu.memory_space<vmem_shared>>)
        %dma_wait3A_167 = arith.constant 0 : i32
        %dma_wait3A_168 = tpu.memref_slice %arg6[%add3A_118, %dma_wait3A_167] : memref<40x128xi32, #tpu.memory_space<vmem>> -> memref<1x128xi32, #tpu.memory_space<vmem>>
        %dma_wait3A_169 = tpu.memref_squeeze %dma_wait3A_168 : memref<1x128xi32, #tpu.memory_space<vmem>> -> memref<128xi32, #tpu.memory_space<vmem>>
        %dma_wait3A_170 = arith.constant 0 : i32
        %dma_wait3A_171 = arith.constant 0 : i32
        %dma_wait3A_172 = tpu.memref_slice %arg9[%dma_wait3A_170, %dma_wait3A_171] : memref<102272x16xf32, #tpu.memory_space<vmem_shared>> -> memref<102272x16xf32, #tpu.memory_space<vmem_shared>>
        tpu.wait_indirect_dma semaphore(%arg12 : memref<!tpu.dma_semaphore, #tpu.memory_space<semaphore_mem>>) src(%arg8 : memref<128x16xf32, #tpu.memory_space<vmem>>) dst(%dma_wait3A_172 : memref<102272x16xf32, #tpu.memory_space<vmem_shared>>)
      }
      %scan3A_38 = arith.constant 5 : i32
      %dma_wait3A_39 = arith.constant 0 : i32
      %dma_wait3A_40 = tpu.memref_slice %arg2[%mul3A_4, %dma_wait3A_39] : memref<12840x128xi32, #tpu.memory_space<hbm>> -> memref<40x128xi32, #tpu.memory_space<hbm>>
      %dma_wait3A_41 = arith.constant 0 : i32
      %dma_wait3A_42 = tpu.memref_slice %arg2[%mul3A_4, %dma_wait3A_41] : memref<12840x128xi32, #tpu.memory_space<hbm>> -> memref<40x128xi32, #tpu.memory_space<hbm>>
      tpu.wait_dma2 semaphore(%arg11 : memref<!tpu.dma_semaphore, #tpu.memory_space<semaphore_mem>>) src(%dma_wait3A_42 : memref<40x128xi32, #tpu.memory_space<hbm>>) dst(%arg7 : memref<40x128xi32, #tpu.memory_space<vmem>>)
      %add3A_43 = arith.constant 80 : i32
      %add3A_44 = arith.addi %add3A_23, %add3A_43 : i32
      %dma_start3A_45 = arith.constant 0 : i32
      %dma_start3A_46 = tpu.memref_slice %arg2[%add3A_44, %dma_start3A_45] : memref<12840x128xi32, #tpu.memory_space<hbm>> -> memref<40x128xi32, #tpu.memory_space<hbm>>
      %dma_start3A_47 = arith.constant 0 : i32
      %dma_start3A_48 = tpu.memref_slice %arg2[%add3A_44, %dma_start3A_47] : memref<12840x128xi32, #tpu.memory_space<hbm>> -> memref<40x128xi32, #tpu.memory_space<hbm>>
      tpu.enqueue_dma source(%dma_start3A_48 : memref<40x128xi32, #tpu.memory_space<hbm>>) target(%arg6 : memref<40x128xi32, #tpu.memory_space<vmem>>) target_semaphore(%arg10 : memref<!tpu.dma_semaphore, #tpu.memory_space<semaphore_mem>>)
      %scan3A_49 = arith.constant 0 : i32
      %scan3A_50 = arith.constant 5 : i32
      %scan3A_51 = arith.addi %scan3A_49, %scan3A_50 : i32
      %scan3A_52 = arith.constant 1 : i32
      scf.for %scan3A_54 = %scan3A_49 to %scan3A_51 step %scan3A_52  : i32 {
        %mul3A_55 = arith.constant 1 : i32
        %mul3A_56 = arith.muli %scan3A_54, %mul3A_55 : i32
        %add3A_57 = arith.constant 0 : i32
        %add3A_58 = arith.addi %add3A_57, %mul3A_56 : i32
        %mul3A_59 = arith.constant 8 : i32
        %mul3A_60 = arith.muli %mul3A_59, %add3A_58 : i32
        %add3A_61 = arith.constant 0 : i32
        %add3A_62 = arith.addi %mul3A_60, %add3A_61 : i32
        %dma_start3A_63 = arith.constant 0 : i32
        %dma_start3A_64 = tpu.memref_slice %arg7[%add3A_62, %dma_start3A_63] : memref<40x128xi32, #tpu.memory_space<vmem>> -> memref<1x128xi32, #tpu.memory_space<vmem>>
        %dma_start3A_65 = tpu.memref_squeeze %dma_start3A_64 : memref<1x128xi32, #tpu.memory_space<vmem>> -> memref<128xi32, #tpu.memory_space<vmem>>
        %dma_start3A_66 = arith.constant 0 : i32
        %dma_start3A_67 = arith.constant 0 : i32
        %dma_start3A_68 = tpu.memref_slice %arg9[%dma_start3A_66, %dma_start3A_67] : memref<102272x16xf32, #tpu.memory_space<vmem_shared>> -> memref<102272x16xf32, #tpu.memory_space<vmem_shared>>
        tpu.enqueue_indirect_dma source(%arg8 : memref<128x16xf32, #tpu.memory_space<vmem>>) target(%dma_start3A_68 : memref<102272x16xf32, #tpu.memory_space<vmem_shared>>) offsets(%dma_start3A_65 : memref<128xi32, #tpu.memory_space<vmem>>) semaphore(%arg12 : memref<!tpu.dma_semaphore, #tpu.memory_space<semaphore_mem>>) {add = true}
        %add3A_69 = arith.constant 1 : i32
        %add3A_70 = arith.addi %mul3A_60, %add3A_69 : i32
        %dma_start3A_71 = arith.constant 0 : i32
        %dma_start3A_72 = tpu.memref_slice %arg7[%add3A_70, %dma_start3A_71] : memref<40x128xi32, #tpu.memory_space<vmem>> -> memref<1x128xi32, #tpu.memory_space<vmem>>
        %dma_start3A_73 = tpu.memref_squeeze %dma_start3A_72 : memref<1x128xi32, #tpu.memory_space<vmem>> -> memref<128xi32, #tpu.memory_space<vmem>>
        %dma_start3A_74 = arith.constant 0 : i32
        %dma_start3A_75 = arith.constant 0 : i32
        %dma_start3A_76 = tpu.memref_slice %arg9[%dma_start3A_74, %dma_start3A_75] : memref<102272x16xf32, #tpu.memory_space<vmem_shared>> -> memref<102272x16xf32, #tpu.memory_space<vmem_shared>>
        tpu.enqueue_indirect_dma source(%arg8 : memref<128x16xf32, #tpu.memory_space<vmem>>) target(%dma_start3A_76 : memref<102272x16xf32, #tpu.memory_space<vmem_shared>>) offsets(%dma_start3A_73 : memref<128xi32, #tpu.memory_space<vmem>>) semaphore(%arg12 : memref<!tpu.dma_semaphore, #tpu.memory_space<semaphore_mem>>) {add = true}
        %add3A_77 = arith.constant 2 : i32
        %add3A_78 = arith.addi %mul3A_60, %add3A_77 : i32
        %dma_start3A_79 = arith.constant 0 : i32
        %dma_start3A_80 = tpu.memref_slice %arg7[%add3A_78, %dma_start3A_79] : memref<40x128xi32, #tpu.memory_space<vmem>> -> memref<1x128xi32, #tpu.memory_space<vmem>>
        %dma_start3A_81 = tpu.memref_squeeze %dma_start3A_80 : memref<1x128xi32, #tpu.memory_space<vmem>> -> memref<128xi32, #tpu.memory_space<vmem>>
        %dma_start3A_82 = arith.constant 0 : i32
        %dma_start3A_83 = arith.constant 0 : i32
        %dma_start3A_84 = tpu.memref_slice %arg9[%dma_start3A_82, %dma_start3A_83] : memref<102272x16xf32, #tpu.memory_space<vmem_shared>> -> memref<102272x16xf32, #tpu.memory_space<vmem_shared>>
        tpu.enqueue_indirect_dma source(%arg8 : memref<128x16xf32, #tpu.memory_space<vmem>>) target(%dma_start3A_84 : memref<102272x16xf32, #tpu.memory_space<vmem_shared>>) offsets(%dma_start3A_81 : memref<128xi32, #tpu.memory_space<vmem>>) semaphore(%arg12 : memref<!tpu.dma_semaphore, #tpu.memory_space<semaphore_mem>>) {add = true}
        %add3A_85 = arith.constant 3 : i32
        %add3A_86 = arith.addi %mul3A_60, %add3A_85 : i32
        %dma_start3A_87 = arith.constant 0 : i32
        %dma_start3A_88 = tpu.memref_slice %arg7[%add3A_86, %dma_start3A_87] : memref<40x128xi32, #tpu.memory_space<vmem>> -> memref<1x128xi32, #tpu.memory_space<vmem>>
        %dma_start3A_89 = tpu.memref_squeeze %dma_start3A_88 : memref<1x128xi32, #tpu.memory_space<vmem>> -> memref<128xi32, #tpu.memory_space<vmem>>
        %dma_start3A_90 = arith.constant 0 : i32
        %dma_start3A_91 = arith.constant 0 : i32
        %dma_start3A_92 = tpu.memref_slice %arg9[%dma_start3A_90, %dma_start3A_91] : memref<102272x16xf32, #tpu.memory_space<vmem_shared>> -> memref<102272x16xf32, #tpu.memory_space<vmem_shared>>
        tpu.enqueue_indirect_dma source(%arg8 : memref<128x16xf32, #tpu.memory_space<vmem>>) target(%dma_start3A_92 : memref<102272x16xf32, #tpu.memory_space<vmem_shared>>) offsets(%dma_start3A_89 : memref<128xi32, #tpu.memory_space<vmem>>) semaphore(%arg12 : memref<!tpu.dma_semaphore, #tpu.memory_space<semaphore_mem>>) {add = true}
        %add3A_93 = arith.constant 4 : i32
        %add3A_94 = arith.addi %mul3A_60, %add3A_93 : i32
        %dma_start3A_95 = arith.constant 0 : i32
        %dma_start3A_96 = tpu.memref_slice %arg7[%add3A_94, %dma_start3A_95] : memref<40x128xi32, #tpu.memory_space<vmem>> -> memref<1x128xi32, #tpu.memory_space<vmem>>
        %dma_start3A_97 = tpu.memref_squeeze %dma_start3A_96 : memref<1x128xi32, #tpu.memory_space<vmem>> -> memref<128xi32, #tpu.memory_space<vmem>>
        %dma_start3A_98 = arith.constant 0 : i32
        %dma_start3A_99 = arith.constant 0 : i32
        %dma_start3A_100 = tpu.memref_slice %arg9[%dma_start3A_98, %dma_start3A_99] : memref<102272x16xf32, #tpu.memory_space<vmem_shared>> -> memref<102272x16xf32, #tpu.memory_space<vmem_shared>>
        tpu.enqueue_indirect_dma source(%arg8 : memref<128x16xf32, #tpu.memory_space<vmem>>) target(%dma_start3A_100 : memref<102272x16xf32, #tpu.memory_space<vmem_shared>>) offsets(%dma_start3A_97 : memref<128xi32, #tpu.memory_space<vmem>>) semaphore(%arg12 : memref<!tpu.dma_semaphore, #tpu.memory_space<semaphore_mem>>) {add = true}
        %add3A_101 = arith.constant 5 : i32
        %add3A_102 = arith.addi %mul3A_60, %add3A_101 : i32
        %dma_start3A_103 = arith.constant 0 : i32
        %dma_start3A_104 = tpu.memref_slice %arg7[%add3A_102, %dma_start3A_103] : memref<40x128xi32, #tpu.memory_space<vmem>> -> memref<1x128xi32, #tpu.memory_space<vmem>>
        %dma_start3A_105 = tpu.memref_squeeze %dma_start3A_104 : memref<1x128xi32, #tpu.memory_space<vmem>> -> memref<128xi32, #tpu.memory_space<vmem>>
        %dma_start3A_106 = arith.constant 0 : i32
        %dma_start3A_107 = arith.constant 0 : i32
        %dma_start3A_108 = tpu.memref_slice %arg9[%dma_start3A_106, %dma_start3A_107] : memref<102272x16xf32, #tpu.memory_space<vmem_shared>> -> memref<102272x16xf32, #tpu.memory_space<vmem_shared>>
        tpu.enqueue_indirect_dma source(%arg8 : memref<128x16xf32, #tpu.memory_space<vmem>>) target(%dma_start3A_108 : memref<102272x16xf32, #tpu.memory_space<vmem_shared>>) offsets(%dma_start3A_105 : memref<128xi32, #tpu.memory_space<vmem>>) semaphore(%arg12 : memref<!tpu.dma_semaphore, #tpu.memory_space<semaphore_mem>>) {add = true}
        %add3A_109 = arith.constant 6 : i32
        %add3A_110 = arith.addi %mul3A_60, %add3A_109 : i32
        %dma_start3A_111 = arith.constant 0 : i32
        %dma_start3A_112 = tpu.memref_slice %arg7[%add3A_110, %dma_start3A_111] : memref<40x128xi32, #tpu.memory_space<vmem>> -> memref<1x128xi32, #tpu.memory_space<vmem>>
        %dma_start3A_113 = tpu.memref_squeeze %dma_start3A_112 : memref<1x128xi32, #tpu.memory_space<vmem>> -> memref<128xi32, #tpu.memory_space<vmem>>
        %dma_start3A_114 = arith.constant 0 : i32
        %dma_start3A_115 = arith.constant 0 : i32
        %dma_start3A_116 = tpu.memref_slice %arg9[%dma_start3A_114, %dma_start3A_115] : memref<102272x16xf32, #tpu.memory_space<vmem_shared>> -> memref<102272x16xf32, #tpu.memory_space<vmem_shared>>
        tpu.enqueue_indirect_dma source(%arg8 : memref<128x16xf32, #tpu.memory_space<vmem>>) target(%dma_start3A_116 : memref<102272x16xf32, #tpu.memory_space<vmem_shared>>) offsets(%dma_start3A_113 : memref<128xi32, #tpu.memory_space<vmem>>) semaphore(%arg12 : memref<!tpu.dma_semaphore, #tpu.memory_space<semaphore_mem>>) {add = true}
        %add3A_117 = arith.constant 7 : i32
        %add3A_118 = arith.addi %mul3A_60, %add3A_117 : i32
        %dma_start3A_119 = arith.constant 0 : i32
        %dma_start3A_120 = tpu.memref_slice %arg7[%add3A_118, %dma_start3A_119] : memref<40x128xi32, #tpu.memory_space<vmem>> -> memref<1x128xi32, #tpu.memory_space<vmem>>
        %dma_start3A_121 = tpu.memref_squeeze %dma_start3A_120 : memref<1x128xi32, #tpu.memory_space<vmem>> -> memref<128xi32, #tpu.memory_space<vmem>>
        %dma_start3A_122 = arith.constant 0 : i32
        %dma_start3A_123 = arith.constant 0 : i32
        %dma_start3A_124 = tpu.memref_slice %arg9[%dma_start3A_122, %dma_start3A_123] : memref<102272x16xf32, #tpu.memory_space<vmem_shared>> -> memref<102272x16xf32, #tpu.memory_space<vmem_shared>>
        tpu.enqueue_indirect_dma source(%arg8 : memref<128x16xf32, #tpu.memory_space<vmem>>) target(%dma_start3A_124 : memref<102272x16xf32, #tpu.memory_space<vmem_shared>>) offsets(%dma_start3A_121 : memref<128xi32, #tpu.memory_space<vmem>>) semaphore(%arg12 : memref<!tpu.dma_semaphore, #tpu.memory_space<semaphore_mem>>) {add = true}
        %dma_wait3A_125 = arith.constant 0 : i32
        %dma_wait3A_126 = tpu.memref_slice %arg7[%add3A_62, %dma_wait3A_125] : memref<40x128xi32, #tpu.memory_space<vmem>> -> memref<1x128xi32, #tpu.memory_space<vmem>>
        %dma_wait3A_127 = tpu.memref_squeeze %dma_wait3A_126 : memref<1x128xi32, #tpu.memory_space<vmem>> -> memref<128xi32, #tpu.memory_space<vmem>>
        %dma_wait3A_128 = arith.constant 0 : i32
        %dma_wait3A_129 = arith.constant 0 : i32
        %dma_wait3A_130 = tpu.memref_slice %arg9[%dma_wait3A_128, %dma_wait3A_129] : memref<102272x16xf32, #tpu.memory_space<vmem_shared>> -> memref<102272x16xf32, #tpu.memory_space<vmem_shared>>
        tpu.wait_indirect_dma semaphore(%arg12 : memref<!tpu.dma_semaphore, #tpu.memory_space<semaphore_mem>>) src(%arg8 : memref<128x16xf32, #tpu.memory_space<vmem>>) dst(%dma_wait3A_130 : memref<102272x16xf32, #tpu.memory_space<vmem_shared>>)
        %dma_wait3A_131 = arith.constant 0 : i32
        %dma_wait3A_132 = tpu.memref_slice %arg7[%add3A_70, %dma_wait3A_131] : memref<40x128xi32, #tpu.memory_space<vmem>> -> memref<1x128xi32, #tpu.memory_space<vmem>>
        %dma_wait3A_133 = tpu.memref_squeeze %dma_wait3A_132 : memref<1x128xi32, #tpu.memory_space<vmem>> -> memref<128xi32, #tpu.memory_space<vmem>>
        %dma_wait3A_134 = arith.constant 0 : i32
        %dma_wait3A_135 = arith.constant 0 : i32
        %dma_wait3A_136 = tpu.memref_slice %arg9[%dma_wait3A_134, %dma_wait3A_135] : memref<102272x16xf32, #tpu.memory_space<vmem_shared>> -> memref<102272x16xf32, #tpu.memory_space<vmem_shared>>
        tpu.wait_indirect_dma semaphore(%arg12 : memref<!tpu.dma_semaphore, #tpu.memory_space<semaphore_mem>>) src(%arg8 : memref<128x16xf32, #tpu.memory_space<vmem>>) dst(%dma_wait3A_136 : memref<102272x16xf32, #tpu.memory_space<vmem_shared>>)
        %dma_wait3A_137 = arith.constant 0 : i32
        %dma_wait3A_138 = tpu.memref_slice %arg7[%add3A_78, %dma_wait3A_137] : memref<40x128xi32, #tpu.memory_space<vmem>> -> memref<1x128xi32, #tpu.memory_space<vmem>>
        %dma_wait3A_139 = tpu.memref_squeeze %dma_wait3A_138 : memref<1x128xi32, #tpu.memory_space<vmem>> -> memref<128xi32, #tpu.memory_space<vmem>>
        %dma_wait3A_140 = arith.constant 0 : i32
        %dma_wait3A_141 = arith.constant 0 : i32
        %dma_wait3A_142 = tpu.memref_slice %arg9[%dma_wait3A_140, %dma_wait3A_141] : memref<102272x16xf32, #tpu.memory_space<vmem_shared>> -> memref<102272x16xf32, #tpu.memory_space<vmem_shared>>
        tpu.wait_indirect_dma semaphore(%arg12 : memref<!tpu.dma_semaphore, #tpu.memory_space<semaphore_mem>>) src(%arg8 : memref<128x16xf32, #tpu.memory_space<vmem>>) dst(%dma_wait3A_142 : memref<102272x16xf32, #tpu.memory_space<vmem_shared>>)
        %dma_wait3A_143 = arith.constant 0 : i32
        %dma_wait3A_144 = tpu.memref_slice %arg7[%add3A_86, %dma_wait3A_143] : memref<40x128xi32, #tpu.memory_space<vmem>> -> memref<1x128xi32, #tpu.memory_space<vmem>>
        %dma_wait3A_145 = tpu.memref_squeeze %dma_wait3A_144 : memref<1x128xi32, #tpu.memory_space<vmem>> -> memref<128xi32, #tpu.memory_space<vmem>>
        %dma_wait3A_146 = arith.constant 0 : i32
        %dma_wait3A_147 = arith.constant 0 : i32
        %dma_wait3A_148 = tpu.memref_slice %arg9[%dma_wait3A_146, %dma_wait3A_147] : memref<102272x16xf32, #tpu.memory_space<vmem_shared>> -> memref<102272x16xf32, #tpu.memory_space<vmem_shared>>
        tpu.wait_indirect_dma semaphore(%arg12 : memref<!tpu.dma_semaphore, #tpu.memory_space<semaphore_mem>>) src(%arg8 : memref<128x16xf32, #tpu.memory_space<vmem>>) dst(%dma_wait3A_148 : memref<102272x16xf32, #tpu.memory_space<vmem_shared>>)
        %dma_wait3A_149 = arith.constant 0 : i32
        %dma_wait3A_150 = tpu.memref_slice %arg7[%add3A_94, %dma_wait3A_149] : memref<40x128xi32, #tpu.memory_space<vmem>> -> memref<1x128xi32, #tpu.memory_space<vmem>>
        %dma_wait3A_151 = tpu.memref_squeeze %dma_wait3A_150 : memref<1x128xi32, #tpu.memory_space<vmem>> -> memref<128xi32, #tpu.memory_space<vmem>>
        %dma_wait3A_152 = arith.constant 0 : i32
        %dma_wait3A_153 = arith.constant 0 : i32
        %dma_wait3A_154 = tpu.memref_slice %arg9[%dma_wait3A_152, %dma_wait3A_153] : memref<102272x16xf32, #tpu.memory_space<vmem_shared>> -> memref<102272x16xf32, #tpu.memory_space<vmem_shared>>
        tpu.wait_indirect_dma semaphore(%arg12 : memref<!tpu.dma_semaphore, #tpu.memory_space<semaphore_mem>>) src(%arg8 : memref<128x16xf32, #tpu.memory_space<vmem>>) dst(%dma_wait3A_154 : memref<102272x16xf32, #tpu.memory_space<vmem_shared>>)
        %dma_wait3A_155 = arith.constant 0 : i32
        %dma_wait3A_156 = tpu.memref_slice %arg7[%add3A_102, %dma_wait3A_155] : memref<40x128xi32, #tpu.memory_space<vmem>> -> memref<1x128xi32, #tpu.memory_space<vmem>>
        %dma_wait3A_157 = tpu.memref_squeeze %dma_wait3A_156 : memref<1x128xi32, #tpu.memory_space<vmem>> -> memref<128xi32, #tpu.memory_space<vmem>>
        %dma_wait3A_158 = arith.constant 0 : i32
        %dma_wait3A_159 = arith.constant 0 : i32
        %dma_wait3A_160 = tpu.memref_slice %arg9[%dma_wait3A_158, %dma_wait3A_159] : memref<102272x16xf32, #tpu.memory_space<vmem_shared>> -> memref<102272x16xf32, #tpu.memory_space<vmem_shared>>
        tpu.wait_indirect_dma semaphore(%arg12 : memref<!tpu.dma_semaphore, #tpu.memory_space<semaphore_mem>>) src(%arg8 : memref<128x16xf32, #tpu.memory_space<vmem>>) dst(%dma_wait3A_160 : memref<102272x16xf32, #tpu.memory_space<vmem_shared>>)
        %dma_wait3A_161 = arith.constant 0 : i32
        %dma_wait3A_162 = tpu.memref_slice %arg7[%add3A_110, %dma_wait3A_161] : memref<40x128xi32, #tpu.memory_space<vmem>> -> memref<1x128xi32, #tpu.memory_space<vmem>>
        %dma_wait3A_163 = tpu.memref_squeeze %dma_wait3A_162 : memref<1x128xi32, #tpu.memory_space<vmem>> -> memref<128xi32, #tpu.memory_space<vmem>>
        %dma_wait3A_164 = arith.constant 0 : i32
        %dma_wait3A_165 = arith.constant 0 : i32
        %dma_wait3A_166 = tpu.memref_slice %arg9[%dma_wait3A_164, %dma_wait3A_165] : memref<102272x16xf32, #tpu.memory_space<vmem_shared>> -> memref<102272x16xf32, #tpu.memory_space<vmem_shared>>
        tpu.wait_indirect_dma semaphore(%arg12 : memref<!tpu.dma_semaphore, #tpu.memory_space<semaphore_mem>>) src(%arg8 : memref<128x16xf32, #tpu.memory_space<vmem>>) dst(%dma_wait3A_166 : memref<102272x16xf32, #tpu.memory_space<vmem_shared>>)
        %dma_wait3A_167 = arith.constant 0 : i32
        %dma_wait3A_168 = tpu.memref_slice %arg7[%add3A_118, %dma_wait3A_167] : memref<40x128xi32, #tpu.memory_space<vmem>> -> memref<1x128xi32, #tpu.memory_space<vmem>>
        %dma_wait3A_169 = tpu.memref_squeeze %dma_wait3A_168 : memref<1x128xi32, #tpu.memory_space<vmem>> -> memref<128xi32, #tpu.memory_space<vmem>>
        %dma_wait3A_170 = arith.constant 0 : i32
        %dma_wait3A_171 = arith.constant 0 : i32
        %dma_wait3A_172 = tpu.memref_slice %arg9[%dma_wait3A_170, %dma_wait3A_171] : memref<102272x16xf32, #tpu.memory_space<vmem_shared>> -> memref<102272x16xf32, #tpu.memory_space<vmem_shared>>
        tpu.wait_indirect_dma semaphore(%arg12 : memref<!tpu.dma_semaphore, #tpu.memory_space<semaphore_mem>>) src(%arg8 : memref<128x16xf32, #tpu.memory_space<vmem>>) dst(%dma_wait3A_172 : memref<102272x16xf32, #tpu.memory_space<vmem_shared>>)
      }
      %scan3A_53 = arith.constant 5 : i32
    }
    %scan3A_11 = arith.constant 5 : i32
    %dma_wait3A = arith.constant 0 : i32
    %dma_wait3A_12 = tpu.memref_slice %arg2[%mul3A_4, %dma_wait3A] : memref<12840x128xi32, #tpu.memory_space<hbm>> -> memref<40x128xi32, #tpu.memory_space<hbm>>
    %dma_wait3A_13 = arith.constant 0 : i32
    %dma_wait3A_14 = tpu.memref_slice %arg2[%mul3A_4, %dma_wait3A_13] : memref<12840x128xi32, #tpu.memory_space<hbm>> -> memref<40x128xi32, #tpu.memory_space<hbm>>
    tpu.wait_dma2 semaphore(%arg10 : memref<!tpu.dma_semaphore, #tpu.memory_space<semaphore_mem>>) src(%dma_wait3A_14 : memref<40x128xi32, #tpu.memory_space<hbm>>) dst(%arg6 : memref<40x128xi32, #tpu.memory_space<vmem>>)
    %barrier3A_15 = arith.constant 0 : index
    tpu.barrier barrier_id(%barrier3A_15)
    "tpu.region"() ({
      %run_scoped3A = tpu.sem_alloc : memref<!tpu.dma_semaphore, #tpu.memory_space<semaphore_mem>>
      %dma_start3A_16 = arith.constant 0 : i32
      %dma_start3A_17 = arith.constant 0 : i32
      %dma_start3A_18 = tpu.memref_slice %arg5[%arg0, %dma_start3A_16, %dma_start3A_17] : memref<2x102272x16xf32, #tpu.memory_space<hbm>> -> memref<1x102272x16xf32, #tpu.memory_space<hbm>>
      %dma_start3A_19 = tpu.memref_squeeze %dma_start3A_18 : memref<1x102272x16xf32, #tpu.memory_space<hbm>> -> memref<102272x16xf32, #tpu.memory_space<hbm>>
      %dma_start3A_20 = arith.constant 0 : i32
      %dma_start3A_21 = tpu.memref_slice %dma_start3A_19[%mul3A_0, %dma_start3A_20] : memref<102272x16xf32, #tpu.memory_space<hbm>> -> memref<6392x16xf32, #tpu.memory_space<hbm>>
      %dma_start3A_22 = arith.constant 0 : i32
      %dma_start3A_23 = tpu.memref_slice %arg9[%mul3A_0, %dma_start3A_22] : memref<102272x16xf32, #tpu.memory_space<vmem_shared>> -> memref<6392x16xf32, #tpu.memory_space<vmem_shared>>
      tpu.enqueue_dma source(%dma_start3A_23 : memref<6392x16xf32, #tpu.memory_space<vmem_shared>>) target(%dma_start3A_21 : memref<6392x16xf32, #tpu.memory_space<hbm>>) target_semaphore(%run_scoped3A : memref<!tpu.dma_semaphore, #tpu.memory_space<semaphore_mem>>)
      %dma_wait3A_24 = arith.constant 0 : i32
      %dma_wait3A_25 = arith.constant 0 : i32
      %dma_wait3A_26 = tpu.memref_slice %arg5[%arg0, %dma_wait3A_24, %dma_wait3A_25] : memref<2x102272x16xf32, #tpu.memory_space<hbm>> -> memref<1x102272x16xf32, #tpu.memory_space<hbm>>
      %dma_wait3A_27 = tpu.memref_squeeze %dma_wait3A_26 : memref<1x102272x16xf32, #tpu.memory_space<hbm>> -> memref<102272x16xf32, #tpu.memory_space<hbm>>
      %dma_wait3A_28 = arith.constant 0 : i32
      %dma_wait3A_29 = tpu.memref_slice %dma_wait3A_27[%mul3A_0, %dma_wait3A_28] : memref<102272x16xf32, #tpu.memory_space<hbm>> -> memref<6392x16xf32, #tpu.memory_space<hbm>>
      %dma_wait3A_30 = arith.constant 0 : i32
      %dma_wait3A_31 = tpu.memref_slice %arg9[%mul3A_0, %dma_wait3A_30] : memref<102272x16xf32, #tpu.memory_space<vmem_shared>> -> memref<6392x16xf32, #tpu.memory_space<vmem_shared>>
      tpu.wait_dma2 semaphore(%run_scoped3A : memref<!tpu.dma_semaphore, #tpu.memory_space<semaphore_mem>>) src(%dma_wait3A_31 : memref<6392x16xf32, #tpu.memory_space<vmem_shared>>) dst(%dma_wait3A_29 : memref<6392x16xf32, #tpu.memory_space<hbm>>)
      tpu.yield
    }) : () -> ()
    return
  }
}

#map = affine_map<(d0, d1) -> (0, 0, 0)>
#map1 = affine_map<(d0, d1) -> (0, 0)>
module attributes {stable_mosaic.version = 14 : i64} {
  func.func @agg(%arg0: i32, %arg1: i32, %arg2: memref<2x102272x16xf32, #tpu.memory_space<hbm>>, %arg3: memref<12840x128xi32, #tpu.memory_space<hbm>>, %arg4: memref<12840x128xi32, #tpu.memory_space<hbm>>, %arg5: memref<102272x16xf32, #tpu.memory_space<hbm>>, %arg6: memref<2x102272x16xf32, #tpu.memory_space<hbm>>, %arg7: memref<40x128xi32, #tpu.memory_space<vmem>>, %arg8: memref<40x128xi32, #tpu.memory_space<vmem>>, %arg9: memref<40x128xi32, #tpu.memory_space<vmem>>, %arg10: memref<40x128xi32, #tpu.memory_space<vmem>>, %arg11: memref<2x128x16xf32, #tpu.memory_space<vmem>>, %arg12: memref<2x128x16xf32, #tpu.memory_space<vmem>>, %arg13: memref<102272x16xf32, #tpu.memory_space<vmem_shared>>, %arg14: memref<!tpu.dma_semaphore, #tpu.memory_space<semaphore_mem>>, %arg15: memref<!tpu.dma_semaphore, #tpu.memory_space<semaphore_mem>>, %arg16: memref<!tpu.dma_semaphore, #tpu.memory_space<semaphore_mem>>, %arg17: memref<!tpu.dma_semaphore, #tpu.memory_space<semaphore_mem>>, %arg18: memref<!tpu.dma_semaphore, #tpu.memory_space<semaphore_mem>>, %arg19: memref<!tpu.dma_semaphore, #tpu.memory_space<semaphore_mem>>) attributes {dimension_semantics = [#tpu.dimension_semantics<core_parallel>, #tpu.dimension_semantics<subcore_parallel>], iteration_bounds = array<i64: 2, 16>, scalar_prefetch = 0 : i64, scratch_operands = 13 : i64, tpu.core_type = #tpu.core_type<sc_vector_subcore>, window_params = [{transform_indices = #map}, {transform_indices = #map1}, {transform_indices = #map1}, {transform_indices = #map1}, {transform_indices = #map}]} {
    %mul3A = arith.constant 6392 : i32
    %mul3A_0 = arith.muli %arg1, %mul3A : i32
    "tpu.region"() ({
      %run_scoped3A = tpu.sem_alloc : memref<!tpu.dma_semaphore, #tpu.memory_space<semaphore_mem>>
      %dma_start3A_22 = arith.constant 0 : i32
      %dma_start3A_23 = tpu.memref_slice %arg13[%mul3A_0, %dma_start3A_22] : memref<102272x16xf32, #tpu.memory_space<vmem_shared>> -> memref<6392x16xf32, #tpu.memory_space<vmem_shared>>
      %dma_start3A_24 = arith.constant 0 : i32
      %dma_start3A_25 = tpu.memref_slice %arg5[%mul3A_0, %dma_start3A_24] : memref<102272x16xf32, #tpu.memory_space<hbm>> -> memref<6392x16xf32, #tpu.memory_space<hbm>>
      tpu.enqueue_dma source(%dma_start3A_25 : memref<6392x16xf32, #tpu.memory_space<hbm>>) target(%dma_start3A_23 : memref<6392x16xf32, #tpu.memory_space<vmem_shared>>) target_semaphore(%run_scoped3A : memref<!tpu.dma_semaphore, #tpu.memory_space<semaphore_mem>>)
      %dma_wait3A_26 = arith.constant 0 : i32
      %dma_wait3A_27 = tpu.memref_slice %arg13[%mul3A_0, %dma_wait3A_26] : memref<102272x16xf32, #tpu.memory_space<vmem_shared>> -> memref<6392x16xf32, #tpu.memory_space<vmem_shared>>
      %dma_wait3A_28 = arith.constant 0 : i32
      %dma_wait3A_29 = tpu.memref_slice %arg5[%mul3A_0, %dma_wait3A_28] : memref<102272x16xf32, #tpu.memory_space<hbm>> -> memref<6392x16xf32, #tpu.memory_space<hbm>>
      tpu.wait_dma2 semaphore(%run_scoped3A : memref<!tpu.dma_semaphore, #tpu.memory_space<semaphore_mem>>) src(%dma_wait3A_29 : memref<6392x16xf32, #tpu.memory_space<hbm>>) dst(%dma_wait3A_27 : memref<6392x16xf32, #tpu.memory_space<vmem_shared>>)
      tpu.yield
    }) : () -> ()
    %barrier3A = arith.constant 0 : index
    tpu.barrier barrier_id(%barrier3A)
    %mul3A_1 = arith.constant 800 : i32
    %mul3A_2 = arith.muli %arg1, %mul3A_1 : i32
    %dma_start3A = arith.constant 0 : i32
    %dma_start3A_3 = tpu.memref_slice %arg3[%mul3A_2, %dma_start3A] : memref<12840x128xi32, #tpu.memory_space<hbm>> -> memref<40x128xi32, #tpu.memory_space<hbm>>
    %dma_start3A_4 = arith.constant 0 : i32
    %dma_start3A_5 = tpu.memref_slice %arg3[%mul3A_2, %dma_start3A_4] : memref<12840x128xi32, #tpu.memory_space<hbm>> -> memref<40x128xi32, #tpu.memory_space<hbm>>
    tpu.enqueue_dma source(%dma_start3A_5 : memref<40x128xi32, #tpu.memory_space<hbm>>) target(%arg7 : memref<40x128xi32, #tpu.memory_space<vmem>>) target_semaphore(%arg14 : memref<!tpu.dma_semaphore, #tpu.memory_space<semaphore_mem>>)
    %dma_start3A_6 = arith.constant 0 : i32
    %dma_start3A_7 = tpu.memref_slice %arg4[%mul3A_2, %dma_start3A_6] : memref<12840x128xi32, #tpu.memory_space<hbm>> -> memref<40x128xi32, #tpu.memory_space<hbm>>
    %dma_start3A_8 = arith.constant 0 : i32
    %dma_start3A_9 = tpu.memref_slice %arg4[%mul3A_2, %dma_start3A_8] : memref<12840x128xi32, #tpu.memory_space<hbm>> -> memref<40x128xi32, #tpu.memory_space<hbm>>
    tpu.enqueue_dma source(%dma_start3A_9 : memref<40x128xi32, #tpu.memory_space<hbm>>) target(%arg8 : memref<40x128xi32, #tpu.memory_space<vmem>>) target_semaphore(%arg14 : memref<!tpu.dma_semaphore, #tpu.memory_space<semaphore_mem>>)
    %scan3A = arith.constant 0 : i32
    %scan3A_10 = arith.constant 10 : i32
    %scan3A_11 = arith.addi %scan3A, %scan3A_10 : i32
    %scan3A_12 = arith.constant 1 : i32
    scf.for %scan3A_22 = %scan3A to %scan3A_11 step %scan3A_12  : i32 {
      %mul3A_23 = arith.constant 2 : i32
      %mul3A_24 = arith.muli %scan3A_22, %mul3A_23 : i32
      %add3A = arith.constant 0 : i32
      %add3A_25 = arith.addi %add3A, %mul3A_24 : i32
      %mul3A_26 = arith.constant 40 : i32
      %mul3A_27 = arith.muli %add3A_25, %mul3A_26 : i32
      %add3A_28 = arith.addi %mul3A_2, %mul3A_27 : i32
      %dma_wait3A_29 = arith.constant 0 : i32
      %dma_wait3A_30 = tpu.memref_slice %arg3[%mul3A_2, %dma_wait3A_29] : memref<12840x128xi32, #tpu.memory_space<hbm>> -> memref<40x128xi32, #tpu.memory_space<hbm>>
      %dma_wait3A_31 = arith.constant 0 : i32
      %dma_wait3A_32 = tpu.memref_slice %arg3[%mul3A_2, %dma_wait3A_31] : memref<12840x128xi32, #tpu.memory_space<hbm>> -> memref<40x128xi32, #tpu.memory_space<hbm>>
      tpu.wait_dma2 semaphore(%arg14 : memref<!tpu.dma_semaphore, #tpu.memory_space<semaphore_mem>>) src(%dma_wait3A_32 : memref<40x128xi32, #tpu.memory_space<hbm>>) dst(%arg7 : memref<40x128xi32, #tpu.memory_space<vmem>>)
      %dma_wait3A_33 = arith.constant 0 : i32
      %dma_wait3A_34 = tpu.memref_slice %arg4[%mul3A_2, %dma_wait3A_33] : memref<12840x128xi32, #tpu.memory_space<hbm>> -> memref<40x128xi32, #tpu.memory_space<hbm>>
      %dma_wait3A_35 = arith.constant 0 : i32
      %dma_wait3A_36 = tpu.memref_slice %arg4[%mul3A_2, %dma_wait3A_35] : memref<12840x128xi32, #tpu.memory_space<hbm>> -> memref<40x128xi32, #tpu.memory_space<hbm>>
      tpu.wait_dma2 semaphore(%arg14 : memref<!tpu.dma_semaphore, #tpu.memory_space<semaphore_mem>>) src(%dma_wait3A_36 : memref<40x128xi32, #tpu.memory_space<hbm>>) dst(%arg8 : memref<40x128xi32, #tpu.memory_space<vmem>>)
      %add3A_37 = arith.constant 40 : i32
      %add3A_38 = arith.addi %add3A_28, %add3A_37 : i32
      %dma_start3A_39 = arith.constant 0 : i32
      %dma_start3A_40 = tpu.memref_slice %arg3[%add3A_38, %dma_start3A_39] : memref<12840x128xi32, #tpu.memory_space<hbm>> -> memref<40x128xi32, #tpu.memory_space<hbm>>
      %dma_start3A_41 = arith.constant 0 : i32
      %dma_start3A_42 = tpu.memref_slice %arg3[%add3A_38, %dma_start3A_41] : memref<12840x128xi32, #tpu.memory_space<hbm>> -> memref<40x128xi32, #tpu.memory_space<hbm>>
      tpu.enqueue_dma source(%dma_start3A_42 : memref<40x128xi32, #tpu.memory_space<hbm>>) target(%arg9 : memref<40x128xi32, #tpu.memory_space<vmem>>) target_semaphore(%arg15 : memref<!tpu.dma_semaphore, #tpu.memory_space<semaphore_mem>>)
      %dma_start3A_43 = arith.constant 0 : i32
      %dma_start3A_44 = tpu.memref_slice %arg4[%add3A_38, %dma_start3A_43] : memref<12840x128xi32, #tpu.memory_space<hbm>> -> memref<40x128xi32, #tpu.memory_space<hbm>>
      %dma_start3A_45 = arith.constant 0 : i32
      %dma_start3A_46 = tpu.memref_slice %arg4[%add3A_38, %dma_start3A_45] : memref<12840x128xi32, #tpu.memory_space<hbm>> -> memref<40x128xi32, #tpu.memory_space<hbm>>
      tpu.enqueue_dma source(%dma_start3A_46 : memref<40x128xi32, #tpu.memory_space<hbm>>) target(%arg10 : memref<40x128xi32, #tpu.memory_space<vmem>>) target_semaphore(%arg15 : memref<!tpu.dma_semaphore, #tpu.memory_space<semaphore_mem>>)
      %scan3A_47 = arith.constant 0 : i32
      %scan3A_48 = arith.constant 10 : i32
      %scan3A_49 = arith.addi %scan3A_47, %scan3A_48 : i32
      %scan3A_50 = arith.constant 1 : i32
      scf.for %scan3A_75 = %scan3A_47 to %scan3A_49 step %scan3A_50  : i32 {
        %mul3A_76 = arith.constant 1 : i32
        %mul3A_77 = arith.muli %scan3A_75, %mul3A_76 : i32
        %add3A_78 = arith.constant 0 : i32
        %add3A_79 = arith.addi %add3A_78, %mul3A_77 : i32
        %mul3A_80 = arith.constant 4 : i32
        %mul3A_81 = arith.muli %mul3A_80, %add3A_79 : i32
        %add3A_82 = arith.constant 0 : i32
        %add3A_83 = arith.addi %mul3A_81, %add3A_82 : i32
        %dma_start3A_84 = arith.constant 0 : i32
        %dma_start3A_85 = arith.constant 0 : i32
        %dma_start3A_86 = arith.constant 0 : i32
        %dma_start3A_87 = tpu.memref_slice %arg11[%dma_start3A_84, %dma_start3A_85, %dma_start3A_86] : memref<2x128x16xf32, #tpu.memory_space<vmem>> -> memref<1x128x16xf32, #tpu.memory_space<vmem>>
        %dma_start3A_88 = tpu.memref_squeeze %dma_start3A_87 : memref<1x128x16xf32, #tpu.memory_space<vmem>> -> memref<128x16xf32, #tpu.memory_space<vmem>>
        %dma_start3A_89 = arith.constant 0 : i32
        %dma_start3A_90 = tpu.memref_slice %arg7[%add3A_83, %dma_start3A_89] : memref<40x128xi32, #tpu.memory_space<vmem>> -> memref<1x128xi32, #tpu.memory_space<vmem>>
        %dma_start3A_91 = tpu.memref_squeeze %dma_start3A_90 : memref<1x128xi32, #tpu.memory_space<vmem>> -> memref<128xi32, #tpu.memory_space<vmem>>
        %dma_start3A_92 = arith.constant 0 : i32
        %dma_start3A_93 = arith.constant 0 : i32
        %dma_start3A_94 = tpu.memref_slice %arg2[%arg0, %dma_start3A_92, %dma_start3A_93] : memref<2x102272x16xf32, #tpu.memory_space<hbm>> -> memref<1x102272x16xf32, #tpu.memory_space<hbm>>
        %dma_start3A_95 = tpu.memref_squeeze %dma_start3A_94 : memref<1x102272x16xf32, #tpu.memory_space<hbm>> -> memref<102272x16xf32, #tpu.memory_space<hbm>>
        %dma_start3A_96 = arith.constant 0 : i32
        %dma_start3A_97 = arith.constant 0 : i32
        %dma_start3A_98 = tpu.memref_slice %dma_start3A_95[%dma_start3A_96, %dma_start3A_97] : memref<102272x16xf32, #tpu.memory_space<hbm>> -> memref<102272x16xf32, #tpu.memory_space<hbm>>
        tpu.enqueue_indirect_dma source(%dma_start3A_98 : memref<102272x16xf32, #tpu.memory_space<hbm>>) target(%dma_start3A_88 : memref<128x16xf32, #tpu.memory_space<vmem>>) offsets(%dma_start3A_91 : memref<128xi32, #tpu.memory_space<vmem>>) semaphore(%arg16 : memref<!tpu.dma_semaphore, #tpu.memory_space<semaphore_mem>>)
        %add3A_99 = arith.constant 1 : i32
        %add3A_100 = arith.addi %mul3A_81, %add3A_99 : i32
        %dma_start3A_101 = arith.constant 1 : i32
        %dma_start3A_102 = arith.constant 0 : i32
        %dma_start3A_103 = arith.constant 0 : i32
        %dma_start3A_104 = tpu.memref_slice %arg11[%dma_start3A_101, %dma_start3A_102, %dma_start3A_103] : memref<2x128x16xf32, #tpu.memory_space<vmem>> -> memref<1x128x16xf32, #tpu.memory_space<vmem>>
        %dma_start3A_105 = tpu.memref_squeeze %dma_start3A_104 : memref<1x128x16xf32, #tpu.memory_space<vmem>> -> memref<128x16xf32, #tpu.memory_space<vmem>>
        %dma_start3A_106 = arith.constant 0 : i32
        %dma_start3A_107 = tpu.memref_slice %arg7[%add3A_100, %dma_start3A_106] : memref<40x128xi32, #tpu.memory_space<vmem>> -> memref<1x128xi32, #tpu.memory_space<vmem>>
        %dma_start3A_108 = tpu.memref_squeeze %dma_start3A_107 : memref<1x128xi32, #tpu.memory_space<vmem>> -> memref<128xi32, #tpu.memory_space<vmem>>
        %dma_start3A_109 = arith.constant 0 : i32
        %dma_start3A_110 = arith.constant 0 : i32
        %dma_start3A_111 = tpu.memref_slice %arg2[%arg0, %dma_start3A_109, %dma_start3A_110] : memref<2x102272x16xf32, #tpu.memory_space<hbm>> -> memref<1x102272x16xf32, #tpu.memory_space<hbm>>
        %dma_start3A_112 = tpu.memref_squeeze %dma_start3A_111 : memref<1x102272x16xf32, #tpu.memory_space<hbm>> -> memref<102272x16xf32, #tpu.memory_space<hbm>>
        %dma_start3A_113 = arith.constant 0 : i32
        %dma_start3A_114 = arith.constant 0 : i32
        %dma_start3A_115 = tpu.memref_slice %dma_start3A_112[%dma_start3A_113, %dma_start3A_114] : memref<102272x16xf32, #tpu.memory_space<hbm>> -> memref<102272x16xf32, #tpu.memory_space<hbm>>
        tpu.enqueue_indirect_dma source(%dma_start3A_115 : memref<102272x16xf32, #tpu.memory_space<hbm>>) target(%dma_start3A_105 : memref<128x16xf32, #tpu.memory_space<vmem>>) offsets(%dma_start3A_108 : memref<128xi32, #tpu.memory_space<vmem>>) semaphore(%arg16 : memref<!tpu.dma_semaphore, #tpu.memory_space<semaphore_mem>>)
        %add3A_116 = arith.constant 2 : i32
        %add3A_117 = arith.addi %mul3A_81, %add3A_116 : i32
        %add3A_118 = arith.constant 0 : i32
        %add3A_119 = arith.addi %add3A_117, %add3A_118 : i32
        %dma_start3A_120 = arith.constant 0 : i32
        %dma_start3A_121 = arith.constant 0 : i32
        %dma_start3A_122 = arith.constant 0 : i32
        %dma_start3A_123 = tpu.memref_slice %arg12[%dma_start3A_120, %dma_start3A_121, %dma_start3A_122] : memref<2x128x16xf32, #tpu.memory_space<vmem>> -> memref<1x128x16xf32, #tpu.memory_space<vmem>>
        %dma_start3A_124 = tpu.memref_squeeze %dma_start3A_123 : memref<1x128x16xf32, #tpu.memory_space<vmem>> -> memref<128x16xf32, #tpu.memory_space<vmem>>
        %dma_start3A_125 = arith.constant 0 : i32
        %dma_start3A_126 = tpu.memref_slice %arg7[%add3A_119, %dma_start3A_125] : memref<40x128xi32, #tpu.memory_space<vmem>> -> memref<1x128xi32, #tpu.memory_space<vmem>>
        %dma_start3A_127 = tpu.memref_squeeze %dma_start3A_126 : memref<1x128xi32, #tpu.memory_space<vmem>> -> memref<128xi32, #tpu.memory_space<vmem>>
        %dma_start3A_128 = arith.constant 0 : i32
        %dma_start3A_129 = arith.constant 0 : i32
        %dma_start3A_130 = tpu.memref_slice %arg2[%arg0, %dma_start3A_128, %dma_start3A_129] : memref<2x102272x16xf32, #tpu.memory_space<hbm>> -> memref<1x102272x16xf32, #tpu.memory_space<hbm>>
        %dma_start3A_131 = tpu.memref_squeeze %dma_start3A_130 : memref<1x102272x16xf32, #tpu.memory_space<hbm>> -> memref<102272x16xf32, #tpu.memory_space<hbm>>
        %dma_start3A_132 = arith.constant 0 : i32
        %dma_start3A_133 = arith.constant 0 : i32
        %dma_start3A_134 = tpu.memref_slice %dma_start3A_131[%dma_start3A_132, %dma_start3A_133] : memref<102272x16xf32, #tpu.memory_space<hbm>> -> memref<102272x16xf32, #tpu.memory_space<hbm>>
        tpu.enqueue_indirect_dma source(%dma_start3A_134 : memref<102272x16xf32, #tpu.memory_space<hbm>>) target(%dma_start3A_124 : memref<128x16xf32, #tpu.memory_space<vmem>>) offsets(%dma_start3A_127 : memref<128xi32, #tpu.memory_space<vmem>>) semaphore(%arg17 : memref<!tpu.dma_semaphore, #tpu.memory_space<semaphore_mem>>)
        %add3A_135 = arith.constant 2 : i32
        %add3A_136 = arith.addi %mul3A_81, %add3A_135 : i32
        %add3A_137 = arith.constant 1 : i32
        %add3A_138 = arith.addi %add3A_136, %add3A_137 : i32
        %dma_start3A_139 = arith.constant 1 : i32
        %dma_start3A_140 = arith.constant 0 : i32
        %dma_start3A_141 = arith.constant 0 : i32
        %dma_start3A_142 = tpu.memref_slice %arg12[%dma_start3A_139, %dma_start3A_140, %dma_start3A_141] : memref<2x128x16xf32, #tpu.memory_space<vmem>> -> memref<1x128x16xf32, #tpu.memory_space<vmem>>
        %dma_start3A_143 = tpu.memref_squeeze %dma_start3A_142 : memref<1x128x16xf32, #tpu.memory_space<vmem>> -> memref<128x16xf32, #tpu.memory_space<vmem>>
        %dma_start3A_144 = arith.constant 0 : i32
        %dma_start3A_145 = tpu.memref_slice %arg7[%add3A_138, %dma_start3A_144] : memref<40x128xi32, #tpu.memory_space<vmem>> -> memref<1x128xi32, #tpu.memory_space<vmem>>
        %dma_start3A_146 = tpu.memref_squeeze %dma_start3A_145 : memref<1x128xi32, #tpu.memory_space<vmem>> -> memref<128xi32, #tpu.memory_space<vmem>>
        %dma_start3A_147 = arith.constant 0 : i32
        %dma_start3A_148 = arith.constant 0 : i32
        %dma_start3A_149 = tpu.memref_slice %arg2[%arg0, %dma_start3A_147, %dma_start3A_148] : memref<2x102272x16xf32, #tpu.memory_space<hbm>> -> memref<1x102272x16xf32, #tpu.memory_space<hbm>>
        %dma_start3A_150 = tpu.memref_squeeze %dma_start3A_149 : memref<1x102272x16xf32, #tpu.memory_space<hbm>> -> memref<102272x16xf32, #tpu.memory_space<hbm>>
        %dma_start3A_151 = arith.constant 0 : i32
        %dma_start3A_152 = arith.constant 0 : i32
        %dma_start3A_153 = tpu.memref_slice %dma_start3A_150[%dma_start3A_151, %dma_start3A_152] : memref<102272x16xf32, #tpu.memory_space<hbm>> -> memref<102272x16xf32, #tpu.memory_space<hbm>>
        tpu.enqueue_indirect_dma source(%dma_start3A_153 : memref<102272x16xf32, #tpu.memory_space<hbm>>) target(%dma_start3A_143 : memref<128x16xf32, #tpu.memory_space<vmem>>) offsets(%dma_start3A_146 : memref<128xi32, #tpu.memory_space<vmem>>) semaphore(%arg17 : memref<!tpu.dma_semaphore, #tpu.memory_space<semaphore_mem>>)
        %dma_wait3A_154 = arith.constant 0 : i32
        %dma_wait3A_155 = arith.constant 0 : i32
        %dma_wait3A_156 = arith.constant 0 : i32
        %dma_wait3A_157 = tpu.memref_slice %arg11[%dma_wait3A_154, %dma_wait3A_155, %dma_wait3A_156] : memref<2x128x16xf32, #tpu.memory_space<vmem>> -> memref<1x128x16xf32, #tpu.memory_space<vmem>>
        %dma_wait3A_158 = tpu.memref_squeeze %dma_wait3A_157 : memref<1x128x16xf32, #tpu.memory_space<vmem>> -> memref<128x16xf32, #tpu.memory_space<vmem>>
        %dma_wait3A_159 = arith.constant 0 : i32
        %dma_wait3A_160 = tpu.memref_slice %arg7[%add3A_83, %dma_wait3A_159] : memref<40x128xi32, #tpu.memory_space<vmem>> -> memref<1x128xi32, #tpu.memory_space<vmem>>
        %dma_wait3A_161 = tpu.memref_squeeze %dma_wait3A_160 : memref<1x128xi32, #tpu.memory_space<vmem>> -> memref<128xi32, #tpu.memory_space<vmem>>
        %dma_wait3A_162 = arith.constant 0 : i32
        %dma_wait3A_163 = arith.constant 0 : i32
        %dma_wait3A_164 = tpu.memref_slice %arg2[%arg0, %dma_wait3A_162, %dma_wait3A_163] : memref<2x102272x16xf32, #tpu.memory_space<hbm>> -> memref<1x102272x16xf32, #tpu.memory_space<hbm>>
        %dma_wait3A_165 = tpu.memref_squeeze %dma_wait3A_164 : memref<1x102272x16xf32, #tpu.memory_space<hbm>> -> memref<102272x16xf32, #tpu.memory_space<hbm>>
        %dma_wait3A_166 = arith.constant 0 : i32
        %dma_wait3A_167 = arith.constant 0 : i32
        %dma_wait3A_168 = tpu.memref_slice %dma_wait3A_165[%dma_wait3A_166, %dma_wait3A_167] : memref<102272x16xf32, #tpu.memory_space<hbm>> -> memref<102272x16xf32, #tpu.memory_space<hbm>>
        tpu.wait_indirect_dma semaphore(%arg16 : memref<!tpu.dma_semaphore, #tpu.memory_space<semaphore_mem>>) src(%dma_wait3A_168 : memref<102272x16xf32, #tpu.memory_space<hbm>>) dst(%dma_wait3A_158 : memref<128x16xf32, #tpu.memory_space<vmem>>)
        %dma_wait3A_169 = arith.constant 1 : i32
        %dma_wait3A_170 = arith.constant 0 : i32
        %dma_wait3A_171 = arith.constant 0 : i32
        %dma_wait3A_172 = tpu.memref_slice %arg11[%dma_wait3A_169, %dma_wait3A_170, %dma_wait3A_171] : memref<2x128x16xf32, #tpu.memory_space<vmem>> -> memref<1x128x16xf32, #tpu.memory_space<vmem>>
        %dma_wait3A_173 = tpu.memref_squeeze %dma_wait3A_172 : memref<1x128x16xf32, #tpu.memory_space<vmem>> -> memref<128x16xf32, #tpu.memory_space<vmem>>
        %dma_wait3A_174 = arith.constant 0 : i32
        %dma_wait3A_175 = tpu.memref_slice %arg7[%add3A_100, %dma_wait3A_174] : memref<40x128xi32, #tpu.memory_space<vmem>> -> memref<1x128xi32, #tpu.memory_space<vmem>>
        %dma_wait3A_176 = tpu.memref_squeeze %dma_wait3A_175 : memref<1x128xi32, #tpu.memory_space<vmem>> -> memref<128xi32, #tpu.memory_space<vmem>>
        %dma_wait3A_177 = arith.constant 0 : i32
        %dma_wait3A_178 = arith.constant 0 : i32
        %dma_wait3A_179 = tpu.memref_slice %arg2[%arg0, %dma_wait3A_177, %dma_wait3A_178] : memref<2x102272x16xf32, #tpu.memory_space<hbm>> -> memref<1x102272x16xf32, #tpu.memory_space<hbm>>
        %dma_wait3A_180 = tpu.memref_squeeze %dma_wait3A_179 : memref<1x102272x16xf32, #tpu.memory_space<hbm>> -> memref<102272x16xf32, #tpu.memory_space<hbm>>
        %dma_wait3A_181 = arith.constant 0 : i32
        %dma_wait3A_182 = arith.constant 0 : i32
        %dma_wait3A_183 = tpu.memref_slice %dma_wait3A_180[%dma_wait3A_181, %dma_wait3A_182] : memref<102272x16xf32, #tpu.memory_space<hbm>> -> memref<102272x16xf32, #tpu.memory_space<hbm>>
        tpu.wait_indirect_dma semaphore(%arg16 : memref<!tpu.dma_semaphore, #tpu.memory_space<semaphore_mem>>) src(%dma_wait3A_183 : memref<102272x16xf32, #tpu.memory_space<hbm>>) dst(%dma_wait3A_173 : memref<128x16xf32, #tpu.memory_space<vmem>>)
        %add3A_184 = arith.constant 0 : i32
        %add3A_185 = arith.addi %mul3A_81, %add3A_184 : i32
        %dma_start3A_186 = arith.constant 0 : i32
        %dma_start3A_187 = arith.constant 0 : i32
        %dma_start3A_188 = arith.constant 0 : i32
        %dma_start3A_189 = tpu.memref_slice %arg11[%dma_start3A_186, %dma_start3A_187, %dma_start3A_188] : memref<2x128x16xf32, #tpu.memory_space<vmem>> -> memref<1x128x16xf32, #tpu.memory_space<vmem>>
        %dma_start3A_190 = tpu.memref_squeeze %dma_start3A_189 : memref<1x128x16xf32, #tpu.memory_space<vmem>> -> memref<128x16xf32, #tpu.memory_space<vmem>>
        %dma_start3A_191 = arith.constant 0 : i32
        %dma_start3A_192 = tpu.memref_slice %arg8[%add3A_185, %dma_start3A_191] : memref<40x128xi32, #tpu.memory_space<vmem>> -> memref<1x128xi32, #tpu.memory_space<vmem>>
        %dma_start3A_193 = tpu.memref_squeeze %dma_start3A_192 : memref<1x128xi32, #tpu.memory_space<vmem>> -> memref<128xi32, #tpu.memory_space<vmem>>
        %dma_start3A_194 = arith.constant 0 : i32
        %dma_start3A_195 = arith.constant 0 : i32
        %dma_start3A_196 = tpu.memref_slice %arg13[%dma_start3A_194, %dma_start3A_195] : memref<102272x16xf32, #tpu.memory_space<vmem_shared>> -> memref<102272x16xf32, #tpu.memory_space<vmem_shared>>
        tpu.enqueue_indirect_dma source(%dma_start3A_190 : memref<128x16xf32, #tpu.memory_space<vmem>>) target(%dma_start3A_196 : memref<102272x16xf32, #tpu.memory_space<vmem_shared>>) offsets(%dma_start3A_193 : memref<128xi32, #tpu.memory_space<vmem>>) semaphore(%arg18 : memref<!tpu.dma_semaphore, #tpu.memory_space<semaphore_mem>>) {add = true}
        %add3A_197 = arith.constant 1 : i32
        %add3A_198 = arith.addi %mul3A_81, %add3A_197 : i32
        %dma_start3A_199 = arith.constant 1 : i32
        %dma_start3A_200 = arith.constant 0 : i32
        %dma_start3A_201 = arith.constant 0 : i32
        %dma_start3A_202 = tpu.memref_slice %arg11[%dma_start3A_199, %dma_start3A_200, %dma_start3A_201] : memref<2x128x16xf32, #tpu.memory_space<vmem>> -> memref<1x128x16xf32, #tpu.memory_space<vmem>>
        %dma_start3A_203 = tpu.memref_squeeze %dma_start3A_202 : memref<1x128x16xf32, #tpu.memory_space<vmem>> -> memref<128x16xf32, #tpu.memory_space<vmem>>
        %dma_start3A_204 = arith.constant 0 : i32
        %dma_start3A_205 = tpu.memref_slice %arg8[%add3A_198, %dma_start3A_204] : memref<40x128xi32, #tpu.memory_space<vmem>> -> memref<1x128xi32, #tpu.memory_space<vmem>>
        %dma_start3A_206 = tpu.memref_squeeze %dma_start3A_205 : memref<1x128xi32, #tpu.memory_space<vmem>> -> memref<128xi32, #tpu.memory_space<vmem>>
        %dma_start3A_207 = arith.constant 0 : i32
        %dma_start3A_208 = arith.constant 0 : i32
        %dma_start3A_209 = tpu.memref_slice %arg13[%dma_start3A_207, %dma_start3A_208] : memref<102272x16xf32, #tpu.memory_space<vmem_shared>> -> memref<102272x16xf32, #tpu.memory_space<vmem_shared>>
        tpu.enqueue_indirect_dma source(%dma_start3A_203 : memref<128x16xf32, #tpu.memory_space<vmem>>) target(%dma_start3A_209 : memref<102272x16xf32, #tpu.memory_space<vmem_shared>>) offsets(%dma_start3A_206 : memref<128xi32, #tpu.memory_space<vmem>>) semaphore(%arg18 : memref<!tpu.dma_semaphore, #tpu.memory_space<semaphore_mem>>) {add = true}
        %dma_wait3A_210 = arith.constant 0 : i32
        %dma_wait3A_211 = arith.constant 0 : i32
        %dma_wait3A_212 = arith.constant 0 : i32
        %dma_wait3A_213 = tpu.memref_slice %arg12[%dma_wait3A_210, %dma_wait3A_211, %dma_wait3A_212] : memref<2x128x16xf32, #tpu.memory_space<vmem>> -> memref<1x128x16xf32, #tpu.memory_space<vmem>>
        %dma_wait3A_214 = tpu.memref_squeeze %dma_wait3A_213 : memref<1x128x16xf32, #tpu.memory_space<vmem>> -> memref<128x16xf32, #tpu.memory_space<vmem>>
        %dma_wait3A_215 = arith.constant 0 : i32
        %dma_wait3A_216 = tpu.memref_slice %arg7[%add3A_119, %dma_wait3A_215] : memref<40x128xi32, #tpu.memory_space<vmem>> -> memref<1x128xi32, #tpu.memory_space<vmem>>
        %dma_wait3A_217 = tpu.memref_squeeze %dma_wait3A_216 : memref<1x128xi32, #tpu.memory_space<vmem>> -> memref<128xi32, #tpu.memory_space<vmem>>
        %dma_wait3A_218 = arith.constant 0 : i32
        %dma_wait3A_219 = arith.constant 0 : i32
        %dma_wait3A_220 = tpu.memref_slice %arg2[%arg0, %dma_wait3A_218, %dma_wait3A_219] : memref<2x102272x16xf32, #tpu.memory_space<hbm>> -> memref<1x102272x16xf32, #tpu.memory_space<hbm>>
        %dma_wait3A_221 = tpu.memref_squeeze %dma_wait3A_220 : memref<1x102272x16xf32, #tpu.memory_space<hbm>> -> memref<102272x16xf32, #tpu.memory_space<hbm>>
        %dma_wait3A_222 = arith.constant 0 : i32
        %dma_wait3A_223 = arith.constant 0 : i32
        %dma_wait3A_224 = tpu.memref_slice %dma_wait3A_221[%dma_wait3A_222, %dma_wait3A_223] : memref<102272x16xf32, #tpu.memory_space<hbm>> -> memref<102272x16xf32, #tpu.memory_space<hbm>>
        tpu.wait_indirect_dma semaphore(%arg17 : memref<!tpu.dma_semaphore, #tpu.memory_space<semaphore_mem>>) src(%dma_wait3A_224 : memref<102272x16xf32, #tpu.memory_space<hbm>>) dst(%dma_wait3A_214 : memref<128x16xf32, #tpu.memory_space<vmem>>)
        %dma_wait3A_225 = arith.constant 1 : i32
        %dma_wait3A_226 = arith.constant 0 : i32
        %dma_wait3A_227 = arith.constant 0 : i32
        %dma_wait3A_228 = tpu.memref_slice %arg12[%dma_wait3A_225, %dma_wait3A_226, %dma_wait3A_227] : memref<2x128x16xf32, #tpu.memory_space<vmem>> -> memref<1x128x16xf32, #tpu.memory_space<vmem>>
        %dma_wait3A_229 = tpu.memref_squeeze %dma_wait3A_228 : memref<1x128x16xf32, #tpu.memory_space<vmem>> -> memref<128x16xf32, #tpu.memory_space<vmem>>
        %dma_wait3A_230 = arith.constant 0 : i32
        %dma_wait3A_231 = tpu.memref_slice %arg7[%add3A_138, %dma_wait3A_230] : memref<40x128xi32, #tpu.memory_space<vmem>> -> memref<1x128xi32, #tpu.memory_space<vmem>>
        %dma_wait3A_232 = tpu.memref_squeeze %dma_wait3A_231 : memref<1x128xi32, #tpu.memory_space<vmem>> -> memref<128xi32, #tpu.memory_space<vmem>>
        %dma_wait3A_233 = arith.constant 0 : i32
        %dma_wait3A_234 = arith.constant 0 : i32
        %dma_wait3A_235 = tpu.memref_slice %arg2[%arg0, %dma_wait3A_233, %dma_wait3A_234] : memref<2x102272x16xf32, #tpu.memory_space<hbm>> -> memref<1x102272x16xf32, #tpu.memory_space<hbm>>
        %dma_wait3A_236 = tpu.memref_squeeze %dma_wait3A_235 : memref<1x102272x16xf32, #tpu.memory_space<hbm>> -> memref<102272x16xf32, #tpu.memory_space<hbm>>
        %dma_wait3A_237 = arith.constant 0 : i32
        %dma_wait3A_238 = arith.constant 0 : i32
        %dma_wait3A_239 = tpu.memref_slice %dma_wait3A_236[%dma_wait3A_237, %dma_wait3A_238] : memref<102272x16xf32, #tpu.memory_space<hbm>> -> memref<102272x16xf32, #tpu.memory_space<hbm>>
        tpu.wait_indirect_dma semaphore(%arg17 : memref<!tpu.dma_semaphore, #tpu.memory_space<semaphore_mem>>) src(%dma_wait3A_239 : memref<102272x16xf32, #tpu.memory_space<hbm>>) dst(%dma_wait3A_229 : memref<128x16xf32, #tpu.memory_space<vmem>>)
        %add3A_240 = arith.constant 2 : i32
        %add3A_241 = arith.addi %mul3A_81, %add3A_240 : i32
        %add3A_242 = arith.constant 0 : i32
        %add3A_243 = arith.addi %add3A_241, %add3A_242 : i32
        %dma_start3A_244 = arith.constant 0 : i32
        %dma_start3A_245 = arith.constant 0 : i32
        %dma_start3A_246 = arith.constant 0 : i32
        %dma_start3A_247 = tpu.memref_slice %arg12[%dma_start3A_244, %dma_start3A_245, %dma_start3A_246] : memref<2x128x16xf32, #tpu.memory_space<vmem>> -> memref<1x128x16xf32, #tpu.memory_space<vmem>>
        %dma_start3A_248 = tpu.memref_squeeze %dma_start3A_247 : memref<1x128x16xf32, #tpu.memory_space<vmem>> -> memref<128x16xf32, #tpu.memory_space<vmem>>
        %dma_start3A_249 = arith.constant 0 : i32
        %dma_start3A_250 = tpu.memref_slice %arg8[%add3A_243, %dma_start3A_249] : memref<40x128xi32, #tpu.memory_space<vmem>> -> memref<1x128xi32, #tpu.memory_space<vmem>>
        %dma_start3A_251 = tpu.memref_squeeze %dma_start3A_250 : memref<1x128xi32, #tpu.memory_space<vmem>> -> memref<128xi32, #tpu.memory_space<vmem>>
        %dma_start3A_252 = arith.constant 0 : i32
        %dma_start3A_253 = arith.constant 0 : i32
        %dma_start3A_254 = tpu.memref_slice %arg13[%dma_start3A_252, %dma_start3A_253] : memref<102272x16xf32, #tpu.memory_space<vmem_shared>> -> memref<102272x16xf32, #tpu.memory_space<vmem_shared>>
        tpu.enqueue_indirect_dma source(%dma_start3A_248 : memref<128x16xf32, #tpu.memory_space<vmem>>) target(%dma_start3A_254 : memref<102272x16xf32, #tpu.memory_space<vmem_shared>>) offsets(%dma_start3A_251 : memref<128xi32, #tpu.memory_space<vmem>>) semaphore(%arg19 : memref<!tpu.dma_semaphore, #tpu.memory_space<semaphore_mem>>) {add = true}
        %add3A_255 = arith.constant 2 : i32
        %add3A_256 = arith.addi %mul3A_81, %add3A_255 : i32
        %add3A_257 = arith.constant 1 : i32
        %add3A_258 = arith.addi %add3A_256, %add3A_257 : i32
        %dma_start3A_259 = arith.constant 1 : i32
        %dma_start3A_260 = arith.constant 0 : i32
        %dma_start3A_261 = arith.constant 0 : i32
        %dma_start3A_262 = tpu.memref_slice %arg12[%dma_start3A_259, %dma_start3A_260, %dma_start3A_261] : memref<2x128x16xf32, #tpu.memory_space<vmem>> -> memref<1x128x16xf32, #tpu.memory_space<vmem>>
        %dma_start3A_263 = tpu.memref_squeeze %dma_start3A_262 : memref<1x128x16xf32, #tpu.memory_space<vmem>> -> memref<128x16xf32, #tpu.memory_space<vmem>>
        %dma_start3A_264 = arith.constant 0 : i32
        %dma_start3A_265 = tpu.memref_slice %arg8[%add3A_258, %dma_start3A_264] : memref<40x128xi32, #tpu.memory_space<vmem>> -> memref<1x128xi32, #tpu.memory_space<vmem>>
        %dma_start3A_266 = tpu.memref_squeeze %dma_start3A_265 : memref<1x128xi32, #tpu.memory_space<vmem>> -> memref<128xi32, #tpu.memory_space<vmem>>
        %dma_start3A_267 = arith.constant 0 : i32
        %dma_start3A_268 = arith.constant 0 : i32
        %dma_start3A_269 = tpu.memref_slice %arg13[%dma_start3A_267, %dma_start3A_268] : memref<102272x16xf32, #tpu.memory_space<vmem_shared>> -> memref<102272x16xf32, #tpu.memory_space<vmem_shared>>
        tpu.enqueue_indirect_dma source(%dma_start3A_263 : memref<128x16xf32, #tpu.memory_space<vmem>>) target(%dma_start3A_269 : memref<102272x16xf32, #tpu.memory_space<vmem_shared>>) offsets(%dma_start3A_266 : memref<128xi32, #tpu.memory_space<vmem>>) semaphore(%arg19 : memref<!tpu.dma_semaphore, #tpu.memory_space<semaphore_mem>>) {add = true}
        %dma_wait3A_270 = arith.constant 0 : i32
        %dma_wait3A_271 = arith.constant 0 : i32
        %dma_wait3A_272 = arith.constant 0 : i32
        %dma_wait3A_273 = tpu.memref_slice %arg11[%dma_wait3A_270, %dma_wait3A_271, %dma_wait3A_272] : memref<2x128x16xf32, #tpu.memory_space<vmem>> -> memref<1x128x16xf32, #tpu.memory_space<vmem>>
        %dma_wait3A_274 = tpu.memref_squeeze %dma_wait3A_273 : memref<1x128x16xf32, #tpu.memory_space<vmem>> -> memref<128x16xf32, #tpu.memory_space<vmem>>
        %dma_wait3A_275 = arith.constant 0 : i32
        %dma_wait3A_276 = tpu.memref_slice %arg8[%add3A_185, %dma_wait3A_275] : memref<40x128xi32, #tpu.memory_space<vmem>> -> memref<1x128xi32, #tpu.memory_space<vmem>>
        %dma_wait3A_277 = tpu.memref_squeeze %dma_wait3A_276 : memref<1x128xi32, #tpu.memory_space<vmem>> -> memref<128xi32, #tpu.memory_space<vmem>>
        %dma_wait3A_278 = arith.constant 0 : i32
        %dma_wait3A_279 = arith.constant 0 : i32
        %dma_wait3A_280 = tpu.memref_slice %arg13[%dma_wait3A_278, %dma_wait3A_279] : memref<102272x16xf32, #tpu.memory_space<vmem_shared>> -> memref<102272x16xf32, #tpu.memory_space<vmem_shared>>
        tpu.wait_indirect_dma semaphore(%arg18 : memref<!tpu.dma_semaphore, #tpu.memory_space<semaphore_mem>>) src(%dma_wait3A_274 : memref<128x16xf32, #tpu.memory_space<vmem>>) dst(%dma_wait3A_280 : memref<102272x16xf32, #tpu.memory_space<vmem_shared>>)
        %dma_wait3A_281 = arith.constant 1 : i32
        %dma_wait3A_282 = arith.constant 0 : i32
        %dma_wait3A_283 = arith.constant 0 : i32
        %dma_wait3A_284 = tpu.memref_slice %arg11[%dma_wait3A_281, %dma_wait3A_282, %dma_wait3A_283] : memref<2x128x16xf32, #tpu.memory_space<vmem>> -> memref<1x128x16xf32, #tpu.memory_space<vmem>>
        %dma_wait3A_285 = tpu.memref_squeeze %dma_wait3A_284 : memref<1x128x16xf32, #tpu.memory_space<vmem>> -> memref<128x16xf32, #tpu.memory_space<vmem>>
        %dma_wait3A_286 = arith.constant 0 : i32
        %dma_wait3A_287 = tpu.memref_slice %arg8[%add3A_198, %dma_wait3A_286] : memref<40x128xi32, #tpu.memory_space<vmem>> -> memref<1x128xi32, #tpu.memory_space<vmem>>
        %dma_wait3A_288 = tpu.memref_squeeze %dma_wait3A_287 : memref<1x128xi32, #tpu.memory_space<vmem>> -> memref<128xi32, #tpu.memory_space<vmem>>
        %dma_wait3A_289 = arith.constant 0 : i32
        %dma_wait3A_290 = arith.constant 0 : i32
        %dma_wait3A_291 = tpu.memref_slice %arg13[%dma_wait3A_289, %dma_wait3A_290] : memref<102272x16xf32, #tpu.memory_space<vmem_shared>> -> memref<102272x16xf32, #tpu.memory_space<vmem_shared>>
        tpu.wait_indirect_dma semaphore(%arg18 : memref<!tpu.dma_semaphore, #tpu.memory_space<semaphore_mem>>) src(%dma_wait3A_285 : memref<128x16xf32, #tpu.memory_space<vmem>>) dst(%dma_wait3A_291 : memref<102272x16xf32, #tpu.memory_space<vmem_shared>>)
        %dma_wait3A_292 = arith.constant 0 : i32
        %dma_wait3A_293 = arith.constant 0 : i32
        %dma_wait3A_294 = arith.constant 0 : i32
        %dma_wait3A_295 = tpu.memref_slice %arg12[%dma_wait3A_292, %dma_wait3A_293, %dma_wait3A_294] : memref<2x128x16xf32, #tpu.memory_space<vmem>> -> memref<1x128x16xf32, #tpu.memory_space<vmem>>
        %dma_wait3A_296 = tpu.memref_squeeze %dma_wait3A_295 : memref<1x128x16xf32, #tpu.memory_space<vmem>> -> memref<128x16xf32, #tpu.memory_space<vmem>>
        %dma_wait3A_297 = arith.constant 0 : i32
        %dma_wait3A_298 = tpu.memref_slice %arg8[%add3A_243, %dma_wait3A_297] : memref<40x128xi32, #tpu.memory_space<vmem>> -> memref<1x128xi32, #tpu.memory_space<vmem>>
        %dma_wait3A_299 = tpu.memref_squeeze %dma_wait3A_298 : memref<1x128xi32, #tpu.memory_space<vmem>> -> memref<128xi32, #tpu.memory_space<vmem>>
        %dma_wait3A_300 = arith.constant 0 : i32
        %dma_wait3A_301 = arith.constant 0 : i32
        %dma_wait3A_302 = tpu.memref_slice %arg13[%dma_wait3A_300, %dma_wait3A_301] : memref<102272x16xf32, #tpu.memory_space<vmem_shared>> -> memref<102272x16xf32, #tpu.memory_space<vmem_shared>>
        tpu.wait_indirect_dma semaphore(%arg19 : memref<!tpu.dma_semaphore, #tpu.memory_space<semaphore_mem>>) src(%dma_wait3A_296 : memref<128x16xf32, #tpu.memory_space<vmem>>) dst(%dma_wait3A_302 : memref<102272x16xf32, #tpu.memory_space<vmem_shared>>)
        %dma_wait3A_303 = arith.constant 1 : i32
        %dma_wait3A_304 = arith.constant 0 : i32
        %dma_wait3A_305 = arith.constant 0 : i32
        %dma_wait3A_306 = tpu.memref_slice %arg12[%dma_wait3A_303, %dma_wait3A_304, %dma_wait3A_305] : memref<2x128x16xf32, #tpu.memory_space<vmem>> -> memref<1x128x16xf32, #tpu.memory_space<vmem>>
        %dma_wait3A_307 = tpu.memref_squeeze %dma_wait3A_306 : memref<1x128x16xf32, #tpu.memory_space<vmem>> -> memref<128x16xf32, #tpu.memory_space<vmem>>
        %dma_wait3A_308 = arith.constant 0 : i32
        %dma_wait3A_309 = tpu.memref_slice %arg8[%add3A_258, %dma_wait3A_308] : memref<40x128xi32, #tpu.memory_space<vmem>> -> memref<1x128xi32, #tpu.memory_space<vmem>>
        %dma_wait3A_310 = tpu.memref_squeeze %dma_wait3A_309 : memref<1x128xi32, #tpu.memory_space<vmem>> -> memref<128xi32, #tpu.memory_space<vmem>>
        %dma_wait3A_311 = arith.constant 0 : i32
        %dma_wait3A_312 = arith.constant 0 : i32
        %dma_wait3A_313 = tpu.memref_slice %arg13[%dma_wait3A_311, %dma_wait3A_312] : memref<102272x16xf32, #tpu.memory_space<vmem_shared>> -> memref<102272x16xf32, #tpu.memory_space<vmem_shared>>
        tpu.wait_indirect_dma semaphore(%arg19 : memref<!tpu.dma_semaphore, #tpu.memory_space<semaphore_mem>>) src(%dma_wait3A_307 : memref<128x16xf32, #tpu.memory_space<vmem>>) dst(%dma_wait3A_313 : memref<102272x16xf32, #tpu.memory_space<vmem_shared>>)
      }
      %scan3A_51 = arith.constant 10 : i32
      %dma_wait3A_52 = arith.constant 0 : i32
      %dma_wait3A_53 = tpu.memref_slice %arg3[%mul3A_2, %dma_wait3A_52] : memref<12840x128xi32, #tpu.memory_space<hbm>> -> memref<40x128xi32, #tpu.memory_space<hbm>>
      %dma_wait3A_54 = arith.constant 0 : i32
      %dma_wait3A_55 = tpu.memref_slice %arg3[%mul3A_2, %dma_wait3A_54] : memref<12840x128xi32, #tpu.memory_space<hbm>> -> memref<40x128xi32, #tpu.memory_space<hbm>>
      tpu.wait_dma2 semaphore(%arg15 : memref<!tpu.dma_semaphore, #tpu.memory_space<semaphore_mem>>) src(%dma_wait3A_55 : memref<40x128xi32, #tpu.memory_space<hbm>>) dst(%arg9 : memref<40x128xi32, #tpu.memory_space<vmem>>)
      %dma_wait3A_56 = arith.constant 0 : i32
      %dma_wait3A_57 = tpu.memref_slice %arg4[%mul3A_2, %dma_wait3A_56] : memref<12840x128xi32, #tpu.memory_space<hbm>> -> memref<40x128xi32, #tpu.memory_space<hbm>>
      %dma_wait3A_58 = arith.constant 0 : i32
      %dma_wait3A_59 = tpu.memref_slice %arg4[%mul3A_2, %dma_wait3A_58] : memref<12840x128xi32, #tpu.memory_space<hbm>> -> memref<40x128xi32, #tpu.memory_space<hbm>>
      tpu.wait_dma2 semaphore(%arg15 : memref<!tpu.dma_semaphore, #tpu.memory_space<semaphore_mem>>) src(%dma_wait3A_59 : memref<40x128xi32, #tpu.memory_space<hbm>>) dst(%arg10 : memref<40x128xi32, #tpu.memory_space<vmem>>)
      %add3A_60 = arith.constant 80 : i32
      %add3A_61 = arith.addi %add3A_28, %add3A_60 : i32
      %dma_start3A_62 = arith.constant 0 : i32
      %dma_start3A_63 = tpu.memref_slice %arg3[%add3A_61, %dma_start3A_62] : memref<12840x128xi32, #tpu.memory_space<hbm>> -> memref<40x128xi32, #tpu.memory_space<hbm>>
      %dma_start3A_64 = arith.constant 0 : i32
      %dma_start3A_65 = tpu.memref_slice %arg3[%add3A_61, %dma_start3A_64] : memref<12840x128xi32, #tpu.memory_space<hbm>> -> memref<40x128xi32, #tpu.memory_space<hbm>>
      tpu.enqueue_dma source(%dma_start3A_65 : memref<40x128xi32, #tpu.memory_space<hbm>>) target(%arg7 : memref<40x128xi32, #tpu.memory_space<vmem>>) target_semaphore(%arg14 : memref<!tpu.dma_semaphore, #tpu.memory_space<semaphore_mem>>)
      %dma_start3A_66 = arith.constant 0 : i32
      %dma_start3A_67 = tpu.memref_slice %arg4[%add3A_61, %dma_start3A_66] : memref<12840x128xi32, #tpu.memory_space<hbm>> -> memref<40x128xi32, #tpu.memory_space<hbm>>
      %dma_start3A_68 = arith.constant 0 : i32
      %dma_start3A_69 = tpu.memref_slice %arg4[%add3A_61, %dma_start3A_68] : memref<12840x128xi32, #tpu.memory_space<hbm>> -> memref<40x128xi32, #tpu.memory_space<hbm>>
      tpu.enqueue_dma source(%dma_start3A_69 : memref<40x128xi32, #tpu.memory_space<hbm>>) target(%arg8 : memref<40x128xi32, #tpu.memory_space<vmem>>) target_semaphore(%arg14 : memref<!tpu.dma_semaphore, #tpu.memory_space<semaphore_mem>>)
      %scan3A_70 = arith.constant 0 : i32
      %scan3A_71 = arith.constant 10 : i32
      %scan3A_72 = arith.addi %scan3A_70, %scan3A_71 : i32
      %scan3A_73 = arith.constant 1 : i32
      scf.for %scan3A_75 = %scan3A_70 to %scan3A_72 step %scan3A_73  : i32 {
        %mul3A_76 = arith.constant 1 : i32
        %mul3A_77 = arith.muli %scan3A_75, %mul3A_76 : i32
        %add3A_78 = arith.constant 0 : i32
        %add3A_79 = arith.addi %add3A_78, %mul3A_77 : i32
        %mul3A_80 = arith.constant 4 : i32
        %mul3A_81 = arith.muli %mul3A_80, %add3A_79 : i32
        %add3A_82 = arith.constant 0 : i32
        %add3A_83 = arith.addi %mul3A_81, %add3A_82 : i32
        %dma_start3A_84 = arith.constant 0 : i32
        %dma_start3A_85 = arith.constant 0 : i32
        %dma_start3A_86 = arith.constant 0 : i32
        %dma_start3A_87 = tpu.memref_slice %arg11[%dma_start3A_84, %dma_start3A_85, %dma_start3A_86] : memref<2x128x16xf32, #tpu.memory_space<vmem>> -> memref<1x128x16xf32, #tpu.memory_space<vmem>>
        %dma_start3A_88 = tpu.memref_squeeze %dma_start3A_87 : memref<1x128x16xf32, #tpu.memory_space<vmem>> -> memref<128x16xf32, #tpu.memory_space<vmem>>
        %dma_start3A_89 = arith.constant 0 : i32
        %dma_start3A_90 = tpu.memref_slice %arg9[%add3A_83, %dma_start3A_89] : memref<40x128xi32, #tpu.memory_space<vmem>> -> memref<1x128xi32, #tpu.memory_space<vmem>>
        %dma_start3A_91 = tpu.memref_squeeze %dma_start3A_90 : memref<1x128xi32, #tpu.memory_space<vmem>> -> memref<128xi32, #tpu.memory_space<vmem>>
        %dma_start3A_92 = arith.constant 0 : i32
        %dma_start3A_93 = arith.constant 0 : i32
        %dma_start3A_94 = tpu.memref_slice %arg2[%arg0, %dma_start3A_92, %dma_start3A_93] : memref<2x102272x16xf32, #tpu.memory_space<hbm>> -> memref<1x102272x16xf32, #tpu.memory_space<hbm>>
        %dma_start3A_95 = tpu.memref_squeeze %dma_start3A_94 : memref<1x102272x16xf32, #tpu.memory_space<hbm>> -> memref<102272x16xf32, #tpu.memory_space<hbm>>
        %dma_start3A_96 = arith.constant 0 : i32
        %dma_start3A_97 = arith.constant 0 : i32
        %dma_start3A_98 = tpu.memref_slice %dma_start3A_95[%dma_start3A_96, %dma_start3A_97] : memref<102272x16xf32, #tpu.memory_space<hbm>> -> memref<102272x16xf32, #tpu.memory_space<hbm>>
        tpu.enqueue_indirect_dma source(%dma_start3A_98 : memref<102272x16xf32, #tpu.memory_space<hbm>>) target(%dma_start3A_88 : memref<128x16xf32, #tpu.memory_space<vmem>>) offsets(%dma_start3A_91 : memref<128xi32, #tpu.memory_space<vmem>>) semaphore(%arg16 : memref<!tpu.dma_semaphore, #tpu.memory_space<semaphore_mem>>)
        %add3A_99 = arith.constant 1 : i32
        %add3A_100 = arith.addi %mul3A_81, %add3A_99 : i32
        %dma_start3A_101 = arith.constant 1 : i32
        %dma_start3A_102 = arith.constant 0 : i32
        %dma_start3A_103 = arith.constant 0 : i32
        %dma_start3A_104 = tpu.memref_slice %arg11[%dma_start3A_101, %dma_start3A_102, %dma_start3A_103] : memref<2x128x16xf32, #tpu.memory_space<vmem>> -> memref<1x128x16xf32, #tpu.memory_space<vmem>>
        %dma_start3A_105 = tpu.memref_squeeze %dma_start3A_104 : memref<1x128x16xf32, #tpu.memory_space<vmem>> -> memref<128x16xf32, #tpu.memory_space<vmem>>
        %dma_start3A_106 = arith.constant 0 : i32
        %dma_start3A_107 = tpu.memref_slice %arg9[%add3A_100, %dma_start3A_106] : memref<40x128xi32, #tpu.memory_space<vmem>> -> memref<1x128xi32, #tpu.memory_space<vmem>>
        %dma_start3A_108 = tpu.memref_squeeze %dma_start3A_107 : memref<1x128xi32, #tpu.memory_space<vmem>> -> memref<128xi32, #tpu.memory_space<vmem>>
        %dma_start3A_109 = arith.constant 0 : i32
        %dma_start3A_110 = arith.constant 0 : i32
        %dma_start3A_111 = tpu.memref_slice %arg2[%arg0, %dma_start3A_109, %dma_start3A_110] : memref<2x102272x16xf32, #tpu.memory_space<hbm>> -> memref<1x102272x16xf32, #tpu.memory_space<hbm>>
        %dma_start3A_112 = tpu.memref_squeeze %dma_start3A_111 : memref<1x102272x16xf32, #tpu.memory_space<hbm>> -> memref<102272x16xf32, #tpu.memory_space<hbm>>
        %dma_start3A_113 = arith.constant 0 : i32
        %dma_start3A_114 = arith.constant 0 : i32
        %dma_start3A_115 = tpu.memref_slice %dma_start3A_112[%dma_start3A_113, %dma_start3A_114] : memref<102272x16xf32, #tpu.memory_space<hbm>> -> memref<102272x16xf32, #tpu.memory_space<hbm>>
        tpu.enqueue_indirect_dma source(%dma_start3A_115 : memref<102272x16xf32, #tpu.memory_space<hbm>>) target(%dma_start3A_105 : memref<128x16xf32, #tpu.memory_space<vmem>>) offsets(%dma_start3A_108 : memref<128xi32, #tpu.memory_space<vmem>>) semaphore(%arg16 : memref<!tpu.dma_semaphore, #tpu.memory_space<semaphore_mem>>)
        %add3A_116 = arith.constant 2 : i32
        %add3A_117 = arith.addi %mul3A_81, %add3A_116 : i32
        %add3A_118 = arith.constant 0 : i32
        %add3A_119 = arith.addi %add3A_117, %add3A_118 : i32
        %dma_start3A_120 = arith.constant 0 : i32
        %dma_start3A_121 = arith.constant 0 : i32
        %dma_start3A_122 = arith.constant 0 : i32
        %dma_start3A_123 = tpu.memref_slice %arg12[%dma_start3A_120, %dma_start3A_121, %dma_start3A_122] : memref<2x128x16xf32, #tpu.memory_space<vmem>> -> memref<1x128x16xf32, #tpu.memory_space<vmem>>
        %dma_start3A_124 = tpu.memref_squeeze %dma_start3A_123 : memref<1x128x16xf32, #tpu.memory_space<vmem>> -> memref<128x16xf32, #tpu.memory_space<vmem>>
        %dma_start3A_125 = arith.constant 0 : i32
        %dma_start3A_126 = tpu.memref_slice %arg9[%add3A_119, %dma_start3A_125] : memref<40x128xi32, #tpu.memory_space<vmem>> -> memref<1x128xi32, #tpu.memory_space<vmem>>
        %dma_start3A_127 = tpu.memref_squeeze %dma_start3A_126 : memref<1x128xi32, #tpu.memory_space<vmem>> -> memref<128xi32, #tpu.memory_space<vmem>>
        %dma_start3A_128 = arith.constant 0 : i32
        %dma_start3A_129 = arith.constant 0 : i32
        %dma_start3A_130 = tpu.memref_slice %arg2[%arg0, %dma_start3A_128, %dma_start3A_129] : memref<2x102272x16xf32, #tpu.memory_space<hbm>> -> memref<1x102272x16xf32, #tpu.memory_space<hbm>>
        %dma_start3A_131 = tpu.memref_squeeze %dma_start3A_130 : memref<1x102272x16xf32, #tpu.memory_space<hbm>> -> memref<102272x16xf32, #tpu.memory_space<hbm>>
        %dma_start3A_132 = arith.constant 0 : i32
        %dma_start3A_133 = arith.constant 0 : i32
        %dma_start3A_134 = tpu.memref_slice %dma_start3A_131[%dma_start3A_132, %dma_start3A_133] : memref<102272x16xf32, #tpu.memory_space<hbm>> -> memref<102272x16xf32, #tpu.memory_space<hbm>>
        tpu.enqueue_indirect_dma source(%dma_start3A_134 : memref<102272x16xf32, #tpu.memory_space<hbm>>) target(%dma_start3A_124 : memref<128x16xf32, #tpu.memory_space<vmem>>) offsets(%dma_start3A_127 : memref<128xi32, #tpu.memory_space<vmem>>) semaphore(%arg17 : memref<!tpu.dma_semaphore, #tpu.memory_space<semaphore_mem>>)
        %add3A_135 = arith.constant 2 : i32
        %add3A_136 = arith.addi %mul3A_81, %add3A_135 : i32
        %add3A_137 = arith.constant 1 : i32
        %add3A_138 = arith.addi %add3A_136, %add3A_137 : i32
        %dma_start3A_139 = arith.constant 1 : i32
        %dma_start3A_140 = arith.constant 0 : i32
        %dma_start3A_141 = arith.constant 0 : i32
        %dma_start3A_142 = tpu.memref_slice %arg12[%dma_start3A_139, %dma_start3A_140, %dma_start3A_141] : memref<2x128x16xf32, #tpu.memory_space<vmem>> -> memref<1x128x16xf32, #tpu.memory_space<vmem>>
        %dma_start3A_143 = tpu.memref_squeeze %dma_start3A_142 : memref<1x128x16xf32, #tpu.memory_space<vmem>> -> memref<128x16xf32, #tpu.memory_space<vmem>>
        %dma_start3A_144 = arith.constant 0 : i32
        %dma_start3A_145 = tpu.memref_slice %arg9[%add3A_138, %dma_start3A_144] : memref<40x128xi32, #tpu.memory_space<vmem>> -> memref<1x128xi32, #tpu.memory_space<vmem>>
        %dma_start3A_146 = tpu.memref_squeeze %dma_start3A_145 : memref<1x128xi32, #tpu.memory_space<vmem>> -> memref<128xi32, #tpu.memory_space<vmem>>
        %dma_start3A_147 = arith.constant 0 : i32
        %dma_start3A_148 = arith.constant 0 : i32
        %dma_start3A_149 = tpu.memref_slice %arg2[%arg0, %dma_start3A_147, %dma_start3A_148] : memref<2x102272x16xf32, #tpu.memory_space<hbm>> -> memref<1x102272x16xf32, #tpu.memory_space<hbm>>
        %dma_start3A_150 = tpu.memref_squeeze %dma_start3A_149 : memref<1x102272x16xf32, #tpu.memory_space<hbm>> -> memref<102272x16xf32, #tpu.memory_space<hbm>>
        %dma_start3A_151 = arith.constant 0 : i32
        %dma_start3A_152 = arith.constant 0 : i32
        %dma_start3A_153 = tpu.memref_slice %dma_start3A_150[%dma_start3A_151, %dma_start3A_152] : memref<102272x16xf32, #tpu.memory_space<hbm>> -> memref<102272x16xf32, #tpu.memory_space<hbm>>
        tpu.enqueue_indirect_dma source(%dma_start3A_153 : memref<102272x16xf32, #tpu.memory_space<hbm>>) target(%dma_start3A_143 : memref<128x16xf32, #tpu.memory_space<vmem>>) offsets(%dma_start3A_146 : memref<128xi32, #tpu.memory_space<vmem>>) semaphore(%arg17 : memref<!tpu.dma_semaphore, #tpu.memory_space<semaphore_mem>>)
        %dma_wait3A_154 = arith.constant 0 : i32
        %dma_wait3A_155 = arith.constant 0 : i32
        %dma_wait3A_156 = arith.constant 0 : i32
        %dma_wait3A_157 = tpu.memref_slice %arg11[%dma_wait3A_154, %dma_wait3A_155, %dma_wait3A_156] : memref<2x128x16xf32, #tpu.memory_space<vmem>> -> memref<1x128x16xf32, #tpu.memory_space<vmem>>
        %dma_wait3A_158 = tpu.memref_squeeze %dma_wait3A_157 : memref<1x128x16xf32, #tpu.memory_space<vmem>> -> memref<128x16xf32, #tpu.memory_space<vmem>>
        %dma_wait3A_159 = arith.constant 0 : i32
        %dma_wait3A_160 = tpu.memref_slice %arg9[%add3A_83, %dma_wait3A_159] : memref<40x128xi32, #tpu.memory_space<vmem>> -> memref<1x128xi32, #tpu.memory_space<vmem>>
        %dma_wait3A_161 = tpu.memref_squeeze %dma_wait3A_160 : memref<1x128xi32, #tpu.memory_space<vmem>> -> memref<128xi32, #tpu.memory_space<vmem>>
        %dma_wait3A_162 = arith.constant 0 : i32
        %dma_wait3A_163 = arith.constant 0 : i32
        %dma_wait3A_164 = tpu.memref_slice %arg2[%arg0, %dma_wait3A_162, %dma_wait3A_163] : memref<2x102272x16xf32, #tpu.memory_space<hbm>> -> memref<1x102272x16xf32, #tpu.memory_space<hbm>>
        %dma_wait3A_165 = tpu.memref_squeeze %dma_wait3A_164 : memref<1x102272x16xf32, #tpu.memory_space<hbm>> -> memref<102272x16xf32, #tpu.memory_space<hbm>>
        %dma_wait3A_166 = arith.constant 0 : i32
        %dma_wait3A_167 = arith.constant 0 : i32
        %dma_wait3A_168 = tpu.memref_slice %dma_wait3A_165[%dma_wait3A_166, %dma_wait3A_167] : memref<102272x16xf32, #tpu.memory_space<hbm>> -> memref<102272x16xf32, #tpu.memory_space<hbm>>
        tpu.wait_indirect_dma semaphore(%arg16 : memref<!tpu.dma_semaphore, #tpu.memory_space<semaphore_mem>>) src(%dma_wait3A_168 : memref<102272x16xf32, #tpu.memory_space<hbm>>) dst(%dma_wait3A_158 : memref<128x16xf32, #tpu.memory_space<vmem>>)
        %dma_wait3A_169 = arith.constant 1 : i32
        %dma_wait3A_170 = arith.constant 0 : i32
        %dma_wait3A_171 = arith.constant 0 : i32
        %dma_wait3A_172 = tpu.memref_slice %arg11[%dma_wait3A_169, %dma_wait3A_170, %dma_wait3A_171] : memref<2x128x16xf32, #tpu.memory_space<vmem>> -> memref<1x128x16xf32, #tpu.memory_space<vmem>>
        %dma_wait3A_173 = tpu.memref_squeeze %dma_wait3A_172 : memref<1x128x16xf32, #tpu.memory_space<vmem>> -> memref<128x16xf32, #tpu.memory_space<vmem>>
        %dma_wait3A_174 = arith.constant 0 : i32
        %dma_wait3A_175 = tpu.memref_slice %arg9[%add3A_100, %dma_wait3A_174] : memref<40x128xi32, #tpu.memory_space<vmem>> -> memref<1x128xi32, #tpu.memory_space<vmem>>
        %dma_wait3A_176 = tpu.memref_squeeze %dma_wait3A_175 : memref<1x128xi32, #tpu.memory_space<vmem>> -> memref<128xi32, #tpu.memory_space<vmem>>
        %dma_wait3A_177 = arith.constant 0 : i32
        %dma_wait3A_178 = arith.constant 0 : i32
        %dma_wait3A_179 = tpu.memref_slice %arg2[%arg0, %dma_wait3A_177, %dma_wait3A_178] : memref<2x102272x16xf32, #tpu.memory_space<hbm>> -> memref<1x102272x16xf32, #tpu.memory_space<hbm>>
        %dma_wait3A_180 = tpu.memref_squeeze %dma_wait3A_179 : memref<1x102272x16xf32, #tpu.memory_space<hbm>> -> memref<102272x16xf32, #tpu.memory_space<hbm>>
        %dma_wait3A_181 = arith.constant 0 : i32
        %dma_wait3A_182 = arith.constant 0 : i32
        %dma_wait3A_183 = tpu.memref_slice %dma_wait3A_180[%dma_wait3A_181, %dma_wait3A_182] : memref<102272x16xf32, #tpu.memory_space<hbm>> -> memref<102272x16xf32, #tpu.memory_space<hbm>>
        tpu.wait_indirect_dma semaphore(%arg16 : memref<!tpu.dma_semaphore, #tpu.memory_space<semaphore_mem>>) src(%dma_wait3A_183 : memref<102272x16xf32, #tpu.memory_space<hbm>>) dst(%dma_wait3A_173 : memref<128x16xf32, #tpu.memory_space<vmem>>)
        %add3A_184 = arith.constant 0 : i32
        %add3A_185 = arith.addi %mul3A_81, %add3A_184 : i32
        %dma_start3A_186 = arith.constant 0 : i32
        %dma_start3A_187 = arith.constant 0 : i32
        %dma_start3A_188 = arith.constant 0 : i32
        %dma_start3A_189 = tpu.memref_slice %arg11[%dma_start3A_186, %dma_start3A_187, %dma_start3A_188] : memref<2x128x16xf32, #tpu.memory_space<vmem>> -> memref<1x128x16xf32, #tpu.memory_space<vmem>>
        %dma_start3A_190 = tpu.memref_squeeze %dma_start3A_189 : memref<1x128x16xf32, #tpu.memory_space<vmem>> -> memref<128x16xf32, #tpu.memory_space<vmem>>
        %dma_start3A_191 = arith.constant 0 : i32
        %dma_start3A_192 = tpu.memref_slice %arg10[%add3A_185, %dma_start3A_191] : memref<40x128xi32, #tpu.memory_space<vmem>> -> memref<1x128xi32, #tpu.memory_space<vmem>>
        %dma_start3A_193 = tpu.memref_squeeze %dma_start3A_192 : memref<1x128xi32, #tpu.memory_space<vmem>> -> memref<128xi32, #tpu.memory_space<vmem>>
        %dma_start3A_194 = arith.constant 0 : i32
        %dma_start3A_195 = arith.constant 0 : i32
        %dma_start3A_196 = tpu.memref_slice %arg13[%dma_start3A_194, %dma_start3A_195] : memref<102272x16xf32, #tpu.memory_space<vmem_shared>> -> memref<102272x16xf32, #tpu.memory_space<vmem_shared>>
        tpu.enqueue_indirect_dma source(%dma_start3A_190 : memref<128x16xf32, #tpu.memory_space<vmem>>) target(%dma_start3A_196 : memref<102272x16xf32, #tpu.memory_space<vmem_shared>>) offsets(%dma_start3A_193 : memref<128xi32, #tpu.memory_space<vmem>>) semaphore(%arg18 : memref<!tpu.dma_semaphore, #tpu.memory_space<semaphore_mem>>) {add = true}
        %add3A_197 = arith.constant 1 : i32
        %add3A_198 = arith.addi %mul3A_81, %add3A_197 : i32
        %dma_start3A_199 = arith.constant 1 : i32
        %dma_start3A_200 = arith.constant 0 : i32
        %dma_start3A_201 = arith.constant 0 : i32
        %dma_start3A_202 = tpu.memref_slice %arg11[%dma_start3A_199, %dma_start3A_200, %dma_start3A_201] : memref<2x128x16xf32, #tpu.memory_space<vmem>> -> memref<1x128x16xf32, #tpu.memory_space<vmem>>
        %dma_start3A_203 = tpu.memref_squeeze %dma_start3A_202 : memref<1x128x16xf32, #tpu.memory_space<vmem>> -> memref<128x16xf32, #tpu.memory_space<vmem>>
        %dma_start3A_204 = arith.constant 0 : i32
        %dma_start3A_205 = tpu.memref_slice %arg10[%add3A_198, %dma_start3A_204] : memref<40x128xi32, #tpu.memory_space<vmem>> -> memref<1x128xi32, #tpu.memory_space<vmem>>
        %dma_start3A_206 = tpu.memref_squeeze %dma_start3A_205 : memref<1x128xi32, #tpu.memory_space<vmem>> -> memref<128xi32, #tpu.memory_space<vmem>>
        %dma_start3A_207 = arith.constant 0 : i32
        %dma_start3A_208 = arith.constant 0 : i32
        %dma_start3A_209 = tpu.memref_slice %arg13[%dma_start3A_207, %dma_start3A_208] : memref<102272x16xf32, #tpu.memory_space<vmem_shared>> -> memref<102272x16xf32, #tpu.memory_space<vmem_shared>>
        tpu.enqueue_indirect_dma source(%dma_start3A_203 : memref<128x16xf32, #tpu.memory_space<vmem>>) target(%dma_start3A_209 : memref<102272x16xf32, #tpu.memory_space<vmem_shared>>) offsets(%dma_start3A_206 : memref<128xi32, #tpu.memory_space<vmem>>) semaphore(%arg18 : memref<!tpu.dma_semaphore, #tpu.memory_space<semaphore_mem>>) {add = true}
        %dma_wait3A_210 = arith.constant 0 : i32
        %dma_wait3A_211 = arith.constant 0 : i32
        %dma_wait3A_212 = arith.constant 0 : i32
        %dma_wait3A_213 = tpu.memref_slice %arg12[%dma_wait3A_210, %dma_wait3A_211, %dma_wait3A_212] : memref<2x128x16xf32, #tpu.memory_space<vmem>> -> memref<1x128x16xf32, #tpu.memory_space<vmem>>
        %dma_wait3A_214 = tpu.memref_squeeze %dma_wait3A_213 : memref<1x128x16xf32, #tpu.memory_space<vmem>> -> memref<128x16xf32, #tpu.memory_space<vmem>>
        %dma_wait3A_215 = arith.constant 0 : i32
        %dma_wait3A_216 = tpu.memref_slice %arg9[%add3A_119, %dma_wait3A_215] : memref<40x128xi32, #tpu.memory_space<vmem>> -> memref<1x128xi32, #tpu.memory_space<vmem>>
        %dma_wait3A_217 = tpu.memref_squeeze %dma_wait3A_216 : memref<1x128xi32, #tpu.memory_space<vmem>> -> memref<128xi32, #tpu.memory_space<vmem>>
        %dma_wait3A_218 = arith.constant 0 : i32
        %dma_wait3A_219 = arith.constant 0 : i32
        %dma_wait3A_220 = tpu.memref_slice %arg2[%arg0, %dma_wait3A_218, %dma_wait3A_219] : memref<2x102272x16xf32, #tpu.memory_space<hbm>> -> memref<1x102272x16xf32, #tpu.memory_space<hbm>>
        %dma_wait3A_221 = tpu.memref_squeeze %dma_wait3A_220 : memref<1x102272x16xf32, #tpu.memory_space<hbm>> -> memref<102272x16xf32, #tpu.memory_space<hbm>>
        %dma_wait3A_222 = arith.constant 0 : i32
        %dma_wait3A_223 = arith.constant 0 : i32
        %dma_wait3A_224 = tpu.memref_slice %dma_wait3A_221[%dma_wait3A_222, %dma_wait3A_223] : memref<102272x16xf32, #tpu.memory_space<hbm>> -> memref<102272x16xf32, #tpu.memory_space<hbm>>
        tpu.wait_indirect_dma semaphore(%arg17 : memref<!tpu.dma_semaphore, #tpu.memory_space<semaphore_mem>>) src(%dma_wait3A_224 : memref<102272x16xf32, #tpu.memory_space<hbm>>) dst(%dma_wait3A_214 : memref<128x16xf32, #tpu.memory_space<vmem>>)
        %dma_wait3A_225 = arith.constant 1 : i32
        %dma_wait3A_226 = arith.constant 0 : i32
        %dma_wait3A_227 = arith.constant 0 : i32
        %dma_wait3A_228 = tpu.memref_slice %arg12[%dma_wait3A_225, %dma_wait3A_226, %dma_wait3A_227] : memref<2x128x16xf32, #tpu.memory_space<vmem>> -> memref<1x128x16xf32, #tpu.memory_space<vmem>>
        %dma_wait3A_229 = tpu.memref_squeeze %dma_wait3A_228 : memref<1x128x16xf32, #tpu.memory_space<vmem>> -> memref<128x16xf32, #tpu.memory_space<vmem>>
        %dma_wait3A_230 = arith.constant 0 : i32
        %dma_wait3A_231 = tpu.memref_slice %arg9[%add3A_138, %dma_wait3A_230] : memref<40x128xi32, #tpu.memory_space<vmem>> -> memref<1x128xi32, #tpu.memory_space<vmem>>
        %dma_wait3A_232 = tpu.memref_squeeze %dma_wait3A_231 : memref<1x128xi32, #tpu.memory_space<vmem>> -> memref<128xi32, #tpu.memory_space<vmem>>
        %dma_wait3A_233 = arith.constant 0 : i32
        %dma_wait3A_234 = arith.constant 0 : i32
        %dma_wait3A_235 = tpu.memref_slice %arg2[%arg0, %dma_wait3A_233, %dma_wait3A_234] : memref<2x102272x16xf32, #tpu.memory_space<hbm>> -> memref<1x102272x16xf32, #tpu.memory_space<hbm>>
        %dma_wait3A_236 = tpu.memref_squeeze %dma_wait3A_235 : memref<1x102272x16xf32, #tpu.memory_space<hbm>> -> memref<102272x16xf32, #tpu.memory_space<hbm>>
        %dma_wait3A_237 = arith.constant 0 : i32
        %dma_wait3A_238 = arith.constant 0 : i32
        %dma_wait3A_239 = tpu.memref_slice %dma_wait3A_236[%dma_wait3A_237, %dma_wait3A_238] : memref<102272x16xf32, #tpu.memory_space<hbm>> -> memref<102272x16xf32, #tpu.memory_space<hbm>>
        tpu.wait_indirect_dma semaphore(%arg17 : memref<!tpu.dma_semaphore, #tpu.memory_space<semaphore_mem>>) src(%dma_wait3A_239 : memref<102272x16xf32, #tpu.memory_space<hbm>>) dst(%dma_wait3A_229 : memref<128x16xf32, #tpu.memory_space<vmem>>)
        %add3A_240 = arith.constant 2 : i32
        %add3A_241 = arith.addi %mul3A_81, %add3A_240 : i32
        %add3A_242 = arith.constant 0 : i32
        %add3A_243 = arith.addi %add3A_241, %add3A_242 : i32
        %dma_start3A_244 = arith.constant 0 : i32
        %dma_start3A_245 = arith.constant 0 : i32
        %dma_start3A_246 = arith.constant 0 : i32
        %dma_start3A_247 = tpu.memref_slice %arg12[%dma_start3A_244, %dma_start3A_245, %dma_start3A_246] : memref<2x128x16xf32, #tpu.memory_space<vmem>> -> memref<1x128x16xf32, #tpu.memory_space<vmem>>
        %dma_start3A_248 = tpu.memref_squeeze %dma_start3A_247 : memref<1x128x16xf32, #tpu.memory_space<vmem>> -> memref<128x16xf32, #tpu.memory_space<vmem>>
        %dma_start3A_249 = arith.constant 0 : i32
        %dma_start3A_250 = tpu.memref_slice %arg10[%add3A_243, %dma_start3A_249] : memref<40x128xi32, #tpu.memory_space<vmem>> -> memref<1x128xi32, #tpu.memory_space<vmem>>
        %dma_start3A_251 = tpu.memref_squeeze %dma_start3A_250 : memref<1x128xi32, #tpu.memory_space<vmem>> -> memref<128xi32, #tpu.memory_space<vmem>>
        %dma_start3A_252 = arith.constant 0 : i32
        %dma_start3A_253 = arith.constant 0 : i32
        %dma_start3A_254 = tpu.memref_slice %arg13[%dma_start3A_252, %dma_start3A_253] : memref<102272x16xf32, #tpu.memory_space<vmem_shared>> -> memref<102272x16xf32, #tpu.memory_space<vmem_shared>>
        tpu.enqueue_indirect_dma source(%dma_start3A_248 : memref<128x16xf32, #tpu.memory_space<vmem>>) target(%dma_start3A_254 : memref<102272x16xf32, #tpu.memory_space<vmem_shared>>) offsets(%dma_start3A_251 : memref<128xi32, #tpu.memory_space<vmem>>) semaphore(%arg19 : memref<!tpu.dma_semaphore, #tpu.memory_space<semaphore_mem>>) {add = true}
        %add3A_255 = arith.constant 2 : i32
        %add3A_256 = arith.addi %mul3A_81, %add3A_255 : i32
        %add3A_257 = arith.constant 1 : i32
        %add3A_258 = arith.addi %add3A_256, %add3A_257 : i32
        %dma_start3A_259 = arith.constant 1 : i32
        %dma_start3A_260 = arith.constant 0 : i32
        %dma_start3A_261 = arith.constant 0 : i32
        %dma_start3A_262 = tpu.memref_slice %arg12[%dma_start3A_259, %dma_start3A_260, %dma_start3A_261] : memref<2x128x16xf32, #tpu.memory_space<vmem>> -> memref<1x128x16xf32, #tpu.memory_space<vmem>>
        %dma_start3A_263 = tpu.memref_squeeze %dma_start3A_262 : memref<1x128x16xf32, #tpu.memory_space<vmem>> -> memref<128x16xf32, #tpu.memory_space<vmem>>
        %dma_start3A_264 = arith.constant 0 : i32
        %dma_start3A_265 = tpu.memref_slice %arg10[%add3A_258, %dma_start3A_264] : memref<40x128xi32, #tpu.memory_space<vmem>> -> memref<1x128xi32, #tpu.memory_space<vmem>>
        %dma_start3A_266 = tpu.memref_squeeze %dma_start3A_265 : memref<1x128xi32, #tpu.memory_space<vmem>> -> memref<128xi32, #tpu.memory_space<vmem>>
        %dma_start3A_267 = arith.constant 0 : i32
        %dma_start3A_268 = arith.constant 0 : i32
        %dma_start3A_269 = tpu.memref_slice %arg13[%dma_start3A_267, %dma_start3A_268] : memref<102272x16xf32, #tpu.memory_space<vmem_shared>> -> memref<102272x16xf32, #tpu.memory_space<vmem_shared>>
        tpu.enqueue_indirect_dma source(%dma_start3A_263 : memref<128x16xf32, #tpu.memory_space<vmem>>) target(%dma_start3A_269 : memref<102272x16xf32, #tpu.memory_space<vmem_shared>>) offsets(%dma_start3A_266 : memref<128xi32, #tpu.memory_space<vmem>>) semaphore(%arg19 : memref<!tpu.dma_semaphore, #tpu.memory_space<semaphore_mem>>) {add = true}
        %dma_wait3A_270 = arith.constant 0 : i32
        %dma_wait3A_271 = arith.constant 0 : i32
        %dma_wait3A_272 = arith.constant 0 : i32
        %dma_wait3A_273 = tpu.memref_slice %arg11[%dma_wait3A_270, %dma_wait3A_271, %dma_wait3A_272] : memref<2x128x16xf32, #tpu.memory_space<vmem>> -> memref<1x128x16xf32, #tpu.memory_space<vmem>>
        %dma_wait3A_274 = tpu.memref_squeeze %dma_wait3A_273 : memref<1x128x16xf32, #tpu.memory_space<vmem>> -> memref<128x16xf32, #tpu.memory_space<vmem>>
        %dma_wait3A_275 = arith.constant 0 : i32
        %dma_wait3A_276 = tpu.memref_slice %arg10[%add3A_185, %dma_wait3A_275] : memref<40x128xi32, #tpu.memory_space<vmem>> -> memref<1x128xi32, #tpu.memory_space<vmem>>
        %dma_wait3A_277 = tpu.memref_squeeze %dma_wait3A_276 : memref<1x128xi32, #tpu.memory_space<vmem>> -> memref<128xi32, #tpu.memory_space<vmem>>
        %dma_wait3A_278 = arith.constant 0 : i32
        %dma_wait3A_279 = arith.constant 0 : i32
        %dma_wait3A_280 = tpu.memref_slice %arg13[%dma_wait3A_278, %dma_wait3A_279] : memref<102272x16xf32, #tpu.memory_space<vmem_shared>> -> memref<102272x16xf32, #tpu.memory_space<vmem_shared>>
        tpu.wait_indirect_dma semaphore(%arg18 : memref<!tpu.dma_semaphore, #tpu.memory_space<semaphore_mem>>) src(%dma_wait3A_274 : memref<128x16xf32, #tpu.memory_space<vmem>>) dst(%dma_wait3A_280 : memref<102272x16xf32, #tpu.memory_space<vmem_shared>>)
        %dma_wait3A_281 = arith.constant 1 : i32
        %dma_wait3A_282 = arith.constant 0 : i32
        %dma_wait3A_283 = arith.constant 0 : i32
        %dma_wait3A_284 = tpu.memref_slice %arg11[%dma_wait3A_281, %dma_wait3A_282, %dma_wait3A_283] : memref<2x128x16xf32, #tpu.memory_space<vmem>> -> memref<1x128x16xf32, #tpu.memory_space<vmem>>
        %dma_wait3A_285 = tpu.memref_squeeze %dma_wait3A_284 : memref<1x128x16xf32, #tpu.memory_space<vmem>> -> memref<128x16xf32, #tpu.memory_space<vmem>>
        %dma_wait3A_286 = arith.constant 0 : i32
        %dma_wait3A_287 = tpu.memref_slice %arg10[%add3A_198, %dma_wait3A_286] : memref<40x128xi32, #tpu.memory_space<vmem>> -> memref<1x128xi32, #tpu.memory_space<vmem>>
        %dma_wait3A_288 = tpu.memref_squeeze %dma_wait3A_287 : memref<1x128xi32, #tpu.memory_space<vmem>> -> memref<128xi32, #tpu.memory_space<vmem>>
        %dma_wait3A_289 = arith.constant 0 : i32
        %dma_wait3A_290 = arith.constant 0 : i32
        %dma_wait3A_291 = tpu.memref_slice %arg13[%dma_wait3A_289, %dma_wait3A_290] : memref<102272x16xf32, #tpu.memory_space<vmem_shared>> -> memref<102272x16xf32, #tpu.memory_space<vmem_shared>>
        tpu.wait_indirect_dma semaphore(%arg18 : memref<!tpu.dma_semaphore, #tpu.memory_space<semaphore_mem>>) src(%dma_wait3A_285 : memref<128x16xf32, #tpu.memory_space<vmem>>) dst(%dma_wait3A_291 : memref<102272x16xf32, #tpu.memory_space<vmem_shared>>)
        %dma_wait3A_292 = arith.constant 0 : i32
        %dma_wait3A_293 = arith.constant 0 : i32
        %dma_wait3A_294 = arith.constant 0 : i32
        %dma_wait3A_295 = tpu.memref_slice %arg12[%dma_wait3A_292, %dma_wait3A_293, %dma_wait3A_294] : memref<2x128x16xf32, #tpu.memory_space<vmem>> -> memref<1x128x16xf32, #tpu.memory_space<vmem>>
        %dma_wait3A_296 = tpu.memref_squeeze %dma_wait3A_295 : memref<1x128x16xf32, #tpu.memory_space<vmem>> -> memref<128x16xf32, #tpu.memory_space<vmem>>
        %dma_wait3A_297 = arith.constant 0 : i32
        %dma_wait3A_298 = tpu.memref_slice %arg10[%add3A_243, %dma_wait3A_297] : memref<40x128xi32, #tpu.memory_space<vmem>> -> memref<1x128xi32, #tpu.memory_space<vmem>>
        %dma_wait3A_299 = tpu.memref_squeeze %dma_wait3A_298 : memref<1x128xi32, #tpu.memory_space<vmem>> -> memref<128xi32, #tpu.memory_space<vmem>>
        %dma_wait3A_300 = arith.constant 0 : i32
        %dma_wait3A_301 = arith.constant 0 : i32
        %dma_wait3A_302 = tpu.memref_slice %arg13[%dma_wait3A_300, %dma_wait3A_301] : memref<102272x16xf32, #tpu.memory_space<vmem_shared>> -> memref<102272x16xf32, #tpu.memory_space<vmem_shared>>
        tpu.wait_indirect_dma semaphore(%arg19 : memref<!tpu.dma_semaphore, #tpu.memory_space<semaphore_mem>>) src(%dma_wait3A_296 : memref<128x16xf32, #tpu.memory_space<vmem>>) dst(%dma_wait3A_302 : memref<102272x16xf32, #tpu.memory_space<vmem_shared>>)
        %dma_wait3A_303 = arith.constant 1 : i32
        %dma_wait3A_304 = arith.constant 0 : i32
        %dma_wait3A_305 = arith.constant 0 : i32
        %dma_wait3A_306 = tpu.memref_slice %arg12[%dma_wait3A_303, %dma_wait3A_304, %dma_wait3A_305] : memref<2x128x16xf32, #tpu.memory_space<vmem>> -> memref<1x128x16xf32, #tpu.memory_space<vmem>>
        %dma_wait3A_307 = tpu.memref_squeeze %dma_wait3A_306 : memref<1x128x16xf32, #tpu.memory_space<vmem>> -> memref<128x16xf32, #tpu.memory_space<vmem>>
        %dma_wait3A_308 = arith.constant 0 : i32
        %dma_wait3A_309 = tpu.memref_slice %arg10[%add3A_258, %dma_wait3A_308] : memref<40x128xi32, #tpu.memory_space<vmem>> -> memref<1x128xi32, #tpu.memory_space<vmem>>
        %dma_wait3A_310 = tpu.memref_squeeze %dma_wait3A_309 : memref<1x128xi32, #tpu.memory_space<vmem>> -> memref<128xi32, #tpu.memory_space<vmem>>
        %dma_wait3A_311 = arith.constant 0 : i32
        %dma_wait3A_312 = arith.constant 0 : i32
        %dma_wait3A_313 = tpu.memref_slice %arg13[%dma_wait3A_311, %dma_wait3A_312] : memref<102272x16xf32, #tpu.memory_space<vmem_shared>> -> memref<102272x16xf32, #tpu.memory_space<vmem_shared>>
        tpu.wait_indirect_dma semaphore(%arg19 : memref<!tpu.dma_semaphore, #tpu.memory_space<semaphore_mem>>) src(%dma_wait3A_307 : memref<128x16xf32, #tpu.memory_space<vmem>>) dst(%dma_wait3A_313 : memref<102272x16xf32, #tpu.memory_space<vmem_shared>>)
      }
      %scan3A_74 = arith.constant 10 : i32
    }
    %scan3A_13 = arith.constant 10 : i32
    %dma_wait3A = arith.constant 0 : i32
    %dma_wait3A_14 = tpu.memref_slice %arg3[%mul3A_2, %dma_wait3A] : memref<12840x128xi32, #tpu.memory_space<hbm>> -> memref<40x128xi32, #tpu.memory_space<hbm>>
    %dma_wait3A_15 = arith.constant 0 : i32
    %dma_wait3A_16 = tpu.memref_slice %arg3[%mul3A_2, %dma_wait3A_15] : memref<12840x128xi32, #tpu.memory_space<hbm>> -> memref<40x128xi32, #tpu.memory_space<hbm>>
    tpu.wait_dma2 semaphore(%arg14 : memref<!tpu.dma_semaphore, #tpu.memory_space<semaphore_mem>>) src(%dma_wait3A_16 : memref<40x128xi32, #tpu.memory_space<hbm>>) dst(%arg7 : memref<40x128xi32, #tpu.memory_space<vmem>>)
    %dma_wait3A_17 = arith.constant 0 : i32
    %dma_wait3A_18 = tpu.memref_slice %arg4[%mul3A_2, %dma_wait3A_17] : memref<12840x128xi32, #tpu.memory_space<hbm>> -> memref<40x128xi32, #tpu.memory_space<hbm>>
    %dma_wait3A_19 = arith.constant 0 : i32
    %dma_wait3A_20 = tpu.memref_slice %arg4[%mul3A_2, %dma_wait3A_19] : memref<12840x128xi32, #tpu.memory_space<hbm>> -> memref<40x128xi32, #tpu.memory_space<hbm>>
    tpu.wait_dma2 semaphore(%arg14 : memref<!tpu.dma_semaphore, #tpu.memory_space<semaphore_mem>>) src(%dma_wait3A_20 : memref<40x128xi32, #tpu.memory_space<hbm>>) dst(%arg8 : memref<40x128xi32, #tpu.memory_space<vmem>>)
    %barrier3A_21 = arith.constant 0 : index
    tpu.barrier barrier_id(%barrier3A_21)
    "tpu.region"() ({
      %run_scoped3A = tpu.sem_alloc : memref<!tpu.dma_semaphore, #tpu.memory_space<semaphore_mem>>
      %dma_start3A_22 = arith.constant 0 : i32
      %dma_start3A_23 = arith.constant 0 : i32
      %dma_start3A_24 = tpu.memref_slice %arg6[%arg0, %dma_start3A_22, %dma_start3A_23] : memref<2x102272x16xf32, #tpu.memory_space<hbm>> -> memref<1x102272x16xf32, #tpu.memory_space<hbm>>
      %dma_start3A_25 = tpu.memref_squeeze %dma_start3A_24 : memref<1x102272x16xf32, #tpu.memory_space<hbm>> -> memref<102272x16xf32, #tpu.memory_space<hbm>>
      %dma_start3A_26 = arith.constant 0 : i32
      %dma_start3A_27 = tpu.memref_slice %dma_start3A_25[%mul3A_0, %dma_start3A_26] : memref<102272x16xf32, #tpu.memory_space<hbm>> -> memref<6392x16xf32, #tpu.memory_space<hbm>>
      %dma_start3A_28 = arith.constant 0 : i32
      %dma_start3A_29 = tpu.memref_slice %arg13[%mul3A_0, %dma_start3A_28] : memref<102272x16xf32, #tpu.memory_space<vmem_shared>> -> memref<6392x16xf32, #tpu.memory_space<vmem_shared>>
      tpu.enqueue_dma source(%dma_start3A_29 : memref<6392x16xf32, #tpu.memory_space<vmem_shared>>) target(%dma_start3A_27 : memref<6392x16xf32, #tpu.memory_space<hbm>>) target_semaphore(%run_scoped3A : memref<!tpu.dma_semaphore, #tpu.memory_space<semaphore_mem>>)
      %dma_wait3A_30 = arith.constant 0 : i32
      %dma_wait3A_31 = arith.constant 0 : i32
      %dma_wait3A_32 = tpu.memref_slice %arg6[%arg0, %dma_wait3A_30, %dma_wait3A_31] : memref<2x102272x16xf32, #tpu.memory_space<hbm>> -> memref<1x102272x16xf32, #tpu.memory_space<hbm>>
      %dma_wait3A_33 = tpu.memref_squeeze %dma_wait3A_32 : memref<1x102272x16xf32, #tpu.memory_space<hbm>> -> memref<102272x16xf32, #tpu.memory_space<hbm>>
      %dma_wait3A_34 = arith.constant 0 : i32
      %dma_wait3A_35 = tpu.memref_slice %dma_wait3A_33[%mul3A_0, %dma_wait3A_34] : memref<102272x16xf32, #tpu.memory_space<hbm>> -> memref<6392x16xf32, #tpu.memory_space<hbm>>
      %dma_wait3A_36 = arith.constant 0 : i32
      %dma_wait3A_37 = tpu.memref_slice %arg13[%mul3A_0, %dma_wait3A_36] : memref<102272x16xf32, #tpu.memory_space<vmem_shared>> -> memref<6392x16xf32, #tpu.memory_space<vmem_shared>>
      tpu.wait_dma2 semaphore(%run_scoped3A : memref<!tpu.dma_semaphore, #tpu.memory_space<semaphore_mem>>) src(%dma_wait3A_37 : memref<6392x16xf32, #tpu.memory_space<vmem_shared>>) dst(%dma_wait3A_35 : memref<6392x16xf32, #tpu.memory_space<hbm>>)
      tpu.yield
    }) : () -> ()
    return
  }
}

module attributes {stable_mosaic.version = 14 : i64} {
  func.func @body(%arg0: i32, %arg1: memref<2x752x128xf32, #tpu.memory_space<vmem>>, %arg2: memref<752x128xf32, #tpu.memory_space<vmem>>, %arg3: memref<752x128xf32, #tpu.memory_space<vmem>>, %arg4: memref<752x128xf32, #tpu.memory_space<vmem>>) attributes {dimension_semantics = [#tpu.dimension_semantics<arbitrary>], iteration_bounds = array<i64: 17>, scalar_prefetch = 0 : i64, scratch_operands = 0 : i64, tpu.core_type = #tpu.core_type<tc>, window_params = [{transform_indices = @transform_0, window_bounds = array<i64: 2, 752, 128>}, {transform_indices = @transform_1, window_bounds = array<i64: 752, 128>}, {transform_indices = @transform_2, window_bounds = array<i64: 752, 128>}, {transform_indices = @transform_3, window_bounds = array<i64: 752, 128>}]} {
    %get3A = arith.constant 0 : index
    %get3A_0 = arith.constant 0 : index
    %get3A_1 = arith.constant 0 : index
    %get3A_2 = vector.load %arg1[%get3A, %get3A_0, %get3A_1] : memref<2x752x128xf32, #tpu.memory_space<vmem>>, vector<1x752x128xf32>
    %get3A_3 = vector.shape_cast %get3A_2 : vector<1x752x128xf32> to vector<752x128xf32>
    %get3A_4 = arith.constant 1 : index
    %get3A_5 = arith.constant 0 : index
    %get3A_6 = arith.constant 0 : index
    %get3A_7 = vector.load %arg1[%get3A_4, %get3A_5, %get3A_6] : memref<2x752x128xf32, #tpu.memory_space<vmem>>, vector<1x752x128xf32>
    %get3A_8 = vector.shape_cast %get3A_7 : vector<1x752x128xf32> to vector<752x128xf32>
    %add3A = arith.addf %get3A_3, %get3A_8 : vector<752x128xf32>
    %add3A_9 = arith.constant 1.000000e+00 : f32
    %add3A_10 = vector.broadcast %add3A_9 : f32 to vector<752x128xf32>
    %add3A_11 = arith.addf %add3A, %add3A_10 : vector<752x128xf32>
    %max3A = arith.constant 9.99999996E-13 : f32
    %max3A_12 = vector.broadcast %max3A : f32 to vector<752x128xf32>
    %max3A_13 = arith.maximumf %add3A_11, %max3A_12 : vector<752x128xf32>
    %rsqrt3A = math.rsqrt %max3A_13 : vector<752x128xf32>
    %swap3A = arith.constant 0 : index
    %swap3A_14 = arith.constant 0 : index
    %swap3A_15 = vector.load %arg3[%swap3A, %swap3A_14] : memref<752x128xf32, #tpu.memory_space<vmem>>, vector<752x128xf32>
    tpu.vector_store %arg3[%swap3A, %swap3A_14], %rsqrt3A {strides = array<i32>} : memref<752x128xf32, #tpu.memory_space<vmem>>, vector<752x128xf32>,
    %get3A_16 = arith.constant 0 : index
    %get3A_17 = arith.constant 0 : index
    %get3A_18 = vector.load %arg2[%get3A_16, %get3A_17] : memref<752x128xf32, #tpu.memory_space<vmem>>, vector<752x128xf32>
    %mul3A = arith.mulf %rsqrt3A, %get3A_18 : vector<752x128xf32>
    %swap3A_19 = arith.constant 0 : index
    %swap3A_20 = arith.constant 0 : index
    %swap3A_21 = vector.load %arg4[%swap3A_19, %swap3A_20] : memref<752x128xf32, #tpu.memory_space<vmem>>, vector<752x128xf32>
    tpu.vector_store %arg4[%swap3A_19, %swap3A_20], %mul3A {strides = array<i32>} : memref<752x128xf32, #tpu.memory_space<vmem>>, vector<752x128xf32>,
    return
  }
  func.func @transform_0(%arg0: i32) -> (i32, i32, i32) {
    %c0_i32 = arith.constant 0 : i32
    %c0_i32_0 = arith.constant 0 : i32
    %c0_i32_1 = arith.constant 0 : i32
    return %c0_i32, %arg0, %c0_i32_0 : i32, i32, i32
  }
  func.func @transform_1(%arg0: i32) -> (i32, i32) {
    %c0_i32 = arith.constant 0 : i32
    %c0_i32_0 = arith.constant 0 : i32
    return %arg0, %c0_i32 : i32, i32
  }
  func.func @transform_2(%arg0: i32) -> (i32, i32) {
    %c0_i32 = arith.constant 0 : i32
    %c0_i32_0 = arith.constant 0 : i32
    return %arg0, %c0_i32 : i32, i32
  }
  func.func @transform_3(%arg0: i32) -> (i32, i32) {
    %c0_i32 = arith.constant 0 : i32
    %c0_i32_0 = arith.constant 0 : i32
    return %arg0, %c0_i32 : i32, i32
  }
}

module attributes {stable_mosaic.version = 14 : i64} {
  func.func @body(%arg0: i32, %arg1: memref<2x752x128xf32, #tpu.memory_space<vmem>>, %arg2: memref<752x128xf32, #tpu.memory_space<vmem>>, %arg3: memref<752x128xf32, #tpu.memory_space<vmem>>, %arg4: memref<128x256xf32, #tpu.memory_space<vmem>>, %arg5: memref<256xf32, #tpu.memory_space<vmem>>, %arg6: memref<256x128xf32, #tpu.memory_space<vmem>>, %arg7: memref<256x128xf32, #tpu.memory_space<vmem>>, %arg8: memref<2x752x128xf32, #tpu.memory_space<vmem>>) attributes {dimension_semantics = [#tpu.dimension_semantics<arbitrary>], iteration_bounds = array<i64: 17>, scalar_prefetch = 0 : i64, scratch_operands = 0 : i64, tpu.core_type = #tpu.core_type<tc>, window_params = [{transform_indices = @transform_0, window_bounds = array<i64: 2, 752, 128>}, {transform_indices = @transform_1, window_bounds = array<i64: 752, 128>}, {transform_indices = @transform_2, window_bounds = array<i64: 752, 128>}, {pipeline_mode = #tpu.pipeline_mode<synchronous>, transform_indices = @transform_3, window_bounds = array<i64: 128, 256>}, {pipeline_mode = #tpu.pipeline_mode<synchronous>, transform_indices = @transform_4, window_bounds = array<i64: 256>}, {pipeline_mode = #tpu.pipeline_mode<synchronous>, transform_indices = @transform_5, window_bounds = array<i64: 256, 128>}, {pipeline_mode = #tpu.pipeline_mode<synchronous>, transform_indices = @transform_6, window_bounds = array<i64: 256, 128>}, {transform_indices = @transform_7, window_bounds = array<i64: 2, 752, 128>}]} {
    %get3A = arith.constant 0 : index
    %get3A_0 = arith.constant 0 : index
    %get3A_1 = vector.load %arg3[%get3A, %get3A_0] : memref<752x128xf32, #tpu.memory_space<vmem>>, vector<752x128xf32>
    %get3A_2 = arith.constant 0 : index
    %get3A_3 = arith.constant 0 : index
    %get3A_4 = arith.constant 0 : index
    %get3A_5 = vector.load %arg1[%get3A_2, %get3A_3, %get3A_4] : memref<2x752x128xf32, #tpu.memory_space<vmem>>, vector<1x752x128xf32>
    %get3A_6 = vector.shape_cast %get3A_5 : vector<1x752x128xf32> to vector<752x128xf32>
    %get3A_7 = arith.constant 1 : index
    %get3A_8 = arith.constant 0 : index
    %get3A_9 = arith.constant 0 : index
    %get3A_10 = vector.load %arg1[%get3A_7, %get3A_8, %get3A_9] : memref<2x752x128xf32, #tpu.memory_space<vmem>>, vector<1x752x128xf32>
    %get3A_11 = vector.shape_cast %get3A_10 : vector<1x752x128xf32> to vector<752x128xf32>
    %add3A = arith.addf %get3A_6, %get3A_11 : vector<752x128xf32>
    %get3A_12 = arith.constant 0 : index
    %get3A_13 = arith.constant 0 : index
    %get3A_14 = vector.load %arg2[%get3A_12, %get3A_13] : memref<752x128xf32, #tpu.memory_space<vmem>>, vector<752x128xf32>
    %add3A_15 = arith.addf %add3A, %get3A_14 : vector<752x128xf32>
    %mul3A = arith.mulf %get3A_1, %add3A_15 : vector<752x128xf32>
    %get3A_16 = arith.constant 0 : index
    %get3A_17 = arith.constant 0 : index
    %get3A_18 = vector.load %arg4[%get3A_16, %get3A_17] : memref<128x256xf32, #tpu.memory_space<vmem>>, vector<128x256xf32>
    %dot_general3A = arith.constant dense<0.000000e+00> : vector<752x256xf32>
    %dot_general3A_19 = tpu.matmul %mul3A, %get3A_18, %dot_general3A {dimension_numbers = #tpu.dot_dimension_numbers<[1], [0], [0], [1], [0, 0, 1, 1], [], []>, transpose_lhs_hint = false} : vector<752x128xf32>, vector<128x256xf32>, vector<752x256xf32> -> vector<752x256xf32>
    %get3A_20 = arith.constant 0 : index
    %get3A_21 = vector.load %arg5[%get3A_20] : memref<256xf32, #tpu.memory_space<vmem>>, vector<256xf32>
    %broadcast_in_dim3A = vector.shape_cast %get3A_21 : vector<256xf32> to vector<1x256xf32>
    %add3A_22 = vector.broadcast %broadcast_in_dim3A : vector<1x256xf32> to vector<752x256xf32>
    %add3A_23 = arith.addf %dot_general3A_19, %add3A_22 : vector<752x256xf32>
    %max3A = arith.constant 0.000000e+00 : f32
    %max3A_24 = vector.broadcast %max3A : f32 to vector<752x256xf32>
    %max3A_25 = arith.maximumf %add3A_23, %max3A_24 : vector<752x256xf32>
    %get3A_26 = arith.constant 0 : index
    %get3A_27 = arith.constant 0 : index
    %get3A_28 = vector.load %arg6[%get3A_26, %get3A_27] : memref<256x128xf32, #tpu.memory_space<vmem>>, vector<256x128xf32>
    %dot_general3A_29 = arith.constant dense<0.000000e+00> : vector<752x128xf32>
    %dot_general3A_30 = tpu.matmul %max3A_25, %get3A_28, %dot_general3A_29 {dimension_numbers = #tpu.dot_dimension_numbers<[1], [0], [0], [1], [0, 0, 1, 1], [], []>, transpose_lhs_hint = false} : vector<752x256xf32>, vector<256x128xf32>, vector<752x128xf32> -> vector<752x128xf32>
    %mul3A_31 = arith.mulf %get3A_1, %dot_general3A_30 : vector<752x128xf32>
    %swap3A = arith.constant 0 : index
    %swap3A_32 = arith.constant 0 : index
    %swap3A_33 = arith.constant 0 : index
    %swap3A_34 = vector.load %arg8[%swap3A, %swap3A_32, %swap3A_33] : memref<2x752x128xf32, #tpu.memory_space<vmem>>, vector<1x752x128xf32>
    %swap3A_35 = vector.shape_cast %swap3A_34 : vector<1x752x128xf32> to vector<752x128xf32>
    %swap3A_36 = vector.shape_cast %mul3A_31 : vector<752x128xf32> to vector<1x752x128xf32>
    tpu.vector_store %arg8[%swap3A, %swap3A_32, %swap3A_33], %swap3A_36 {strides = array<i32>} : memref<2x752x128xf32, #tpu.memory_space<vmem>>, vector<1x752x128xf32>,
    %get3A_37 = arith.constant 0 : index
    %get3A_38 = arith.constant 0 : index
    %get3A_39 = vector.load %arg7[%get3A_37, %get3A_38] : memref<256x128xf32, #tpu.memory_space<vmem>>, vector<256x128xf32>
    %dot_general3A_40 = arith.constant dense<0.000000e+00> : vector<752x128xf32>
    %dot_general3A_41 = tpu.matmul %max3A_25, %get3A_39, %dot_general3A_40 {dimension_numbers = #tpu.dot_dimension_numbers<[1], [0], [0], [1], [0, 0, 1, 1], [], []>, transpose_lhs_hint = false} : vector<752x256xf32>, vector<256x128xf32>, vector<752x128xf32> -> vector<752x128xf32>
    %mul3A_42 = arith.mulf %get3A_1, %dot_general3A_41 : vector<752x128xf32>
    %swap3A_43 = arith.constant 1 : index
    %swap3A_44 = arith.constant 0 : index
    %swap3A_45 = arith.constant 0 : index
    %swap3A_46 = vector.load %arg8[%swap3A_43, %swap3A_44, %swap3A_45] : memref<2x752x128xf32, #tpu.memory_space<vmem>>, vector<1x752x128xf32>
    %swap3A_47 = vector.shape_cast %swap3A_46 : vector<1x752x128xf32> to vector<752x128xf32>
    %swap3A_48 = vector.shape_cast %mul3A_42 : vector<752x128xf32> to vector<1x752x128xf32>
    tpu.vector_store %arg8[%swap3A_43, %swap3A_44, %swap3A_45], %swap3A_48 {strides = array<i32>} : memref<2x752x128xf32, #tpu.memory_space<vmem>>, vector<1x752x128xf32>,
    return
  }
  func.func @transform_0(%arg0: i32) -> (i32, i32, i32) {
    %c0_i32 = arith.constant 0 : i32
    %c0_i32_0 = arith.constant 0 : i32
    %c0_i32_1 = arith.constant 0 : i32
    return %c0_i32, %arg0, %c0_i32_0 : i32, i32, i32
  }
  func.func @transform_1(%arg0: i32) -> (i32, i32) {
    %c0_i32 = arith.constant 0 : i32
    %c0_i32_0 = arith.constant 0 : i32
    return %arg0, %c0_i32 : i32, i32
  }
  func.func @transform_2(%arg0: i32) -> (i32, i32) {
    %c0_i32 = arith.constant 0 : i32
    %c0_i32_0 = arith.constant 0 : i32
    return %arg0, %c0_i32 : i32, i32
  }
  func.func @transform_3(%arg0: i32) -> (i32, i32) {
    %c0_i32 = arith.constant 0 : i32
    %c0_i32_0 = arith.constant 0 : i32
    %c0_i32_1 = arith.constant 0 : i32
    return %c0_i32, %c0_i32_0 : i32, i32
  }
  func.func @transform_4(%arg0: i32) -> i32 {
    %c0_i32 = arith.constant 0 : i32
    %c0_i32_0 = arith.constant 0 : i32
    return %c0_i32 : i32
  }
  func.func @transform_5(%arg0: i32) -> (i32, i32) {
    %c0_i32 = arith.constant 0 : i32
    %c0_i32_0 = arith.constant 0 : i32
    %c0_i32_1 = arith.constant 0 : i32
    return %c0_i32, %c0_i32_0 : i32, i32
  }
  func.func @transform_6(%arg0: i32) -> (i32, i32) {
    %c0_i32 = arith.constant 0 : i32
    %c0_i32_0 = arith.constant 0 : i32
    %c0_i32_1 = arith.constant 0 : i32
    return %c0_i32, %c0_i32_0 : i32, i32
  }
  func.func @transform_7(%arg0: i32) -> (i32, i32, i32) {
    %c0_i32 = arith.constant 0 : i32
    %c0_i32_0 = arith.constant 0 : i32
    %c0_i32_1 = arith.constant 0 : i32
    return %c0_i32, %arg0, %c0_i32_0 : i32, i32, i32
  }
}

module attributes {stable_mosaic.version = 14 : i64} {
  func.func @body(%arg0: i32, %arg1: memref<2x752x128xf32, #tpu.memory_space<vmem>>, %arg2: memref<2x752x128xf32, #tpu.memory_space<vmem>>, %arg3: memref<752x128xf32, #tpu.memory_space<vmem>>, %arg4: memref<128x256xf32, #tpu.memory_space<vmem>>, %arg5: memref<128x256xf32, #tpu.memory_space<vmem>>, %arg6: memref<256xf32, #tpu.memory_space<vmem>>, %arg7: memref<256x128xf32, #tpu.memory_space<vmem>>, %arg8: memref<256x128xf32, #tpu.memory_space<vmem>>, %arg9: memref<2x752x128xf32, #tpu.memory_space<vmem>>) attributes {dimension_semantics = [#tpu.dimension_semantics<arbitrary>], iteration_bounds = array<i64: 17>, scalar_prefetch = 0 : i64, scratch_operands = 0 : i64, tpu.core_type = #tpu.core_type<tc>, window_params = [{transform_indices = @transform_0, window_bounds = array<i64: 2, 752, 128>}, {transform_indices = @transform_1, window_bounds = array<i64: 2, 752, 128>}, {transform_indices = @transform_2, window_bounds = array<i64: 752, 128>}, {pipeline_mode = #tpu.pipeline_mode<synchronous>, transform_indices = @transform_3, window_bounds = array<i64: 128, 256>}, {pipeline_mode = #tpu.pipeline_mode<synchronous>, transform_indices = @transform_4, window_bounds = array<i64: 128, 256>}, {pipeline_mode = #tpu.pipeline_mode<synchronous>, transform_indices = @transform_5, window_bounds = array<i64: 256>}, {pipeline_mode = #tpu.pipeline_mode<synchronous>, transform_indices = @transform_6, window_bounds = array<i64: 256, 128>}, {pipeline_mode = #tpu.pipeline_mode<synchronous>, transform_indices = @transform_7, window_bounds = array<i64: 256, 128>}, {transform_indices = @transform_8, window_bounds = array<i64: 2, 752, 128>}]} {
    %get3A = arith.constant 0 : index
    %get3A_0 = arith.constant 0 : index
    %get3A_1 = vector.load %arg3[%get3A, %get3A_0] : memref<752x128xf32, #tpu.memory_space<vmem>>, vector<752x128xf32>
    %get3A_2 = arith.constant 0 : index
    %get3A_3 = arith.constant 0 : index
    %get3A_4 = arith.constant 0 : index
    %get3A_5 = vector.load %arg1[%get3A_2, %get3A_3, %get3A_4] : memref<2x752x128xf32, #tpu.memory_space<vmem>>, vector<1x752x128xf32>
    %get3A_6 = vector.shape_cast %get3A_5 : vector<1x752x128xf32> to vector<752x128xf32>
    %get3A_7 = arith.constant 0 : index
    %get3A_8 = arith.constant 0 : index
    %get3A_9 = arith.constant 0 : index
    %get3A_10 = vector.load %arg2[%get3A_7, %get3A_8, %get3A_9] : memref<2x752x128xf32, #tpu.memory_space<vmem>>, vector<1x752x128xf32>
    %get3A_11 = vector.shape_cast %get3A_10 : vector<1x752x128xf32> to vector<752x128xf32>
    %add3A = arith.addf %get3A_6, %get3A_11 : vector<752x128xf32>
    %mul3A = arith.mulf %get3A_1, %add3A : vector<752x128xf32>
    %get3A_12 = arith.constant 1 : index
    %get3A_13 = arith.constant 0 : index
    %get3A_14 = arith.constant 0 : index
    %get3A_15 = vector.load %arg1[%get3A_12, %get3A_13, %get3A_14] : memref<2x752x128xf32, #tpu.memory_space<vmem>>, vector<1x752x128xf32>
    %get3A_16 = vector.shape_cast %get3A_15 : vector<1x752x128xf32> to vector<752x128xf32>
    %get3A_17 = arith.constant 1 : index
    %get3A_18 = arith.constant 0 : index
    %get3A_19 = arith.constant 0 : index
    %get3A_20 = vector.load %arg2[%get3A_17, %get3A_18, %get3A_19] : memref<2x752x128xf32, #tpu.memory_space<vmem>>, vector<1x752x128xf32>
    %get3A_21 = vector.shape_cast %get3A_20 : vector<1x752x128xf32> to vector<752x128xf32>
    %add3A_22 = arith.addf %get3A_16, %get3A_21 : vector<752x128xf32>
    %mul3A_23 = arith.mulf %get3A_1, %add3A_22 : vector<752x128xf32>
    %get3A_24 = arith.constant 0 : index
    %get3A_25 = arith.constant 0 : index
    %get3A_26 = vector.load %arg4[%get3A_24, %get3A_25] : memref<128x256xf32, #tpu.memory_space<vmem>>, vector<128x256xf32>
    %dot_general3A = arith.constant dense<0.000000e+00> : vector<752x256xf32>
    %dot_general3A_27 = tpu.matmul %mul3A, %get3A_26, %dot_general3A {dimension_numbers = #tpu.dot_dimension_numbers<[1], [0], [0], [1], [0, 0, 1, 1], [], []>, transpose_lhs_hint = false} : vector<752x128xf32>, vector<128x256xf32>, vector<752x256xf32> -> vector<752x256xf32>
    %get3A_28 = arith.constant 0 : index
    %get3A_29 = arith.constant 0 : index
    %get3A_30 = vector.load %arg5[%get3A_28, %get3A_29] : memref<128x256xf32, #tpu.memory_space<vmem>>, vector<128x256xf32>
    %dot_general3A_31 = arith.constant dense<0.000000e+00> : vector<752x256xf32>
    %dot_general3A_32 = tpu.matmul %mul3A_23, %get3A_30, %dot_general3A_31 {dimension_numbers = #tpu.dot_dimension_numbers<[1], [0], [0], [1], [0, 0, 1, 1], [], []>, transpose_lhs_hint = false} : vector<752x128xf32>, vector<128x256xf32>, vector<752x256xf32> -> vector<752x256xf32>
    %add3A_33 = arith.addf %dot_general3A_27, %dot_general3A_32 : vector<752x256xf32>
    %get3A_34 = arith.constant 0 : index
    %get3A_35 = vector.load %arg6[%get3A_34] : memref<256xf32, #tpu.memory_space<vmem>>, vector<256xf32>
    %broadcast_in_dim3A = vector.shape_cast %get3A_35 : vector<256xf32> to vector<1x256xf32>
    %add3A_36 = vector.broadcast %broadcast_in_dim3A : vector<1x256xf32> to vector<752x256xf32>
    %add3A_37 = arith.addf %add3A_33, %add3A_36 : vector<752x256xf32>
    %max3A = arith.constant 0.000000e+00 : f32
    %max3A_38 = vector.broadcast %max3A : f32 to vector<752x256xf32>
    %max3A_39 = arith.maximumf %add3A_37, %max3A_38 : vector<752x256xf32>
    %get3A_40 = arith.constant 0 : index
    %get3A_41 = arith.constant 0 : index
    %get3A_42 = vector.load %arg7[%get3A_40, %get3A_41] : memref<256x128xf32, #tpu.memory_space<vmem>>, vector<256x128xf32>
    %dot_general3A_43 = arith.constant dense<0.000000e+00> : vector<752x128xf32>
    %dot_general3A_44 = tpu.matmul %max3A_39, %get3A_42, %dot_general3A_43 {dimension_numbers = #tpu.dot_dimension_numbers<[1], [0], [0], [1], [0, 0, 1, 1], [], []>, transpose_lhs_hint = false} : vector<752x256xf32>, vector<256x128xf32>, vector<752x128xf32> -> vector<752x128xf32>
    %mul3A_45 = arith.mulf %get3A_1, %dot_general3A_44 : vector<752x128xf32>
    %swap3A = arith.constant 0 : index
    %swap3A_46 = arith.constant 0 : index
    %swap3A_47 = arith.constant 0 : index
    %swap3A_48 = vector.load %arg9[%swap3A, %swap3A_46, %swap3A_47] : memref<2x752x128xf32, #tpu.memory_space<vmem>>, vector<1x752x128xf32>
    %swap3A_49 = vector.shape_cast %swap3A_48 : vector<1x752x128xf32> to vector<752x128xf32>
    %swap3A_50 = vector.shape_cast %mul3A_45 : vector<752x128xf32> to vector<1x752x128xf32>
    tpu.vector_store %arg9[%swap3A, %swap3A_46, %swap3A_47], %swap3A_50 {strides = array<i32>} : memref<2x752x128xf32, #tpu.memory_space<vmem>>, vector<1x752x128xf32>,
    %get3A_51 = arith.constant 0 : index
    %get3A_52 = arith.constant 0 : index
    %get3A_53 = vector.load %arg8[%get3A_51, %get3A_52] : memref<256x128xf32, #tpu.memory_space<vmem>>, vector<256x128xf32>
    %dot_general3A_54 = arith.constant dense<0.000000e+00> : vector<752x128xf32>
    %dot_general3A_55 = tpu.matmul %max3A_39, %get3A_53, %dot_general3A_54 {dimension_numbers = #tpu.dot_dimension_numbers<[1], [0], [0], [1], [0, 0, 1, 1], [], []>, transpose_lhs_hint = false} : vector<752x256xf32>, vector<256x128xf32>, vector<752x128xf32> -> vector<752x128xf32>
    %mul3A_56 = arith.mulf %get3A_1, %dot_general3A_55 : vector<752x128xf32>
    %swap3A_57 = arith.constant 1 : index
    %swap3A_58 = arith.constant 0 : index
    %swap3A_59 = arith.constant 0 : index
    %swap3A_60 = vector.load %arg9[%swap3A_57, %swap3A_58, %swap3A_59] : memref<2x752x128xf32, #tpu.memory_space<vmem>>, vector<1x752x128xf32>
    %swap3A_61 = vector.shape_cast %swap3A_60 : vector<1x752x128xf32> to vector<752x128xf32>
    %swap3A_62 = vector.shape_cast %mul3A_56 : vector<752x128xf32> to vector<1x752x128xf32>
    tpu.vector_store %arg9[%swap3A_57, %swap3A_58, %swap3A_59], %swap3A_62 {strides = array<i32>} : memref<2x752x128xf32, #tpu.memory_space<vmem>>, vector<1x752x128xf32>,
    return
  }
  func.func @transform_0(%arg0: i32) -> (i32, i32, i32) {
    %c0_i32 = arith.constant 0 : i32
    %c0_i32_0 = arith.constant 0 : i32
    %c0_i32_1 = arith.constant 0 : i32
    return %c0_i32, %arg0, %c0_i32_0 : i32, i32, i32
  }
  func.func @transform_1(%arg0: i32) -> (i32, i32, i32) {
    %c0_i32 = arith.constant 0 : i32
    %c0_i32_0 = arith.constant 0 : i32
    %c0_i32_1 = arith.constant 0 : i32
    return %c0_i32, %arg0, %c0_i32_0 : i32, i32, i32
  }
  func.func @transform_2(%arg0: i32) -> (i32, i32) {
    %c0_i32 = arith.constant 0 : i32
    %c0_i32_0 = arith.constant 0 : i32
    return %arg0, %c0_i32 : i32, i32
  }
  func.func @transform_3(%arg0: i32) -> (i32, i32) {
    %c0_i32 = arith.constant 0 : i32
    %c0_i32_0 = arith.constant 0 : i32
    %c0_i32_1 = arith.constant 0 : i32
    return %c0_i32, %c0_i32_0 : i32, i32
  }
  func.func @transform_4(%arg0: i32) -> (i32, i32) {
    %c0_i32 = arith.constant 0 : i32
    %c0_i32_0 = arith.constant 0 : i32
    %c0_i32_1 = arith.constant 0 : i32
    return %c0_i32, %c0_i32_0 : i32, i32
  }
  func.func @transform_5(%arg0: i32) -> i32 {
    %c0_i32 = arith.constant 0 : i32
    %c0_i32_0 = arith.constant 0 : i32
    return %c0_i32 : i32
  }
  func.func @transform_6(%arg0: i32) -> (i32, i32) {
    %c0_i32 = arith.constant 0 : i32
    %c0_i32_0 = arith.constant 0 : i32
    %c0_i32_1 = arith.constant 0 : i32
    return %c0_i32, %c0_i32_0 : i32, i32
  }
  func.func @transform_7(%arg0: i32) -> (i32, i32) {
    %c0_i32 = arith.constant 0 : i32
    %c0_i32_0 = arith.constant 0 : i32
    %c0_i32_1 = arith.constant 0 : i32
    return %c0_i32, %c0_i32_0 : i32, i32
  }
  func.func @transform_8(%arg0: i32) -> (i32, i32, i32) {
    %c0_i32 = arith.constant 0 : i32
    %c0_i32_0 = arith.constant 0 : i32
    %c0_i32_1 = arith.constant 0 : i32
    return %c0_i32, %arg0, %c0_i32_0 : i32, i32, i32
  }
}

module attributes {stable_mosaic.version = 14 : i64} {
  func.func @body(%arg0: i32, %arg1: memref<2x752x128xf32, #tpu.memory_space<vmem>>, %arg2: memref<2x752x128xf32, #tpu.memory_space<vmem>>, %arg3: memref<752x128xf32, #tpu.memory_space<vmem>>, %arg4: memref<128x16xf32, #tpu.memory_space<vmem>>, %arg5: memref<128x16xf32, #tpu.memory_space<vmem>>, %arg6: memref<16xf32, #tpu.memory_space<vmem>>, %arg7: memref<752x16xf32, #tpu.memory_space<vmem>>) attributes {dimension_semantics = [#tpu.dimension_semantics<arbitrary>], iteration_bounds = array<i64: 17>, scalar_prefetch = 0 : i64, scratch_operands = 0 : i64, tpu.core_type = #tpu.core_type<tc>, window_params = [{transform_indices = @transform_0, window_bounds = array<i64: 2, 752, 128>}, {transform_indices = @transform_1, window_bounds = array<i64: 2, 752, 128>}, {transform_indices = @transform_2, window_bounds = array<i64: 752, 128>}, {pipeline_mode = #tpu.pipeline_mode<synchronous>, transform_indices = @transform_3, window_bounds = array<i64: 128, 16>}, {pipeline_mode = #tpu.pipeline_mode<synchronous>, transform_indices = @transform_4, window_bounds = array<i64: 128, 16>}, {pipeline_mode = #tpu.pipeline_mode<synchronous>, transform_indices = @transform_5, window_bounds = array<i64: 16>}, {transform_indices = @transform_6, window_bounds = array<i64: 752, 16>}]} {
    %get3A = arith.constant 0 : index
    %get3A_0 = arith.constant 0 : index
    %get3A_1 = vector.load %arg3[%get3A, %get3A_0] : memref<752x128xf32, #tpu.memory_space<vmem>>, vector<752x128xf32>
    %get3A_2 = arith.constant 0 : index
    %get3A_3 = arith.constant 0 : index
    %get3A_4 = arith.constant 0 : index
    %get3A_5 = vector.load %arg1[%get3A_2, %get3A_3, %get3A_4] : memref<2x752x128xf32, #tpu.memory_space<vmem>>, vector<1x752x128xf32>
    %get3A_6 = vector.shape_cast %get3A_5 : vector<1x752x128xf32> to vector<752x128xf32>
    %get3A_7 = arith.constant 0 : index
    %get3A_8 = arith.constant 0 : index
    %get3A_9 = arith.constant 0 : index
    %get3A_10 = vector.load %arg2[%get3A_7, %get3A_8, %get3A_9] : memref<2x752x128xf32, #tpu.memory_space<vmem>>, vector<1x752x128xf32>
    %get3A_11 = vector.shape_cast %get3A_10 : vector<1x752x128xf32> to vector<752x128xf32>
    %add3A = arith.addf %get3A_6, %get3A_11 : vector<752x128xf32>
    %mul3A = arith.mulf %get3A_1, %add3A : vector<752x128xf32>
    %get3A_12 = arith.constant 1 : index
    %get3A_13 = arith.constant 0 : index
    %get3A_14 = arith.constant 0 : index
    %get3A_15 = vector.load %arg1[%get3A_12, %get3A_13, %get3A_14] : memref<2x752x128xf32, #tpu.memory_space<vmem>>, vector<1x752x128xf32>
    %get3A_16 = vector.shape_cast %get3A_15 : vector<1x752x128xf32> to vector<752x128xf32>
    %get3A_17 = arith.constant 1 : index
    %get3A_18 = arith.constant 0 : index
    %get3A_19 = arith.constant 0 : index
    %get3A_20 = vector.load %arg2[%get3A_17, %get3A_18, %get3A_19] : memref<2x752x128xf32, #tpu.memory_space<vmem>>, vector<1x752x128xf32>
    %get3A_21 = vector.shape_cast %get3A_20 : vector<1x752x128xf32> to vector<752x128xf32>
    %add3A_22 = arith.addf %get3A_16, %get3A_21 : vector<752x128xf32>
    %mul3A_23 = arith.mulf %get3A_1, %add3A_22 : vector<752x128xf32>
    %get3A_24 = arith.constant 0 : index
    %get3A_25 = arith.constant 0 : index
    %get3A_26 = vector.load %arg4[%get3A_24, %get3A_25] : memref<128x16xf32, #tpu.memory_space<vmem>>, vector<128x16xf32>
    %dot_general3A = arith.constant dense<0.000000e+00> : vector<752x16xf32>
    %dot_general3A_27 = tpu.matmul %mul3A, %get3A_26, %dot_general3A {dimension_numbers = #tpu.dot_dimension_numbers<[1], [0], [0], [1], [0, 0, 1, 1], [], []>, transpose_lhs_hint = false} : vector<752x128xf32>, vector<128x16xf32>, vector<752x16xf32> -> vector<752x16xf32>
    %get3A_28 = arith.constant 0 : index
    %get3A_29 = arith.constant 0 : index
    %get3A_30 = vector.load %arg5[%get3A_28, %get3A_29] : memref<128x16xf32, #tpu.memory_space<vmem>>, vector<128x16xf32>
    %dot_general3A_31 = arith.constant dense<0.000000e+00> : vector<752x16xf32>
    %dot_general3A_32 = tpu.matmul %mul3A_23, %get3A_30, %dot_general3A_31 {dimension_numbers = #tpu.dot_dimension_numbers<[1], [0], [0], [1], [0, 0, 1, 1], [], []>, transpose_lhs_hint = false} : vector<752x128xf32>, vector<128x16xf32>, vector<752x16xf32> -> vector<752x16xf32>
    %add3A_33 = arith.addf %dot_general3A_27, %dot_general3A_32 : vector<752x16xf32>
    %get3A_34 = arith.constant 0 : index
    %get3A_35 = vector.load %arg6[%get3A_34] : memref<16xf32, #tpu.memory_space<vmem>>, vector<16xf32>
    %broadcast_in_dim3A = vector.shape_cast %get3A_35 : vector<16xf32> to vector<1x16xf32>
    %add3A_36 = vector.broadcast %broadcast_in_dim3A : vector<1x16xf32> to vector<752x16xf32>
    %add3A_37 = arith.addf %add3A_33, %add3A_36 : vector<752x16xf32>
    %swap3A = arith.constant 0 : index
    %swap3A_38 = arith.constant 0 : index
    %swap3A_39 = vector.load %arg7[%swap3A, %swap3A_38] : memref<752x16xf32, #tpu.memory_space<vmem>>, vector<752x16xf32>
    tpu.vector_store %arg7[%swap3A, %swap3A_38], %add3A_37 {strides = array<i32>} : memref<752x16xf32, #tpu.memory_space<vmem>>, vector<752x16xf32>,
    return
  }
  func.func @transform_0(%arg0: i32) -> (i32, i32, i32) {
    %c0_i32 = arith.constant 0 : i32
    %c0_i32_0 = arith.constant 0 : i32
    %c0_i32_1 = arith.constant 0 : i32
    return %c0_i32, %arg0, %c0_i32_0 : i32, i32, i32
  }
  func.func @transform_1(%arg0: i32) -> (i32, i32, i32) {
    %c0_i32 = arith.constant 0 : i32
    %c0_i32_0 = arith.constant 0 : i32
    %c0_i32_1 = arith.constant 0 : i32
    return %c0_i32, %arg0, %c0_i32_0 : i32, i32, i32
  }
  func.func @transform_2(%arg0: i32) -> (i32, i32) {
    %c0_i32 = arith.constant 0 : i32
    %c0_i32_0 = arith.constant 0 : i32
    return %arg0, %c0_i32 : i32, i32
  }
  func.func @transform_3(%arg0: i32) -> (i32, i32) {
    %c0_i32 = arith.constant 0 : i32
    %c0_i32_0 = arith.constant 0 : i32
    %c0_i32_1 = arith.constant 0 : i32
    return %c0_i32, %c0_i32_0 : i32, i32
  }
  func.func @transform_4(%arg0: i32) -> (i32, i32) {
    %c0_i32 = arith.constant 0 : i32
    %c0_i32_0 = arith.constant 0 : i32
    %c0_i32_1 = arith.constant 0 : i32
    return %c0_i32, %c0_i32_0 : i32, i32
  }
  func.func @transform_5(%arg0: i32) -> i32 {
    %c0_i32 = arith.constant 0 : i32
    %c0_i32_0 = arith.constant 0 : i32
    return %c0_i32 : i32
  }
  func.func @transform_6(%arg0: i32) -> (i32, i32) {
    %c0_i32 = arith.constant 0 : i32
    %c0_i32_0 = arith.constant 0 : i32
    return %arg0, %c0_i32 : i32, i32
  }
}

</mosaic_0001>

<sc_bundles>
// kernel: kernel.10.cloned.1.call-start
scs
__scs_entry_jumppad:
0x0: {  	(pc) =	sbr.rel $0x88, $3  }
0x1: {  	(tag) =	ssettag $0x0;
	lr =	simm.s32 $0x1  }
0x2: {  	[smem:$0x3F99] =	sst lr;
	_ =	strace $0xD0000000  }
0x3: {  	_ = 	snop  }
0x4: {  	_ = 	snop  }
0x5: {  	_ = 	snop  }
0x6: {  	_ = 	snop  }
0x7: {  	_ = 	snop  }
__scs_overlays_trampoline_lowered:
0x8: {  	[smem:$0x3FA8] =	sst s0  }
0x9: {  	[smem:$0x3FA9] =	sst s1  }
0xa: {  	[smem:$0x3FAA] =	sst s2  }
0xb: {  	[smem:$0x3FAB] =	sst s3  }
0xc: {  	[smem:$0x3FAC] =	sst s4  }
0xd: {  	[smem:$0x3FAD] =	sst s5  }
0xe: {  	[smem:$0x3FAE] =	sst s6  }
0xf: {  	[smem:$0x3FAF] =	sst s7  }
0x10: {  	[smem:$0x3FB0] =	sst s8  }
0x11: {  	[smem:$0x3FB1] =	sst s9;
	s0 =	simm.s32 @!p0 $0x0  }
0x12: {  	s1 =	sld [smem:$0x3F97];
	s0 =	simm.s32 @p0 $0x1  }
0x13: {  	[smem:$0x3FB2] =	sst s0;
	s0 =	simm.s32 @!p1 $0x0  }
0x14: {  	s2 =	sld [smem:$0x3F96];
	s0 =	simm.s32 @p1 $0x1  }
0x15: {  	[smem:$0x3FB3] =	sst s0;
	s0 =	simm.s32 @!p2 $0x0  }
0x16: {  	s3 =	sld [smem:$0x3FDB];
	s0 =	simm.s32 @p2 $0x1  }
0x17: {  	s4 =	simm.s32 $0x1BF5;
	[smem:$0x3FB5] =	sst s0  }
0x18: {  	s0 =	sld [smem:$0x3F98];
	_ =	swait.ge [sflag:s4], $0x0  }
0x19: {  	s7 =	sld [smem:$0x3F99]  }
0x1a: {  	s8 =	sadd.s32 $0xFFFFE003, lr  }
0x1b: {  	s9 =	sadd.s32 $0xFFFFFEF7, lr;
	s5 =	simm.s32 $0xFFFFFFFF;
	p2 =	slt.u32 s8, $0xFFFFF086  }
0x1c: {  	p1 =	slt.u32 s9, $0xF7A;
	s5 =	simm.s32 @!p2 $0x0  }
0x1d: {  	s5 =	simm.s32 @p1 $0x1;
	p0 =	seq.s32 s7, s2  }
0x1e: {  	s7 =	smul.u32 @!p0 $0xF7A, s2;
	p2 =	seq.s32 @!p0 s5, $0x0  }
0x1f: {  	s9 =	smul.u32 $0xF7A, s1;
	s8 =	simm.s32 @!p0 $0x1BF5;
	p2 =	por !p2, p0  }
0x20: {  	[sflag:s8] =	ssyncset.s32 @!p0 $0xFFFFF086;
	s6 =	sadd.s32 @!p0 s3, s7;
	s7 =	simm.s32 @!p0 $0x108  }
0x21: {  	s3 =	sadd.s32 s3, s9;
	s6 =	sadd.s32 @!p0 $0x88, s6;
	s7 =	simm.s32 @p2 $0x1082  }
0x22: {  	[simem:s7], [sflag:s8] =	dma.local @!p0 [hbm:s6], $0xF7A  }
0x23: {  	s9 =	sor.u32 $0xD0000000, s2;
	s6 =	simm.s32 $0x108;
	_ =	swait.ge @!p0 [sflag:s8], $0x0  }
0x24: {  	s3 =	sadd.s32 $0x88, s3;
	s6 =	simm.s32 @!p1 $0x1082;
	[sflag:s4] =	ssyncset.s32 $0xFFFFF086  }
0x25: {  	[simem:s6], [sflag:s4] =	dma.local [hbm:s3], $0xF7A  }
0x26: {  	[smem:$0x3F99] =	sst s1;
	(tag) =	ssettag s2;
	_ =	strace s9  }
0x27: {  	s1 =	sld [smem:$0x3FA9]  }
0x28: {  	s2 =	sld [smem:$0x3FAA]  }
0x29: {  	s4 =	sld [smem:$0x3FAC]  }
0x2a: {  	p0 =	seq.s32 s5, $0x0;
	s5 =	sld [smem:$0x3FAD]  }
0x2b: {  	s6 =	sld [smem:$0x3FAE]  }
0x2c: {  	s7 =	sld [smem:$0x3FAF]  }
0x2d: {  	s3 =	simm.s32 $0x108;
	s8 =	sld [smem:$0x3FB0]  }
0x2e: {  	s3 =	simm.s32 @!p0 $0x1082;
	s9 =	sld [smem:$0x3FB1]  }
0x2f: {  	lr =	sadd.s32 s0, s3;
	s0 =	sld [smem:$0x3FA8]  }
0x30: {  	s3 =	sld [smem:$0x3FAB]  }
0x31: {  	[smem:$0x3FB4] =	sst s10  }
0x32: {  	s10 =	sld [smem:$0x3FB2];
	_ =	sdelay $0x3  }
0x33: {  	p0 =	seq.s32 s10, $0x1;
	s10 =	sld [smem:$0x3FB4];
	_ =	sdelay $0x3  }
0x34: {  	[smem:$0x3FB4] =	sst s10  }
0x35: {  	s10 =	sld [smem:$0x3FB3];
	_ =	sdelay $0x3  }
0x36: {  	p1 =	seq.s32 s10, $0x1;
	s10 =	sld [smem:$0x3FB4];
	_ =	sdelay $0x3  }
0x37: {  	[smem:$0x3FB4] =	sst s10  }
0x38: {  	s10 =	sld [smem:$0x3FB5]  }
0x39: {  	_ = 	snop;
	(pc) =	sbr.ind lr, $3  }
0x3a: {  	_ = 	snop  }
0x3b: {  	_ = 	snop  }
0x3c: {  	p2 =	seq.s32 s10, $0x1;
	s10 =	sld [smem:$0x3FB4]  }
0x3d: {  	_ =	shalt  }
0x3e: {  	_ =	shalt  }
0x3f: {  	_ =	shalt  }
0x40: {  	_ =	shalt  }
0x41: {  	_ =	shalt  }
0x42: {  	_ =	shalt  }
0x43: {  	_ =	shalt  }
0x44: {  	_ =	shalt  }
0x45: {  	_ =	shalt  }
0x46: {  	_ =	shalt  }
0x47: {  	_ =	shalt  }
0x48: {  	_ =	shalt  }
0x49: {  	_ =	shalt  }
0x4a: {  	_ =	shalt  }
0x4b: {  	_ =	shalt  }
0x4c: {  	_ =	shalt  }
0x4d: {  	_ =	shalt  }
0x4e: {  	_ =	shalt  }
0x4f: {  	_ =	shalt  }
0x50: {  	_ =	shalt  }
0x51: {  	_ =	shalt  }
0x52: {  	_ =	shalt  }
0x53: {  	_ =	shalt  }
0x54: {  	_ =	shalt  }
0x55: {  	_ =	shalt  }
0x56: {  	_ =	shalt  }
0x57: {  	_ =	shalt  }
0x58: {  	_ =	shalt  }
0x59: {  	_ =	shalt  }
0x5a: {  	_ =	shalt  }
0x5b: {  	_ =	shalt  }
0x5c: {  	_ =	shalt  }
0x5d: {  	_ =	shalt  }
0x5e: {  	_ =	shalt  }
0x5f: {  	_ =	shalt  }
0x60: {  	_ =	shalt  }
0x61: {  	_ =	shalt  }
0x62: {  	_ =	shalt  }
0x63: {  	_ =	shalt  }
0x64: {  	_ =	shalt  }
0x65: {  	_ =	shalt  }
0x66: {  	_ =	shalt  }
0x67: {  	_ =	shalt  }
0x68: {  	_ =	shalt  }
0x69: {  	_ =	shalt  }
0x6a: {  	_ =	shalt  }
0x6b: {  	_ =	shalt  }
0x6c: {  	_ =	shalt  }
0x6d: {  	_ =	shalt  }
0x6e: {  	_ =	shalt  }
0x6f: {  	_ =	shalt  }
0x70: {  	_ =	shalt  }
0x71: {  	_ =	shalt  }
0x72: {  	_ =	shalt  }
0x73: {  	_ =	shalt  }
0x74: {  	_ =	shalt  }
0x75: {  	_ =	shalt  }
0x76: {  	_ =	shalt  }
0x77: {  	_ =	shalt  }
0x78: {  	_ =	shalt  }
0x79: {  	_ =	shalt  }
0x7a: {  	_ =	shalt  }
0x7b: {  	_ =	shalt  }
0x7c: {  	_ =	shalt  }
0x7d: {  	_ =	shalt  }
0x7e: {  	_ =	shalt  }
0x7f: {  	_ =	shalt  }
0x80: {  	_ =	shalt  }
0x81: {  	_ =	shalt  }
0x82: {  	_ =	shalt  }
0x83: {  	_ =	shalt  }
0x84: {  	_ =	shalt  }
0x85: {  	_ =	shalt  }
0x86: {  	_ =	shalt  }
0x87: {  	_ =	shalt  }
.Lfunc_end0:
.L_simem_size_0:
called_computation_lowered:
.L_overlay_start_0:
0x88: {  	s2 =	sld [smem:$0x3FD9]  }
0x89: {  	s3 =	sld [smem:$0x3FFE];
	_ =	sdelay $0x1  }
0x8a: {  	s1 =	srdreg.scid  }
0x8b: {  	s0 =	sand.u32 $0x1, s1  }
0x8c: {  	s17 =	sshll.u32 s0, $0xA;
	s2 =	sadd.s32 s3, s2  }
0x8d: {  	s2 =	sadd.s32 s2, s17  }
0x8e: {  	[smem:$0x3FC0] =	sst s2  }
0x8f: {  	_ = 	snop  }
0x90: {  	s2 =	sld [smem:$0x3FD0];
	(tm) =	ssettm $0x1  }
0x91: {  	s18 =	sld [smem:$0x3FFB];
	_ =	sdelay $0x3  }
0x92: {  	_ =	strace s18  }
0x93: {  	s3 =	sld [smem:$0x3FFC];
	_ =	sdelay $0x3  }
0x94: {  	_ =	strace s3  }
0x95: {  	s3 =	sld [smem:$0x3FFD];
	_ =	sdelay $0x3  }
0x96: {  	_ =	strace s3  }
0x97: {  	_ =	strace $0x8FFFFFFF  }
0x98: {  	s19 =	sld [smem:$0x3FDB];
	_ =	sdelay $0x1  }
0x99: {  	s4 =	simm.s32 $_scs_section_size  }
0x9a: {  	s5 =	simm.s32 $_size__tile_overlayer_lowered;
	s6 =	simm.s32 $_tile_overlayer_lowered  }
0x9b: {  	s22 =	simm.s32 $0x1BFF;
	s21 =	sshll.u32 s6, $0x1;
	s3 =	sadd.s32 s4, s19  }
0x9c: {  	s7 =	simm.s32 $0x0;
	s20 =	sshll.u32 s5, $0x1;
	s5 =	sadd.s32 s21, s3  }
0x9d: {  	[timem:s7], [sflag:s22] =	dma.local [hbm:s5], s20  }
0x9e: {  	_ =	swait.ge [sflag:s22], s20  }
0x9f: {  	s4 =	ssub.s32 $0x0, s20;
	[sflag:s22] =	ssyncset.done $0x0  }
0xa0: {  	[sflag:s22] =	ssyncadd.s32 s4;
	_ =	sdelay $0x1  }
0xa1: {  	s23 =	simm.s32 $0x1B8B  }
0xa2: {  	_ =	swait.ge [sflag:s23], $0x1  }
0xa3: {  	[sflag:s23] =	ssyncset.done $0x0  }
0xa4: {  	s25 =	simm.s32 $0x1B8E;
	s24 =	sld [smem:$0x3FFE];
	[sflag:s23] =	ssyncadd.s32 $0xFFFFFFFF  }
0xa5: {  	s26 =	simm.s32 $execute0_lowered;
	[smem:$0x3FD2] =	sst s25  }
0xa6: {  	s5 =	sshll.u32 s26, $0x1;
	_ =	strace $0x80000046;
	[dreg:$0x1] =	wrdreg $0xFFFFFFFF  }
0xa7: {  	s28 =	simm.s32 $_size_execute0_lowered;
	s3 =	sadd.s32 s3, s5;
	[dreg:$0x0] =	wrdreg $0x0  }
0xa8: {  	s5 =	sshll.u32 s28, $0x1;
	[dreg:$0x2] =	wrdreg s3  }
0xa9: {  	[dreg:$0x3] =	wrdreg s5  }
0xaa: {  	[dreg:$0x4] =	wrdreg $0xC0  }
0xab: {  	_ =	task [dreg:s7], $0x5FFFF  }
0xac: {  	[dreg:$0x1] =	wrdreg $0xFFFFFFFF  }
0xad: {  	[dreg:$0x0] =	wrdreg $0x60  }
0xae: {  	[dreg:$0x2] =	wrdreg s24  }
0xaf: {  	[dreg:$0x3] =	wrdreg s2  }
0xb0: {  	[dreg:$0x4] =	wrdreg $0x30000  }
0xb1: {  	[dreg:$0x5] =	wrdreg $0x9  }
0xb2: {  	_ =	task.clear_ibuf [dreg:s7], $0x6FFFF;
	_ =	strace $0x90000046  }
0xb3: {  	s29 =	simm.s32 $0x9;
	_ =	strace $0x80000048  }
0xb4: {  	_ =	swait.ge [sflag:s29], $0x1  }
0xb5: {  	[sflag:s29] =	ssyncadd.s32 $0xFFFFFFFF  }
0xb6: {  	_ =	strace $0x90000048  }
0xb7: {  	_ =	sfence  }
0xb8: {  	s30 =	sld [smem:$0x0];
	_ =	sdelay $0x2  }
0xb9: {  	s31 =	sshll.u32 s1, $0xD;
	s1 =	sshrl.u32 s1, $0x2  }
0xba: {  	s3 =	sand.u32 $0x4000, s31;
	s1 =	sadd.s32 s1, s30  }
0xbb: {  	s0 =	sor.u32 s3, s0;
	s1 =	sshll.u32 s1, $0x11  }
0xbc: {  	s0 =	sor.u32 s1, s0  }
0xbd: {  	s0 =	sadd.s32 $0x8F2B, s0  }
0xbe: {  	[sflag:s0] =	ssyncadd.remote.s32 $0x1  }
0xbf: {  	_ =	sfence.sel $0xFFFF  }
0xc0: {  	[dreg:$0x0] =	wrdreg $0xFFFFFFFF;
	(pc) =	sbr.abs _section_cstart, $3  }
0xc1: {  	[dreg:$0x1] =	wrdreg $0xFFFFFFFF  }
0xc2: {  	_ =	task.clear_ibuf [dreg:s7], $0x2FFFF;
	_ =	strace $0x9FFFFFFF  }
0xc3: {  	(tm) =	ssettm $0x7FFFFFFF  }
tec
execute0_lowered:
.L_overlay_start_1:
0x0: {  	(tag) =	ssettag $0x1  }
0x1: {  	s2 =	rddreg [dreg:$0x0]  }
0x2: {  	s3 =	rddreg [dreg:$0x2];
	s4 =	simm.s32 $0x0  }
0x3: {  	s14 =	simm.s32 $0x100;
	[smem:$0x7FF] =	sst s4  }
0x4: {  	s15 =	simm.s32 $0x180;
	_ =	strace $0x80000047;
	[dreg:$0x5] =	wrdreg s14  }
0x5: {  	s16 =	simm.s32 $0x200;
	[dreg:$0x6] =	wrdreg s15  }
0x6: {  	s17 =	simm.s32 $0x280;
	[dreg:$0x7] =	wrdreg s16  }
0x7: {  	s18 =	simm.s32 $0x300;
	[dreg:$0x8] =	wrdreg s17  }
0x8: {  	s19 =	simm.s32 $0x380;
	[dreg:$0x9] =	wrdreg s18  }
0x9: {  	s20 =	simm.s32 $0x400;
	[dreg:$0xa] =	wrdreg s19  }
0xa: {  	s21 =	simm.s32 $0x480;
	[dreg:$0xb] =	wrdreg s20  }
0xb: {  	s22 =	simm.s32 $0x500;
	[dreg:$0xc] =	wrdreg s21  }
0xc: {  	s23 =	simm.s32 $0x580;
	[dreg:$0xd] =	wrdreg s22  }
0xd: {  	s24 =	simm.s32 $0x600;
	[dreg:$0xe] =	wrdreg s23  }
0xe: {  	s25 =	simm.s32 $0x680;
	[dreg:$0xf] =	wrdreg s24  }
0xf: {  	s26 =	simm.s32 $0x700;
	[dreg:$0x10] =	wrdreg s25  }
0x10: {  	s7 =	simm.s32 $0x800;
	[dreg:$0x11] =	wrdreg s26  }
0x11: {  	s8 =	simm.s32 $0x880;
	[dreg:$0x13] =	wrdreg s7  }
0x12: {  	s9 =	simm.s32 $0x900;
	[dreg:$0x14] =	wrdreg s8  }
0x13: {  	s10 =	simm.s32 $0x980;
	[dreg:$0x15] =	wrdreg s9  }
0x14: {  	s12 =	simm.s32 $0xA00;
	[dreg:$0x16] =	wrdreg s10  }
0x15: {  	s13 =	simm.s32 $0xA80;
	[dreg:$0x17] =	wrdreg s12  }
0x16: {  	[dreg:$0x18] =	wrdreg s13;
	s14 =	simm.s32 $0xB00  }
0x17: {  	s15 =	simm.s32 $0xB80;
	[dreg:$0x19] =	wrdreg s14  }
0x18: {  	s16 =	simm.s32 $0xC00;
	[dreg:$0x1a] =	wrdreg s15  }
0x19: {  	s17 =	simm.s32 $0xC80;
	[dreg:$0x1b] =	wrdreg s16  }
0x1a: {  	s18 =	simm.s32 $0xD00;
	[dreg:$0x1c] =	wrdreg s17  }
0x1b: {  	s19 =	simm.s32 $0xD80;
	[dreg:$0x1d] =	wrdreg s18  }
0x1c: {  	s20 =	simm.s32 $0xE00;
	[dreg:$0x1e] =	wrdreg s19  }
0x1d: {  	s21 =	simm.s32 $0xE80;
	[dreg:$0x1f] =	wrdreg s20  }
0x1e: {  	s22 =	simm.s32 $0xF00;
	[smem:$0x7D8] =	sst s21  }
0x1f: {  	s23 =	simm.s32 $0xF80;
	[smem:$0x7D9] =	sst s22  }
0x20: {  	s24 =	simm.s32 $0x1000;
	[smem:$0x7DA] =	sst s23  }
0x21: {  	s0 =	srdreg.scid;
	s25 =	simm.s32 $0x1080;
	[smem:$0x7DB] =	sst s24  }
0x22: {  	s11 =	stileid.u32;
	s9 =	simm.s32 $0x1100;
	[smem:$0x7DC] =	sst s25  }
0x23: {  	s28 =	simm.s32 $0x2380;
	s7 =	simm.s32 $0x1180;
	[smem:$0x7DD] =	sst s9  }
0x24: {  	s29 =	simm.s32 $0x2400;
	s10 =	simm.s32 $0x1200;
	[smem:$0x7DE] =	sst s7  }
0x25: {  	s30 =	simm.s32 $0x2480;
	s12 =	simm.s32 $0x1280;
	[smem:$0x7DF] =	sst s10  }
0x26: {  	s31 =	simm.s32 $0x2500;
	s13 =	simm.s32 $0x1300;
	[smem:$0x7E0] =	sst s12  }
0x27: {  	s1 =	sand.u32 $0x1, s0;
	[smem:$0x7E1] =	sst s13;
	s14 =	simm.s32 $0x1380  }
0x28: {  	s0 =	sadd.s32 $0x35C00, s2;
	s16 =	simm.s32 $0x1480;
	[smem:$0x7E2] =	sst s14  }
0x29: {  	s6 =	smul.u32 $0x1900, s11;
	s17 =	simm.s32 $0x1500;
	[smem:$0x7E3] =	sst s16  }
0x2a: {  	s5 =	smul.u32 $0x19000, s1;
	s18 =	simm.s32 $0x1580;
	[smem:$0x7E4] =	sst s17  }
0x2b: {  	s26 =	smul.u32 $0x18F80, s11;
	s19 =	simm.s32 $0x1600;
	[smem:$0x7E5] =	sst s18  }
0x2c: {  	s8 =	smul.u32 $0x31F00, s1;
	s20 =	simm.s32 $0x1680;
	[smem:$0x7E7] =	sst s19  }
0x2d: {  	s15 =	ssub.s32 $0x2, s1;
	s22 =	simm.s32 $0x1700;
	[smem:$0x7E8] =	sst s20  }
0x2e: {  	s21 =	sshll.u32 s11, $0x6;
	s23 =	simm.s32 $0x1780;
	[smem:$0x7E9] =	sst s22  }
0x2f: {  	s1 =	sshll.u32 s1, $0x4;
	s24 =	simm.s32 $0x1800;
	[smem:$0x7EA] =	sst s23  }
0x30: {  	s25 =	simm.s32 $0x1880;
	s12 =	simm.s32 $0x1;
	[smem:$0x7EB] =	sst s24  }
0x31: {  	s13 =	simm.s32 $0x1400;
	[smem:$0x7EC] =	sst s25;
	s14 =	simm.s32 $0x1A00  }
0x32: {  	s5 =	sadd.s32 s5, s0;
	s16 =	simm.s32 $0x1A80;
	[smem:$0x7F1] =	sst s14  }
0x33: {  	s10 =	sshrl.u32 s15, $0x1;
	s17 =	simm.s32 $0x1B00;
	[smem:$0x7F2] =	sst s16  }
0x34: {  	s1 =	sor.u32 s11, s1;
	s18 =	simm.s32 $0x1B80;
	[smem:$0x7F3] =	sst s17  }
0x35: {  	s24 =	simm.s32 $0x4;
	s19 =	simm.s32 $0x1C00;
	[smem:$0x7F4] =	sst s18  }
0x36: {  	s11 =	simm.s32 $0x2800;
	s20 =	simm.s32 $0x1C80;
	[smem:$0x7F5] =	sst s19  }
0x37: {  	s22 =	simm.s32 $0x1D80;
	s23 =	simm.s32 $0x1E00;
	[smem:$0x7F6] =	sst s20  }
0x38: {  	s25 =	simm.s32 $0x1E80;
	s5 =	sadd.s32 s6, s5;
	[smem:$0x7F8] =	sst s22  }
0x39: {  	s6 =	simm.s32 $0x780;
	s1 =	smul.u32 $0x1900, s1;
	[smem:$0x7F9] =	sst s23  }
0x3a: {  	s14 =	simm.s32 $0x80;
	s16 =	simm.s32 $0x2;
	[smem:$0x7FA] =	sst s25  }
0x3b: {  	s17 =	simm.s32 $0x1F00;
	s18 =	simm.s32 $0x1F80;
	s19 =	simm.s32 $0x2000  }
0x3c: {  	s20 =	simm.s32 $0x2080;
	s22 =	simm.s32 $0x2180;
	[dreg:$0x4] =	wrdreg s5  }
0x3d: {  	s23 =	simm.s32 $0x2200;
	s25 =	simm.s32 $0x2280;
	[dreg:$0x12] =	wrdreg s6  }
0x3e: {  	s5 =	sshrl.u32 s26, $0x3;
	s6 =	sadd.s32 s26, s3;
	s26 =	simm.s32 $0x1900  }
0x3f: {  	s9 =	sadd.s32 s5, s2;
	s2 =	sadd.s32 s8, s2;
	s8 =	ssub.s32 s15, s10  }
0x40: {  	s0 =	sadd.s32 s0, s1;
	[smem:$0x7EE] =	sst s26;
	s1 =	simm.s32 $0x1980  }
0x41: {  	s10 =	sshrl.u32 s6, $0x3;
	s9 =	sadd.s32 $0x68000, s9;
	[smem:$0x7ED] =	sst s0  }
0x42: {  	s7 =	sadd.s32 $0x9A000, s2;
	[smem:$0x7EF] =	sst s1;
	s15 =	smax.u32 s8, $0x1  }
0x43: {  	s0 =	simm.s32 $0x2580;
	s2 =	simm.s32 $0x2600;
	[smem:$0x7FD] =	sst s10  }
0x44: {  	s1 =	simm.s32 $0x2680;
	s8 =	simm.s32 $0x0;
	[smem:$0x7E6] =	sst s9  }
0x45: {  	s9 =	sor.u32 $0x1C04, s21;
	[smem:$0x7F0] =	sst s15;
	s21 =	simm.s32 $0x1D00  }
0x46: {  	s15 =	simm.s32 $0x3;
	s26 =	sadd.s32 s5, s7;
	[smem:$0x7F7] =	sst s21  }
0x47: {  	s5 =	simm.s32 $0x2700;
	s7 =	simm.s32 $0x2780;
	[smem:$0x7FB] =	sst s26  }
0x48: {  	s21 =	simm.s32 $0x2100;
	s26 =	simm.s32 $0x2300;
	[smem:$0x7FC] =	sst s9  }
.LBB2_1:
0x49: {  	s6 =	sld [smem:$0x7E6];
	_ =	sdelay $0x2  }
0x4a: {  	[spmem:s10], [sflag:s9] =	dma.local [hbm:s6], $0x31F0  }
0x4b: {  	_ =	swait.ge [sflag:s24], $0x31F0  }
0x4c: {  	[sflag:s24] =	ssyncset.done $0x0  }
0x4d: {  	[sflag:s24] =	ssyncadd.s32 $0xFFFFCE10  }
0x4e: {  	s10 =	rddreg [dreg:$0x1]  }
0x4f: {  	[tilespmem:s11], [sflag:$0x4] =	stream.linear.gather [hbm4b:s10+s4], $0x800, $0x38;
	[tilespmem:$0x1BF80] =	vst v63  }
0x50: {  	_ =	swait.ge [sflag:s24], $0x800  }
0x51: {  	[sflag:s24] =	ssyncset.done $0x0  }
0x52: {  	[sflag:s24] =	ssyncadd.s32 $0xFFFFF800  }
0x53: {  	[bflag:$0x0] =	sbarrier.arrive $0xFFFF  }
0x54: {  	s24 =	sld [smem:$0x7ED];
	_ =	sdelay $0x2  }
0x55: {  	[tilespmem:s4], [sflag:$0x1] =	stream.linear.gather [hbm4b:s24+s4], $0x1400, $0x38;
	[tilespmem:$0x1BF80] =	vst v63  }
0x56: {  	_ =	swait.ge [sflag:s12], $0x1400  }
0x57: {  	s9 =	rddreg [dreg:$0x4]  }
0x58: {  	[sflag:s12] =	ssyncset.done $0x0;
	s6 =	sadd.s32 $0xFFFFE700, s9  }
0x59: {  	[sflag:s12] =	ssyncadd.s32 $0xFFFFEC00;
	s10 =	sadd.s32 $0x1B80, s6  }
0x5a: {  	[tilespmem:s13], [sflag:$0x2] =	stream.linear.gather [hbm4b:s10+s4], $0x1400, $0x38;
	[tilespmem:$0x1BF80] =	vst v63  }
0x5b: {  	_ = 	snop  }
0x5c: {  	[spmem:s3] =	stream.indirect.scatter.add.f32 [tilespmem:s11], [sflag:$0x3], $0x10, s4, s14, $0xb8;
	[tilespmem:$0x1BF80] =	vst v63  }
0x5d: {  	_ = 	snop  }
0x5e: {  	[spmem:s3] =	stream.indirect.scatter.add.f32 [tilespmem:s11], [sflag:$0x3], $0x10, s14, s14, $0xb8;
	[tilespmem:$0x1BF80] =	vst v63  }
0x5f: {  	s9 =	rddreg [dreg:$0x5]  }
0x60: {  	[spmem:s3] =	stream.indirect.scatter.add.f32 [tilespmem:s11], [sflag:$0x3], $0x10, s9, s14, $0xb8;
	[tilespmem:$0x1BF80] =	vst v63  }
0x61: {  	s10 =	rddreg [dreg:$0x6]  }
0x62: {  	[spmem:s3] =	stream.indirect.scatter.add.f32 [tilespmem:s11], [sflag:$0x3], $0x10, s10, s14, $0xb8;
	[tilespmem:$0x1BF80] =	vst v63  }
0x63: {  	s24 =	rddreg [dreg:$0x7]  }
0x64: {  	[spmem:s3] =	stream.indirect.scatter.add.f32 [tilespmem:s11], [sflag:$0x3], $0x10, s24, s14, $0xb8;
	[tilespmem:$0x1BF80] =	vst v63  }
0x65: {  	s10 =	rddreg [dreg:$0x8]  }
0x66: {  	[spmem:s3] =	stream.indirect.scatter.add.f32 [tilespmem:s11], [sflag:$0x3], $0x10, s10, s14, $0xb8;
	[tilespmem:$0x1BF80] =	vst v63  }
0x67: {  	s24 =	rddreg [dreg:$0x9]  }
0x68: {  	[spmem:s3] =	stream.indirect.scatter.add.f32 [tilespmem:s11], [sflag:$0x3], $0x10, s24, s14, $0xb8;
	[tilespmem:$0x1BF80] =	vst v63  }
0x69: {  	s10 =	rddreg [dreg:$0xa]  }
0x6a: {  	[spmem:s3] =	stream.indirect.scatter.add.f32 [tilespmem:s11], [sflag:$0x3], $0x10, s10, s14, $0xb8;
	[tilespmem:$0x1BF80] =	vst v63  }
0x6b: {  	_ =	swait.ge [sflag:s15], $0x800  }
0x6c: {  	[sflag:s15] =	ssyncset.done $0x0  }
0x6d: {  	[sflag:s15] =	ssyncadd.s32 $0xFFFFF800  }
0x6e: {  	_ =	swait.ge [sflag:s15], $0x800  }
0x6f: {  	[sflag:s15] =	ssyncset.done $0x0  }
0x70: {  	[sflag:s15] =	ssyncadd.s32 $0xFFFFF800  }
0x71: {  	_ =	swait.ge [sflag:s15], $0x800  }
0x72: {  	[sflag:s15] =	ssyncset.done $0x0  }
0x73: {  	[sflag:s15] =	ssyncadd.s32 $0xFFFFF800  }
0x74: {  	_ =	swait.ge [sflag:s15], $0x800  }
0x75: {  	[sflag:s15] =	ssyncset.done $0x0  }
0x76: {  	[sflag:s15] =	ssyncadd.s32 $0xFFFFF800  }
0x77: {  	_ =	swait.ge [sflag:s15], $0x800  }
0x78: {  	[sflag:s15] =	ssyncset.done $0x0  }
0x79: {  	[sflag:s15] =	ssyncadd.s32 $0xFFFFF800  }
0x7a: {  	_ =	swait.ge [sflag:s15], $0x800  }
0x7b: {  	[sflag:s15] =	ssyncset.done $0x0  }
0x7c: {  	[sflag:s15] =	ssyncadd.s32 $0xFFFFF800  }
0x7d: {  	_ =	swait.ge [sflag:s15], $0x800  }
0x7e: {  	[sflag:s15] =	ssyncset.done $0x0  }
0x7f: {  	[sflag:s15] =	ssyncadd.s32 $0xFFFFF800  }
0x80: {  	_ =	swait.ge [sflag:s15], $0x800  }
0x81: {  	[sflag:s15] =	ssyncset.done $0x0  }
0x82: {  	s24 =	rddreg [dreg:$0xb];
	[sflag:s15] =	ssyncadd.s32 $0xFFFFF800  }
0x83: {  	[spmem:s3] =	stream.indirect.scatter.add.f32 [tilespmem:s11], [sflag:$0x3], $0x10, s24, s14, $0xb8;
	[tilespmem:$0x1BF80] =	vst v63  }
0x84: {  	s10 =	rddreg [dreg:$0xc]  }
0x85: {  	[spmem:s3] =	stream.indirect.scatter.add.f32 [tilespmem:s11], [sflag:$0x3], $0x10, s10, s14, $0xb8;
	[tilespmem:$0x1BF80] =	vst v63  }
0x86: {  	s9 =	rddreg [dreg:$0xd]  }
0x87: {  	[spmem:s3] =	stream.indirect.scatter.add.f32 [tilespmem:s11], [sflag:$0x3], $0x10, s9, s14, $0xb8;
	[tilespmem:$0x1BF80] =	vst v63  }
0x88: {  	s10 =	rddreg [dreg:$0xe]  }
0x89: {  	[spmem:s3] =	stream.indirect.scatter.add.f32 [tilespmem:s11], [sflag:$0x3], $0x10, s10, s14, $0xb8;
	[tilespmem:$0x1BF80] =	vst v63  }
0x8a: {  	s9 =	rddreg [dreg:$0xf]  }
0x8b: {  	[spmem:s3] =	stream.indirect.scatter.add.f32 [tilespmem:s11], [sflag:$0x3], $0x10, s9, s14, $0xb8;
	[tilespmem:$0x1BF80] =	vst v63  }
0x8c: {  	s10 =	rddreg [dreg:$0x10]  }
0x8d: {  	[spmem:s3] =	stream.indirect.scatter.add.f32 [tilespmem:s11], [sflag:$0x3], $0x10, s10, s14, $0xb8;
	[tilespmem:$0x1BF80] =	vst v63  }
0x8e: {  	s9 =	rddreg [dreg:$0x11]  }
0x8f: {  	[spmem:s3] =	stream.indirect.scatter.add.f32 [tilespmem:s11], [sflag:$0x3], $0x10, s9, s14, $0xb8;
	[tilespmem:$0x1BF80] =	vst v63  }
0x90: {  	s10 =	rddreg [dreg:$0x12]  }
0x91: {  	[spmem:s3] =	stream.indirect.scatter.add.f32 [tilespmem:s11], [sflag:$0x3], $0x10, s10, s14, $0xb8;
	[tilespmem:$0x1BF80] =	vst v63  }
0x92: {  	_ =	swait.ge [sflag:s15], $0x800  }
0x93: {  	[sflag:s15] =	ssyncset.done $0x0  }
0x94: {  	[sflag:s15] =	ssyncadd.s32 $0xFFFFF800  }
0x95: {  	_ =	swait.ge [sflag:s15], $0x800  }
0x96: {  	[sflag:s15] =	ssyncset.done $0x0  }
0x97: {  	[sflag:s15] =	ssyncadd.s32 $0xFFFFF800  }
0x98: {  	_ =	swait.ge [sflag:s15], $0x800  }
0x99: {  	[sflag:s15] =	ssyncset.done $0x0  }
0x9a: {  	[sflag:s15] =	ssyncadd.s32 $0xFFFFF800  }
0x9b: {  	_ =	swait.ge [sflag:s15], $0x800  }
0x9c: {  	[sflag:s15] =	ssyncset.done $0x0  }
0x9d: {  	[sflag:s15] =	ssyncadd.s32 $0xFFFFF800  }
0x9e: {  	_ =	swait.ge [sflag:s15], $0x800  }
0x9f: {  	[sflag:s15] =	ssyncset.done $0x0  }
0xa0: {  	[sflag:s15] =	ssyncadd.s32 $0xFFFFF800  }
0xa1: {  	_ =	swait.ge [sflag:s15], $0x800  }
0xa2: {  	[sflag:s15] =	ssyncset.done $0x0  }
0xa3: {  	[sflag:s15] =	ssyncadd.s32 $0xFFFFF800  }
0xa4: {  	_ =	swait.ge [sflag:s15], $0x800  }
0xa5: {  	[sflag:s15] =	ssyncset.done $0x0  }
0xa6: {  	[sflag:s15] =	ssyncadd.s32 $0xFFFFF800  }
0xa7: {  	_ =	swait.ge [sflag:s15], $0x800  }
0xa8: {  	[sflag:s15] =	ssyncset.done $0x0  }
0xa9: {  	s24 =	rddreg [dreg:$0x13];
	[sflag:s15] =	ssyncadd.s32 $0xFFFFF800  }
0xaa: {  	[spmem:s3] =	stream.indirect.scatter.add.f32 [tilespmem:s11], [sflag:$0x3], $0x10, s24, s14, $0xb8;
	[tilespmem:$0x1BF80] =	vst v63  }
0xab: {  	s10 =	rddreg [dreg:$0x14]  }
0xac: {  	[spmem:s3] =	stream.indirect.scatter.add.f32 [tilespmem:s11], [sflag:$0x3], $0x10, s10, s14, $0xb8;
	[tilespmem:$0x1BF80] =	vst v63  }
0xad: {  	s9 =	rddreg [dreg:$0x15]  }
0xae: {  	[spmem:s3] =	stream.indirect.scatter.add.f32 [tilespmem:s11], [sflag:$0x3], $0x10, s9, s14, $0xb8;
	[tilespmem:$0x1BF80] =	vst v63  }
0xaf: {  	s10 =	rddreg [dreg:$0x16]  }
0xb0: {  	[spmem:s3] =	stream.indirect.scatter.add.f32 [tilespmem:s11], [sflag:$0x3], $0x10, s10, s14, $0xb8;
	[tilespmem:$0x1BF80] =	vst v63  }
0xb1: {  	s9 =	rddreg [dreg:$0x17]  }
0xb2: {  	[spmem:s3] =	stream.indirect.scatter.add.f32 [tilespmem:s11], [sflag:$0x3], $0x10, s9, s14, $0xb8;
	[tilespmem:$0x1BF80] =	vst v63  }
0xb3: {  	s10 =	rddreg [dreg:$0x18]  }
0xb4: {  	[spmem:s3] =	stream.indirect.scatter.add.f32 [tilespmem:s11], [sflag:$0x3], $0x10, s10, s14, $0xb8;
	[tilespmem:$0x1BF80] =	vst v63  }
0xb5: {  	s9 =	rddreg [dreg:$0x19]  }
0xb6: {  	[spmem:s3] =	stream.indirect.scatter.add.f32 [tilespmem:s11], [sflag:$0x3], $0x10, s9, s14, $0xb8;
	[tilespmem:$0x1BF80] =	vst v63  }
0xb7: {  	s10 =	rddreg [dreg:$0x1a]  }
0xb8: {  	[spmem:s3] =	stream.indirect.scatter.add.f32 [tilespmem:s11], [sflag:$0x3], $0x10, s10, s14, $0xb8;
	[tilespmem:$0x1BF80] =	vst v63  }
0xb9: {  	_ =	swait.ge [sflag:s15], $0x800  }
0xba: {  	[sflag:s15] =	ssyncset.done $0x0  }
0xbb: {  	[sflag:s15] =	ssyncadd.s32 $0xFFFFF800  }
0xbc: {  	_ =	swait.ge [sflag:s15], $0x800  }
0xbd: {  	[sflag:s15] =	ssyncset.done $0x0  }
0xbe: {  	[sflag:s15] =	ssyncadd.s32 $0xFFFFF800  }
0xbf: {  	_ =	swait.ge [sflag:s15], $0x800  }
0xc0: {  	[sflag:s15] =	ssyncset.done $0x0  }
0xc1: {  	[sflag:s15] =	ssyncadd.s32 $0xFFFFF800  }
0xc2: {  	_ =	swait.ge [sflag:s15], $0x800  }
0xc3: {  	[sflag:s15] =	ssyncset.done $0x0  }
0xc4: {  	[sflag:s15] =	ssyncadd.s32 $0xFFFFF800  }
0xc5: {  	_ =	swait.ge [sflag:s15], $0x800  }
0xc6: {  	[sflag:s15] =	ssyncset.done $0x0  }
0xc7: {  	[sflag:s15] =	ssyncadd.s32 $0xFFFFF800  }
0xc8: {  	_ =	swait.ge [sflag:s15], $0x800  }
0xc9: {  	[sflag:s15] =	ssyncset.done $0x0  }
0xca: {  	[sflag:s15] =	ssyncadd.s32 $0xFFFFF800  }
0xcb: {  	_ =	swait.ge [sflag:s15], $0x800  }
0xcc: {  	[sflag:s15] =	ssyncset.done $0x0  }
0xcd: {  	[sflag:s15] =	ssyncadd.s32 $0xFFFFF800  }
0xce: {  	_ =	swait.ge [sflag:s15], $0x800  }
0xcf: {  	s24 =	rddreg [dreg:$0x1b];
	[sflag:s15] =	ssyncset.done $0x0  }
0xd0: {  	s10 =	rddreg [dreg:$0x1c];
	[sflag:s15] =	ssyncadd.s32 $0xFFFFF800  }
0xd1: {  	[spmem:s3] =	stream.indirect.scatter.add.f32 [tilespmem:s11], [sflag:$0x3], $0x10, s24, s14, $0xb8;
	[tilespmem:$0x1BF80] =	vst v63  }
0xd2: {  	s9 =	rddreg [dreg:$0x1d]  }
0xd3: {  	[spmem:s3] =	stream.indirect.scatter.add.f32 [tilespmem:s11], [sflag:$0x3], $0x10, s10, s14, $0xb8;
	[tilespmem:$0x1BF80] =	vst v63  }
0xd4: {  	s10 =	rddreg [dreg:$0x1e]  }
0xd5: {  	[spmem:s3] =	stream.indirect.scatter.add.f32 [tilespmem:s11], [sflag:$0x3], $0x10, s9, s14, $0xb8;
	[tilespmem:$0x1BF80] =	vst v63  }
0xd6: {  	s9 =	rddreg [dreg:$0x1f]  }
0xd7: {  	[spmem:s3] =	stream.indirect.scatter.add.f32 [tilespmem:s11], [sflag:$0x3], $0x10, s10, s14, $0xb8;
	[tilespmem:$0x1BF80] =	vst v63  }
0xd8: {  	s10 =	sld [smem:$0x7D8]  }
0xd9: {  	[spmem:s3] =	stream.indirect.scatter.add.f32 [tilespmem:s11], [sflag:$0x3], $0x10, s9, s14, $0xb8;
	[tilespmem:$0x1BF80] =	vst v63  }
0xda: {  	s9 =	sld [smem:$0x7D9]  }
0xdb: {  	[spmem:s3] =	stream.indirect.scatter.add.f32 [tilespmem:s11], [sflag:$0x3], $0x10, s10, s14, $0xb8;
	[tilespmem:$0x1BF80] =	vst v63  }
0xdc: {  	s10 =	sld [smem:$0x7DA]  }
0xdd: {  	[spmem:s3] =	stream.indirect.scatter.add.f32 [tilespmem:s11], [sflag:$0x3], $0x10, s9, s14, $0xb8;
	[tilespmem:$0x1BF80] =	vst v63  }
0xde: {  	_ = 	snop  }
0xdf: {  	[spmem:s3] =	stream.indirect.scatter.add.f32 [tilespmem:s11], [sflag:$0x3], $0x10, s10, s14, $0xb8;
	[tilespmem:$0x1BF80] =	vst v63  }
0xe0: {  	_ =	swait.ge [sflag:s15], $0x800  }
0xe1: {  	[sflag:s15] =	ssyncset.done $0x0  }
0xe2: {  	[sflag:s15] =	ssyncadd.s32 $0xFFFFF800  }
0xe3: {  	_ =	swait.ge [sflag:s15], $0x800  }
0xe4: {  	[sflag:s15] =	ssyncset.done $0x0  }
0xe5: {  	[sflag:s15] =	ssyncadd.s32 $0xFFFFF800  }
0xe6: {  	_ =	swait.ge [sflag:s15], $0x800  }
0xe7: {  	[sflag:s15] =	ssyncset.done $0x0  }
0xe8: {  	[sflag:s15] =	ssyncadd.s32 $0xFFFFF800  }
0xe9: {  	_ =	swait.ge [sflag:s15], $0x800  }
0xea: {  	[sflag:s15] =	ssyncset.done $0x0  }
0xeb: {  	[sflag:s15] =	ssyncadd.s32 $0xFFFFF800  }
0xec: {  	_ =	swait.ge [sflag:s15], $0x800  }
0xed: {  	[sflag:s15] =	ssyncset.done $0x0  }
0xee: {  	[sflag:s15] =	ssyncadd.s32 $0xFFFFF800  }
0xef: {  	_ =	swait.ge [sflag:s15], $0x800  }
0xf0: {  	[sflag:s15] =	ssyncset.done $0x0  }
0xf1: {  	[sflag:s15] =	ssyncadd.s32 $0xFFFFF800  }
0xf2: {  	_ =	swait.ge [sflag:s15], $0x800  }
0xf3: {  	[sflag:s15] =	ssyncset.done $0x0  }
0xf4: {  	[sflag:s15] =	ssyncadd.s32 $0xFFFFF800  }
0xf5: {  	_ =	swait.ge [sflag:s15], $0x800  }
0xf6: {  	s24 =	sld [smem:$0x7DB]  }
0xf7: {  	[sflag:s15] =	ssyncset.done $0x0  }
0xf8: {  	s10 =	sld [smem:$0x7DC];
	[sflag:s15] =	ssyncadd.s32 $0xFFFFF800  }
0xf9: {  	[spmem:s3] =	stream.indirect.scatter.add.f32 [tilespmem:s11], [sflag:$0x3], $0x10, s24, s14, $0xb8;
	[tilespmem:$0x1BF80] =	vst v63  }
0xfa: {  	s9 =	sld [smem:$0x7DD]  }
0xfb: {  	[spmem:s3] =	stream.indirect.scatter.add.f32 [tilespmem:s11], [sflag:$0x3], $0x10, s10, s14, $0xb8;
	[tilespmem:$0x1BF80] =	vst v63  }
0xfc: {  	s10 =	sld [smem:$0x7DE]  }
0xfd: {  	[spmem:s3] =	stream.indirect.scatter.add.f32 [tilespmem:s11], [sflag:$0x3], $0x10, s9, s14, $0xb8;
	[tilespmem:$0x1BF80] =	vst v63  }
0xfe: {  	s9 =	sld [smem:$0x7DF]  }
0xff: {  	[spmem:s3] =	stream.indirect.scatter.add.f32 [tilespmem:s11], [sflag:$0x3], $0x10, s10, s14, $0xb8;
	[tilespmem:$0x1BF80] =	vst v63  }
0x100: {  	s10 =	sld [smem:$0x7E0]  }
0x101: {  	[spmem:s3] =	stream.indirect.scatter.add.f32 [tilespmem:s11], [sflag:$0x3], $0x10, s9, s14, $0xb8;
	[tilespmem:$0x1BF80] =	vst v63  }
0x102: {  	s9 =	sld [smem:$0x7E1]  }
0x103: {  	[spmem:s3] =	stream.indirect.scatter.add.f32 [tilespmem:s11], [sflag:$0x3], $0x10, s10, s14, $0xb8;
	[tilespmem:$0x1BF80] =	vst v63  }
0x104: {  	s10 =	sld [smem:$0x7E2]  }
0x105: {  	[spmem:s3] =	stream.indirect.scatter.add.f32 [tilespmem:s11], [sflag:$0x3], $0x10, s9, s14, $0xb8;
	[tilespmem:$0x1BF80] =	vst v63  }
0x106: {  	_ = 	snop  }
0x107: {  	[spmem:s3] =	stream.indirect.scatter.add.f32 [tilespmem:s11], [sflag:$0x3], $0x10, s10, s14, $0xb8;
	[tilespmem:$0x1BF80] =	vst v63  }
0x108: {  	_ =	swait.ge [sflag:s15], $0x800  }
0x109: {  	[sflag:s15] =	ssyncset.done $0x0  }
0x10a: {  	[sflag:s15] =	ssyncadd.s32 $0xFFFFF800  }
0x10b: {  	_ =	swait.ge [sflag:s15], $0x800  }
0x10c: {  	[sflag:s15] =	ssyncset.done $0x0  }
0x10d: {  	[sflag:s15] =	ssyncadd.s32 $0xFFFFF800  }
0x10e: {  	_ =	swait.ge [sflag:s15], $0x800  }
0x10f: {  	[sflag:s15] =	ssyncset.done $0x0  }
0x110: {  	[sflag:s15] =	ssyncadd.s32 $0xFFFFF800  }
0x111: {  	_ =	swait.ge [sflag:s15], $0x800  }
0x112: {  	[sflag:s15] =	ssyncset.done $0x0  }
0x113: {  	[sflag:s15] =	ssyncadd.s32 $0xFFFFF800  }
0x114: {  	_ =	swait.ge [sflag:s15], $0x800  }
0x115: {  	[sflag:s15] =	ssyncset.done $0x0  }
0x116: {  	[sflag:s15] =	ssyncadd.s32 $0xFFFFF800  }
0x117: {  	_ =	swait.ge [sflag:s15], $0x800  }
0x118: {  	[sflag:s15] =	ssyncset.done $0x0  }
0x119: {  	[sflag:s15] =	ssyncadd.s32 $0xFFFFF800  }
0x11a: {  	_ =	swait.ge [sflag:s15], $0x800  }
0x11b: {  	[sflag:s15] =	ssyncset.done $0x0  }
0x11c: {  	[sflag:s15] =	ssyncadd.s32 $0xFFFFF800  }
0x11d: {  	_ =	swait.ge [sflag:s15], $0x800  }
0x11e: {  	[sflag:s15] =	ssyncset.done $0x0  }
0x11f: {  	[sflag:s15] =	ssyncadd.s32 $0xFFFFF800  }
0x120: {  	_ =	swait.ge [sflag:s16], $0x1400  }
0x121: {  	[sflag:s16] =	ssyncset.done $0x0  }
0x122: {  	s6 =	sadd.s32 $0x1E00, s6;
	[sflag:s16] =	ssyncadd.s32 $0xFFFFEC00  }
0x123: {  	[tilespmem:s4], [sflag:$0x1] =	stream.linear.gather [hbm4b:s6+s4], $0x1400, $0x38;
	[tilespmem:$0x1BF80] =	vst v63  }
0x124: {  	s9 =	sld [smem:$0x7E3]  }
0x125: {  	[spmem:s3] =	stream.indirect.scatter.add.f32 [tilespmem:s11], [sflag:$0x3], $0x10, s13, s14, $0xb8;
	[tilespmem:$0x1BF80] =	vst v63  }
0x126: {  	s10 =	sld [smem:$0x7E4]  }
0x127: {  	[spmem:s3] =	stream.indirect.scatter.add.f32 [tilespmem:s11], [sflag:$0x3], $0x10, s9, s14, $0xb8;
	[tilespmem:$0x1BF80] =	vst v63  }
0x128: {  	s24 =	sld [smem:$0x7E5]  }
0x129: {  	[spmem:s3] =	stream.indirect.scatter.add.f32 [tilespmem:s11], [sflag:$0x3], $0x10, s10, s14, $0xb8;
	[tilespmem:$0x1BF80] =	vst v63  }
0x12a: {  	s10 =	sld [smem:$0x7E7]  }
0x12b: {  	[spmem:s3] =	stream.indirect.scatter.add.f32 [tilespmem:s11], [sflag:$0x3], $0x10, s24, s14, $0xb8;
	[tilespmem:$0x1BF80] =	vst v63  }
0x12c: {  	s24 =	sld [smem:$0x7E8]  }
0x12d: {  	[spmem:s3] =	stream.indirect.scatter.add.f32 [tilespmem:s11], [sflag:$0x3], $0x10, s10, s14, $0xb8;
	[tilespmem:$0x1BF80] =	vst v63  }
0x12e: {  	s10 =	sld [smem:$0x7E9]  }
0x12f: {  	[spmem:s3] =	stream.indirect.scatter.add.f32 [tilespmem:s11], [sflag:$0x3], $0x10, s24, s14, $0xb8;
	[tilespmem:$0x1BF80] =	vst v63  }
0x130: {  	s24 =	sld [smem:$0x7EA]  }
0x131: {  	[spmem:s3] =	stream.indirect.scatter.add.f32 [tilespmem:s11], [sflag:$0x3], $0x10, s10, s14, $0xb8;
	[tilespmem:$0x1BF80] =	vst v63  }
0x132: {  	_ = 	snop  }
0x133: {  	[spmem:s3] =	stream.indirect.scatter.add.f32 [tilespmem:s11], [sflag:$0x3], $0x10, s24, s14, $0xb8;
	[tilespmem:$0x1BF80] =	vst v63  }
0x134: {  	_ =	swait.ge [sflag:s15], $0x800  }
0x135: {  	[sflag:s15] =	ssyncset.done $0x0  }
0x136: {  	[sflag:s15] =	ssyncadd.s32 $0xFFFFF800  }
0x137: {  	_ =	swait.ge [sflag:s15], $0x800  }
0x138: {  	[sflag:s15] =	ssyncset.done $0x0  }
0x139: {  	[sflag:s15] =	ssyncadd.s32 $0xFFFFF800  }
0x13a: {  	_ =	swait.ge [sflag:s15], $0x800  }
0x13b: {  	[sflag:s15] =	ssyncset.done $0x0  }
0x13c: {  	[sflag:s15] =	ssyncadd.s32 $0xFFFFF800  }
0x13d: {  	_ =	swait.ge [sflag:s15], $0x800  }
0x13e: {  	[sflag:s15] =	ssyncset.done $0x0  }
0x13f: {  	[sflag:s15] =	ssyncadd.s32 $0xFFFFF800  }
0x140: {  	_ =	swait.ge [sflag:s15], $0x800  }
0x141: {  	[sflag:s15] =	ssyncset.done $0x0  }
0x142: {  	[sflag:s15] =	ssyncadd.s32 $0xFFFFF800  }
0x143: {  	_ =	swait.ge [sflag:s15], $0x800  }
0x144: {  	[sflag:s15] =	ssyncset.done $0x0  }
0x145: {  	[sflag:s15] =	ssyncadd.s32 $0xFFFFF800  }
0x146: {  	_ =	swait.ge [sflag:s15], $0x800  }
0x147: {  	[sflag:s15] =	ssyncset.done $0x0  }
0x148: {  	[sflag:s15] =	ssyncadd.s32 $0xFFFFF800  }
0x149: {  	_ =	swait.ge [sflag:s15], $0x800  }
0x14a: {  	s10 =	sld [smem:$0x7EB]  }
0x14b: {  	[sflag:s15] =	ssyncset.done $0x0  }
0x14c: {  	s24 =	sld [smem:$0x7EC];
	[sflag:s15] =	ssyncadd.s32 $0xFFFFF800  }
0x14d: {  	[spmem:s3] =	stream.indirect.scatter.add.f32 [tilespmem:s11], [sflag:$0x3], $0x10, s10, s14, $0xb8;
	[tilespmem:$0x1BF80] =	vst v63  }
0x14e: {  	s10 =	sld [smem:$0x7EE]  }
0x14f: {  	[spmem:s3] =	stream.indirect.scatter.add.f32 [tilespmem:s11], [sflag:$0x3], $0x10, s24, s14, $0xb8;
	[tilespmem:$0x1BF80] =	vst v63  }
0x150: {  	s24 =	sld [smem:$0x7EF]  }
0x151: {  	[spmem:s3] =	stream.indirect.scatter.add.f32 [tilespmem:s11], [sflag:$0x3], $0x10, s10, s14, $0xb8;
	[tilespmem:$0x1BF80] =	vst v63  }
0x152: {  	s10 =	sld [smem:$0x7F1]  }
0x153: {  	[spmem:s3] =	stream.indirect.scatter.add.f32 [tilespmem:s11], [sflag:$0x3], $0x10, s24, s14, $0xb8;
	[tilespmem:$0x1BF80] =	vst v63  }
0x154: {  	s24 =	sld [smem:$0x7F2]  }
0x155: {  	[spmem:s3] =	stream.indirect.scatter.add.f32 [tilespmem:s11], [sflag:$0x3], $0x10, s10, s14, $0xb8;
	[tilespmem:$0x1BF80] =	vst v63  }
0x156: {  	s10 =	sld [smem:$0x7F3]  }
0x157: {  	[spmem:s3] =	stream.indirect.scatter.add.f32 [tilespmem:s11], [sflag:$0x3], $0x10, s24, s14, $0xb8;
	[tilespmem:$0x1BF80] =	vst v63  }
0x158: {  	s24 =	sld [smem:$0x7F4]  }
0x159: {  	[spmem:s3] =	stream.indirect.scatter.add.f32 [tilespmem:s11], [sflag:$0x3], $0x10, s10, s14, $0xb8;
	[tilespmem:$0x1BF80] =	vst v63  }
0x15a: {  	_ = 	snop  }
0x15b: {  	[spmem:s3] =	stream.indirect.scatter.add.f32 [tilespmem:s11], [sflag:$0x3], $0x10, s24, s14, $0xb8;
	[tilespmem:$0x1BF80] =	vst v63  }
0x15c: {  	_ =	swait.ge [sflag:s15], $0x800  }
0x15d: {  	[sflag:s15] =	ssyncset.done $0x0  }
0x15e: {  	[sflag:s15] =	ssyncadd.s32 $0xFFFFF800  }
0x15f: {  	_ =	swait.ge [sflag:s15], $0x800  }
0x160: {  	[sflag:s15] =	ssyncset.done $0x0  }
0x161: {  	[sflag:s15] =	ssyncadd.s32 $0xFFFFF800  }
0x162: {  	_ =	swait.ge [sflag:s15], $0x800  }
0x163: {  	[sflag:s15] =	ssyncset.done $0x0  }
0x164: {  	[sflag:s15] =	ssyncadd.s32 $0xFFFFF800  }
0x165: {  	_ =	swait.ge [sflag:s15], $0x800  }
0x166: {  	[sflag:s15] =	ssyncset.done $0x0  }
0x167: {  	[sflag:s15] =	ssyncadd.s32 $0xFFFFF800  }
0x168: {  	_ =	swait.ge [sflag:s15], $0x800  }
0x169: {  	[sflag:s15] =	ssyncset.done $0x0  }
0x16a: {  	[sflag:s15] =	ssyncadd.s32 $0xFFFFF800  }
0x16b: {  	_ =	swait.ge [sflag:s15], $0x800  }
0x16c: {  	[sflag:s15] =	ssyncset.done $0x0  }
0x16d: {  	[sflag:s15] =	ssyncadd.s32 $0xFFFFF800  }
0x16e: {  	_ =	swait.ge [sflag:s15], $0x800  }
0x16f: {  	[sflag:s15] =	ssyncset.done $0x0  }
0x170: {  	[sflag:s15] =	ssyncadd.s32 $0xFFFFF800  }
0x171: {  	_ =	swait.ge [sflag:s15], $0x800  }
0x172: {  	s10 =	sld [smem:$0x7F5]  }
0x173: {  	[sflag:s15] =	ssyncset.done $0x0  }
0x174: {  	s24 =	sld [smem:$0x7F6];
	[sflag:s15] =	ssyncadd.s32 $0xFFFFF800  }
0x175: {  	[spmem:s3] =	stream.indirect.scatter.add.f32 [tilespmem:s11], [sflag:$0x3], $0x10, s10, s14, $0xb8;
	[tilespmem:$0x1BF80] =	vst v63  }
0x176: {  	s10 =	sld [smem:$0x7F7]  }
0x177: {  	[spmem:s3] =	stream.indirect.scatter.add.f32 [tilespmem:s11], [sflag:$0x3], $0x10, s24, s14, $0xb8;
	[tilespmem:$0x1BF80] =	vst v63  }
0x178: {  	s24 =	sld [smem:$0x7F8]  }
0x179: {  	[spmem:s3] =	stream.indirect.scatter.add.f32 [tilespmem:s11], [sflag:$0x3], $0x10, s10, s14, $0xb8;
	[tilespmem:$0x1BF80] =	vst v63  }
0x17a: {  	s10 =	sld [smem:$0x7F9]  }
0x17b: {  	[spmem:s3] =	stream.indirect.scatter.add.f32 [tilespmem:s11], [sflag:$0x3], $0x10, s24, s14, $0xb8;
	[tilespmem:$0x1BF80] =	vst v63  }
0x17c: {  	s24 =	sld [smem:$0x7FA]  }
0x17d: {  	[spmem:s3] =	stream.indirect.scatter.add.f32 [tilespmem:s11], [sflag:$0x3], $0x10, s10, s14, $0xb8;
	[tilespmem:$0x1BF80] =	vst v63  }
0x17e: {  	_ = 	snop  }
0x17f: {  	[spmem:s3] =	stream.indirect.scatter.add.f32 [tilespmem:s11], [sflag:$0x3], $0x10, s24, s14, $0xb8;
	[tilespmem:$0x1BF80] =	vst v63  }
0x180: {  	_ = 	snop  }
0x181: {  	[spmem:s3] =	stream.indirect.scatter.add.f32 [tilespmem:s11], [sflag:$0x3], $0x10, s17, s14, $0xb8;
	[tilespmem:$0x1BF80] =	vst v63  }
0x182: {  	_ = 	snop  }
0x183: {  	[spmem:s3] =	stream.indirect.scatter.add.f32 [tilespmem:s11], [sflag:$0x3], $0x10, s18, s14, $0xb8;
	[tilespmem:$0x1BF80] =	vst v63  }
0x184: {  	_ =	swait.ge [sflag:s15], $0x800  }
0x185: {  	[sflag:s15] =	ssyncset.done $0x0  }
0x186: {  	[sflag:s15] =	ssyncadd.s32 $0xFFFFF800  }
0x187: {  	_ =	swait.ge [sflag:s15], $0x800  }
0x188: {  	[sflag:s15] =	ssyncset.done $0x0  }
0x189: {  	[sflag:s15] =	ssyncadd.s32 $0xFFFFF800  }
0x18a: {  	_ =	swait.ge [sflag:s15], $0x800  }
0x18b: {  	[sflag:s15] =	ssyncset.done $0x0  }
0x18c: {  	[sflag:s15] =	ssyncadd.s32 $0xFFFFF800  }
0x18d: {  	_ =	swait.ge [sflag:s15], $0x800  }
0x18e: {  	[sflag:s15] =	ssyncset.done $0x0  }
0x18f: {  	[sflag:s15] =	ssyncadd.s32 $0xFFFFF800  }
0x190: {  	_ =	swait.ge [sflag:s15], $0x800  }
0x191: {  	[sflag:s15] =	ssyncset.done $0x0  }
0x192: {  	[sflag:s15] =	ssyncadd.s32 $0xFFFFF800  }
0x193: {  	_ =	swait.ge [sflag:s15], $0x800  }
0x194: {  	[sflag:s15] =	ssyncset.done $0x0  }
0x195: {  	[sflag:s15] =	ssyncadd.s32 $0xFFFFF800  }
0x196: {  	_ =	swait.ge [sflag:s15], $0x800  }
0x197: {  	[sflag:s15] =	ssyncset.done $0x0  }
0x198: {  	[sflag:s15] =	ssyncadd.s32 $0xFFFFF800  }
0x199: {  	_ =	swait.ge [sflag:s15], $0x800  }
0x19a: {  	[sflag:s15] =	ssyncset.done $0x0  }
0x19b: {  	[sflag:s15] =	ssyncadd.s32 $0xFFFFF800  }
0x19c: {  	[spmem:s3] =	stream.indirect.scatter.add.f32 [tilespmem:s11], [sflag:$0x3], $0x10, s19, s14, $0xb8;
	[tilespmem:$0x1BF80] =	vst v63  }
0x19d: {  	_ = 	snop  }
0x19e: {  	[spmem:s3] =	stream.indirect.scatter.add.f32 [tilespmem:s11], [sflag:$0x3], $0x10, s20, s14, $0xb8;
	[tilespmem:$0x1BF80] =	vst v63  }
0x19f: {  	_ = 	snop  }
0x1a0: {  	[spmem:s3] =	stream.indirect.scatter.add.f32 [tilespmem:s11], [sflag:$0x3], $0x10, s21, s14, $0xb8;
	[tilespmem:$0x1BF80] =	vst v63  }
0x1a1: {  	_ = 	snop  }
0x1a2: {  	[spmem:s3] =	stream.indirect.scatter.add.f32 [tilespmem:s11], [sflag:$0x3], $0x10, s22, s14, $0xb8;
	[tilespmem:$0x1BF80] =	vst v63  }
0x1a3: {  	_ = 	snop  }
0x1a4: {  	[spmem:s3] =	stream.indirect.scatter.add.f32 [tilespmem:s11], [sflag:$0x3], $0x10, s23, s14, $0xb8;
	[tilespmem:$0x1BF80] =	vst v63  }
0x1a5: {  	_ = 	snop  }
0x1a6: {  	[spmem:s3] =	stream.indirect.scatter.add.f32 [tilespmem:s11], [sflag:$0x3], $0x10, s25, s14, $0xb8;
	[tilespmem:$0x1BF80] =	vst v63  }
0x1a7: {  	_ = 	snop  }
0x1a8: {  	[spmem:s3] =	stream.indirect.scatter.add.f32 [tilespmem:s11], [sflag:$0x3], $0x10, s26, s14, $0xb8;
	[tilespmem:$0x1BF80] =	vst v63  }
0x1a9: {  	_ = 	snop  }
0x1aa: {  	[spmem:s3] =	stream.indirect.scatter.add.f32 [tilespmem:s11], [sflag:$0x3], $0x10, s28, s14, $0xb8;
	[tilespmem:$0x1BF80] =	vst v63  }
0x1ab: {  	_ =	swait.ge [sflag:s15], $0x800  }
0x1ac: {  	[sflag:s15] =	ssyncset.done $0x0  }
0x1ad: {  	[sflag:s15] =	ssyncadd.s32 $0xFFFFF800  }
0x1ae: {  	_ =	swait.ge [sflag:s15], $0x800  }
0x1af: {  	[sflag:s15] =	ssyncset.done $0x0  }
0x1b0: {  	[sflag:s15] =	ssyncadd.s32 $0xFFFFF800  }
0x1b1: {  	_ =	swait.ge [sflag:s15], $0x800  }
0x1b2: {  	[sflag:s15] =	ssyncset.done $0x0  }
0x1b3: {  	[sflag:s15] =	ssyncadd.s32 $0xFFFFF800  }
0x1b4: {  	_ =	swait.ge [sflag:s15], $0x800  }
0x1b5: {  	[sflag:s15] =	ssyncset.done $0x0  }
0x1b6: {  	[sflag:s15] =	ssyncadd.s32 $0xFFFFF800  }
0x1b7: {  	_ =	swait.ge [sflag:s15], $0x800  }
0x1b8: {  	[sflag:s15] =	ssyncset.done $0x0  }
0x1b9: {  	[sflag:s15] =	ssyncadd.s32 $0xFFFFF800  }
0x1ba: {  	_ =	swait.ge [sflag:s15], $0x800  }
0x1bb: {  	[sflag:s15] =	ssyncset.done $0x0  }
0x1bc: {  	[sflag:s15] =	ssyncadd.s32 $0xFFFFF800  }
0x1bd: {  	_ =	swait.ge [sflag:s15], $0x800  }
0x1be: {  	[sflag:s15] =	ssyncset.done $0x0  }
0x1bf: {  	[sflag:s15] =	ssyncadd.s32 $0xFFFFF800  }
0x1c0: {  	_ =	swait.ge [sflag:s15], $0x800  }
0x1c1: {  	[sflag:s15] =	ssyncset.done $0x0  }
0x1c2: {  	[sflag:s15] =	ssyncadd.s32 $0xFFFFF800  }
0x1c3: {  	[spmem:s3] =	stream.indirect.scatter.add.f32 [tilespmem:s11], [sflag:$0x3], $0x10, s29, s14, $0xb8;
	[tilespmem:$0x1BF80] =	vst v63  }
0x1c4: {  	_ = 	snop  }
0x1c5: {  	[spmem:s3] =	stream.indirect.scatter.add.f32 [tilespmem:s11], [sflag:$0x3], $0x10, s30, s14, $0xb8;
	[tilespmem:$0x1BF80] =	vst v63  }
0x1c6: {  	_ = 	snop  }
0x1c7: {  	[spmem:s3] =	stream.indirect.scatter.add.f32 [tilespmem:s11], [sflag:$0x3], $0x10, s31, s14, $0xb8;
	[tilespmem:$0x1BF80] =	vst v63  }
0x1c8: {  	_ = 	snop  }
0x1c9: {  	[spmem:s3] =	stream.indirect.scatter.add.f32 [tilespmem:s11], [sflag:$0x3], $0x10, s0, s14, $0xb8;
	[tilespmem:$0x1BF80] =	vst v63  }
0x1ca: {  	_ = 	snop  }
0x1cb: {  	[spmem:s3] =	stream.indirect.scatter.add.f32 [tilespmem:s11], [sflag:$0x3], $0x10, s2, s14, $0xb8;
	[tilespmem:$0x1BF80] =	vst v63  }
0x1cc: {  	_ = 	snop  }
0x1cd: {  	[spmem:s3] =	stream.indirect.scatter.add.f32 [tilespmem:s11], [sflag:$0x3], $0x10, s1, s14, $0xb8;
	[tilespmem:$0x1BF80] =	vst v63  }
0x1ce: {  	_ = 	snop  }
0x1cf: {  	[spmem:s3] =	stream.indirect.scatter.add.f32 [tilespmem:s11], [sflag:$0x3], $0x10, s5, s14, $0xb8;
	[tilespmem:$0x1BF80] =	vst v63  }
0x1d0: {  	_ = 	snop  }
0x1d1: {  	[spmem:s3] =	stream.indirect.scatter.add.f32 [tilespmem:s11], [sflag:$0x3], $0x10, s7, s14, $0xb8;
	[tilespmem:$0x1BF80] =	vst v63  }
0x1d2: {  	_ =	swait.ge [sflag:s15], $0x800  }
0x1d3: {  	[sflag:s15] =	ssyncset.done $0x0  }
0x1d4: {  	[sflag:s15] =	ssyncadd.s32 $0xFFFFF800  }
0x1d5: {  	_ =	swait.ge [sflag:s15], $0x800  }
0x1d6: {  	[sflag:s15] =	ssyncset.done $0x0  }
0x1d7: {  	[sflag:s15] =	ssyncadd.s32 $0xFFFFF800  }
0x1d8: {  	_ =	swait.ge [sflag:s15], $0x800  }
0x1d9: {  	[sflag:s15] =	ssyncset.done $0x0  }
0x1da: {  	[sflag:s15] =	ssyncadd.s32 $0xFFFFF800  }
0x1db: {  	_ =	swait.ge [sflag:s15], $0x800  }
0x1dc: {  	[sflag:s15] =	ssyncset.done $0x0  }
0x1dd: {  	[sflag:s15] =	ssyncadd.s32 $0xFFFFF800  }
0x1de: {  	_ =	swait.ge [sflag:s15], $0x800  }
0x1df: {  	[sflag:s15] =	ssyncset.done $0x0  }
0x1e0: {  	[sflag:s15] =	ssyncadd.s32 $0xFFFFF800  }
0x1e1: {  	_ =	swait.ge [sflag:s15], $0x800  }
0x1e2: {  	[sflag:s15] =	ssyncset.done $0x0  }
0x1e3: {  	[sflag:s15] =	ssyncadd.s32 $0xFFFFF800  }
0x1e4: {  	_ =	swait.ge [sflag:s15], $0x800  }
0x1e5: {  	[sflag:s15] =	ssyncset.done $0x0  }
0x1e6: {  	[sflag:s15] =	ssyncadd.s32 $0xFFFFF800  }
0x1e7: {  	_ =	swait.ge [sflag:s15], $0x800  }
0x1e8: {  	s24 =	simm.s32 $0xFFFFEC00;
	[sflag:s15] =	ssyncset.done $0x0  }
.LBB2_2:
0x1e9: {  	[sflag:s15] =	ssyncadd.s32 $0xFFFFF800  }
0x1ea: {  	_ =	swait.ge [sflag:s12], $0x1400  }
0x1eb: {  	s6 =	smov.u32 s24;
	s9 =	rddreg [dreg:$0x4]  }
0x1ec: {  	[sflag:s12] =	ssyncset.done $0x0;
	s6 =	sadd.s32 s6, s9  }
0x1ed: {  	[sflag:s12] =	ssyncadd.s32 $0xFFFFEC00;
	s9 =	sadd.s32 $0x1B80, s6  }
0x1ee: {  	[tilespmem:s13], [sflag:$0x2] =	stream.linear.gather [hbm4b:s9+s4], $0x1400, $0x38;
	[tilespmem:$0x1BF80] =	vst v63  }
0x1ef: {  	_ = 	snop  }
0x1f0: {  	[spmem:s3] =	stream.indirect.scatter.add.f32 [tilespmem:s11], [sflag:$0x3], $0x10, s4, s14, $0xb8;
	[tilespmem:$0x1BF80] =	vst v63  }
0x1f1: {  	_ = 	snop  }
0x1f2: {  	[spmem:s3] =	stream.indirect.scatter.add.f32 [tilespmem:s11], [sflag:$0x3], $0x10, s14, s14, $0xb8;
	[tilespmem:$0x1BF80] =	vst v63  }
0x1f3: {  	s9 =	rddreg [dreg:$0x5]  }
0x1f4: {  	[spmem:s3] =	stream.indirect.scatter.add.f32 [tilespmem:s11], [sflag:$0x3], $0x10, s9, s14, $0xb8;
	[tilespmem:$0x1BF80] =	vst v63  }
0x1f5: {  	s10 =	rddreg [dreg:$0x6]  }
0x1f6: {  	[spmem:s3] =	stream.indirect.scatter.add.f32 [tilespmem:s11], [sflag:$0x3], $0x10, s10, s14, $0xb8;
	[tilespmem:$0x1BF80] =	vst v63  }
0x1f7: {  	s9 =	rddreg [dreg:$0x7]  }
0x1f8: {  	[spmem:s3] =	stream.indirect.scatter.add.f32 [tilespmem:s11], [sflag:$0x3], $0x10, s9, s14, $0xb8;
	[tilespmem:$0x1BF80] =	vst v63  }
0x1f9: {  	s10 =	rddreg [dreg:$0x8]  }
0x1fa: {  	[spmem:s3] =	stream.indirect.scatter.add.f32 [tilespmem:s11], [sflag:$0x3], $0x10, s10, s14, $0xb8;
	[tilespmem:$0x1BF80] =	vst v63  }
0x1fb: {  	s9 =	rddreg [dreg:$0x9]  }
0x1fc: {  	[spmem:s3] =	stream.indirect.scatter.add.f32 [tilespmem:s11], [sflag:$0x3], $0x10, s9, s14, $0xb8;
	[tilespmem:$0x1BF80] =	vst v63  }
0x1fd: {  	s10 =	rddreg [dreg:$0xa]  }
0x1fe: {  	[spmem:s3] =	stream.indirect.scatter.add.f32 [tilespmem:s11], [sflag:$0x3], $0x10, s10, s14, $0xb8;
	[tilespmem:$0x1BF80] =	vst v63  }
0x1ff: {  	_ =	swait.ge [sflag:s15], $0x800  }
0x200: {  	[sflag:s15] =	ssyncset.done $0x0  }
0x201: {  	[sflag:s15] =	ssyncadd.s32 $0xFFFFF800  }
0x202: {  	_ =	swait.ge [sflag:s15], $0x800  }
0x203: {  	[sflag:s15] =	ssyncset.done $0x0  }
0x204: {  	[sflag:s15] =	ssyncadd.s32 $0xFFFFF800  }
0x205: {  	_ =	swait.ge [sflag:s15], $0x800  }
0x206: {  	[sflag:s15] =	ssyncset.done $0x0  }
0x207: {  	[sflag:s15] =	ssyncadd.s32 $0xFFFFF800  }
0x208: {  	_ =	swait.ge [sflag:s15], $0x800  }
0x209: {  	[sflag:s15] =	ssyncset.done $0x0  }
0x20a: {  	[sflag:s15] =	ssyncadd.s32 $0xFFFFF800  }
0x20b: {  	_ =	swait.ge [sflag:s15], $0x800  }
0x20c: {  	[sflag:s15] =	ssyncset.done $0x0  }
0x20d: {  	[sflag:s15] =	ssyncadd.s32 $0xFFFFF800  }
0x20e: {  	_ =	swait.ge [sflag:s15], $0x800  }
0x20f: {  	[sflag:s15] =	ssyncset.done $0x0  }
0x210: {  	[sflag:s15] =	ssyncadd.s32 $0xFFFFF800  }
0x211: {  	_ =	swait.ge [sflag:s15], $0x800  }
0x212: {  	[sflag:s15] =	ssyncset.done $0x0  }
0x213: {  	[sflag:s15] =	ssyncadd.s32 $0xFFFFF800  }
0x214: {  	_ =	swait.ge [sflag:s15], $0x800  }
0x215: {  	[sflag:s15] =	ssyncset.done $0x0  }
0x216: {  	s9 =	rddreg [dreg:$0xb];
	[sflag:s15] =	ssyncadd.s32 $0xFFFFF800  }
0x217: {  	[spmem:s3] =	stream.indirect.scatter.add.f32 [tilespmem:s11], [sflag:$0x3], $0x10, s9, s14, $0xb8;
	[tilespmem:$0x1BF80] =	vst v63  }
0x218: {  	s10 =	rddreg [dreg:$0xc]  }
0x219: {  	[spmem:s3] =	stream.indirect.scatter.add.f32 [tilespmem:s11], [sflag:$0x3], $0x10, s10, s14, $0xb8;
	[tilespmem:$0x1BF80] =	vst v63  }
0x21a: {  	s9 =	rddreg [dreg:$0xd]  }
0x21b: {  	[spmem:s3] =	stream.indirect.scatter.add.f32 [tilespmem:s11], [sflag:$0x3], $0x10, s9, s14, $0xb8;
	[tilespmem:$0x1BF80] =	vst v63  }
0x21c: {  	s10 =	rddreg [dreg:$0xe]  }
0x21d: {  	[spmem:s3] =	stream.indirect.scatter.add.f32 [tilespmem:s11], [sflag:$0x3], $0x10, s10, s14, $0xb8;
	[tilespmem:$0x1BF80] =	vst v63  }
0x21e: {  	s9 =	rddreg [dreg:$0xf]  }
0x21f: {  	[spmem:s3] =	stream.indirect.scatter.add.f32 [tilespmem:s11], [sflag:$0x3], $0x10, s9, s14, $0xb8;
	[tilespmem:$0x1BF80] =	vst v63  }
0x220: {  	s10 =	rddreg [dreg:$0x10]  }
0x221: {  	[spmem:s3] =	stream.indirect.scatter.add.f32 [tilespmem:s11], [sflag:$0x3], $0x10, s10, s14, $0xb8;
	[tilespmem:$0x1BF80] =	vst v63  }
0x222: {  	s9 =	rddreg [dreg:$0x11]  }
0x223: {  	[spmem:s3] =	stream.indirect.scatter.add.f32 [tilespmem:s11], [sflag:$0x3], $0x10, s9, s14, $0xb8;
	[tilespmem:$0x1BF80] =	vst v63  }
0x224: {  	s10 =	rddreg [dreg:$0x12]  }
0x225: {  	[spmem:s3] =	stream.indirect.scatter.add.f32 [tilespmem:s11], [sflag:$0x3], $0x10, s10, s14, $0xb8;
	[tilespmem:$0x1BF80] =	vst v63  }
0x226: {  	_ =	swait.ge [sflag:s15], $0x800  }
0x227: {  	[sflag:s15] =	ssyncset.done $0x0  }
0x228: {  	[sflag:s15] =	ssyncadd.s32 $0xFFFFF800  }
0x229: {  	_ =	swait.ge [sflag:s15], $0x800  }
0x22a: {  	[sflag:s15] =	ssyncset.done $0x0  }
0x22b: {  	[sflag:s15] =	ssyncadd.s32 $0xFFFFF800  }
0x22c: {  	_ =	swait.ge [sflag:s15], $0x800  }
0x22d: {  	[sflag:s15] =	ssyncset.done $0x0  }
0x22e: {  	[sflag:s15] =	ssyncadd.s32 $0xFFFFF800  }
0x22f: {  	_ =	swait.ge [sflag:s15], $0x800  }
0x230: {  	[sflag:s15] =	ssyncset.done $0x0  }
0x231: {  	[sflag:s15] =	ssyncadd.s32 $0xFFFFF800  }
0x232: {  	_ =	swait.ge [sflag:s15], $0x800  }
0x233: {  	[sflag:s15] =	ssyncset.done $0x0  }
0x234: {  	[sflag:s15] =	ssyncadd.s32 $0xFFFFF800  }
0x235: {  	_ =	swait.ge [sflag:s15], $0x800  }
0x236: {  	[sflag:s15] =	ssyncset.done $0x0  }
0x237: {  	[sflag:s15] =	ssyncadd.s32 $0xFFFFF800  }
0x238: {  	_ =	swait.ge [sflag:s15], $0x800  }
0x239: {  	[sflag:s15] =	ssyncset.done $0x0  }
0x23a: {  	[sflag:s15] =	ssyncadd.s32 $0xFFFFF800  }
0x23b: {  	_ =	swait.ge [sflag:s15], $0x800  }
0x23c: {  	[sflag:s15] =	ssyncset.done $0x0  }
0x23d: {  	s9 =	rddreg [dreg:$0x13];
	[sflag:s15] =	ssyncadd.s32 $0xFFFFF800  }
0x23e: {  	[spmem:s3] =	stream.indirect.scatter.add.f32 [tilespmem:s11], [sflag:$0x3], $0x10, s9, s14, $0xb8;
	[tilespmem:$0x1BF80] =	vst v63  }
0x23f: {  	s10 =	rddreg [dreg:$0x14]  }
0x240: {  	[spmem:s3] =	stream.indirect.scatter.add.f32 [tilespmem:s11], [sflag:$0x3], $0x10, s10, s14, $0xb8;
	[tilespmem:$0x1BF80] =	vst v63  }
0x241: {  	s9 =	rddreg [dreg:$0x15]  }
0x242: {  	[spmem:s3] =	stream.indirect.scatter.add.f32 [tilespmem:s11], [sflag:$0x3], $0x10, s9, s14, $0xb8;
	[tilespmem:$0x1BF80] =	vst v63  }
0x243: {  	s10 =	rddreg [dreg:$0x16]  }
0x244: {  	[spmem:s3] =	stream.indirect.scatter.add.f32 [tilespmem:s11], [sflag:$0x3], $0x10, s10, s14, $0xb8;
	[tilespmem:$0x1BF80] =	vst v63  }
0x245: {  	s9 =	rddreg [dreg:$0x17]  }
0x246: {  	[spmem:s3] =	stream.indirect.scatter.add.f32 [tilespmem:s11], [sflag:$0x3], $0x10, s9, s14, $0xb8;
	[tilespmem:$0x1BF80] =	vst v63  }
0x247: {  	s10 =	rddreg [dreg:$0x18]  }
0x248: {  	[spmem:s3] =	stream.indirect.scatter.add.f32 [tilespmem:s11], [sflag:$0x3], $0x10, s10, s14, $0xb8;
	[tilespmem:$0x1BF80] =	vst v63  }
0x249: {  	s9 =	rddreg [dreg:$0x19]  }
0x24a: {  	[spmem:s3] =	stream.indirect.scatter.add.f32 [tilespmem:s11], [sflag:$0x3], $0x10, s9, s14, $0xb8;
	[tilespmem:$0x1BF80] =	vst v63  }
0x24b: {  	s10 =	rddreg [dreg:$0x1a]  }
0x24c: {  	[spmem:s3] =	stream.indirect.scatter.add.f32 [tilespmem:s11], [sflag:$0x3], $0x10, s10, s14, $0xb8;
	[tilespmem:$0x1BF80] =	vst v63  }
0x24d: {  	_ =	swait.ge [sflag:s15], $0x800  }
0x24e: {  	[sflag:s15] =	ssyncset.done $0x0  }
0x24f: {  	[sflag:s15] =	ssyncadd.s32 $0xFFFFF800  }
0x250: {  	_ =	swait.ge [sflag:s15], $0x800  }
0x251: {  	[sflag:s15] =	ssyncset.done $0x0  }
0x252: {  	[sflag:s15] =	ssyncadd.s32 $0xFFFFF800  }
0x253: {  	_ =	swait.ge [sflag:s15], $0x800  }
0x254: {  	[sflag:s15] =	ssyncset.done $0x0  }
0x255: {  	[sflag:s15] =	ssyncadd.s32 $0xFFFFF800  }
0x256: {  	_ =	swait.ge [sflag:s15], $0x800  }
0x257: {  	[sflag:s15] =	ssyncset.done $0x0  }
0x258: {  	[sflag:s15] =	ssyncadd.s32 $0xFFFFF800  }
0x259: {  	_ =	swait.ge [sflag:s15], $0x800  }
0x25a: {  	[sflag:s15] =	ssyncset.done $0x0  }
0x25b: {  	[sflag:s15] =	ssyncadd.s32 $0xFFFFF800  }
0x25c: {  	_ =	swait.ge [sflag:s15], $0x800  }
0x25d: {  	[sflag:s15] =	ssyncset.done $0x0  }
0x25e: {  	[sflag:s15] =	ssyncadd.s32 $0xFFFFF800  }
0x25f: {  	_ =	swait.ge [sflag:s15], $0x800  }
0x260: {  	[sflag:s15] =	ssyncset.done $0x0  }
0x261: {  	[sflag:s15] =	ssyncadd.s32 $0xFFFFF800  }
0x262: {  	_ =	swait.ge [sflag:s15], $0x800  }
0x263: {  	s9 =	rddreg [dreg:$0x1b];
	[sflag:s15] =	ssyncset.done $0x0  }
0x264: {  	s10 =	rddreg [dreg:$0x1c];
	[sflag:s15] =	ssyncadd.s32 $0xFFFFF800  }
0x265: {  	[spmem:s3] =	stream.indirect.scatter.add.f32 [tilespmem:s11], [sflag:$0x3], $0x10, s9, s14, $0xb8;
	[tilespmem:$0x1BF80] =	vst v63  }
0x266: {  	s9 =	rddreg [dreg:$0x1d]  }
0x267: {  	[spmem:s3] =	stream.indirect.scatter.add.f32 [tilespmem:s11], [sflag:$0x3], $0x10, s10, s14, $0xb8;
	[tilespmem:$0x1BF80] =	vst v63  }
0x268: {  	s10 =	rddreg [dreg:$0x1e]  }
0x269: {  	[spmem:s3] =	stream.indirect.scatter.add.f32 [tilespmem:s11], [sflag:$0x3], $0x10, s9, s14, $0xb8;
	[tilespmem:$0x1BF80] =	vst v63  }
0x26a: {  	s9 =	rddreg [dreg:$0x1f]  }
0x26b: {  	[spmem:s3] =	stream.indirect.scatter.add.f32 [tilespmem:s11], [sflag:$0x3], $0x10, s10, s14, $0xb8;
	[tilespmem:$0x1BF80] =	vst v63  }
0x26c: {  	s10 =	sld [smem:$0x7D8]  }
0x26d: {  	[spmem:s3] =	stream.indirect.scatter.add.f32 [tilespmem:s11], [sflag:$0x3], $0x10, s9, s14, $0xb8;
	[tilespmem:$0x1BF80] =	vst v63  }
0x26e: {  	s9 =	sld [smem:$0x7D9]  }
0x26f: {  	[spmem:s3] =	stream.indirect.scatter.add.f32 [tilespmem:s11], [sflag:$0x3], $0x10, s10, s14, $0xb8;
	[tilespmem:$0x1BF80] =	vst v63  }
0x270: {  	s10 =	sld [smem:$0x7DA]  }
0x271: {  	[spmem:s3] =	stream.indirect.scatter.add.f32 [tilespmem:s11], [sflag:$0x3], $0x10, s9, s14, $0xb8;
	[tilespmem:$0x1BF80] =	vst v63  }
0x272: {  	_ = 	snop  }
0x273: {  	[spmem:s3] =	stream.indirect.scatter.add.f32 [tilespmem:s11], [sflag:$0x3], $0x10, s10, s14, $0xb8;
	[tilespmem:$0x1BF80] =	vst v63  }
0x274: {  	_ =	swait.ge [sflag:s15], $0x800  }
0x275: {  	[sflag:s15] =	ssyncset.done $0x0  }
0x276: {  	[sflag:s15] =	ssyncadd.s32 $0xFFFFF800  }
0x277: {  	_ =	swait.ge [sflag:s15], $0x800  }
0x278: {  	[sflag:s15] =	ssyncset.done $0x0  }
0x279: {  	[sflag:s15] =	ssyncadd.s32 $0xFFFFF800  }
0x27a: {  	_ =	swait.ge [sflag:s15], $0x800  }
0x27b: {  	[sflag:s15] =	ssyncset.done $0x0  }
0x27c: {  	[sflag:s15] =	ssyncadd.s32 $0xFFFFF800  }
0x27d: {  	_ =	swait.ge [sflag:s15], $0x800  }
0x27e: {  	[sflag:s15] =	ssyncset.done $0x0  }
0x27f: {  	[sflag:s15] =	ssyncadd.s32 $0xFFFFF800  }
0x280: {  	_ =	swait.ge [sflag:s15], $0x800  }
0x281: {  	[sflag:s15] =	ssyncset.done $0x0  }
0x282: {  	[sflag:s15] =	ssyncadd.s32 $0xFFFFF800  }
0x283: {  	_ =	swait.ge [sflag:s15], $0x800  }
0x284: {  	[sflag:s15] =	ssyncset.done $0x0  }
0x285: {  	[sflag:s15] =	ssyncadd.s32 $0xFFFFF800  }
0x286: {  	_ =	swait.ge [sflag:s15], $0x800  }
0x287: {  	[sflag:s15] =	ssyncset.done $0x0  }
0x288: {  	[sflag:s15] =	ssyncadd.s32 $0xFFFFF800  }
0x289: {  	_ =	swait.ge [sflag:s15], $0x800  }
0x28a: {  	s9 =	sld [smem:$0x7DB]  }
0x28b: {  	[sflag:s15] =	ssyncset.done $0x0  }
0x28c: {  	s10 =	sld [smem:$0x7DC];
	[sflag:s15] =	ssyncadd.s32 $0xFFFFF800  }
0x28d: {  	[spmem:s3] =	stream.indirect.scatter.add.f32 [tilespmem:s11], [sflag:$0x3], $0x10, s9, s14, $0xb8;
	[tilespmem:$0x1BF80] =	vst v63  }
0x28e: {  	s9 =	sld [smem:$0x7DD]  }
0x28f: {  	[spmem:s3] =	stream.indirect.scatter.add.f32 [tilespmem:s11], [sflag:$0x3], $0x10, s10, s14, $0xb8;
	[tilespmem:$0x1BF80] =	vst v63  }
0x290: {  	s10 =	sld [smem:$0x7DE]  }
0x291: {  	[spmem:s3] =	stream.indirect.scatter.add.f32 [tilespmem:s11], [sflag:$0x3], $0x10, s9, s14, $0xb8;
	[tilespmem:$0x1BF80] =	vst v63  }
0x292: {  	s9 =	sld [smem:$0x7DF]  }
0x293: {  	[spmem:s3] =	stream.indirect.scatter.add.f32 [tilespmem:s11], [sflag:$0x3], $0x10, s10, s14, $0xb8;
	[tilespmem:$0x1BF80] =	vst v63  }
0x294: {  	s10 =	sld [smem:$0x7E0]  }
0x295: {  	[spmem:s3] =	stream.indirect.scatter.add.f32 [tilespmem:s11], [sflag:$0x3], $0x10, s9, s14, $0xb8;
	[tilespmem:$0x1BF80] =	vst v63  }
0x296: {  	s9 =	sld [smem:$0x7E1]  }
0x297: {  	[spmem:s3] =	stream.indirect.scatter.add.f32 [tilespmem:s11], [sflag:$0x3], $0x10, s10, s14, $0xb8;
	[tilespmem:$0x1BF80] =	vst v63  }
0x298: {  	s10 =	sld [smem:$0x7E2]  }
0x299: {  	[spmem:s3] =	stream.indirect.scatter.add.f32 [tilespmem:s11], [sflag:$0x3], $0x10, s9, s14, $0xb8;
	[tilespmem:$0x1BF80] =	vst v63  }
0x29a: {  	_ = 	snop  }
0x29b: {  	[spmem:s3] =	stream.indirect.scatter.add.f32 [tilespmem:s11], [sflag:$0x3], $0x10, s10, s14, $0xb8;
	[tilespmem:$0x1BF80] =	vst v63  }
0x29c: {  	_ =	swait.ge [sflag:s15], $0x800  }
0x29d: {  	[sflag:s15] =	ssyncset.done $0x0  }
0x29e: {  	[sflag:s15] =	ssyncadd.s32 $0xFFFFF800  }
0x29f: {  	_ =	swait.ge [sflag:s15], $0x800  }
0x2a0: {  	[sflag:s15] =	ssyncset.done $0x0  }
0x2a1: {  	[sflag:s15] =	ssyncadd.s32 $0xFFFFF800  }
0x2a2: {  	_ =	swait.ge [sflag:s15], $0x800  }
0x2a3: {  	[sflag:s15] =	ssyncset.done $0x0  }
0x2a4: {  	[sflag:s15] =	ssyncadd.s32 $0xFFFFF800  }
0x2a5: {  	_ =	swait.ge [sflag:s15], $0x800  }
0x2a6: {  	[sflag:s15] =	ssyncset.done $0x0  }
0x2a7: {  	[sflag:s15] =	ssyncadd.s32 $0xFFFFF800  }
0x2a8: {  	_ =	swait.ge [sflag:s15], $0x800  }
0x2a9: {  	[sflag:s15] =	ssyncset.done $0x0  }
0x2aa: {  	[sflag:s15] =	ssyncadd.s32 $0xFFFFF800  }
0x2ab: {  	_ =	swait.ge [sflag:s15], $0x800  }
0x2ac: {  	[sflag:s15] =	ssyncset.done $0x0  }
0x2ad: {  	[sflag:s15] =	ssyncadd.s32 $0xFFFFF800  }
0x2ae: {  	_ =	swait.ge [sflag:s15], $0x800  }
0x2af: {  	[sflag:s15] =	ssyncset.done $0x0  }
0x2b0: {  	[sflag:s15] =	ssyncadd.s32 $0xFFFFF800  }
0x2b1: {  	_ =	swait.ge [sflag:s15], $0x800  }
0x2b2: {  	[sflag:s15] =	ssyncset.done $0x0  }
0x2b3: {  	[sflag:s15] =	ssyncadd.s32 $0xFFFFF800  }
0x2b4: {  	_ =	swait.ge [sflag:s16], $0x1400  }
0x2b5: {  	[sflag:s16] =	ssyncset.done $0x0  }
0x2b6: {  	s6 =	sadd.s32 $0x1E00, s6;
	[sflag:s16] =	ssyncadd.s32 $0xFFFFEC00  }
0x2b7: {  	[tilespmem:s4], [sflag:$0x1] =	stream.linear.gather [hbm4b:s6+s4], $0x1400, $0x38;
	[tilespmem:$0x1BF80] =	vst v63  }
0x2b8: {  	s10 =	sld [smem:$0x7E3]  }
0x2b9: {  	[spmem:s3] =	stream.indirect.scatter.add.f32 [tilespmem:s11], [sflag:$0x3], $0x10, s13, s14, $0xb8;
	[tilespmem:$0x1BF80] =	vst v63  }
0x2ba: {  	s9 =	sld [smem:$0x7E4]  }
0x2bb: {  	[spmem:s3] =	stream.indirect.scatter.add.f32 [tilespmem:s11], [sflag:$0x3], $0x10, s10, s14, $0xb8;
	[tilespmem:$0x1BF80] =	vst v63  }
0x2bc: {  	s10 =	sld [smem:$0x7E5]  }
0x2bd: {  	[spmem:s3] =	stream.indirect.scatter.add.f32 [tilespmem:s11], [sflag:$0x3], $0x10, s9, s14, $0xb8;
	[tilespmem:$0x1BF80] =	vst v63  }
0x2be: {  	s9 =	sld [smem:$0x7E7]  }
0x2bf: {  	[spmem:s3] =	stream.indirect.scatter.add.f32 [tilespmem:s11], [sflag:$0x3], $0x10, s10, s14, $0xb8;
	[tilespmem:$0x1BF80] =	vst v63  }
0x2c0: {  	s10 =	sld [smem:$0x7E8]  }
0x2c1: {  	[spmem:s3] =	stream.indirect.scatter.add.f32 [tilespmem:s11], [sflag:$0x3], $0x10, s9, s14, $0xb8;
	[tilespmem:$0x1BF80] =	vst v63  }
0x2c2: {  	s9 =	sld [smem:$0x7E9]  }
0x2c3: {  	[spmem:s3] =	stream.indirect.scatter.add.f32 [tilespmem:s11], [sflag:$0x3], $0x10, s10, s14, $0xb8;
	[tilespmem:$0x1BF80] =	vst v63  }
0x2c4: {  	s10 =	sld [smem:$0x7EA]  }
0x2c5: {  	[spmem:s3] =	stream.indirect.scatter.add.f32 [tilespmem:s11], [sflag:$0x3], $0x10, s9, s14, $0xb8;
	[tilespmem:$0x1BF80] =	vst v63  }
0x2c6: {  	_ = 	snop  }
0x2c7: {  	[spmem:s3] =	stream.indirect.scatter.add.f32 [tilespmem:s11], [sflag:$0x3], $0x10, s10, s14, $0xb8;
	[tilespmem:$0x1BF80] =	vst v63  }
0x2c8: {  	_ =	swait.ge [sflag:s15], $0x800  }
0x2c9: {  	[sflag:s15] =	ssyncset.done $0x0  }
0x2ca: {  	[sflag:s15] =	ssyncadd.s32 $0xFFFFF800  }
0x2cb: {  	_ =	swait.ge [sflag:s15], $0x800  }
0x2cc: {  	[sflag:s15] =	ssyncset.done $0x0  }
0x2cd: {  	[sflag:s15] =	ssyncadd.s32 $0xFFFFF800  }
0x2ce: {  	_ =	swait.ge [sflag:s15], $0x800  }
0x2cf: {  	[sflag:s15] =	ssyncset.done $0x0  }
0x2d0: {  	[sflag:s15] =	ssyncadd.s32 $0xFFFFF800  }
0x2d1: {  	_ =	swait.ge [sflag:s15], $0x800  }
0x2d2: {  	[sflag:s15] =	ssyncset.done $0x0  }
0x2d3: {  	[sflag:s15] =	ssyncadd.s32 $0xFFFFF800  }
0x2d4: {  	_ =	swait.ge [sflag:s15], $0x800  }
0x2d5: {  	[sflag:s15] =	ssyncset.done $0x0  }
0x2d6: {  	[sflag:s15] =	ssyncadd.s32 $0xFFFFF800  }
0x2d7: {  	_ =	swait.ge [sflag:s15], $0x800  }
0x2d8: {  	[sflag:s15] =	ssyncset.done $0x0  }
0x2d9: {  	[sflag:s15] =	ssyncadd.s32 $0xFFFFF800  }
0x2da: {  	_ =	swait.ge [sflag:s15], $0x800  }
0x2db: {  	[sflag:s15] =	ssyncset.done $0x0  }
0x2dc: {  	[sflag:s15] =	ssyncadd.s32 $0xFFFFF800  }
0x2dd: {  	_ =	swait.ge [sflag:s15], $0x800  }
0x2de: {  	s9 =	sld [smem:$0x7EB]  }
0x2df: {  	[sflag:s15] =	ssyncset.done $0x0  }
0x2e0: {  	s10 =	sld [smem:$0x7EC];
	[sflag:s15] =	ssyncadd.s32 $0xFFFFF800  }
0x2e1: {  	[spmem:s3] =	stream.indirect.scatter.add.f32 [tilespmem:s11], [sflag:$0x3], $0x10, s9, s14, $0xb8;
	[tilespmem:$0x1BF80] =	vst v63  }
0x2e2: {  	s6 =	sld [smem:$0x7EE]  }
0x2e3: {  	[spmem:s3] =	stream.indirect.scatter.add.f32 [tilespmem:s11], [sflag:$0x3], $0x10, s10, s14, $0xb8;
	[tilespmem:$0x1BF80] =	vst v63  }
0x2e4: {  	s10 =	sld [smem:$0x7EF]  }
0x2e5: {  	[spmem:s3] =	stream.indirect.scatter.add.f32 [tilespmem:s11], [sflag:$0x3], $0x10, s6, s14, $0xb8;
	[tilespmem:$0x1BF80] =	vst v63  }
0x2e6: {  	s6 =	sld [smem:$0x7F1]  }
0x2e7: {  	[spmem:s3] =	stream.indirect.scatter.add.f32 [tilespmem:s11], [sflag:$0x3], $0x10, s10, s14, $0xb8;
	[tilespmem:$0x1BF80] =	vst v63  }
0x2e8: {  	s10 =	sld [smem:$0x7F2]  }
0x2e9: {  	[spmem:s3] =	stream.indirect.scatter.add.f32 [tilespmem:s11], [sflag:$0x3], $0x10, s6, s14, $0xb8;
	[tilespmem:$0x1BF80] =	vst v63  }
0x2ea: {  	s6 =	sld [smem:$0x7F3]  }
0x2eb: {  	[spmem:s3] =	stream.indirect.scatter.add.f32 [tilespmem:s11], [sflag:$0x3], $0x10, s10, s14, $0xb8;
	[tilespmem:$0x1BF80] =	vst v63  }
0x2ec: {  	s10 =	sld [smem:$0x7F4]  }
0x2ed: {  	[spmem:s3] =	stream.indirect.scatter.add.f32 [tilespmem:s11], [sflag:$0x3], $0x10, s6, s14, $0xb8;
	[tilespmem:$0x1BF80] =	vst v63  }
0x2ee: {  	_ = 	snop  }
0x2ef: {  	[spmem:s3] =	stream.indirect.scatter.add.f32 [tilespmem:s11], [sflag:$0x3], $0x10, s10, s14, $0xb8;
	[tilespmem:$0x1BF80] =	vst v63  }
0x2f0: {  	_ =	swait.ge [sflag:s15], $0x800  }
0x2f1: {  	[sflag:s15] =	ssyncset.done $0x0  }
0x2f2: {  	[sflag:s15] =	ssyncadd.s32 $0xFFFFF800  }
0x2f3: {  	_ =	swait.ge [sflag:s15], $0x800  }
0x2f4: {  	[sflag:s15] =	ssyncset.done $0x0  }
0x2f5: {  	[sflag:s15] =	ssyncadd.s32 $0xFFFFF800  }
0x2f6: {  	_ =	swait.ge [sflag:s15], $0x800  }
0x2f7: {  	[sflag:s15] =	ssyncset.done $0x0  }
0x2f8: {  	[sflag:s15] =	ssyncadd.s32 $0xFFFFF800  }
0x2f9: {  	_ =	swait.ge [sflag:s15], $0x800  }
0x2fa: {  	[sflag:s15] =	ssyncset.done $0x0  }
0x2fb: {  	[sflag:s15] =	ssyncadd.s32 $0xFFFFF800  }
0x2fc: {  	_ =	swait.ge [sflag:s15], $0x800  }
0x2fd: {  	[sflag:s15] =	ssyncset.done $0x0  }
0x2fe: {  	[sflag:s15] =	ssyncadd.s32 $0xFFFFF800  }
0x2ff: {  	_ =	swait.ge [sflag:s15], $0x800  }
0x300: {  	[sflag:s15] =	ssyncset.done $0x0  }
0x301: {  	[sflag:s15] =	ssyncadd.s32 $0xFFFFF800  }
0x302: {  	_ =	swait.ge [sflag:s15], $0x800  }
0x303: {  	[sflag:s15] =	ssyncset.done $0x0  }
0x304: {  	[sflag:s15] =	ssyncadd.s32 $0xFFFFF800  }
0x305: {  	_ =	swait.ge [sflag:s15], $0x800  }
0x306: {  	s9 =	sld [smem:$0x7F5]  }
0x307: {  	[sflag:s15] =	ssyncset.done $0x0  }
0x308: {  	s10 =	sld [smem:$0x7F6];
	[sflag:s15] =	ssyncadd.s32 $0xFFFFF800  }
0x309: {  	[spmem:s3] =	stream.indirect.scatter.add.f32 [tilespmem:s11], [sflag:$0x3], $0x10, s9, s14, $0xb8;
	[tilespmem:$0x1BF80] =	vst v63  }
0x30a: {  	s6 =	sld [smem:$0x7F7]  }
0x30b: {  	[spmem:s3] =	stream.indirect.scatter.add.f32 [tilespmem:s11], [sflag:$0x3], $0x10, s10, s14, $0xb8;
	[tilespmem:$0x1BF80] =	vst v63  }
0x30c: {  	s10 =	sld [smem:$0x7F8]  }
0x30d: {  	[spmem:s3] =	stream.indirect.scatter.add.f32 [tilespmem:s11], [sflag:$0x3], $0x10, s6, s14, $0xb8;
	[tilespmem:$0x1BF80] =	vst v63  }
0x30e: {  	s6 =	sld [smem:$0x7F9]  }
0x30f: {  	[spmem:s3] =	stream.indirect.scatter.add.f32 [tilespmem:s11], [sflag:$0x3], $0x10, s10, s14, $0xb8;
	[tilespmem:$0x1BF80] =	vst v63  }
0x310: {  	s10 =	sld [smem:$0x7FA]  }
0x311: {  	[spmem:s3] =	stream.indirect.scatter.add.f32 [tilespmem:s11], [sflag:$0x3], $0x10, s6, s14, $0xb8;
	[tilespmem:$0x1BF80] =	vst v63  }
0x312: {  	_ = 	snop  }
0x313: {  	[spmem:s3] =	stream.indirect.scatter.add.f32 [tilespmem:s11], [sflag:$0x3], $0x10, s10, s14, $0xb8;
	[tilespmem:$0x1BF80] =	vst v63  }
0x314: {  	_ = 	snop  }
0x315: {  	[spmem:s3] =	stream.indirect.scatter.add.f32 [tilespmem:s11], [sflag:$0x3], $0x10, s17, s14, $0xb8;
	[tilespmem:$0x1BF80] =	vst v63  }
0x316: {  	_ = 	snop  }
0x317: {  	[spmem:s3] =	stream.indirect.scatter.add.f32 [tilespmem:s11], [sflag:$0x3], $0x10, s18, s14, $0xb8;
	[tilespmem:$0x1BF80] =	vst v63  }
0x318: {  	_ =	swait.ge [sflag:s15], $0x800  }
0x319: {  	[sflag:s15] =	ssyncset.done $0x0  }
0x31a: {  	[sflag:s15] =	ssyncadd.s32 $0xFFFFF800  }
0x31b: {  	_ =	swait.ge [sflag:s15], $0x800  }
0x31c: {  	[sflag:s15] =	ssyncset.done $0x0  }
0x31d: {  	[sflag:s15] =	ssyncadd.s32 $0xFFFFF800  }
0x31e: {  	_ =	swait.ge [sflag:s15], $0x800  }
0x31f: {  	[sflag:s15] =	ssyncset.done $0x0  }
0x320: {  	[sflag:s15] =	ssyncadd.s32 $0xFFFFF800  }
0x321: {  	_ =	swait.ge [sflag:s15], $0x800  }
0x322: {  	[sflag:s15] =	ssyncset.done $0x0  }
0x323: {  	[sflag:s15] =	ssyncadd.s32 $0xFFFFF800  }
0x324: {  	_ =	swait.ge [sflag:s15], $0x800  }
0x325: {  	[sflag:s15] =	ssyncset.done $0x0  }
0x326: {  	[sflag:s15] =	ssyncadd.s32 $0xFFFFF800  }
0x327: {  	_ =	swait.ge [sflag:s15], $0x800  }
0x328: {  	[sflag:s15] =	ssyncset.done $0x0  }
0x329: {  	[sflag:s15] =	ssyncadd.s32 $0xFFFFF800  }
0x32a: {  	_ =	swait.ge [sflag:s15], $0x800  }
0x32b: {  	[sflag:s15] =	ssyncset.done $0x0  }
0x32c: {  	[sflag:s15] =	ssyncadd.s32 $0xFFFFF800  }
0x32d: {  	_ =	swait.ge [sflag:s15], $0x800  }
0x32e: {  	[sflag:s15] =	ssyncset.done $0x0  }
0x32f: {  	[sflag:s15] =	ssyncadd.s32 $0xFFFFF800  }
0x330: {  	[spmem:s3] =	stream.indirect.scatter.add.f32 [tilespmem:s11], [sflag:$0x3], $0x10, s19, s14, $0xb8;
	[tilespmem:$0x1BF80] =	vst v63  }
0x331: {  	_ = 	snop  }
0x332: {  	[spmem:s3] =	stream.indirect.scatter.add.f32 [tilespmem:s11], [sflag:$0x3], $0x10, s20, s14, $0xb8;
	[tilespmem:$0x1BF80] =	vst v63  }
0x333: {  	_ = 	snop  }
0x334: {  	[spmem:s3] =	stream.indirect.scatter.add.f32 [tilespmem:s11], [sflag:$0x3], $0x10, s21, s14, $0xb8;
	[tilespmem:$0x1BF80] =	vst v63  }
0x335: {  	_ = 	snop  }
0x336: {  	[spmem:s3] =	stream.indirect.scatter.add.f32 [tilespmem:s11], [sflag:$0x3], $0x10, s22, s14, $0xb8;
	[tilespmem:$0x1BF80] =	vst v63  }
0x337: {  	_ = 	snop  }
0x338: {  	[spmem:s3] =	stream.indirect.scatter.add.f32 [tilespmem:s11], [sflag:$0x3], $0x10, s23, s14, $0xb8;
	[tilespmem:$0x1BF80] =	vst v63  }
0x339: {  	_ = 	snop  }
0x33a: {  	[spmem:s3] =	stream.indirect.scatter.add.f32 [tilespmem:s11], [sflag:$0x3], $0x10, s25, s14, $0xb8;
	[tilespmem:$0x1BF80] =	vst v63  }
0x33b: {  	_ = 	snop  }
0x33c: {  	[spmem:s3] =	stream.indirect.scatter.add.f32 [tilespmem:s11], [sflag:$0x3], $0x10, s26, s14, $0xb8;
	[tilespmem:$0x1BF80] =	vst v63  }
0x33d: {  	_ = 	snop  }
0x33e: {  	[spmem:s3] =	stream.indirect.scatter.add.f32 [tilespmem:s11], [sflag:$0x3], $0x10, s28, s14, $0xb8;
	[tilespmem:$0x1BF80] =	vst v63  }
0x33f: {  	_ =	swait.ge [sflag:s15], $0x800  }
0x340: {  	[sflag:s15] =	ssyncset.done $0x0  }
0x341: {  	[sflag:s15] =	ssyncadd.s32 $0xFFFFF800  }
0x342: {  	_ =	swait.ge [sflag:s15], $0x800  }
0x343: {  	[sflag:s15] =	ssyncset.done $0x0  }
0x344: {  	[sflag:s15] =	ssyncadd.s32 $0xFFFFF800  }
0x345: {  	_ =	swait.ge [sflag:s15], $0x800  }
0x346: {  	[sflag:s15] =	ssyncset.done $0x0  }
0x347: {  	[sflag:s15] =	ssyncadd.s32 $0xFFFFF800  }
0x348: {  	_ =	swait.ge [sflag:s15], $0x800  }
0x349: {  	[sflag:s15] =	ssyncset.done $0x0  }
0x34a: {  	[sflag:s15] =	ssyncadd.s32 $0xFFFFF800  }
0x34b: {  	_ =	swait.ge [sflag:s15], $0x800  }
0x34c: {  	[sflag:s15] =	ssyncset.done $0x0  }
0x34d: {  	[sflag:s15] =	ssyncadd.s32 $0xFFFFF800  }
0x34e: {  	_ =	swait.ge [sflag:s15], $0x800  }
0x34f: {  	[sflag:s15] =	ssyncset.done $0x0  }
0x350: {  	[sflag:s15] =	ssyncadd.s32 $0xFFFFF800  }
0x351: {  	_ =	swait.ge [sflag:s15], $0x800  }
0x352: {  	[sflag:s15] =	ssyncset.done $0x0  }
0x353: {  	[sflag:s15] =	ssyncadd.s32 $0xFFFFF800  }
0x354: {  	_ =	swait.ge [sflag:s15], $0x800  }
0x355: {  	[sflag:s15] =	ssyncset.done $0x0  }
0x356: {  	[sflag:s15] =	ssyncadd.s32 $0xFFFFF800  }
0x357: {  	[spmem:s3] =	stream.indirect.scatter.add.f32 [tilespmem:s11], [sflag:$0x3], $0x10, s29, s14, $0xb8;
	[tilespmem:$0x1BF80] =	vst v63  }
0x358: {  	_ = 	snop  }
0x359: {  	[spmem:s3] =	stream.indirect.scatter.add.f32 [tilespmem:s11], [sflag:$0x3], $0x10, s30, s14, $0xb8;
	[tilespmem:$0x1BF80] =	vst v63  }
0x35a: {  	_ = 	snop  }
0x35b: {  	[spmem:s3] =	stream.indirect.scatter.add.f32 [tilespmem:s11], [sflag:$0x3], $0x10, s31, s14, $0xb8;
	[tilespmem:$0x1BF80] =	vst v63  }
0x35c: {  	_ = 	snop  }
0x35d: {  	[spmem:s3] =	stream.indirect.scatter.add.f32 [tilespmem:s11], [sflag:$0x3], $0x10, s0, s14, $0xb8;
	[tilespmem:$0x1BF80] =	vst v63  }
0x35e: {  	_ = 	snop  }
0x35f: {  	[spmem:s3] =	stream.indirect.scatter.add.f32 [tilespmem:s11], [sflag:$0x3], $0x10, s2, s14, $0xb8;
	[tilespmem:$0x1BF80] =	vst v63  }
0x360: {  	_ = 	snop  }
0x361: {  	[spmem:s3] =	stream.indirect.scatter.add.f32 [tilespmem:s11], [sflag:$0x3], $0x10, s1, s14, $0xb8;
	[tilespmem:$0x1BF80] =	vst v63  }
0x362: {  	_ = 	snop  }
0x363: {  	[spmem:s3] =	stream.indirect.scatter.add.f32 [tilespmem:s11], [sflag:$0x3], $0x10, s5, s14, $0xb8;
	[tilespmem:$0x1BF80] =	vst v63  }
0x364: {  	_ = 	snop  }
0x365: {  	[spmem:s3] =	stream.indirect.scatter.add.f32 [tilespmem:s11], [sflag:$0x3], $0x10, s7, s14, $0xb8;
	[tilespmem:$0x1BF80] =	vst v63  }
0x366: {  	_ =	swait.ge [sflag:s15], $0x800  }
0x367: {  	[sflag:s15] =	ssyncset.done $0x0  }
0x368: {  	[sflag:s15] =	ssyncadd.s32 $0xFFFFF800  }
0x369: {  	_ =	swait.ge [sflag:s15], $0x800  }
0x36a: {  	[sflag:s15] =	ssyncset.done $0x0  }
0x36b: {  	[sflag:s15] =	ssyncadd.s32 $0xFFFFF800  }
0x36c: {  	_ =	swait.ge [sflag:s15], $0x800  }
0x36d: {  	[sflag:s15] =	ssyncset.done $0x0  }
0x36e: {  	[sflag:s15] =	ssyncadd.s32 $0xFFFFF800  }
0x36f: {  	_ =	swait.ge [sflag:s15], $0x800  }
0x370: {  	[sflag:s15] =	ssyncset.done $0x0  }
0x371: {  	[sflag:s15] =	ssyncadd.s32 $0xFFFFF800  }
0x372: {  	_ =	swait.ge [sflag:s15], $0x800  }
0x373: {  	[sflag:s15] =	ssyncset.done $0x0  }
0x374: {  	[sflag:s15] =	ssyncadd.s32 $0xFFFFF800  }
0x375: {  	_ =	swait.ge [sflag:s15], $0x800  }
0x376: {  	[sflag:s15] =	ssyncset.done $0x0  }
0x377: {  	p0 =	sne.s32 s24, $0xFFFFFB00;
	[sflag:s15] =	ssyncadd.s32 $0xFFFFF800  }
.Ltmp0:
0x378: {  	_ =	swait.ge [sflag:s15], $0x800;
	(pc) =	sbr.rel @p0 .LBB2_2-.Ltmp0, $4  }
0x379: {  	[sflag:s15] =	ssyncset.done $0x0  }
0x37a: {  	[sflag:s15] =	ssyncadd.s32 $0xFFFFF800  }
0x37b: {  	_ =	swait.ge [sflag:s15], $0x800  }
0x37c: {  	s24 =	sadd.s32 $0x500, s24;
	[sflag:s15] =	ssyncset.done $0x0  }
0x37d: {  	[sflag:s15] =	ssyncadd.s32 $0xFFFFF800  }
0x37e: {  	_ =	swait.ge [sflag:s12], $0x1400  }
0x37f: {  	[sflag:s12] =	ssyncset.done $0x0  }
0x380: {  	[sflag:s12] =	ssyncadd.s32 $0xFFFFEC00  }
0x381: {  	[bflag:$0x0] =	sbarrier.arrive $0xFFFF  }
0x382: {  	s9 =	sld [smem:$0x7FC]  }
0x383: {  	s10 =	sld [smem:$0x7FD]  }
0x384: {  	s6 =	sld [smem:$0x7FB];
	_ =	sdelay $0x1  }
0x385: {  	s24 =	simm.s32 $0x4  }
0x386: {  	[hbm:s6], [sflag:s9] =	dma.local [spmem:s10], $0x31F0  }
0x387: {  	_ =	swait.ge [sflag:s24], $0x31F0  }
0x388: {  	s6 =	sld [smem:$0x7F0];
	_ =	sdelay $0x1  }
0x389: {  	s8 =	sadd.s32 $0x1, s8  }
0x38a: {  	p0 =	sne.s32 s8, s6  }
.Ltmp1:
0x38b: {  	_ = 	snop;
	(pc) =	sbr.rel @p0 .LBB2_1-.Ltmp1, $3  }
0x38c: {  	_ =	sdelay $0x1  }
0x38d: {  	[sflag:s24] =	ssyncset.done $0x0  }
0x38e: {  	[sflag:s24] =	ssyncadd.s32 $0xFFFFCE10  }
0x38f: {  	_ =	sfence.sel $0x180000  }
0x390: {  	[bflag:$0x0] =	sbarrier.arrive $0xFFFF  }
0x391: {  	_ =	strace $0x90000047  }
0x392: {  	s0 =	stileid.u32;
	[bflag:$0x2] =	sbarrier.arrive $0xFFFF  }
0x393: {  	p0 =	sne.s32 s0, $0x0;
	s0 =	rddreg [dreg:$0x3]  }
0x394: {  	s0 =	sadd.s32 @!p0 $0x100000, s0  }
0x395: {  	[sflag:s0] =	ssyncadd.tile.s32 @!p0 $0x1;
	_ =	shalt  }
.Lfunc_end2:
_tile_overlayer_lowered:
.L_overlay_start_2:
0x396: {  	(tag) =	ssettag $0x2  }
0x397: {  	s0 =	rddreg [dreg:$0x0];
	s2 =	stileid.u32  }
0x398: {  	s1 =	rddreg [dreg:$0x1];
	p0 =	sne.s32 s2, $0x0  }
0x399: {  	s3 =	rddreg [dreg:$0x2];
	[bflag:$0x3] =	sbarrier.arrive $0xFFFF;
	s2 =	simm.s32 @!p0 $0x1C04  }
0x39a: {  	[timem:s3], [sflag:s2] =	dma.local @!p0 [hbm:s0], s1  }
0x39b: {  	s0 =	simm.s32 @!p0 $0x4  }
0x39c: {  	_ =	swait.ge @!p0 [sflag:s0], s1  }
0x39d: {  	s1 =	ssub.s32 @!p0 $0x0, s1;
	[sflag:s0] =	ssyncset.done @!p0 $0x0  }
0x39e: {  	[sflag:s0] =	ssyncadd.s32 @!p0 s1  }
0x39f: {  	[bflag:$0x3] =	sbarrier.arrive $0xFFFF  }
0x3a0: {  	_ =	shalt  }

// kernel: kernel.13.cloned.1.call-start
scs
__scs_entry_jumppad:
0x0: {  	(pc) =	sbr.rel $0x88, $3  }
0x1: {  	(tag) =	ssettag $0x0;
	lr =	simm.s32 $0x1  }
0x2: {  	[smem:$0x3F99] =	sst lr;
	_ =	strace $0xD0000000  }
0x3: {  	_ = 	snop  }
0x4: {  	_ = 	snop  }
0x5: {  	_ = 	snop  }
0x6: {  	_ = 	snop  }
0x7: {  	_ = 	snop  }
__scs_overlays_trampoline_lowered:
0x8: {  	[smem:$0x3FA8] =	sst s0  }
0x9: {  	[smem:$0x3FA9] =	sst s1  }
0xa: {  	[smem:$0x3FAA] =	sst s2  }
0xb: {  	[smem:$0x3FAB] =	sst s3  }
0xc: {  	[smem:$0x3FAC] =	sst s4  }
0xd: {  	[smem:$0x3FAD] =	sst s5  }
0xe: {  	[smem:$0x3FAE] =	sst s6  }
0xf: {  	[smem:$0x3FAF] =	sst s7  }
0x10: {  	[smem:$0x3FB0] =	sst s8  }
0x11: {  	[smem:$0x3FB1] =	sst s9;
	s0 =	simm.s32 @!p0 $0x0  }
0x12: {  	s1 =	sld [smem:$0x3F97];
	s0 =	simm.s32 @p0 $0x1  }
0x13: {  	[smem:$0x3FB2] =	sst s0;
	s0 =	simm.s32 @!p1 $0x0  }
0x14: {  	s2 =	sld [smem:$0x3F96];
	s0 =	simm.s32 @p1 $0x1  }
0x15: {  	[smem:$0x3FB3] =	sst s0;
	s0 =	simm.s32 @!p2 $0x0  }
0x16: {  	s3 =	sld [smem:$0x3FDB];
	s0 =	simm.s32 @p2 $0x1  }
0x17: {  	s4 =	simm.s32 $0x1BF5;
	[smem:$0x3FB5] =	sst s0  }
0x18: {  	s0 =	sld [smem:$0x3F98];
	_ =	swait.ge [sflag:s4], $0x0  }
0x19: {  	s7 =	sld [smem:$0x3F99]  }
0x1a: {  	s8 =	sadd.s32 $0xFFFFE003, lr  }
0x1b: {  	s9 =	sadd.s32 $0xFFFFFEF7, lr;
	s5 =	simm.s32 $0xFFFFFFFF;
	p2 =	slt.u32 s8, $0xFFFFF086  }
0x1c: {  	p1 =	slt.u32 s9, $0xF7A;
	s5 =	simm.s32 @!p2 $0x0  }
0x1d: {  	s5 =	simm.s32 @p1 $0x1;
	p0 =	seq.s32 s7, s2  }
0x1e: {  	s7 =	smul.u32 @!p0 $0xF7A, s2;
	p2 =	seq.s32 @!p0 s5, $0x0  }
0x1f: {  	s9 =	smul.u32 $0xF7A, s1;
	s8 =	simm.s32 @!p0 $0x1BF5;
	p2 =	por !p2, p0  }
0x20: {  	[sflag:s8] =	ssyncset.s32 @!p0 $0xFFFFF086;
	s6 =	sadd.s32 @!p0 s3, s7;
	s7 =	simm.s32 @!p0 $0x108  }
0x21: {  	s3 =	sadd.s32 s3, s9;
	s6 =	sadd.s32 @!p0 $0x88, s6;
	s7 =	simm.s32 @p2 $0x1082  }
0x22: {  	[simem:s7], [sflag:s8] =	dma.local @!p0 [hbm:s6], $0xF7A  }
0x23: {  	s9 =	sor.u32 $0xD0000000, s2;
	s6 =	simm.s32 $0x108;
	_ =	swait.ge @!p0 [sflag:s8], $0x0  }
0x24: {  	s3 =	sadd.s32 $0x88, s3;
	s6 =	simm.s32 @!p1 $0x1082;
	[sflag:s4] =	ssyncset.s32 $0xFFFFF086  }
0x25: {  	[simem:s6], [sflag:s4] =	dma.local [hbm:s3], $0xF7A  }
0x26: {  	[smem:$0x3F99] =	sst s1;
	(tag) =	ssettag s2;
	_ =	strace s9  }
0x27: {  	s1 =	sld [smem:$0x3FA9]  }
0x28: {  	s2 =	sld [smem:$0x3FAA]  }
0x29: {  	s4 =	sld [smem:$0x3FAC]  }
0x2a: {  	p0 =	seq.s32 s5, $0x0;
	s5 =	sld [smem:$0x3FAD]  }
0x2b: {  	s6 =	sld [smem:$0x3FAE]  }
0x2c: {  	s7 =	sld [smem:$0x3FAF]  }
0x2d: {  	s3 =	simm.s32 $0x108;
	s8 =	sld [smem:$0x3FB0]  }
0x2e: {  	s3 =	simm.s32 @!p0 $0x1082;
	s9 =	sld [smem:$0x3FB1]  }
0x2f: {  	lr =	sadd.s32 s0, s3;
	s0 =	sld [smem:$0x3FA8]  }
0x30: {  	s3 =	sld [smem:$0x3FAB]  }
0x31: {  	[smem:$0x3FB4] =	sst s10  }
0x32: {  	s10 =	sld [smem:$0x3FB2];
	_ =	sdelay $0x3  }
0x33: {  	p0 =	seq.s32 s10, $0x1;
	s10 =	sld [smem:$0x3FB4];
	_ =	sdelay $0x3  }
0x34: {  	[smem:$0x3FB4] =	sst s10  }
0x35: {  	s10 =	sld [smem:$0x3FB3];
	_ =	sdelay $0x3  }
0x36: {  	p1 =	seq.s32 s10, $0x1;
	s10 =	sld [smem:$0x3FB4];
	_ =	sdelay $0x3  }
0x37: {  	[smem:$0x3FB4] =	sst s10  }
0x38: {  	s10 =	sld [smem:$0x3FB5]  }
0x39: {  	_ = 	snop;
	(pc) =	sbr.ind lr, $3  }
0x3a: {  	_ = 	snop  }
0x3b: {  	_ = 	snop  }
0x3c: {  	p2 =	seq.s32 s10, $0x1;
	s10 =	sld [smem:$0x3FB4]  }
0x3d: {  	_ =	shalt  }
0x3e: {  	_ =	shalt  }
0x3f: {  	_ =	shalt  }
0x40: {  	_ =	shalt  }
0x41: {  	_ =	shalt  }
0x42: {  	_ =	shalt  }
0x43: {  	_ =	shalt  }
0x44: {  	_ =	shalt  }
0x45: {  	_ =	shalt  }
0x46: {  	_ =	shalt  }
0x47: {  	_ =	shalt  }
0x48: {  	_ =	shalt  }
0x49: {  	_ =	shalt  }
0x4a: {  	_ =	shalt  }
0x4b: {  	_ =	shalt  }
0x4c: {  	_ =	shalt  }
0x4d: {  	_ =	shalt  }
0x4e: {  	_ =	shalt  }
0x4f: {  	_ =	shalt  }
0x50: {  	_ =	shalt  }
0x51: {  	_ =	shalt  }
0x52: {  	_ =	shalt  }
0x53: {  	_ =	shalt  }
0x54: {  	_ =	shalt  }
0x55: {  	_ =	shalt  }
0x56: {  	_ =	shalt  }
0x57: {  	_ =	shalt  }
0x58: {  	_ =	shalt  }
0x59: {  	_ =	shalt  }
0x5a: {  	_ =	shalt  }
0x5b: {  	_ =	shalt  }
0x5c: {  	_ =	shalt  }
0x5d: {  	_ =	shalt  }
0x5e: {  	_ =	shalt  }
0x5f: {  	_ =	shalt  }
0x60: {  	_ =	shalt  }
0x61: {  	_ =	shalt  }
0x62: {  	_ =	shalt  }
0x63: {  	_ =	shalt  }
0x64: {  	_ =	shalt  }
0x65: {  	_ =	shalt  }
0x66: {  	_ =	shalt  }
0x67: {  	_ =	shalt  }
0x68: {  	_ =	shalt  }
0x69: {  	_ =	shalt  }
0x6a: {  	_ =	shalt  }
0x6b: {  	_ =	shalt  }
0x6c: {  	_ =	shalt  }
0x6d: {  	_ =	shalt  }
0x6e: {  	_ =	shalt  }
0x6f: {  	_ =	shalt  }
0x70: {  	_ =	shalt  }
0x71: {  	_ =	shalt  }
0x72: {  	_ =	shalt  }
0x73: {  	_ =	shalt  }
0x74: {  	_ =	shalt  }
0x75: {  	_ =	shalt  }
0x76: {  	_ =	shalt  }
0x77: {  	_ =	shalt  }
0x78: {  	_ =	shalt  }
0x79: {  	_ =	shalt  }
0x7a: {  	_ =	shalt  }
0x7b: {  	_ =	shalt  }
0x7c: {  	_ =	shalt  }
0x7d: {  	_ =	shalt  }
0x7e: {  	_ =	shalt  }
0x7f: {  	_ =	shalt  }
0x80: {  	_ =	shalt  }
0x81: {  	_ =	shalt  }
0x82: {  	_ =	shalt  }
0x83: {  	_ =	shalt  }
0x84: {  	_ =	shalt  }
0x85: {  	_ =	shalt  }
0x86: {  	_ =	shalt  }
0x87: {  	_ =	shalt  }
.Lfunc_end0:
.L_simem_size_0:
called_computation.1_lowered:
.L_overlay_start_0:
0x88: {  	s2 =	sld [smem:$0x3FD9]  }
0x89: {  	s3 =	sld [smem:$0x3FFE];
	_ =	sdelay $0x1  }
0x8a: {  	s1 =	srdreg.scid  }
0x8b: {  	s0 =	sand.u32 $0x1, s1  }
0x8c: {  	s16 =	sshll.u32 s0, $0xA;
	s2 =	sadd.s32 s3, s2  }
0x8d: {  	s2 =	sadd.s32 s2, s16  }
0x8e: {  	[smem:$0x3FC0] =	sst s2  }
0x8f: {  	_ = 	snop  }
0x90: {  	(tm) =	ssettm $0x1  }
0x91: {  	s17 =	sld [smem:$0x3FFB];
	_ =	sdelay $0x3  }
0x92: {  	_ =	strace s17  }
0x93: {  	s2 =	sld [smem:$0x3FFC];
	_ =	sdelay $0x3  }
0x94: {  	_ =	strace s2  }
0x95: {  	s2 =	sld [smem:$0x3FFD];
	_ =	sdelay $0x3  }
0x96: {  	_ =	strace s2  }
0x97: {  	_ =	strace $0x8FFFFFFF  }
0x98: {  	s18 =	sld [smem:$0x3FDB];
	_ =	sdelay $0x1  }
0x99: {  	s19 =	simm.s32 $_scs_section_size  }
0x9a: {  	s4 =	simm.s32 $_size__tile_overlayer_lowered;
	s5 =	simm.s32 $_tile_overlayer_lowered  }
0x9b: {  	s22 =	simm.s32 $0x1BFF;
	s21 =	sshll.u32 s5, $0x1;
	s2 =	sadd.s32 s19, s18  }
0x9c: {  	s6 =	simm.s32 $0x0;
	s20 =	sshll.u32 s4, $0x1;
	s4 =	sadd.s32 s21, s2  }
0x9d: {  	[timem:s6], [sflag:s22] =	dma.local [hbm:s4], s20  }
0x9e: {  	_ =	swait.ge [sflag:s22], s20  }
0x9f: {  	s3 =	ssub.s32 $0x0, s20;
	[sflag:s22] =	ssyncset.done $0x0  }
0xa0: {  	[sflag:s22] =	ssyncadd.s32 s3;
	_ =	sdelay $0x1  }
0xa1: {  	s23 =	simm.s32 $0x1B8B  }
0xa2: {  	_ =	swait.ge [sflag:s23], $0x1  }
0xa3: {  	[sflag:s23] =	ssyncset.done $0x0  }
0xa4: {  	s25 =	simm.s32 $0x1B8E;
	s24 =	sld [smem:$0x3FFE];
	[sflag:s23] =	ssyncadd.s32 $0xFFFFFFFF  }
0xa5: {  	s26 =	simm.s32 $execute0_lowered;
	[smem:$0x3FD2] =	sst s25  }
0xa6: {  	s4 =	sshll.u32 s26, $0x1;
	_ =	strace $0x80000049;
	[dreg:$0x1] =	wrdreg $0xFFFFFFFF  }
0xa7: {  	s28 =	simm.s32 $_size_execute0_lowered;
	s2 =	sadd.s32 s2, s4;
	[dreg:$0x0] =	wrdreg $0x0  }
0xa8: {  	s4 =	sshll.u32 s28, $0x1;
	[dreg:$0x2] =	wrdreg s2  }
0xa9: {  	[dreg:$0x3] =	wrdreg s4  }
0xaa: {  	[dreg:$0x4] =	wrdreg $0xC0  }
0xab: {  	_ =	task [dreg:s6], $0x5FFFF  }
0xac: {  	[dreg:$0x1] =	wrdreg $0xFFFFFFFF  }
0xad: {  	[dreg:$0x0] =	wrdreg $0x60  }
0xae: {  	[dreg:$0x2] =	wrdreg s24  }
0xaf: {  	[dreg:$0x3] =	wrdreg $0x70000  }
0xb0: {  	[dreg:$0x4] =	wrdreg $0x9  }
0xb1: {  	_ =	task.clear_ibuf [dreg:s6], $0x5FFFF;
	_ =	strace $0x90000049  }
0xb2: {  	s29 =	simm.s32 $0x9;
	_ =	strace $0x8000004B  }
0xb3: {  	_ =	swait.ge [sflag:s29], $0x1  }
0xb4: {  	[sflag:s29] =	ssyncadd.s32 $0xFFFFFFFF  }
0xb5: {  	_ =	strace $0x9000004B  }
0xb6: {  	_ =	sfence  }
0xb7: {  	s30 =	sld [smem:$0x0];
	_ =	sdelay $0x2  }
0xb8: {  	s31 =	sshll.u32 s1, $0xD;
	s1 =	sshrl.u32 s1, $0x2  }
0xb9: {  	s3 =	sand.u32 $0x4000, s31;
	s1 =	sadd.s32 s1, s30  }
0xba: {  	s0 =	sor.u32 s3, s0;
	s1 =	sshll.u32 s1, $0x11  }
0xbb: {  	s0 =	sor.u32 s1, s0  }
0xbc: {  	s0 =	sadd.s32 $0x8F2B, s0  }
0xbd: {  	[sflag:s0] =	ssyncadd.remote.s32 $0x1  }
0xbe: {  	_ =	sfence.sel $0xFFFF  }
0xbf: {  	[dreg:$0x0] =	wrdreg $0xFFFFFFFF;
	(pc) =	sbr.abs _section_cstart, $3  }
0xc0: {  	[dreg:$0x1] =	wrdreg $0xFFFFFFFF  }
0xc1: {  	_ =	task.clear_ibuf [dreg:s6], $0x2FFFF;
	_ =	strace $0x9FFFFFFF  }
0xc2: {  	(tm) =	ssettm $0x7FFFFFFF  }
0xc3: {  	_ =	shalt  }
tec
execute0_lowered:
.L_overlay_start_1:
0x0: {  	(tag) =	ssettag $0x1  }
0x1: {  	s0 =	rddreg [dreg:$0x0]  }
0x2: {  	s2 =	rddreg [dreg:$0x1];
	s1 =	simm.s32 $0x0;
	s13 =	stileid.u32  }
0x3: {  	s3 =	srdreg.scid;
	s14 =	simm.s32 $0x7;
	s15 =	simm.s32 $0x1400  }
0x4: {  	s16 =	simm.s32 $0x1;
	s17 =	simm.s32 $0x2800;
	s18 =	simm.s32 $0x3C00  }
0x5: {  	s19 =	simm.s32 $0x80;
	s20 =	simm.s32 $0x5000;
	s28 =	simm.s32 $0x5  }
0x6: {  	s29 =	simm.s32 $0x6;
	s30 =	simm.s32 $0x2;
	s31 =	simm.s32 $0x0  }
0x7: {  	[smem:$0x7FF] =	sst s1;
	s21 =	smul.u32 $0x18F80, s13;
	s4 =	sadd.s32 $0x9A000, s0  }
0x8: {  	s5 =	sadd.s32 $0x3800, s0;
	s6 =	sadd.s32 $0x35C00, s0;
	s3 =	sand.u32 $0x1, s3  }
0x9: {  	s24 =	sshll.u32 s13, $0x6;
	_ =	strace $0x8000004A;
	s8 =	smul.u32 $0x31F00, s3  }
0xa: {  	s9 =	ssub.s32 $0x2, s3;
	s3 =	sshll.u32 s3, $0x4;
	s7 =	sshrl.u32 s21, $0x3  }
0xb: {  	s11 =	sshrl.u32 s9, $0x1;
	s3 =	sor.u32 s13, s3;
	s1 =	sadd.s32 s21, s2  }
0xc: {  	s21 =	simm.s32 $0x5800;
	s10 =	sadd.s32 s7, s0;
	s0 =	sadd.s32 s8, s0  }
0xd: {  	s12 =	ssub.s32 s9, s11;
	s22 =	smul.u32 $0x1900, s3;
	s8 =	sor.u32 $0x1C07, s24  }
0xe: {  	s9 =	smul.u32 $0x190, s3;
	s13 =	sshrl.u32 s1, $0x3;
	s23 =	sadd.s32 $0x68000, s10  }
0xf: {  	s0 =	sadd.s32 $0xCC000, s0;
	s12 =	smax.u32 s12, $0x1;
	[dreg:$0x3] =	wrdreg s23  }
0x10: {  	s25 =	sadd.s32 s5, s22;
	s26 =	sadd.s32 s6, s22;
	s22 =	simm.s32 $0x6000  }
0x11: {  	s23 =	simm.s32 $0x6800;
	s24 =	sadd.s32 s7, s0;
	[dreg:$0x4] =	wrdreg s25  }
0x12: {  	[dreg:$0x5] =	wrdreg s26;
	s25 =	simm.s32 $0x3;
	s26 =	simm.s32 $0x4  }
.LBB2_1:
0x13: {  	s0 =	rddreg [dreg:$0x3]  }
0x14: {  	[spmem:s13], [sflag:s8] =	dma.local [hbm:s0], $0x31F0  }
0x15: {  	_ =	swait.ge [sflag:s14], $0x31F0  }
0x16: {  	[sflag:s14] =	ssyncset.done $0x0  }
0x17: {  	[sflag:s14] =	ssyncadd.s32 $0xFFFFCE10  }
0x18: {  	[bflag:$0x0] =	sbarrier.arrive $0xFFFF  }
0x19: {  	s10 =	simm.s32 $0x0;
	s1 =	rddreg [dreg:$0x4]  }
0x1a: {  	[tilespmem:s10], [sflag:$0x1] =	stream.linear.gather [hbm4b:s1+s10], $0x1400, $0x38;
	[tilespmem:$0x1FF80] =	vst v63  }
0x1b: {  	s0 =	simm.s32 $0x0;
	s11 =	rddreg [dreg:$0x5]  }
0x1c: {  	[tilespmem:s15], [sflag:$0x1] =	stream.linear.gather [hbm4b:s11+s10], $0x1400, $0x38;
	[tilespmem:$0x1FF80] =	vst v63  }
.LBB2_2:
0x1d: {  	s1 =	smul.u32 $0x50, s0;
	_ =	swait.ge [sflag:s16], $0x1400  }
0x1e: {  	[sflag:s16] =	ssyncset.done $0x0  }
0x1f: {  	s1 =	sadd.s32 s9, s1;
	[sflag:s16] =	ssyncadd.s32 $0xFFFFEC00  }
0x20: {  	_ =	swait.ge [sflag:s16], $0x1400;
	s1 =	sshll.u32 s1, $0x4  }
0x21: {  	[sflag:s16] =	ssyncset.done $0x0;
	s3 =	sadd.s32 $0x280, s1  }
0x22: {  	s10 =	simm.s32 $0x0;
	[sflag:s16] =	ssyncadd.s32 $0xFFFFEC00;
	s7 =	sadd.s32 s5, s3  }
0x23: {  	[tilespmem:s17], [sflag:$0x2] =	stream.linear.gather [hbm4b:s7+s10], $0x1400, $0x38;
	[tilespmem:$0x1FF80] =	vst v63  }
0x24: {  	s3 =	sadd.s32 s6, s3  }
0x25: {  	[tilespmem:s18], [sflag:$0x2] =	stream.linear.gather [hbm4b:s3+s10], $0x1400, $0x38;
	[tilespmem:$0x1FF80] =	vst v63  }
0x26: {  	s10 =	simm.s32 $0x0  }
0x27: {  	[tilespmem:s20], [sflag:$0x3] =	stream.indirect.gather [hbm4b:s4+s19], $0x10, s10, s19, $0xb8;
	[tilespmem:$0x1FF80] =	vst v63  }
0x28: {  	s11 =	simm.s32 $0x80  }
0x29: {  	[tilespmem:s21], [sflag:$0x3] =	stream.indirect.gather [hbm4b:s4+s19], $0x10, s11, s19, $0xb8;
	[tilespmem:$0x1FF80] =	vst v63  }
0x2a: {  	s7 =	simm.s32 $0x100  }
0x2b: {  	[tilespmem:s22], [sflag:$0x4] =	stream.indirect.gather [hbm4b:s4+s19], $0x10, s7, s19, $0xb8;
	[tilespmem:$0x1FF80] =	vst v63  }
0x2c: {  	s10 =	simm.s32 $0x180  }
0x2d: {  	[tilespmem:s23], [sflag:$0x4] =	stream.indirect.gather [hbm4b:s4+s19], $0x10, s10, s19, $0xb8;
	[tilespmem:$0x1FF80] =	vst v63  }
0x2e: {  	_ =	swait.ge [sflag:s25], $0x800  }
0x2f: {  	[sflag:s25] =	ssyncset.done $0x0  }
0x30: {  	[sflag:s25] =	ssyncadd.s32 $0xFFFFF800  }
0x31: {  	_ =	swait.ge [sflag:s25], $0x800  }
0x32: {  	[sflag:s25] =	ssyncset.done $0x0  }
0x33: {  	s11 =	simm.s32 $0x1400;
	[sflag:s25] =	ssyncadd.s32 $0xFFFFF800  }
0x34: {  	[spmem:s2] =	stream.indirect.scatter.add.f32 [tilespmem:s20], [sflag:$0x5], $0x10, s11, s19, $0xb8;
	[tilespmem:$0x1FF80] =	vst v63  }
0x35: {  	s7 =	simm.s32 $0x1480  }
0x36: {  	[spmem:s2] =	stream.indirect.scatter.add.f32 [tilespmem:s21], [sflag:$0x5], $0x10, s7, s19, $0xb8;
	[tilespmem:$0x1FF80] =	vst v63  }
0x37: {  	_ =	swait.ge [sflag:s26], $0x800  }
0x38: {  	[sflag:s26] =	ssyncset.done $0x0  }
0x39: {  	[sflag:s26] =	ssyncadd.s32 $0xFFFFF800  }
0x3a: {  	_ =	swait.ge [sflag:s26], $0x800  }
0x3b: {  	[sflag:s26] =	ssyncset.done $0x0  }
0x3c: {  	s10 =	simm.s32 $0x1500;
	[sflag:s26] =	ssyncadd.s32 $0xFFFFF800  }
0x3d: {  	[spmem:s2] =	stream.indirect.scatter.add.f32 [tilespmem:s22], [sflag:$0x6], $0x10, s10, s19, $0xb8;
	[tilespmem:$0x1FF80] =	vst v63  }
0x3e: {  	s11 =	simm.s32 $0x1580  }
0x3f: {  	[spmem:s2] =	stream.indirect.scatter.add.f32 [tilespmem:s23], [sflag:$0x6], $0x10, s11, s19, $0xb8;
	[tilespmem:$0x1FF80] =	vst v63  }
0x40: {  	_ =	swait.ge [sflag:s28], $0x800  }
0x41: {  	[sflag:s28] =	ssyncset.done $0x0  }
0x42: {  	[sflag:s28] =	ssyncadd.s32 $0xFFFFF800  }
0x43: {  	_ =	swait.ge [sflag:s28], $0x800  }
0x44: {  	[sflag:s28] =	ssyncset.done $0x0  }
0x45: {  	[sflag:s28] =	ssyncadd.s32 $0xFFFFF800  }
0x46: {  	_ =	swait.ge [sflag:s29], $0x800  }
0x47: {  	[sflag:s29] =	ssyncset.done $0x0  }
0x48: {  	[sflag:s29] =	ssyncadd.s32 $0xFFFFF800  }
0x49: {  	_ =	swait.ge [sflag:s29], $0x800  }
0x4a: {  	s3 =	simm.s32 $0x800;
	s10 =	simm.s32 $0x1000;
	[sflag:s29] =	ssyncset.done $0x0  }
.LBB2_3:
0x4b: {  	s11 =	sshra.s32 s3, $0x2  }
0x4c: {  	[sflag:s29] =	ssyncadd.s32 $0xFFFFF800;
	s3 =	smov.u32 s10;
	s7 =	sadd.s32 $0x800, s10  }
0x4d: {  	[tilespmem:s20], [sflag:$0x3] =	stream.indirect.gather [hbm4b:s4+s19], $0x10, s11, s19, $0xb8;
	[tilespmem:$0x1FF80] =	vst v63  }
0x4e: {  	p0 =	sne.s32 s10, $0x4800;
	s10 =	sadd.s32 $0x80, s11  }
0x4f: {  	[tilespmem:s21], [sflag:$0x3] =	stream.indirect.gather [hbm4b:s4+s19], $0x10, s10, s19, $0xb8;
	[tilespmem:$0x1FF80] =	vst v63  }
0x50: {  	s10 =	sadd.s32 $0x100, s11  }
0x51: {  	[tilespmem:s22], [sflag:$0x4] =	stream.indirect.gather [hbm4b:s4+s19], $0x10, s10, s19, $0xb8;
	[tilespmem:$0x1FF80] =	vst v63  }
0x52: {  	s10 =	sadd.s32 $0x180, s11  }
0x53: {  	[tilespmem:s23], [sflag:$0x4] =	stream.indirect.gather [hbm4b:s4+s19], $0x10, s10, s19, $0xb8;
	[tilespmem:$0x1FF80] =	vst v63  }
0x54: {  	_ =	swait.ge [sflag:s25], $0x800  }
0x55: {  	[sflag:s25] =	ssyncset.done $0x0  }
0x56: {  	[sflag:s25] =	ssyncadd.s32 $0xFFFFF800  }
0x57: {  	_ =	swait.ge [sflag:s25], $0x800  }
0x58: {  	[sflag:s25] =	ssyncset.done $0x0  }
0x59: {  	s10 =	sadd.s32 $0x1400, s11;
	[sflag:s25] =	ssyncadd.s32 $0xFFFFF800  }
0x5a: {  	[spmem:s2] =	stream.indirect.scatter.add.f32 [tilespmem:s20], [sflag:$0x5], $0x10, s10, s19, $0xb8;
	[tilespmem:$0x1FF80] =	vst v63  }
0x5b: {  	s10 =	sadd.s32 $0x1480, s11  }
0x5c: {  	[spmem:s2] =	stream.indirect.scatter.add.f32 [tilespmem:s21], [sflag:$0x5], $0x10, s10, s19, $0xb8;
	[tilespmem:$0x1FF80] =	vst v63  }
0x5d: {  	_ =	swait.ge [sflag:s26], $0x800  }
0x5e: {  	[sflag:s26] =	ssyncset.done $0x0  }
0x5f: {  	[sflag:s26] =	ssyncadd.s32 $0xFFFFF800  }
0x60: {  	_ =	swait.ge [sflag:s26], $0x800  }
0x61: {  	[sflag:s26] =	ssyncset.done $0x0  }
0x62: {  	s10 =	sadd.s32 $0x1500, s11;
	[sflag:s26] =	ssyncadd.s32 $0xFFFFF800  }
0x63: {  	[spmem:s2] =	stream.indirect.scatter.add.f32 [tilespmem:s22], [sflag:$0x6], $0x10, s10, s19, $0xb8;
	[tilespmem:$0x1FF80] =	vst v63  }
0x64: {  	s10 =	sadd.s32 $0x1580, s11  }
0x65: {  	[spmem:s2] =	stream.indirect.scatter.add.f32 [tilespmem:s23], [sflag:$0x6], $0x10, s10, s19, $0xb8;
	[tilespmem:$0x1FF80] =	vst v63  }
0x66: {  	_ =	swait.ge [sflag:s28], $0x800  }
0x67: {  	[sflag:s28] =	ssyncset.done $0x0  }
0x68: {  	[sflag:s28] =	ssyncadd.s32 $0xFFFFF800  }
0x69: {  	_ =	swait.ge [sflag:s28], $0x800  }
0x6a: {  	[sflag:s28] =	ssyncset.done $0x0  }
0x6b: {  	[sflag:s28] =	ssyncadd.s32 $0xFFFFF800  }
.Ltmp0:
0x6c: {  	_ =	swait.ge [sflag:s29], $0x800;
	(pc) =	sbr.rel @p0 .LBB2_3-.Ltmp0, $4  }
0x6d: {  	[sflag:s29] =	ssyncset.done $0x0  }
0x6e: {  	[sflag:s29] =	ssyncadd.s32 $0xFFFFF800  }
0x6f: {  	_ =	swait.ge [sflag:s29], $0x800  }
0x70: {  	s10 =	smov.u32 s7;
	[sflag:s29] =	ssyncset.done $0x0  }
0x71: {  	s3 =	sshra.s32 s3, $0x2;
	[sflag:s29] =	ssyncadd.s32 $0xFFFFF800  }
0x72: {  	[tilespmem:s20], [sflag:$0x3] =	stream.indirect.gather [hbm4b:s4+s19], $0x10, s3, s19, $0xb8;
	[tilespmem:$0x1FF80] =	vst v63  }
0x73: {  	s7 =	sadd.s32 $0x80, s3  }
0x74: {  	[tilespmem:s21], [sflag:$0x3] =	stream.indirect.gather [hbm4b:s4+s19], $0x10, s7, s19, $0xb8;
	[tilespmem:$0x1FF80] =	vst v63  }
0x75: {  	s11 =	sadd.s32 $0x100, s3  }
0x76: {  	[tilespmem:s22], [sflag:$0x4] =	stream.indirect.gather [hbm4b:s4+s19], $0x10, s11, s19, $0xb8;
	[tilespmem:$0x1FF80] =	vst v63  }
0x77: {  	s10 =	sadd.s32 $0x180, s3  }
0x78: {  	[tilespmem:s23], [sflag:$0x4] =	stream.indirect.gather [hbm4b:s4+s19], $0x10, s10, s19, $0xb8;
	[tilespmem:$0x1FF80] =	vst v63  }
0x79: {  	_ =	swait.ge [sflag:s25], $0x800  }
0x7a: {  	[sflag:s25] =	ssyncset.done $0x0  }
0x7b: {  	[sflag:s25] =	ssyncadd.s32 $0xFFFFF800  }
0x7c: {  	_ =	swait.ge [sflag:s25], $0x800  }
0x7d: {  	[sflag:s25] =	ssyncset.done $0x0  }
0x7e: {  	s11 =	sadd.s32 $0x1400, s3;
	[sflag:s25] =	ssyncadd.s32 $0xFFFFF800  }
0x7f: {  	[spmem:s2] =	stream.indirect.scatter.add.f32 [tilespmem:s20], [sflag:$0x5], $0x10, s11, s19, $0xb8;
	[tilespmem:$0x1FF80] =	vst v63  }
0x80: {  	s10 =	sadd.s32 $0x1480, s3  }
0x81: {  	[spmem:s2] =	stream.indirect.scatter.add.f32 [tilespmem:s21], [sflag:$0x5], $0x10, s10, s19, $0xb8;
	[tilespmem:$0x1FF80] =	vst v63  }
0x82: {  	_ =	swait.ge [sflag:s26], $0x800  }
0x83: {  	[sflag:s26] =	ssyncset.done $0x0  }
0x84: {  	[sflag:s26] =	ssyncadd.s32 $0xFFFFF800  }
0x85: {  	_ =	swait.ge [sflag:s26], $0x800  }
0x86: {  	[sflag:s26] =	ssyncset.done $0x0  }
0x87: {  	s11 =	sadd.s32 $0x1500, s3;
	[sflag:s26] =	ssyncadd.s32 $0xFFFFF800  }
0x88: {  	[spmem:s2] =	stream.indirect.scatter.add.f32 [tilespmem:s22], [sflag:$0x6], $0x10, s11, s19, $0xb8;
	[tilespmem:$0x1FF80] =	vst v63  }
0x89: {  	s3 =	sadd.s32 $0x1580, s3  }
0x8a: {  	[spmem:s2] =	stream.indirect.scatter.add.f32 [tilespmem:s23], [sflag:$0x6], $0x10, s3, s19, $0xb8;
	[tilespmem:$0x1FF80] =	vst v63  }
0x8b: {  	_ =	swait.ge [sflag:s28], $0x800  }
0x8c: {  	[sflag:s28] =	ssyncset.done $0x0  }
0x8d: {  	[sflag:s28] =	ssyncadd.s32 $0xFFFFF800  }
0x8e: {  	_ =	swait.ge [sflag:s28], $0x800  }
0x8f: {  	[sflag:s28] =	ssyncset.done $0x0  }
0x90: {  	[sflag:s28] =	ssyncadd.s32 $0xFFFFF800  }
0x91: {  	_ =	swait.ge [sflag:s29], $0x800  }
0x92: {  	[sflag:s29] =	ssyncset.done $0x0  }
0x93: {  	[sflag:s29] =	ssyncadd.s32 $0xFFFFF800  }
0x94: {  	_ =	swait.ge [sflag:s29], $0x800  }
0x95: {  	[sflag:s29] =	ssyncset.done $0x0  }
0x96: {  	[sflag:s29] =	ssyncadd.s32 $0xFFFFF800  }
0x97: {  	_ =	swait.ge [sflag:s30], $0x1400  }
0x98: {  	[sflag:s30] =	ssyncset.done $0x0  }
0x99: {  	[sflag:s30] =	ssyncadd.s32 $0xFFFFEC00  }
0x9a: {  	_ =	swait.ge [sflag:s30], $0x1400  }
0x9b: {  	s1 =	sadd.s32 $0x500, s1;
	[sflag:s30] =	ssyncset.done $0x0  }
0x9c: {  	s10 =	sadd.s32 s5, s1;
	s11 =	simm.s32 $0x0;
	[sflag:s30] =	ssyncadd.s32 $0xFFFFEC00  }
0x9d: {  	[tilespmem:s11], [sflag:$0x1] =	stream.linear.gather [hbm4b:s10+s11], $0x1400, $0x38;
	[tilespmem:$0x1FF80] =	vst v63  }
0x9e: {  	s1 =	sadd.s32 s6, s1  }
0x9f: {  	[tilespmem:s15], [sflag:$0x1] =	stream.linear.gather [hbm4b:s1+s11], $0x1400, $0x38;
	[tilespmem:$0x1FF80] =	vst v63  }
0xa0: {  	s3 =	simm.s32 $0x2800  }
0xa1: {  	[tilespmem:s20], [sflag:$0x3] =	stream.indirect.gather [hbm4b:s4+s19], $0x10, s3, s19, $0xb8;
	[tilespmem:$0x1FF80] =	vst v63  }
0xa2: {  	s7 =	simm.s32 $0x2880  }
0xa3: {  	[tilespmem:s21], [sflag:$0x3] =	stream.indirect.gather [hbm4b:s4+s19], $0x10, s7, s19, $0xb8;
	[tilespmem:$0x1FF80] =	vst v63  }
0xa4: {  	s10 =	simm.s32 $0x2900  }
0xa5: {  	[tilespmem:s22], [sflag:$0x4] =	stream.indirect.gather [hbm4b:s4+s19], $0x10, s10, s19, $0xb8;
	[tilespmem:$0x1FF80] =	vst v63  }
0xa6: {  	s11 =	simm.s32 $0x2980  }
0xa7: {  	[tilespmem:s23], [sflag:$0x4] =	stream.indirect.gather [hbm4b:s4+s19], $0x10, s11, s19, $0xb8;
	[tilespmem:$0x1FF80] =	vst v63  }
0xa8: {  	_ =	swait.ge [sflag:s25], $0x800  }
0xa9: {  	[sflag:s25] =	ssyncset.done $0x0  }
0xaa: {  	[sflag:s25] =	ssyncadd.s32 $0xFFFFF800  }
0xab: {  	_ =	swait.ge [sflag:s25], $0x800  }
0xac: {  	[sflag:s25] =	ssyncset.done $0x0  }
0xad: {  	s3 =	simm.s32 $0x3C00;
	[sflag:s25] =	ssyncadd.s32 $0xFFFFF800  }
0xae: {  	[spmem:s2] =	stream.indirect.scatter.add.f32 [tilespmem:s20], [sflag:$0x5], $0x10, s3, s19, $0xb8;
	[tilespmem:$0x1FF80] =	vst v63  }
0xaf: {  	s7 =	simm.s32 $0x3C80  }
0xb0: {  	[spmem:s2] =	stream.indirect.scatter.add.f32 [tilespmem:s21], [sflag:$0x5], $0x10, s7, s19, $0xb8;
	[tilespmem:$0x1FF80] =	vst v63  }
0xb1: {  	_ =	swait.ge [sflag:s26], $0x800  }
0xb2: {  	[sflag:s26] =	ssyncset.done $0x0  }
0xb3: {  	[sflag:s26] =	ssyncadd.s32 $0xFFFFF800  }
0xb4: {  	_ =	swait.ge [sflag:s26], $0x800  }
0xb5: {  	[sflag:s26] =	ssyncset.done $0x0  }
0xb6: {  	s10 =	simm.s32 $0x3D00;
	[sflag:s26] =	ssyncadd.s32 $0xFFFFF800  }
0xb7: {  	[spmem:s2] =	stream.indirect.scatter.add.f32 [tilespmem:s22], [sflag:$0x6], $0x10, s10, s19, $0xb8;
	[tilespmem:$0x1FF80] =	vst v63  }
0xb8: {  	s11 =	simm.s32 $0x3D80  }
0xb9: {  	[spmem:s2] =	stream.indirect.scatter.add.f32 [tilespmem:s23], [sflag:$0x6], $0x10, s11, s19, $0xb8;
	[tilespmem:$0x1FF80] =	vst v63  }
0xba: {  	_ =	swait.ge [sflag:s28], $0x800  }
0xbb: {  	[sflag:s28] =	ssyncset.done $0x0  }
0xbc: {  	[sflag:s28] =	ssyncadd.s32 $0xFFFFF800  }
0xbd: {  	_ =	swait.ge [sflag:s28], $0x800  }
0xbe: {  	[sflag:s28] =	ssyncset.done $0x0  }
0xbf: {  	[sflag:s28] =	ssyncadd.s32 $0xFFFFF800  }
0xc0: {  	_ =	swait.ge [sflag:s29], $0x800  }
0xc1: {  	[sflag:s29] =	ssyncset.done $0x0  }
0xc2: {  	[sflag:s29] =	ssyncadd.s32 $0xFFFFF800  }
0xc3: {  	_ =	swait.ge [sflag:s29], $0x800  }
0xc4: {  	s1 =	simm.s32 $0x200;
	s3 =	simm.s32 $0x1000;
	[sflag:s29] =	ssyncset.done $0x0  }
.LBB2_5:
0xc5: {  	s11 =	sadd.s32 $0x2800, s1  }
0xc6: {  	[sflag:s29] =	ssyncadd.s32 $0xFFFFF800;
	s7 =	smov.u32 s3;
	s10 =	sadd.s32 $0x800, s3  }
0xc7: {  	[tilespmem:s20], [sflag:$0x3] =	stream.indirect.gather [hbm4b:s4+s19], $0x10, s11, s19, $0xb8;
	[tilespmem:$0x1FF80] =	vst v63  }
0xc8: {  	p0 =	sne.s32 s3, $0x4800;
	s3 =	sadd.s32 $0x2880, s1  }
0xc9: {  	[tilespmem:s21], [sflag:$0x3] =	stream.indirect.gather [hbm4b:s4+s19], $0x10, s3, s19, $0xb8;
	[tilespmem:$0x1FF80] =	vst v63  }
0xca: {  	s3 =	sadd.s32 $0x2900, s1  }
0xcb: {  	[tilespmem:s22], [sflag:$0x4] =	stream.indirect.gather [hbm4b:s4+s19], $0x10, s3, s19, $0xb8;
	[tilespmem:$0x1FF80] =	vst v63  }
0xcc: {  	s3 =	sadd.s32 $0x2980, s1  }
0xcd: {  	[tilespmem:s23], [sflag:$0x4] =	stream.indirect.gather [hbm4b:s4+s19], $0x10, s3, s19, $0xb8;
	[tilespmem:$0x1FF80] =	vst v63  }
0xce: {  	_ =	swait.ge [sflag:s25], $0x800  }
0xcf: {  	[sflag:s25] =	ssyncset.done $0x0  }
0xd0: {  	[sflag:s25] =	ssyncadd.s32 $0xFFFFF800  }
0xd1: {  	_ =	swait.ge [sflag:s25], $0x800  }
0xd2: {  	[sflag:s25] =	ssyncset.done $0x0  }
0xd3: {  	s3 =	sadd.s32 $0x3C00, s1;
	[sflag:s25] =	ssyncadd.s32 $0xFFFFF800  }
0xd4: {  	[spmem:s2] =	stream.indirect.scatter.add.f32 [tilespmem:s20], [sflag:$0x5], $0x10, s3, s19, $0xb8;
	[tilespmem:$0x1FF80] =	vst v63  }
0xd5: {  	s3 =	sadd.s32 $0x3C80, s1  }
0xd6: {  	[spmem:s2] =	stream.indirect.scatter.add.f32 [tilespmem:s21], [sflag:$0x5], $0x10, s3, s19, $0xb8;
	[tilespmem:$0x1FF80] =	vst v63  }
0xd7: {  	_ =	swait.ge [sflag:s26], $0x800  }
0xd8: {  	[sflag:s26] =	ssyncset.done $0x0  }
0xd9: {  	[sflag:s26] =	ssyncadd.s32 $0xFFFFF800  }
0xda: {  	_ =	swait.ge [sflag:s26], $0x800  }
0xdb: {  	[sflag:s26] =	ssyncset.done $0x0  }
0xdc: {  	s3 =	sadd.s32 $0x3D00, s1;
	[sflag:s26] =	ssyncadd.s32 $0xFFFFF800  }
0xdd: {  	[spmem:s2] =	stream.indirect.scatter.add.f32 [tilespmem:s22], [sflag:$0x6], $0x10, s3, s19, $0xb8;
	[tilespmem:$0x1FF80] =	vst v63  }
0xde: {  	s1 =	sadd.s32 $0x3D80, s1  }
0xdf: {  	[spmem:s2] =	stream.indirect.scatter.add.f32 [tilespmem:s23], [sflag:$0x6], $0x10, s1, s19, $0xb8;
	[tilespmem:$0x1FF80] =	vst v63  }
0xe0: {  	_ =	swait.ge [sflag:s28], $0x800  }
0xe1: {  	[sflag:s28] =	ssyncset.done $0x0  }
0xe2: {  	[sflag:s28] =	ssyncadd.s32 $0xFFFFF800  }
0xe3: {  	_ =	swait.ge [sflag:s28], $0x800  }
0xe4: {  	[sflag:s28] =	ssyncset.done $0x0  }
0xe5: {  	[sflag:s28] =	ssyncadd.s32 $0xFFFFF800  }
.Ltmp1:
0xe6: {  	_ =	swait.ge [sflag:s29], $0x800;
	(pc) =	sbr.rel @p0 .LBB2_5-.Ltmp1, $4  }
0xe7: {  	[sflag:s29] =	ssyncset.done $0x0  }
0xe8: {  	[sflag:s29] =	ssyncadd.s32 $0xFFFFF800  }
0xe9: {  	_ =	swait.ge [sflag:s29], $0x800  }
0xea: {  	s3 =	smov.u32 s10;
	s1 =	sshra.s32 s7, $0x2;
	[sflag:s29] =	ssyncset.done $0x0  }
0xeb: {  	s3 =	sadd.s32 $0x2800, s1;
	[sflag:s29] =	ssyncadd.s32 $0xFFFFF800  }
0xec: {  	[tilespmem:s20], [sflag:$0x3] =	stream.indirect.gather [hbm4b:s4+s19], $0x10, s3, s19, $0xb8;
	[tilespmem:$0x1FF80] =	vst v63  }
0xed: {  	s11 =	sadd.s32 $0x2880, s1  }
0xee: {  	[tilespmem:s21], [sflag:$0x3] =	stream.indirect.gather [hbm4b:s4+s19], $0x10, s11, s19, $0xb8;
	[tilespmem:$0x1FF80] =	vst v63  }
0xef: {  	s7 =	sadd.s32 $0x2900, s1  }
0xf0: {  	[tilespmem:s22], [sflag:$0x4] =	stream.indirect.gather [hbm4b:s4+s19], $0x10, s7, s19, $0xb8;
	[tilespmem:$0x1FF80] =	vst v63  }
0xf1: {  	s10 =	sadd.s32 $0x2980, s1  }
0xf2: {  	[tilespmem:s23], [sflag:$0x4] =	stream.indirect.gather [hbm4b:s4+s19], $0x10, s10, s19, $0xb8;
	[tilespmem:$0x1FF80] =	vst v63  }
0xf3: {  	_ =	swait.ge [sflag:s25], $0x800  }
0xf4: {  	[sflag:s25] =	ssyncset.done $0x0  }
0xf5: {  	[sflag:s25] =	ssyncadd.s32 $0xFFFFF800  }
0xf6: {  	_ =	swait.ge [sflag:s25], $0x800  }
0xf7: {  	[sflag:s25] =	ssyncset.done $0x0  }
0xf8: {  	s11 =	sadd.s32 $0x3C00, s1;
	[sflag:s25] =	ssyncadd.s32 $0xFFFFF800  }
0xf9: {  	[spmem:s2] =	stream.indirect.scatter.add.f32 [tilespmem:s20], [sflag:$0x5], $0x10, s11, s19, $0xb8;
	[tilespmem:$0x1FF80] =	vst v63  }
0xfa: {  	s7 =	sadd.s32 $0x3C80, s1  }
0xfb: {  	[spmem:s2] =	stream.indirect.scatter.add.f32 [tilespmem:s21], [sflag:$0x5], $0x10, s7, s19, $0xb8;
	[tilespmem:$0x1FF80] =	vst v63  }
0xfc: {  	_ =	swait.ge [sflag:s26], $0x800  }
0xfd: {  	[sflag:s26] =	ssyncset.done $0x0  }
0xfe: {  	[sflag:s26] =	ssyncadd.s32 $0xFFFFF800  }
0xff: {  	_ =	swait.ge [sflag:s26], $0x800  }
0x100: {  	[sflag:s26] =	ssyncset.done $0x0  }
0x101: {  	s10 =	sadd.s32 $0x3D00, s1;
	[sflag:s26] =	ssyncadd.s32 $0xFFFFF800  }
0x102: {  	[spmem:s2] =	stream.indirect.scatter.add.f32 [tilespmem:s22], [sflag:$0x6], $0x10, s10, s19, $0xb8;
	[tilespmem:$0x1FF80] =	vst v63  }
0x103: {  	s11 =	sadd.s32 $0x3D80, s1  }
0x104: {  	[spmem:s2] =	stream.indirect.scatter.add.f32 [tilespmem:s23], [sflag:$0x6], $0x10, s11, s19, $0xb8;
	[tilespmem:$0x1FF80] =	vst v63  }
0x105: {  	_ =	swait.ge [sflag:s28], $0x800  }
0x106: {  	[sflag:s28] =	ssyncset.done $0x0  }
0x107: {  	[sflag:s28] =	ssyncadd.s32 $0xFFFFF800  }
0x108: {  	_ =	swait.ge [sflag:s28], $0x800  }
0x109: {  	[sflag:s28] =	ssyncset.done $0x0  }
0x10a: {  	s0 =	sadd.s32 $0x1, s0;
	[sflag:s28] =	ssyncadd.s32 $0xFFFFF800  }
0x10b: {  	p0 =	sne.s32 s0, $0x5;
	_ =	swait.ge [sflag:s29], $0x800  }
.Ltmp2:
0x10c: {  	[sflag:s29] =	ssyncset.done $0x0;
	(pc) =	sbr.rel @p0 .LBB2_2-.Ltmp2, $4  }
0x10d: {  	[sflag:s29] =	ssyncadd.s32 $0xFFFFF800  }
0x10e: {  	_ =	swait.ge [sflag:s29], $0x800  }
0x10f: {  	[sflag:s29] =	ssyncset.done $0x0  }
0x110: {  	[sflag:s29] =	ssyncadd.s32 $0xFFFFF800  }
0x111: {  	_ =	swait.ge [sflag:s16], $0x1400  }
0x112: {  	[sflag:s16] =	ssyncset.done $0x0  }
0x113: {  	[sflag:s16] =	ssyncadd.s32 $0xFFFFEC00  }
0x114: {  	_ =	swait.ge [sflag:s16], $0x1400  }
0x115: {  	s31 =	sadd.s32 $0x1, s31;
	[sflag:s16] =	ssyncset.done $0x0  }
0x116: {  	p0 =	sne.s32 s31, s12;
	[sflag:s16] =	ssyncadd.s32 $0xFFFFEC00  }
.Ltmp3:
0x117: {  	[bflag:$0x0] =	sbarrier.arrive $0xFFFF;
	(pc) =	sbr.rel @p0 .LBB2_1-.Ltmp3, $4  }
0x118: {  	[hbm:s24], [sflag:s8] =	dma.local [spmem:s13], $0x31F0  }
0x119: {  	_ =	swait.ge [sflag:s14], $0x31F0  }
0x11a: {  	[sflag:s14] =	ssyncset.done $0x0  }
0x11b: {  	[sflag:s14] =	ssyncadd.s32 $0xFFFFCE10  }
0x11c: {  	_ =	sfence.sel $0x180000  }
0x11d: {  	[bflag:$0x0] =	sbarrier.arrive $0xFFFF  }
0x11e: {  	_ =	strace $0x9000004A  }
0x11f: {  	s0 =	stileid.u32;
	[bflag:$0x2] =	sbarrier.arrive $0xFFFF  }
0x120: {  	p0 =	sne.s32 s0, $0x0;
	s0 =	rddreg [dreg:$0x2]  }
0x121: {  	s0 =	sadd.s32 @!p0 $0x100000, s0  }
0x122: {  	[sflag:s0] =	ssyncadd.tile.s32 @!p0 $0x1;
	_ =	shalt  }
.Lfunc_end2:
_tile_overlayer_lowered:
.L_overlay_start_2:
0x123: {  	(tag) =	ssettag $0x2  }
0x124: {  	s0 =	rddreg [dreg:$0x0];
	s2 =	stileid.u32  }
0x125: {  	s1 =	rddreg [dreg:$0x1];
	p0 =	sne.s32 s2, $0x0  }
0x126: {  	s3 =	rddreg [dreg:$0x2];
	[bflag:$0x3] =	sbarrier.arrive $0xFFFF;
	s2 =	simm.s32 @!p0 $0x1C07  }
0x127: {  	[timem:s3], [sflag:s2] =	dma.local @!p0 [hbm:s0], s1  }
0x128: {  	s0 =	simm.s32 @!p0 $0x7  }
0x129: {  	_ =	swait.ge @!p0 [sflag:s0], s1  }
0x12a: {  	s1 =	ssub.s32 @!p0 $0x0, s1;
	[sflag:s0] =	ssyncset.done @!p0 $0x0  }
0x12b: {  	[sflag:s0] =	ssyncadd.s32 @!p0 s1  }
0x12c: {  	[bflag:$0x3] =	sbarrier.arrive $0xFFFF  }
0x12d: {  	_ =	shalt  }

// kernel: kernel.16.cloned.1.call-start
scs
__scs_entry_jumppad:
0x0: {  	(pc) =	sbr.rel $0x88, $3  }
0x1: {  	(tag) =	ssettag $0x0;
	lr =	simm.s32 $0x1  }
0x2: {  	[smem:$0x3F99] =	sst lr;
	_ =	strace $0xD0000000  }
0x3: {  	_ = 	snop  }
0x4: {  	_ = 	snop  }
0x5: {  	_ = 	snop  }
0x6: {  	_ = 	snop  }
0x7: {  	_ = 	snop  }
__scs_overlays_trampoline_lowered:
0x8: {  	[smem:$0x3FA8] =	sst s0  }
0x9: {  	[smem:$0x3FA9] =	sst s1  }
0xa: {  	[smem:$0x3FAA] =	sst s2  }
0xb: {  	[smem:$0x3FAB] =	sst s3  }
0xc: {  	[smem:$0x3FAC] =	sst s4  }
0xd: {  	[smem:$0x3FAD] =	sst s5  }
0xe: {  	[smem:$0x3FAE] =	sst s6  }
0xf: {  	[smem:$0x3FAF] =	sst s7  }
0x10: {  	[smem:$0x3FB0] =	sst s8  }
0x11: {  	[smem:$0x3FB1] =	sst s9;
	s0 =	simm.s32 @!p0 $0x0  }
0x12: {  	s1 =	sld [smem:$0x3F97];
	s0 =	simm.s32 @p0 $0x1  }
0x13: {  	[smem:$0x3FB2] =	sst s0;
	s0 =	simm.s32 @!p1 $0x0  }
0x14: {  	s2 =	sld [smem:$0x3F96];
	s0 =	simm.s32 @p1 $0x1  }
0x15: {  	[smem:$0x3FB3] =	sst s0;
	s0 =	simm.s32 @!p2 $0x0  }
0x16: {  	s3 =	sld [smem:$0x3FDB];
	s0 =	simm.s32 @p2 $0x1  }
0x17: {  	s4 =	simm.s32 $0x1BF5;
	[smem:$0x3FB5] =	sst s0  }
0x18: {  	s0 =	sld [smem:$0x3F98];
	_ =	swait.ge [sflag:s4], $0x0  }
0x19: {  	s7 =	sld [smem:$0x3F99]  }
0x1a: {  	s8 =	sadd.s32 $0xFFFFE003, lr  }
0x1b: {  	s9 =	sadd.s32 $0xFFFFFEF7, lr;
	s5 =	simm.s32 $0xFFFFFFFF;
	p2 =	slt.u32 s8, $0xFFFFF086  }
0x1c: {  	p1 =	slt.u32 s9, $0xF7A;
	s5 =	simm.s32 @!p2 $0x0  }
0x1d: {  	s5 =	simm.s32 @p1 $0x1;
	p0 =	seq.s32 s7, s2  }
0x1e: {  	s7 =	smul.u32 @!p0 $0xF7A, s2;
	p2 =	seq.s32 @!p0 s5, $0x0  }
0x1f: {  	s9 =	smul.u32 $0xF7A, s1;
	s8 =	simm.s32 @!p0 $0x1BF5;
	p2 =	por !p2, p0  }
0x20: {  	[sflag:s8] =	ssyncset.s32 @!p0 $0xFFFFF086;
	s6 =	sadd.s32 @!p0 s3, s7;
	s7 =	simm.s32 @!p0 $0x108  }
0x21: {  	s3 =	sadd.s32 s3, s9;
	s6 =	sadd.s32 @!p0 $0x88, s6;
	s7 =	simm.s32 @p2 $0x1082  }
0x22: {  	[simem:s7], [sflag:s8] =	dma.local @!p0 [hbm:s6], $0xF7A  }
0x23: {  	s9 =	sor.u32 $0xD0000000, s2;
	s6 =	simm.s32 $0x108;
	_ =	swait.ge @!p0 [sflag:s8], $0x0  }
0x24: {  	s3 =	sadd.s32 $0x88, s3;
	s6 =	simm.s32 @!p1 $0x1082;
	[sflag:s4] =	ssyncset.s32 $0xFFFFF086  }
0x25: {  	[simem:s6], [sflag:s4] =	dma.local [hbm:s3], $0xF7A  }
0x26: {  	[smem:$0x3F99] =	sst s1;
	(tag) =	ssettag s2;
	_ =	strace s9  }
0x27: {  	s1 =	sld [smem:$0x3FA9]  }
0x28: {  	s2 =	sld [smem:$0x3FAA]  }
0x29: {  	s4 =	sld [smem:$0x3FAC]  }
0x2a: {  	p0 =	seq.s32 s5, $0x0;
	s5 =	sld [smem:$0x3FAD]  }
0x2b: {  	s6 =	sld [smem:$0x3FAE]  }
0x2c: {  	s7 =	sld [smem:$0x3FAF]  }
0x2d: {  	s3 =	simm.s32 $0x108;
	s8 =	sld [smem:$0x3FB0]  }
0x2e: {  	s3 =	simm.s32 @!p0 $0x1082;
	s9 =	sld [smem:$0x3FB1]  }
0x2f: {  	lr =	sadd.s32 s0, s3;
	s0 =	sld [smem:$0x3FA8]  }
0x30: {  	s3 =	sld [smem:$0x3FAB]  }
0x31: {  	[smem:$0x3FB4] =	sst s10  }
0x32: {  	s10 =	sld [smem:$0x3FB2];
	_ =	sdelay $0x3  }
0x33: {  	p0 =	seq.s32 s10, $0x1;
	s10 =	sld [smem:$0x3FB4];
	_ =	sdelay $0x3  }
0x34: {  	[smem:$0x3FB4] =	sst s10  }
0x35: {  	s10 =	sld [smem:$0x3FB3];
	_ =	sdelay $0x3  }
0x36: {  	p1 =	seq.s32 s10, $0x1;
	s10 =	sld [smem:$0x3FB4];
	_ =	sdelay $0x3  }
0x37: {  	[smem:$0x3FB4] =	sst s10  }
0x38: {  	s10 =	sld [smem:$0x3FB5]  }
0x39: {  	_ = 	snop;
	(pc) =	sbr.ind lr, $3  }
0x3a: {  	_ = 	snop  }
0x3b: {  	_ = 	snop  }
0x3c: {  	p2 =	seq.s32 s10, $0x1;
	s10 =	sld [smem:$0x3FB4]  }
0x3d: {  	_ =	shalt  }
0x3e: {  	_ =	shalt  }
0x3f: {  	_ =	shalt  }
0x40: {  	_ =	shalt  }
0x41: {  	_ =	shalt  }
0x42: {  	_ =	shalt  }
0x43: {  	_ =	shalt  }
0x44: {  	_ =	shalt  }
0x45: {  	_ =	shalt  }
0x46: {  	_ =	shalt  }
0x47: {  	_ =	shalt  }
0x48: {  	_ =	shalt  }
0x49: {  	_ =	shalt  }
0x4a: {  	_ =	shalt  }
0x4b: {  	_ =	shalt  }
0x4c: {  	_ =	shalt  }
0x4d: {  	_ =	shalt  }
0x4e: {  	_ =	shalt  }
0x4f: {  	_ =	shalt  }
0x50: {  	_ =	shalt  }
0x51: {  	_ =	shalt  }
0x52: {  	_ =	shalt  }
0x53: {  	_ =	shalt  }
0x54: {  	_ =	shalt  }
0x55: {  	_ =	shalt  }
0x56: {  	_ =	shalt  }
0x57: {  	_ =	shalt  }
0x58: {  	_ =	shalt  }
0x59: {  	_ =	shalt  }
0x5a: {  	_ =	shalt  }
0x5b: {  	_ =	shalt  }
0x5c: {  	_ =	shalt  }
0x5d: {  	_ =	shalt  }
0x5e: {  	_ =	shalt  }
0x5f: {  	_ =	shalt  }
0x60: {  	_ =	shalt  }
0x61: {  	_ =	shalt  }
0x62: {  	_ =	shalt  }
0x63: {  	_ =	shalt  }
0x64: {  	_ =	shalt  }
0x65: {  	_ =	shalt  }
0x66: {  	_ =	shalt  }
0x67: {  	_ =	shalt  }
0x68: {  	_ =	shalt  }
0x69: {  	_ =	shalt  }
0x6a: {  	_ =	shalt  }
0x6b: {  	_ =	shalt  }
0x6c: {  	_ =	shalt  }
0x6d: {  	_ =	shalt  }
0x6e: {  	_ =	shalt  }
0x6f: {  	_ =	shalt  }
0x70: {  	_ =	shalt  }
0x71: {  	_ =	shalt  }
0x72: {  	_ =	shalt  }
0x73: {  	_ =	shalt  }
0x74: {  	_ =	shalt  }
0x75: {  	_ =	shalt  }
0x76: {  	_ =	shalt  }
0x77: {  	_ =	shalt  }
0x78: {  	_ =	shalt  }
0x79: {  	_ =	shalt  }
0x7a: {  	_ =	shalt  }
0x7b: {  	_ =	shalt  }
0x7c: {  	_ =	shalt  }
0x7d: {  	_ =	shalt  }
0x7e: {  	_ =	shalt  }
0x7f: {  	_ =	shalt  }
0x80: {  	_ =	shalt  }
0x81: {  	_ =	shalt  }
0x82: {  	_ =	shalt  }
0x83: {  	_ =	shalt  }
0x84: {  	_ =	shalt  }
0x85: {  	_ =	shalt  }
0x86: {  	_ =	shalt  }
0x87: {  	_ =	shalt  }
.Lfunc_end0:
.L_simem_size_0:
called_computation.2_lowered:
.L_overlay_start_0:
0x88: {  	s2 =	sld [smem:$0x3FD9]  }
0x89: {  	s3 =	sld [smem:$0x3FFE];
	_ =	sdelay $0x1  }
0x8a: {  	s1 =	srdreg.scid  }
0x8b: {  	s0 =	sand.u32 $0x1, s1  }
0x8c: {  	s16 =	sshll.u32 s0, $0xA;
	s2 =	sadd.s32 s3, s2  }
0x8d: {  	s2 =	sadd.s32 s2, s16  }
0x8e: {  	[smem:$0x3FC0] =	sst s2  }
0x8f: {  	_ = 	snop  }
0x90: {  	(tm) =	ssettm $0x1  }
0x91: {  	s17 =	sld [smem:$0x3FFB];
	_ =	sdelay $0x3  }
0x92: {  	_ =	strace s17  }
0x93: {  	s2 =	sld [smem:$0x3FFC];
	_ =	sdelay $0x3  }
0x94: {  	_ =	strace s2  }
0x95: {  	s2 =	sld [smem:$0x3FFD];
	_ =	sdelay $0x3  }
0x96: {  	_ =	strace s2  }
0x97: {  	_ =	strace $0x8FFFFFFF  }
0x98: {  	s18 =	sld [smem:$0x3FDB];
	_ =	sdelay $0x1  }
0x99: {  	s19 =	simm.s32 $_scs_section_size  }
0x9a: {  	s4 =	simm.s32 $_size__tile_overlayer_lowered;
	s5 =	simm.s32 $_tile_overlayer_lowered  }
0x9b: {  	s22 =	simm.s32 $0x1BFF;
	s21 =	sshll.u32 s5, $0x1;
	s2 =	sadd.s32 s19, s18  }
0x9c: {  	s6 =	simm.s32 $0x0;
	s20 =	sshll.u32 s4, $0x1;
	s4 =	sadd.s32 s21, s2  }
0x9d: {  	[timem:s6], [sflag:s22] =	dma.local [hbm:s4], s20  }
0x9e: {  	_ =	swait.ge [sflag:s22], s20  }
0x9f: {  	s3 =	ssub.s32 $0x0, s20;
	[sflag:s22] =	ssyncset.done $0x0  }
0xa0: {  	[sflag:s22] =	ssyncadd.s32 s3;
	_ =	sdelay $0x1  }
0xa1: {  	s23 =	simm.s32 $0x1B8B  }
0xa2: {  	_ =	swait.ge [sflag:s23], $0x1  }
0xa3: {  	[sflag:s23] =	ssyncset.done $0x0  }
0xa4: {  	s25 =	simm.s32 $0x1B8E;
	s24 =	sld [smem:$0x3FFE];
	[sflag:s23] =	ssyncadd.s32 $0xFFFFFFFF  }
0xa5: {  	s26 =	simm.s32 $execute0_lowered;
	[smem:$0x3FD2] =	sst s25  }
0xa6: {  	s4 =	sshll.u32 s26, $0x1;
	_ =	strace $0x8000004C;
	[dreg:$0x1] =	wrdreg $0xFFFFFFFF  }
0xa7: {  	s28 =	simm.s32 $_size_execute0_lowered;
	s2 =	sadd.s32 s2, s4;
	[dreg:$0x0] =	wrdreg $0x0  }
0xa8: {  	s4 =	sshll.u32 s28, $0x1;
	[dreg:$0x2] =	wrdreg s2  }
0xa9: {  	[dreg:$0x3] =	wrdreg s4  }
0xaa: {  	[dreg:$0x4] =	wrdreg $0xC0  }
0xab: {  	_ =	task [dreg:s6], $0x5FFFF  }
0xac: {  	[dreg:$0x1] =	wrdreg $0xFFFFFFFF  }
0xad: {  	[dreg:$0x0] =	wrdreg $0x60  }
0xae: {  	[dreg:$0x2] =	wrdreg s24  }
0xaf: {  	[dreg:$0x3] =	wrdreg $0x70000  }
0xb0: {  	[dreg:$0x4] =	wrdreg $0x9  }
0xb1: {  	_ =	task.clear_ibuf [dreg:s6], $0x5FFFF;
	_ =	strace $0x9000004C  }
0xb2: {  	s29 =	simm.s32 $0x9;
	_ =	strace $0x8000004E  }
0xb3: {  	_ =	swait.ge [sflag:s29], $0x1  }
0xb4: {  	[sflag:s29] =	ssyncadd.s32 $0xFFFFFFFF  }
0xb5: {  	_ =	strace $0x9000004E  }
0xb6: {  	_ =	sfence  }
0xb7: {  	s30 =	sld [smem:$0x0];
	_ =	sdelay $0x2  }
0xb8: {  	s31 =	sshll.u32 s1, $0xD;
	s1 =	sshrl.u32 s1, $0x2  }
0xb9: {  	s3 =	sand.u32 $0x4000, s31;
	s1 =	sadd.s32 s1, s30  }
0xba: {  	s0 =	sor.u32 s3, s0;
	s1 =	sshll.u32 s1, $0x11  }
0xbb: {  	s0 =	sor.u32 s1, s0  }
0xbc: {  	s0 =	sadd.s32 $0x8F2B, s0  }
0xbd: {  	[sflag:s0] =	ssyncadd.remote.s32 $0x1  }
0xbe: {  	_ =	sfence.sel $0xFFFF  }
0xbf: {  	[dreg:$0x0] =	wrdreg $0xFFFFFFFF;
	(pc) =	sbr.abs _section_cstart, $3  }
0xc0: {  	[dreg:$0x1] =	wrdreg $0xFFFFFFFF  }
0xc1: {  	_ =	task.clear_ibuf [dreg:s6], $0x2FFFF;
	_ =	strace $0x9FFFFFFF  }
0xc2: {  	(tm) =	ssettm $0x7FFFFFFF  }
0xc3: {  	_ =	shalt  }
tec
execute0_lowered:
.L_overlay_start_1:
0x0: {  	(tag) =	ssettag $0x1  }
0x1: {  	s0 =	rddreg [dreg:$0x0]  }
0x2: {  	s2 =	rddreg [dreg:$0x1]  }
0x3: {  	s3 =	simm.s32 $0x0;
	s8 =	stileid.u32;
	s1 =	srdreg.scid  }
0x4: {  	s14 =	simm.s32 $0x7;
	s15 =	simm.s32 $0x1400;
	s16 =	simm.s32 $0x1  }
0x5: {  	s17 =	simm.s32 $0x2800;
	s18 =	simm.s32 $0x3C00;
	s19 =	simm.s32 $0x80  }
0x6: {  	s20 =	simm.s32 $0x5000;
	s21 =	simm.s32 $0x5800;
	s28 =	simm.s32 $0x5  }
0x7: {  	s29 =	simm.s32 $0x6;
	s30 =	simm.s32 $0x2;
	s31 =	simm.s32 $0x0  }
0x8: {  	[smem:$0x7FF] =	sst s3;
	s22 =	smul.u32 $0x18F80, s8;
	s1 =	sand.u32 $0x1, s1  }
0x9: {  	s4 =	sadd.s32 $0x3800, s0;
	s5 =	sadd.s32 $0x35C00, s0;
	s10 =	smul.u32 $0x3200, s8  }
0xa: {  	s24 =	sshll.u32 s8, $0x6;
	s8 =	smul.u32 $0x320, s8;
	_ =	strace $0x8000004D  }
0xb: {  	s6 =	smul.u32 $0x31F00, s1;
	s1 =	ssub.s32 $0x2, s1;
	s9 =	sshrl.u32 s22, $0x3  }
0xc: {  	s23 =	sshrl.u32 s1, $0x1;
	s3 =	sadd.s32 s22, s2;
	s25 =	sadd.s32 s4, s10  }
0xd: {  	s26 =	sadd.s32 s5, s10;
	s22 =	simm.s32 $0x6000;
	s7 =	sadd.s32 s9, s0  }
0xe: {  	s0 =	sadd.s32 s6, s0;
	s1 =	ssub.s32 s1, s23;
	[dreg:$0x4] =	wrdreg s25  }
0xf: {  	[dreg:$0x5] =	wrdreg s26;
	s13 =	sshrl.u32 s3, $0x3;
	s23 =	simm.s32 $0x6800  }
0x10: {  	s25 =	simm.s32 $0x3;
	s26 =	simm.s32 $0x4;
	s7 =	sadd.s32 $0x68000, s7  }
0x11: {  	s11 =	sadd.s32 $0x12FE00, s0;
	s0 =	sadd.s32 $0x9A000, s0;
	s12 =	smax.u32 s1, $0x1  }
0x12: {  	[dreg:$0x3] =	wrdreg s7;
	s7 =	sor.u32 $0x1C07, s24;
	s24 =	sadd.s32 s9, s0  }
.LBB2_1:
0x13: {  	s0 =	rddreg [dreg:$0x3]  }
0x14: {  	[spmem:s13], [sflag:s7] =	dma.local [hbm:s0], $0x31F0  }
0x15: {  	_ =	swait.ge [sflag:s14], $0x31F0  }
0x16: {  	[sflag:s14] =	ssyncset.done $0x0  }
0x17: {  	[sflag:s14] =	ssyncadd.s32 $0xFFFFCE10  }
0x18: {  	[bflag:$0x0] =	sbarrier.arrive $0xFFFF  }
0x19: {  	s9 =	simm.s32 $0x0;
	s1 =	rddreg [dreg:$0x4]  }
0x1a: {  	[tilespmem:s9], [sflag:$0x1] =	stream.linear.gather [hbm4b:s1+s9], $0x1400, $0x38;
	[tilespmem:$0x1FF80] =	vst v63  }
0x1b: {  	s0 =	simm.s32 $0x0;
	s10 =	rddreg [dreg:$0x5]  }
0x1c: {  	[tilespmem:s15], [sflag:$0x1] =	stream.linear.gather [hbm4b:s10+s9], $0x1400, $0x38;
	[tilespmem:$0x1FF80] =	vst v63  }
.LBB2_2:
0x1d: {  	s1 =	smul.u32 $0x50, s0;
	_ =	swait.ge [sflag:s16], $0x1400  }
0x1e: {  	[sflag:s16] =	ssyncset.done $0x0  }
0x1f: {  	s1 =	sadd.s32 s8, s1;
	[sflag:s16] =	ssyncadd.s32 $0xFFFFEC00  }
0x20: {  	_ =	swait.ge [sflag:s16], $0x1400;
	s1 =	sshll.u32 s1, $0x4  }
0x21: {  	[sflag:s16] =	ssyncset.done $0x0;
	s3 =	sadd.s32 $0x280, s1  }
0x22: {  	s9 =	simm.s32 $0x0;
	[sflag:s16] =	ssyncadd.s32 $0xFFFFEC00;
	s6 =	sadd.s32 s4, s3  }
0x23: {  	[tilespmem:s17], [sflag:$0x2] =	stream.linear.gather [hbm4b:s6+s9], $0x1400, $0x38;
	[tilespmem:$0x1FF80] =	vst v63  }
0x24: {  	s3 =	sadd.s32 s5, s3  }
0x25: {  	[tilespmem:s18], [sflag:$0x2] =	stream.linear.gather [hbm4b:s3+s9], $0x1400, $0x38;
	[tilespmem:$0x1FF80] =	vst v63  }
0x26: {  	s9 =	simm.s32 $0x0  }
0x27: {  	[tilespmem:s20], [sflag:$0x3] =	stream.indirect.gather [hbm4b:s11+s19], $0x10, s9, s19, $0xb8;
	[tilespmem:$0x1FF80] =	vst v63  }
0x28: {  	s10 =	simm.s32 $0x80  }
0x29: {  	[tilespmem:s21], [sflag:$0x3] =	stream.indirect.gather [hbm4b:s11+s19], $0x10, s10, s19, $0xb8;
	[tilespmem:$0x1FF80] =	vst v63  }
0x2a: {  	s6 =	simm.s32 $0x100  }
0x2b: {  	[tilespmem:s22], [sflag:$0x4] =	stream.indirect.gather [hbm4b:s11+s19], $0x10, s6, s19, $0xb8;
	[tilespmem:$0x1FF80] =	vst v63  }
0x2c: {  	s9 =	simm.s32 $0x180  }
0x2d: {  	[tilespmem:s23], [sflag:$0x4] =	stream.indirect.gather [hbm4b:s11+s19], $0x10, s9, s19, $0xb8;
	[tilespmem:$0x1FF80] =	vst v63  }
0x2e: {  	_ =	swait.ge [sflag:s25], $0x800  }
0x2f: {  	[sflag:s25] =	ssyncset.done $0x0  }
0x30: {  	[sflag:s25] =	ssyncadd.s32 $0xFFFFF800  }
0x31: {  	_ =	swait.ge [sflag:s25], $0x800  }
0x32: {  	[sflag:s25] =	ssyncset.done $0x0  }
0x33: {  	s10 =	simm.s32 $0x1400;
	[sflag:s25] =	ssyncadd.s32 $0xFFFFF800  }
0x34: {  	[spmem:s2] =	stream.indirect.scatter.add.f32 [tilespmem:s20], [sflag:$0x5], $0x10, s10, s19, $0xb8;
	[tilespmem:$0x1FF80] =	vst v63  }
0x35: {  	s6 =	simm.s32 $0x1480  }
0x36: {  	[spmem:s2] =	stream.indirect.scatter.add.f32 [tilespmem:s21], [sflag:$0x5], $0x10, s6, s19, $0xb8;
	[tilespmem:$0x1FF80] =	vst v63  }
0x37: {  	_ =	swait.ge [sflag:s26], $0x800  }
0x38: {  	[sflag:s26] =	ssyncset.done $0x0  }
0x39: {  	[sflag:s26] =	ssyncadd.s32 $0xFFFFF800  }
0x3a: {  	_ =	swait.ge [sflag:s26], $0x800  }
0x3b: {  	[sflag:s26] =	ssyncset.done $0x0  }
0x3c: {  	s9 =	simm.s32 $0x1500;
	[sflag:s26] =	ssyncadd.s32 $0xFFFFF800  }
0x3d: {  	[spmem:s2] =	stream.indirect.scatter.add.f32 [tilespmem:s22], [sflag:$0x6], $0x10, s9, s19, $0xb8;
	[tilespmem:$0x1FF80] =	vst v63  }
0x3e: {  	s10 =	simm.s32 $0x1580  }
0x3f: {  	[spmem:s2] =	stream.indirect.scatter.add.f32 [tilespmem:s23], [sflag:$0x6], $0x10, s10, s19, $0xb8;
	[tilespmem:$0x1FF80] =	vst v63  }
0x40: {  	_ =	swait.ge [sflag:s28], $0x800  }
0x41: {  	[sflag:s28] =	ssyncset.done $0x0  }
0x42: {  	[sflag:s28] =	ssyncadd.s32 $0xFFFFF800  }
0x43: {  	_ =	swait.ge [sflag:s28], $0x800  }
0x44: {  	[sflag:s28] =	ssyncset.done $0x0  }
0x45: {  	[sflag:s28] =	ssyncadd.s32 $0xFFFFF800  }
0x46: {  	_ =	swait.ge [sflag:s29], $0x800  }
0x47: {  	[sflag:s29] =	ssyncset.done $0x0  }
0x48: {  	[sflag:s29] =	ssyncadd.s32 $0xFFFFF800  }
0x49: {  	_ =	swait.ge [sflag:s29], $0x800  }
0x4a: {  	s3 =	simm.s32 $0x800;
	s9 =	simm.s32 $0x1000;
	[sflag:s29] =	ssyncset.done $0x0  }
.LBB2_3:
0x4b: {  	s10 =	sshra.s32 s3, $0x2  }
0x4c: {  	[sflag:s29] =	ssyncadd.s32 $0xFFFFF800;
	s3 =	smov.u32 s9;
	s6 =	sadd.s32 $0x800, s9  }
0x4d: {  	[tilespmem:s20], [sflag:$0x3] =	stream.indirect.gather [hbm4b:s11+s19], $0x10, s10, s19, $0xb8;
	[tilespmem:$0x1FF80] =	vst v63  }
0x4e: {  	p0 =	sne.s32 s9, $0x4800;
	s9 =	sadd.s32 $0x80, s10  }
0x4f: {  	[tilespmem:s21], [sflag:$0x3] =	stream.indirect.gather [hbm4b:s11+s19], $0x10, s9, s19, $0xb8;
	[tilespmem:$0x1FF80] =	vst v63  }
0x50: {  	s9 =	sadd.s32 $0x100, s10  }
0x51: {  	[tilespmem:s22], [sflag:$0x4] =	stream.indirect.gather [hbm4b:s11+s19], $0x10, s9, s19, $0xb8;
	[tilespmem:$0x1FF80] =	vst v63  }
0x52: {  	s9 =	sadd.s32 $0x180, s10  }
0x53: {  	[tilespmem:s23], [sflag:$0x4] =	stream.indirect.gather [hbm4b:s11+s19], $0x10, s9, s19, $0xb8;
	[tilespmem:$0x1FF80] =	vst v63  }
0x54: {  	_ =	swait.ge [sflag:s25], $0x800  }
0x55: {  	[sflag:s25] =	ssyncset.done $0x0  }
0x56: {  	[sflag:s25] =	ssyncadd.s32 $0xFFFFF800  }
0x57: {  	_ =	swait.ge [sflag:s25], $0x800  }
0x58: {  	[sflag:s25] =	ssyncset.done $0x0  }
0x59: {  	s9 =	sadd.s32 $0x1400, s10;
	[sflag:s25] =	ssyncadd.s32 $0xFFFFF800  }
0x5a: {  	[spmem:s2] =	stream.indirect.scatter.add.f32 [tilespmem:s20], [sflag:$0x5], $0x10, s9, s19, $0xb8;
	[tilespmem:$0x1FF80] =	vst v63  }
0x5b: {  	s9 =	sadd.s32 $0x1480, s10  }
0x5c: {  	[spmem:s2] =	stream.indirect.scatter.add.f32 [tilespmem:s21], [sflag:$0x5], $0x10, s9, s19, $0xb8;
	[tilespmem:$0x1FF80] =	vst v63  }
0x5d: {  	_ =	swait.ge [sflag:s26], $0x800  }
0x5e: {  	[sflag:s26] =	ssyncset.done $0x0  }
0x5f: {  	[sflag:s26] =	ssyncadd.s32 $0xFFFFF800  }
0x60: {  	_ =	swait.ge [sflag:s26], $0x800  }
0x61: {  	[sflag:s26] =	ssyncset.done $0x0  }
0x62: {  	s9 =	sadd.s32 $0x1500, s10;
	[sflag:s26] =	ssyncadd.s32 $0xFFFFF800  }
0x63: {  	[spmem:s2] =	stream.indirect.scatter.add.f32 [tilespmem:s22], [sflag:$0x6], $0x10, s9, s19, $0xb8;
	[tilespmem:$0x1FF80] =	vst v63  }
0x64: {  	s9 =	sadd.s32 $0x1580, s10  }
0x65: {  	[spmem:s2] =	stream.indirect.scatter.add.f32 [tilespmem:s23], [sflag:$0x6], $0x10, s9, s19, $0xb8;
	[tilespmem:$0x1FF80] =	vst v63  }
0x66: {  	_ =	swait.ge [sflag:s28], $0x800  }
0x67: {  	[sflag:s28] =	ssyncset.done $0x0  }
0x68: {  	[sflag:s28] =	ssyncadd.s32 $0xFFFFF800  }
0x69: {  	_ =	swait.ge [sflag:s28], $0x800  }
0x6a: {  	[sflag:s28] =	ssyncset.done $0x0  }
0x6b: {  	[sflag:s28] =	ssyncadd.s32 $0xFFFFF800  }
.Ltmp0:
0x6c: {  	_ =	swait.ge [sflag:s29], $0x800;
	(pc) =	sbr.rel @p0 .LBB2_3-.Ltmp0, $4  }
0x6d: {  	[sflag:s29] =	ssyncset.done $0x0  }
0x6e: {  	[sflag:s29] =	ssyncadd.s32 $0xFFFFF800  }
0x6f: {  	_ =	swait.ge [sflag:s29], $0x800  }
0x70: {  	s9 =	smov.u32 s6;
	[sflag:s29] =	ssyncset.done $0x0  }
0x71: {  	s3 =	sshra.s32 s3, $0x2;
	[sflag:s29] =	ssyncadd.s32 $0xFFFFF800  }
0x72: {  	[tilespmem:s20], [sflag:$0x3] =	stream.indirect.gather [hbm4b:s11+s19], $0x10, s3, s19, $0xb8;
	[tilespmem:$0x1FF80] =	vst v63  }
0x73: {  	s6 =	sadd.s32 $0x80, s3  }
0x74: {  	[tilespmem:s21], [sflag:$0x3] =	stream.indirect.gather [hbm4b:s11+s19], $0x10, s6, s19, $0xb8;
	[tilespmem:$0x1FF80] =	vst v63  }
0x75: {  	s10 =	sadd.s32 $0x100, s3  }
0x76: {  	[tilespmem:s22], [sflag:$0x4] =	stream.indirect.gather [hbm4b:s11+s19], $0x10, s10, s19, $0xb8;
	[tilespmem:$0x1FF80] =	vst v63  }
0x77: {  	s9 =	sadd.s32 $0x180, s3  }
0x78: {  	[tilespmem:s23], [sflag:$0x4] =	stream.indirect.gather [hbm4b:s11+s19], $0x10, s9, s19, $0xb8;
	[tilespmem:$0x1FF80] =	vst v63  }
0x79: {  	_ =	swait.ge [sflag:s25], $0x800  }
0x7a: {  	[sflag:s25] =	ssyncset.done $0x0  }
0x7b: {  	[sflag:s25] =	ssyncadd.s32 $0xFFFFF800  }
0x7c: {  	_ =	swait.ge [sflag:s25], $0x800  }
0x7d: {  	[sflag:s25] =	ssyncset.done $0x0  }
0x7e: {  	s10 =	sadd.s32 $0x1400, s3;
	[sflag:s25] =	ssyncadd.s32 $0xFFFFF800  }
0x7f: {  	[spmem:s2] =	stream.indirect.scatter.add.f32 [tilespmem:s20], [sflag:$0x5], $0x10, s10, s19, $0xb8;
	[tilespmem:$0x1FF80] =	vst v63  }
0x80: {  	s9 =	sadd.s32 $0x1480, s3  }
0x81: {  	[spmem:s2] =	stream.indirect.scatter.add.f32 [tilespmem:s21], [sflag:$0x5], $0x10, s9, s19, $0xb8;
	[tilespmem:$0x1FF80] =	vst v63  }
0x82: {  	_ =	swait.ge [sflag:s26], $0x800  }
0x83: {  	[sflag:s26] =	ssyncset.done $0x0  }
0x84: {  	[sflag:s26] =	ssyncadd.s32 $0xFFFFF800  }
0x85: {  	_ =	swait.ge [sflag:s26], $0x800  }
0x86: {  	[sflag:s26] =	ssyncset.done $0x0  }
0x87: {  	s10 =	sadd.s32 $0x1500, s3;
	[sflag:s26] =	ssyncadd.s32 $0xFFFFF800  }
0x88: {  	[spmem:s2] =	stream.indirect.scatter.add.f32 [tilespmem:s22], [sflag:$0x6], $0x10, s10, s19, $0xb8;
	[tilespmem:$0x1FF80] =	vst v63  }
0x89: {  	s3 =	sadd.s32 $0x1580, s3  }
0x8a: {  	[spmem:s2] =	stream.indirect.scatter.add.f32 [tilespmem:s23], [sflag:$0x6], $0x10, s3, s19, $0xb8;
	[tilespmem:$0x1FF80] =	vst v63  }
0x8b: {  	_ =	swait.ge [sflag:s28], $0x800  }
0x8c: {  	[sflag:s28] =	ssyncset.done $0x0  }
0x8d: {  	[sflag:s28] =	ssyncadd.s32 $0xFFFFF800  }
0x8e: {  	_ =	swait.ge [sflag:s28], $0x800  }
0x8f: {  	[sflag:s28] =	ssyncset.done $0x0  }
0x90: {  	[sflag:s28] =	ssyncadd.s32 $0xFFFFF800  }
0x91: {  	_ =	swait.ge [sflag:s29], $0x800  }
0x92: {  	[sflag:s29] =	ssyncset.done $0x0  }
0x93: {  	[sflag:s29] =	ssyncadd.s32 $0xFFFFF800  }
0x94: {  	_ =	swait.ge [sflag:s29], $0x800  }
0x95: {  	[sflag:s29] =	ssyncset.done $0x0  }
0x96: {  	[sflag:s29] =	ssyncadd.s32 $0xFFFFF800  }
0x97: {  	_ =	swait.ge [sflag:s30], $0x1400  }
0x98: {  	[sflag:s30] =	ssyncset.done $0x0  }
0x99: {  	[sflag:s30] =	ssyncadd.s32 $0xFFFFEC00  }
0x9a: {  	_ =	swait.ge [sflag:s30], $0x1400  }
0x9b: {  	s1 =	sadd.s32 $0x500, s1;
	[sflag:s30] =	ssyncset.done $0x0  }
0x9c: {  	s9 =	sadd.s32 s4, s1;
	s10 =	simm.s32 $0x0;
	[sflag:s30] =	ssyncadd.s32 $0xFFFFEC00  }
0x9d: {  	[tilespmem:s10], [sflag:$0x1] =	stream.linear.gather [hbm4b:s9+s10], $0x1400, $0x38;
	[tilespmem:$0x1FF80] =	vst v63  }
0x9e: {  	s1 =	sadd.s32 s5, s1  }
0x9f: {  	[tilespmem:s15], [sflag:$0x1] =	stream.linear.gather [hbm4b:s1+s10], $0x1400, $0x38;
	[tilespmem:$0x1FF80] =	vst v63  }
0xa0: {  	s3 =	simm.s32 $0x2800  }
0xa1: {  	[tilespmem:s20], [sflag:$0x3] =	stream.indirect.gather [hbm4b:s11+s19], $0x10, s3, s19, $0xb8;
	[tilespmem:$0x1FF80] =	vst v63  }
0xa2: {  	s6 =	simm.s32 $0x2880  }
0xa3: {  	[tilespmem:s21], [sflag:$0x3] =	stream.indirect.gather [hbm4b:s11+s19], $0x10, s6, s19, $0xb8;
	[tilespmem:$0x1FF80] =	vst v63  }
0xa4: {  	s9 =	simm.s32 $0x2900  }
0xa5: {  	[tilespmem:s22], [sflag:$0x4] =	stream.indirect.gather [hbm4b:s11+s19], $0x10, s9, s19, $0xb8;
	[tilespmem:$0x1FF80] =	vst v63  }
0xa6: {  	s10 =	simm.s32 $0x2980  }
0xa7: {  	[tilespmem:s23], [sflag:$0x4] =	stream.indirect.gather [hbm4b:s11+s19], $0x10, s10, s19, $0xb8;
	[tilespmem:$0x1FF80] =	vst v63  }
0xa8: {  	_ =	swait.ge [sflag:s25], $0x800  }
0xa9: {  	[sflag:s25] =	ssyncset.done $0x0  }
0xaa: {  	[sflag:s25] =	ssyncadd.s32 $0xFFFFF800  }
0xab: {  	_ =	swait.ge [sflag:s25], $0x800  }
0xac: {  	[sflag:s25] =	ssyncset.done $0x0  }
0xad: {  	s3 =	simm.s32 $0x3C00;
	[sflag:s25] =	ssyncadd.s32 $0xFFFFF800  }
0xae: {  	[spmem:s2] =	stream.indirect.scatter.add.f32 [tilespmem:s20], [sflag:$0x5], $0x10, s3, s19, $0xb8;
	[tilespmem:$0x1FF80] =	vst v63  }
0xaf: {  	s6 =	simm.s32 $0x3C80  }
0xb0: {  	[spmem:s2] =	stream.indirect.scatter.add.f32 [tilespmem:s21], [sflag:$0x5], $0x10, s6, s19, $0xb8;
	[tilespmem:$0x1FF80] =	vst v63  }
0xb1: {  	_ =	swait.ge [sflag:s26], $0x800  }
0xb2: {  	[sflag:s26] =	ssyncset.done $0x0  }
0xb3: {  	[sflag:s26] =	ssyncadd.s32 $0xFFFFF800  }
0xb4: {  	_ =	swait.ge [sflag:s26], $0x800  }
0xb5: {  	[sflag:s26] =	ssyncset.done $0x0  }
0xb6: {  	s9 =	simm.s32 $0x3D00;
	[sflag:s26] =	ssyncadd.s32 $0xFFFFF800  }
0xb7: {  	[spmem:s2] =	stream.indirect.scatter.add.f32 [tilespmem:s22], [sflag:$0x6], $0x10, s9, s19, $0xb8;
	[tilespmem:$0x1FF80] =	vst v63  }
0xb8: {  	s10 =	simm.s32 $0x3D80  }
0xb9: {  	[spmem:s2] =	stream.indirect.scatter.add.f32 [tilespmem:s23], [sflag:$0x6], $0x10, s10, s19, $0xb8;
	[tilespmem:$0x1FF80] =	vst v63  }
0xba: {  	_ =	swait.ge [sflag:s28], $0x800  }
0xbb: {  	[sflag:s28] =	ssyncset.done $0x0  }
0xbc: {  	[sflag:s28] =	ssyncadd.s32 $0xFFFFF800  }
0xbd: {  	_ =	swait.ge [sflag:s28], $0x800  }
0xbe: {  	[sflag:s28] =	ssyncset.done $0x0  }
0xbf: {  	[sflag:s28] =	ssyncadd.s32 $0xFFFFF800  }
0xc0: {  	_ =	swait.ge [sflag:s29], $0x800  }
0xc1: {  	[sflag:s29] =	ssyncset.done $0x0  }
0xc2: {  	[sflag:s29] =	ssyncadd.s32 $0xFFFFF800  }
0xc3: {  	_ =	swait.ge [sflag:s29], $0x800  }
0xc4: {  	s1 =	simm.s32 $0x200;
	s3 =	simm.s32 $0x1000;
	[sflag:s29] =	ssyncset.done $0x0  }
.LBB2_5:
0xc5: {  	s10 =	sadd.s32 $0x2800, s1  }
0xc6: {  	[sflag:s29] =	ssyncadd.s32 $0xFFFFF800;
	s6 =	smov.u32 s3;
	s9 =	sadd.s32 $0x800, s3  }
0xc7: {  	[tilespmem:s20], [sflag:$0x3] =	stream.indirect.gather [hbm4b:s11+s19], $0x10, s10, s19, $0xb8;
	[tilespmem:$0x1FF80] =	vst v63  }
0xc8: {  	p0 =	sne.s32 s3, $0x4800;
	s3 =	sadd.s32 $0x2880, s1  }
0xc9: {  	[tilespmem:s21], [sflag:$0x3] =	stream.indirect.gather [hbm4b:s11+s19], $0x10, s3, s19, $0xb8;
	[tilespmem:$0x1FF80] =	vst v63  }
0xca: {  	s3 =	sadd.s32 $0x2900, s1  }
0xcb: {  	[tilespmem:s22], [sflag:$0x4] =	stream.indirect.gather [hbm4b:s11+s19], $0x10, s3, s19, $0xb8;
	[tilespmem:$0x1FF80] =	vst v63  }
0xcc: {  	s3 =	sadd.s32 $0x2980, s1  }
0xcd: {  	[tilespmem:s23], [sflag:$0x4] =	stream.indirect.gather [hbm4b:s11+s19], $0x10, s3, s19, $0xb8;
	[tilespmem:$0x1FF80] =	vst v63  }
0xce: {  	_ =	swait.ge [sflag:s25], $0x800  }
0xcf: {  	[sflag:s25] =	ssyncset.done $0x0  }
0xd0: {  	[sflag:s25] =	ssyncadd.s32 $0xFFFFF800  }
0xd1: {  	_ =	swait.ge [sflag:s25], $0x800  }
0xd2: {  	[sflag:s25] =	ssyncset.done $0x0  }
0xd3: {  	s3 =	sadd.s32 $0x3C00, s1;
	[sflag:s25] =	ssyncadd.s32 $0xFFFFF800  }
0xd4: {  	[spmem:s2] =	stream.indirect.scatter.add.f32 [tilespmem:s20], [sflag:$0x5], $0x10, s3, s19, $0xb8;
	[tilespmem:$0x1FF80] =	vst v63  }
0xd5: {  	s3 =	sadd.s32 $0x3C80, s1  }
0xd6: {  	[spmem:s2] =	stream.indirect.scatter.add.f32 [tilespmem:s21], [sflag:$0x5], $0x10, s3, s19, $0xb8;
	[tilespmem:$0x1FF80] =	vst v63  }
0xd7: {  	_ =	swait.ge [sflag:s26], $0x800  }
0xd8: {  	[sflag:s26] =	ssyncset.done $0x0  }
0xd9: {  	[sflag:s26] =	ssyncadd.s32 $0xFFFFF800  }
0xda: {  	_ =	swait.ge [sflag:s26], $0x800  }
0xdb: {  	[sflag:s26] =	ssyncset.done $0x0  }
0xdc: {  	s3 =	sadd.s32 $0x3D00, s1;
	[sflag:s26] =	ssyncadd.s32 $0xFFFFF800  }
0xdd: {  	[spmem:s2] =	stream.indirect.scatter.add.f32 [tilespmem:s22], [sflag:$0x6], $0x10, s3, s19, $0xb8;
	[tilespmem:$0x1FF80] =	vst v63  }
0xde: {  	s1 =	sadd.s32 $0x3D80, s1  }
0xdf: {  	[spmem:s2] =	stream.indirect.scatter.add.f32 [tilespmem:s23], [sflag:$0x6], $0x10, s1, s19, $0xb8;
	[tilespmem:$0x1FF80] =	vst v63  }
0xe0: {  	_ =	swait.ge [sflag:s28], $0x800  }
0xe1: {  	[sflag:s28] =	ssyncset.done $0x0  }
0xe2: {  	[sflag:s28] =	ssyncadd.s32 $0xFFFFF800  }
0xe3: {  	_ =	swait.ge [sflag:s28], $0x800  }
0xe4: {  	[sflag:s28] =	ssyncset.done $0x0  }
0xe5: {  	[sflag:s28] =	ssyncadd.s32 $0xFFFFF800  }
.Ltmp1:
0xe6: {  	_ =	swait.ge [sflag:s29], $0x800;
	(pc) =	sbr.rel @p0 .LBB2_5-.Ltmp1, $4  }
0xe7: {  	[sflag:s29] =	ssyncset.done $0x0  }
0xe8: {  	[sflag:s29] =	ssyncadd.s32 $0xFFFFF800  }
0xe9: {  	_ =	swait.ge [sflag:s29], $0x800  }
0xea: {  	s3 =	smov.u32 s9;
	s1 =	sshra.s32 s6, $0x2;
	[sflag:s29] =	ssyncset.done $0x0  }
0xeb: {  	s3 =	sadd.s32 $0x2800, s1;
	[sflag:s29] =	ssyncadd.s32 $0xFFFFF800  }
0xec: {  	[tilespmem:s20], [sflag:$0x3] =	stream.indirect.gather [hbm4b:s11+s19], $0x10, s3, s19, $0xb8;
	[tilespmem:$0x1FF80] =	vst v63  }
0xed: {  	s10 =	sadd.s32 $0x2880, s1  }
0xee: {  	[tilespmem:s21], [sflag:$0x3] =	stream.indirect.gather [hbm4b:s11+s19], $0x10, s10, s19, $0xb8;
	[tilespmem:$0x1FF80] =	vst v63  }
0xef: {  	s6 =	sadd.s32 $0x2900, s1  }
0xf0: {  	[tilespmem:s22], [sflag:$0x4] =	stream.indirect.gather [hbm4b:s11+s19], $0x10, s6, s19, $0xb8;
	[tilespmem:$0x1FF80] =	vst v63  }
0xf1: {  	s9 =	sadd.s32 $0x2980, s1  }
0xf2: {  	[tilespmem:s23], [sflag:$0x4] =	stream.indirect.gather [hbm4b:s11+s19], $0x10, s9, s19, $0xb8;
	[tilespmem:$0x1FF80] =	vst v63  }
0xf3: {  	_ =	swait.ge [sflag:s25], $0x800  }
0xf4: {  	[sflag:s25] =	ssyncset.done $0x0  }
0xf5: {  	[sflag:s25] =	ssyncadd.s32 $0xFFFFF800  }
0xf6: {  	_ =	swait.ge [sflag:s25], $0x800  }
0xf7: {  	[sflag:s25] =	ssyncset.done $0x0  }
0xf8: {  	s10 =	sadd.s32 $0x3C00, s1;
	[sflag:s25] =	ssyncadd.s32 $0xFFFFF800  }
0xf9: {  	[spmem:s2] =	stream.indirect.scatter.add.f32 [tilespmem:s20], [sflag:$0x5], $0x10, s10, s19, $0xb8;
	[tilespmem:$0x1FF80] =	vst v63  }
0xfa: {  	s6 =	sadd.s32 $0x3C80, s1  }
0xfb: {  	[spmem:s2] =	stream.indirect.scatter.add.f32 [tilespmem:s21], [sflag:$0x5], $0x10, s6, s19, $0xb8;
	[tilespmem:$0x1FF80] =	vst v63  }
0xfc: {  	_ =	swait.ge [sflag:s26], $0x800  }
0xfd: {  	[sflag:s26] =	ssyncset.done $0x0  }
0xfe: {  	[sflag:s26] =	ssyncadd.s32 $0xFFFFF800  }
0xff: {  	_ =	swait.ge [sflag:s26], $0x800  }
0x100: {  	[sflag:s26] =	ssyncset.done $0x0  }
0x101: {  	s9 =	sadd.s32 $0x3D00, s1;
	[sflag:s26] =	ssyncadd.s32 $0xFFFFF800  }
0x102: {  	[spmem:s2] =	stream.indirect.scatter.add.f32 [tilespmem:s22], [sflag:$0x6], $0x10, s9, s19, $0xb8;
	[tilespmem:$0x1FF80] =	vst v63  }
0x103: {  	s10 =	sadd.s32 $0x3D80, s1  }
0x104: {  	[spmem:s2] =	stream.indirect.scatter.add.f32 [tilespmem:s23], [sflag:$0x6], $0x10, s10, s19, $0xb8;
	[tilespmem:$0x1FF80] =	vst v63  }
0x105: {  	_ =	swait.ge [sflag:s28], $0x800  }
0x106: {  	[sflag:s28] =	ssyncset.done $0x0  }
0x107: {  	[sflag:s28] =	ssyncadd.s32 $0xFFFFF800  }
0x108: {  	_ =	swait.ge [sflag:s28], $0x800  }
0x109: {  	[sflag:s28] =	ssyncset.done $0x0  }
0x10a: {  	s0 =	sadd.s32 $0x1, s0;
	[sflag:s28] =	ssyncadd.s32 $0xFFFFF800  }
0x10b: {  	p0 =	sne.s32 s0, $0xA;
	_ =	swait.ge [sflag:s29], $0x800  }
.Ltmp2:
0x10c: {  	[sflag:s29] =	ssyncset.done $0x0;
	(pc) =	sbr.rel @p0 .LBB2_2-.Ltmp2, $4  }
0x10d: {  	[sflag:s29] =	ssyncadd.s32 $0xFFFFF800  }
0x10e: {  	_ =	swait.ge [sflag:s29], $0x800  }
0x10f: {  	[sflag:s29] =	ssyncset.done $0x0  }
0x110: {  	[sflag:s29] =	ssyncadd.s32 $0xFFFFF800  }
0x111: {  	_ =	swait.ge [sflag:s16], $0x1400  }
0x112: {  	[sflag:s16] =	ssyncset.done $0x0  }
0x113: {  	[sflag:s16] =	ssyncadd.s32 $0xFFFFEC00  }
0x114: {  	_ =	swait.ge [sflag:s16], $0x1400  }
0x115: {  	s31 =	sadd.s32 $0x1, s31;
	[sflag:s16] =	ssyncset.done $0x0  }
0x116: {  	p0 =	sne.s32 s31, s12;
	[sflag:s16] =	ssyncadd.s32 $0xFFFFEC00  }
.Ltmp3:
0x117: {  	[bflag:$0x0] =	sbarrier.arrive $0xFFFF;
	(pc) =	sbr.rel @p0 .LBB2_1-.Ltmp3, $4  }
0x118: {  	[hbm:s24], [sflag:s7] =	dma.local [spmem:s13], $0x31F0  }
0x119: {  	_ =	swait.ge [sflag:s14], $0x31F0  }
0x11a: {  	[sflag:s14] =	ssyncset.done $0x0  }
0x11b: {  	[sflag:s14] =	ssyncadd.s32 $0xFFFFCE10  }
0x11c: {  	_ =	sfence.sel $0x180000  }
0x11d: {  	[bflag:$0x0] =	sbarrier.arrive $0xFFFF  }
0x11e: {  	_ =	strace $0x9000004D  }
0x11f: {  	s0 =	stileid.u32;
	[bflag:$0x2] =	sbarrier.arrive $0xFFFF  }
0x120: {  	p0 =	sne.s32 s0, $0x0;
	s0 =	rddreg [dreg:$0x2]  }
0x121: {  	s0 =	sadd.s32 @!p0 $0x100000, s0  }
0x122: {  	[sflag:s0] =	ssyncadd.tile.s32 @!p0 $0x1;
	_ =	shalt  }
.Lfunc_end2:
_tile_overlayer_lowered:
.L_overlay_start_2:
0x123: {  	(tag) =	ssettag $0x2  }
0x124: {  	s0 =	rddreg [dreg:$0x0];
	s2 =	stileid.u32  }
0x125: {  	s1 =	rddreg [dreg:$0x1];
	p0 =	sne.s32 s2, $0x0  }
0x126: {  	s3 =	rddreg [dreg:$0x2];
	[bflag:$0x3] =	sbarrier.arrive $0xFFFF;
	s2 =	simm.s32 @!p0 $0x1C07  }
0x127: {  	[timem:s3], [sflag:s2] =	dma.local @!p0 [hbm:s0], s1  }
0x128: {  	s0 =	simm.s32 @!p0 $0x7  }
0x129: {  	_ =	swait.ge @!p0 [sflag:s0], s1  }
0x12a: {  	s1 =	ssub.s32 @!p0 $0x0, s1;
	[sflag:s0] =	ssyncset.done @!p0 $0x0  }
0x12b: {  	[sflag:s0] =	ssyncadd.s32 @!p0 s1  }
0x12c: {  	[bflag:$0x3] =	sbarrier.arrive $0xFFFF  }
0x12d: {  	_ =	shalt  }

// kernel: kernel.19.cloned.1.call-start
scs
__scs_entry_jumppad:
0x0: {  	(pc) =	sbr.rel $0x88, $3  }
0x1: {  	(tag) =	ssettag $0x0;
	lr =	simm.s32 $0x1  }
0x2: {  	[smem:$0x3F99] =	sst lr;
	_ =	strace $0xD0000000  }
0x3: {  	_ = 	snop  }
0x4: {  	_ = 	snop  }
0x5: {  	_ = 	snop  }
0x6: {  	_ = 	snop  }
0x7: {  	_ = 	snop  }
__scs_overlays_trampoline_lowered:
0x8: {  	[smem:$0x3FA8] =	sst s0  }
0x9: {  	[smem:$0x3FA9] =	sst s1  }
0xa: {  	[smem:$0x3FAA] =	sst s2  }
0xb: {  	[smem:$0x3FAB] =	sst s3  }
0xc: {  	[smem:$0x3FAC] =	sst s4  }
0xd: {  	[smem:$0x3FAD] =	sst s5  }
0xe: {  	[smem:$0x3FAE] =	sst s6  }
0xf: {  	[smem:$0x3FAF] =	sst s7  }
0x10: {  	[smem:$0x3FB0] =	sst s8  }
0x11: {  	[smem:$0x3FB1] =	sst s9;
	s0 =	simm.s32 @!p0 $0x0  }
0x12: {  	s1 =	sld [smem:$0x3F97];
	s0 =	simm.s32 @p0 $0x1  }
0x13: {  	[smem:$0x3FB2] =	sst s0;
	s0 =	simm.s32 @!p1 $0x0  }
0x14: {  	s2 =	sld [smem:$0x3F96];
	s0 =	simm.s32 @p1 $0x1  }
0x15: {  	[smem:$0x3FB3] =	sst s0;
	s0 =	simm.s32 @!p2 $0x0  }
0x16: {  	s3 =	sld [smem:$0x3FDB];
	s0 =	simm.s32 @p2 $0x1  }
0x17: {  	s4 =	simm.s32 $0x1BF5;
	[smem:$0x3FB5] =	sst s0  }
0x18: {  	s0 =	sld [smem:$0x3F98];
	_ =	swait.ge [sflag:s4], $0x0  }
0x19: {  	s7 =	sld [smem:$0x3F99]  }
0x1a: {  	s8 =	sadd.s32 $0xFFFFE003, lr  }
0x1b: {  	s9 =	sadd.s32 $0xFFFFFEF7, lr;
	s5 =	simm.s32 $0xFFFFFFFF;
	p2 =	slt.u32 s8, $0xFFFFF086  }
0x1c: {  	p1 =	slt.u32 s9, $0xF7A;
	s5 =	simm.s32 @!p2 $0x0  }
0x1d: {  	s5 =	simm.s32 @p1 $0x1;
	p0 =	seq.s32 s7, s2  }
0x1e: {  	s7 =	smul.u32 @!p0 $0xF7A, s2;
	p2 =	seq.s32 @!p0 s5, $0x0  }
0x1f: {  	s9 =	smul.u32 $0xF7A, s1;
	s8 =	simm.s32 @!p0 $0x1BF5;
	p2 =	por !p2, p0  }
0x20: {  	[sflag:s8] =	ssyncset.s32 @!p0 $0xFFFFF086;
	s6 =	sadd.s32 @!p0 s3, s7;
	s7 =	simm.s32 @!p0 $0x108  }
0x21: {  	s3 =	sadd.s32 s3, s9;
	s6 =	sadd.s32 @!p0 $0x88, s6;
	s7 =	simm.s32 @p2 $0x1082  }
0x22: {  	[simem:s7], [sflag:s8] =	dma.local @!p0 [hbm:s6], $0xF7A  }
0x23: {  	s9 =	sor.u32 $0xD0000000, s2;
	s6 =	simm.s32 $0x108;
	_ =	swait.ge @!p0 [sflag:s8], $0x0  }
0x24: {  	s3 =	sadd.s32 $0x88, s3;
	s6 =	simm.s32 @!p1 $0x1082;
	[sflag:s4] =	ssyncset.s32 $0xFFFFF086  }
0x25: {  	[simem:s6], [sflag:s4] =	dma.local [hbm:s3], $0xF7A  }
0x26: {  	[smem:$0x3F99] =	sst s1;
	(tag) =	ssettag s2;
	_ =	strace s9  }
0x27: {  	s1 =	sld [smem:$0x3FA9]  }
0x28: {  	s2 =	sld [smem:$0x3FAA]  }
0x29: {  	s4 =	sld [smem:$0x3FAC]  }
0x2a: {  	p0 =	seq.s32 s5, $0x0;
	s5 =	sld [smem:$0x3FAD]  }
0x2b: {  	s6 =	sld [smem:$0x3FAE]  }
0x2c: {  	s7 =	sld [smem:$0x3FAF]  }
0x2d: {  	s3 =	simm.s32 $0x108;
	s8 =	sld [smem:$0x3FB0]  }
0x2e: {  	s3 =	simm.s32 @!p0 $0x1082;
	s9 =	sld [smem:$0x3FB1]  }
0x2f: {  	lr =	sadd.s32 s0, s3;
	s0 =	sld [smem:$0x3FA8]  }
0x30: {  	s3 =	sld [smem:$0x3FAB]  }
0x31: {  	[smem:$0x3FB4] =	sst s10  }
0x32: {  	s10 =	sld [smem:$0x3FB2];
	_ =	sdelay $0x3  }
0x33: {  	p0 =	seq.s32 s10, $0x1;
	s10 =	sld [smem:$0x3FB4];
	_ =	sdelay $0x3  }
0x34: {  	[smem:$0x3FB4] =	sst s10  }
0x35: {  	s10 =	sld [smem:$0x3FB3];
	_ =	sdelay $0x3  }
0x36: {  	p1 =	seq.s32 s10, $0x1;
	s10 =	sld [smem:$0x3FB4];
	_ =	sdelay $0x3  }
0x37: {  	[smem:$0x3FB4] =	sst s10  }
0x38: {  	s10 =	sld [smem:$0x3FB5]  }
0x39: {  	_ = 	snop;
	(pc) =	sbr.ind lr, $3  }
0x3a: {  	_ = 	snop  }
0x3b: {  	_ = 	snop  }
0x3c: {  	p2 =	seq.s32 s10, $0x1;
	s10 =	sld [smem:$0x3FB4]  }
0x3d: {  	_ =	shalt  }
0x3e: {  	_ =	shalt  }
0x3f: {  	_ =	shalt  }
0x40: {  	_ =	shalt  }
0x41: {  	_ =	shalt  }
0x42: {  	_ =	shalt  }
0x43: {  	_ =	shalt  }
0x44: {  	_ =	shalt  }
0x45: {  	_ =	shalt  }
0x46: {  	_ =	shalt  }
0x47: {  	_ =	shalt  }
0x48: {  	_ =	shalt  }
0x49: {  	_ =	shalt  }
0x4a: {  	_ =	shalt  }
0x4b: {  	_ =	shalt  }
0x4c: {  	_ =	shalt  }
0x4d: {  	_ =	shalt  }
0x4e: {  	_ =	shalt  }
0x4f: {  	_ =	shalt  }
0x50: {  	_ =	shalt  }
0x51: {  	_ =	shalt  }
0x52: {  	_ =	shalt  }
0x53: {  	_ =	shalt  }
0x54: {  	_ =	shalt  }
0x55: {  	_ =	shalt  }
0x56: {  	_ =	shalt  }
0x57: {  	_ =	shalt  }
0x58: {  	_ =	shalt  }
0x59: {  	_ =	shalt  }
0x5a: {  	_ =	shalt  }
0x5b: {  	_ =	shalt  }
0x5c: {  	_ =	shalt  }
0x5d: {  	_ =	shalt  }
0x5e: {  	_ =	shalt  }
0x5f: {  	_ =	shalt  }
0x60: {  	_ =	shalt  }
0x61: {  	_ =	shalt  }
0x62: {  	_ =	shalt  }
0x63: {  	_ =	shalt  }
0x64: {  	_ =	shalt  }
0x65: {  	_ =	shalt  }
0x66: {  	_ =	shalt  }
0x67: {  	_ =	shalt  }
0x68: {  	_ =	shalt  }
0x69: {  	_ =	shalt  }
0x6a: {  	_ =	shalt  }
0x6b: {  	_ =	shalt  }
0x6c: {  	_ =	shalt  }
0x6d: {  	_ =	shalt  }
0x6e: {  	_ =	shalt  }
0x6f: {  	_ =	shalt  }
0x70: {  	_ =	shalt  }
0x71: {  	_ =	shalt  }
0x72: {  	_ =	shalt  }
0x73: {  	_ =	shalt  }
0x74: {  	_ =	shalt  }
0x75: {  	_ =	shalt  }
0x76: {  	_ =	shalt  }
0x77: {  	_ =	shalt  }
0x78: {  	_ =	shalt  }
0x79: {  	_ =	shalt  }
0x7a: {  	_ =	shalt  }
0x7b: {  	_ =	shalt  }
0x7c: {  	_ =	shalt  }
0x7d: {  	_ =	shalt  }
0x7e: {  	_ =	shalt  }
0x7f: {  	_ =	shalt  }
0x80: {  	_ =	shalt  }
0x81: {  	_ =	shalt  }
0x82: {  	_ =	shalt  }
0x83: {  	_ =	shalt  }
0x84: {  	_ =	shalt  }
0x85: {  	_ =	shalt  }
0x86: {  	_ =	shalt  }
0x87: {  	_ =	shalt  }
.Lfunc_end0:
.L_simem_size_0:
called_computation.3_lowered:
.L_overlay_start_0:
0x88: {  	s2 =	sld [smem:$0x3FD9]  }
0x89: {  	s3 =	sld [smem:$0x3FFE];
	_ =	sdelay $0x1  }
0x8a: {  	s1 =	srdreg.scid  }
0x8b: {  	s0 =	sand.u32 $0x1, s1  }
0x8c: {  	s16 =	sshll.u32 s0, $0xA;
	s2 =	sadd.s32 s3, s2  }
0x8d: {  	s2 =	sadd.s32 s2, s16  }
0x8e: {  	[smem:$0x3FC0] =	sst s2  }
0x8f: {  	_ = 	snop  }
0x90: {  	(tm) =	ssettm $0x1  }
0x91: {  	s17 =	sld [smem:$0x3FFB];
	_ =	sdelay $0x3  }
0x92: {  	_ =	strace s17  }
0x93: {  	s2 =	sld [smem:$0x3FFC];
	_ =	sdelay $0x3  }
0x94: {  	_ =	strace s2  }
0x95: {  	s2 =	sld [smem:$0x3FFD];
	_ =	sdelay $0x3  }
0x96: {  	_ =	strace s2  }
0x97: {  	_ =	strace $0x8FFFFFFF  }
0x98: {  	s18 =	sld [smem:$0x3FDB];
	_ =	sdelay $0x1  }
0x99: {  	s19 =	simm.s32 $_scs_section_size  }
0x9a: {  	s4 =	simm.s32 $_size__tile_overlayer_lowered;
	s5 =	simm.s32 $_tile_overlayer_lowered  }
0x9b: {  	s22 =	simm.s32 $0x1BFF;
	s21 =	sshll.u32 s5, $0x1;
	s2 =	sadd.s32 s19, s18  }
0x9c: {  	s6 =	simm.s32 $0x0;
	s20 =	sshll.u32 s4, $0x1;
	s4 =	sadd.s32 s21, s2  }
0x9d: {  	[timem:s6], [sflag:s22] =	dma.local [hbm:s4], s20  }
0x9e: {  	_ =	swait.ge [sflag:s22], s20  }
0x9f: {  	s3 =	ssub.s32 $0x0, s20;
	[sflag:s22] =	ssyncset.done $0x0  }
0xa0: {  	[sflag:s22] =	ssyncadd.s32 s3;
	_ =	sdelay $0x1  }
0xa1: {  	s23 =	simm.s32 $0x1B8B  }
0xa2: {  	_ =	swait.ge [sflag:s23], $0x1  }
0xa3: {  	[sflag:s23] =	ssyncset.done $0x0  }
0xa4: {  	s25 =	simm.s32 $0x1B8E;
	s24 =	sld [smem:$0x3FFE];
	[sflag:s23] =	ssyncadd.s32 $0xFFFFFFFF  }
0xa5: {  	s26 =	simm.s32 $execute0_lowered;
	[smem:$0x3FD2] =	sst s25  }
0xa6: {  	s4 =	sshll.u32 s26, $0x1;
	_ =	strace $0x8000004F;
	[dreg:$0x1] =	wrdreg $0xFFFFFFFF  }
0xa7: {  	s28 =	simm.s32 $_size_execute0_lowered;
	s2 =	sadd.s32 s2, s4;
	[dreg:$0x0] =	wrdreg $0x0  }
0xa8: {  	s4 =	sshll.u32 s28, $0x1;
	[dreg:$0x2] =	wrdreg s2  }
0xa9: {  	[dreg:$0x3] =	wrdreg s4  }
0xaa: {  	[dreg:$0x4] =	wrdreg $0xC0  }
0xab: {  	_ =	task [dreg:s6], $0x5FFFF  }
0xac: {  	[dreg:$0x1] =	wrdreg $0xFFFFFFFF  }
0xad: {  	[dreg:$0x0] =	wrdreg $0x60  }
0xae: {  	[dreg:$0x2] =	wrdreg s24  }
0xaf: {  	[dreg:$0x3] =	wrdreg $0x70000  }
0xb0: {  	[dreg:$0x4] =	wrdreg $0x9  }
0xb1: {  	_ =	task.clear_ibuf [dreg:s6], $0x5FFFF;
	_ =	strace $0x9000004F  }
0xb2: {  	s29 =	simm.s32 $0x9;
	_ =	strace $0x80000051  }
0xb3: {  	_ =	swait.ge [sflag:s29], $0x1  }
0xb4: {  	[sflag:s29] =	ssyncadd.s32 $0xFFFFFFFF  }
0xb5: {  	_ =	strace $0x90000051  }
0xb6: {  	_ =	sfence  }
0xb7: {  	s30 =	sld [smem:$0x0];
	_ =	sdelay $0x2  }
0xb8: {  	s31 =	sshll.u32 s1, $0xD;
	s1 =	sshrl.u32 s1, $0x2  }
0xb9: {  	s3 =	sand.u32 $0x4000, s31;
	s1 =	sadd.s32 s1, s30  }
0xba: {  	s0 =	sor.u32 s3, s0;
	s1 =	sshll.u32 s1, $0x11  }
0xbb: {  	s0 =	sor.u32 s1, s0  }
0xbc: {  	s0 =	sadd.s32 $0x8F2B, s0  }
0xbd: {  	[sflag:s0] =	ssyncadd.remote.s32 $0x1  }
0xbe: {  	_ =	sfence.sel $0xFFFF  }
0xbf: {  	[dreg:$0x0] =	wrdreg $0xFFFFFFFF;
	(pc) =	sbr.abs _section_cstart, $3  }
0xc0: {  	[dreg:$0x1] =	wrdreg $0xFFFFFFFF  }
0xc1: {  	_ =	task.clear_ibuf [dreg:s6], $0x2FFFF;
	_ =	strace $0x9FFFFFFF  }
0xc2: {  	(tm) =	ssettm $0x7FFFFFFF  }
0xc3: {  	_ =	shalt  }
tec
execute0_lowered:
.L_overlay_start_1:
0x0: {  	(tag) =	ssettag $0x1  }
0x1: {  	s0 =	rddreg [dreg:$0x0]  }
0x2: {  	s2 =	rddreg [dreg:$0x1]  }
0x3: {  	s3 =	simm.s32 $0x0;
	s8 =	stileid.u32;
	s1 =	srdreg.scid  }
0x4: {  	s14 =	simm.s32 $0x7;
	s15 =	simm.s32 $0x1400;
	s16 =	simm.s32 $0x1  }
0x5: {  	s17 =	simm.s32 $0x2800;
	s18 =	simm.s32 $0x3C00;
	s19 =	simm.s32 $0x80  }
0x6: {  	s20 =	simm.s32 $0x5000;
	s21 =	simm.s32 $0x5800;
	s28 =	simm.s32 $0x5  }
0x7: {  	s29 =	simm.s32 $0x6;
	s30 =	simm.s32 $0x2;
	s31 =	simm.s32 $0x0  }
0x8: {  	[smem:$0x7FF] =	sst s3;
	s22 =	smul.u32 $0x18F80, s8;
	s1 =	sand.u32 $0x1, s1  }
0x9: {  	s4 =	sadd.s32 $0x3800, s0;
	s5 =	sadd.s32 $0x35C00, s0;
	s10 =	smul.u32 $0x3200, s8  }
0xa: {  	s24 =	sshll.u32 s8, $0x6;
	s8 =	smul.u32 $0x320, s8;
	_ =	strace $0x80000050  }
0xb: {  	s6 =	smul.u32 $0x31F00, s1;
	s1 =	ssub.s32 $0x2, s1;
	s9 =	sshrl.u32 s22, $0x3  }
0xc: {  	s23 =	sshrl.u32 s1, $0x1;
	s3 =	sadd.s32 s22, s2;
	s25 =	sadd.s32 s4, s10  }
0xd: {  	s26 =	sadd.s32 s5, s10;
	s22 =	simm.s32 $0x6000;
	s7 =	sadd.s32 s9, s0  }
0xe: {  	s0 =	sadd.s32 s6, s0;
	s1 =	ssub.s32 s1, s23;
	[dreg:$0x4] =	wrdreg s25  }
0xf: {  	[dreg:$0x5] =	wrdreg s26;
	s13 =	sshrl.u32 s3, $0x3;
	s23 =	simm.s32 $0x6800  }
0x10: {  	s25 =	simm.s32 $0x3;
	s26 =	simm.s32 $0x4;
	s7 =	sadd.s32 $0x68000, s7  }
0x11: {  	s11 =	sadd.s32 $0x9A000, s0;
	s0 =	sadd.s32 $0xFDE00, s0;
	s12 =	smax.u32 s1, $0x1  }
0x12: {  	[dreg:$0x3] =	wrdreg s7;
	s7 =	sor.u32 $0x1C07, s24;
	s24 =	sadd.s32 s9, s0  }
.LBB2_1:
0x13: {  	s0 =	rddreg [dreg:$0x3]  }
0x14: {  	[spmem:s13], [sflag:s7] =	dma.local [hbm:s0], $0x31F0  }
0x15: {  	_ =	swait.ge [sflag:s14], $0x31F0  }
0x16: {  	[sflag:s14] =	ssyncset.done $0x0  }
0x17: {  	[sflag:s14] =	ssyncadd.s32 $0xFFFFCE10  }
0x18: {  	[bflag:$0x0] =	sbarrier.arrive $0xFFFF  }
0x19: {  	s9 =	simm.s32 $0x0;
	s1 =	rddreg [dreg:$0x4]  }
0x1a: {  	[tilespmem:s9], [sflag:$0x1] =	stream.linear.gather [hbm4b:s1+s9], $0x1400, $0x38;
	[tilespmem:$0x1FF80] =	vst v63  }
0x1b: {  	s0 =	simm.s32 $0x0;
	s10 =	rddreg [dreg:$0x5]  }
0x1c: {  	[tilespmem:s15], [sflag:$0x1] =	stream.linear.gather [hbm4b:s10+s9], $0x1400, $0x38;
	[tilespmem:$0x1FF80] =	vst v63  }
.LBB2_2:
0x1d: {  	s1 =	smul.u32 $0x50, s0;
	_ =	swait.ge [sflag:s16], $0x1400  }
0x1e: {  	[sflag:s16] =	ssyncset.done $0x0  }
0x1f: {  	s1 =	sadd.s32 s8, s1;
	[sflag:s16] =	ssyncadd.s32 $0xFFFFEC00  }
0x20: {  	_ =	swait.ge [sflag:s16], $0x1400;
	s1 =	sshll.u32 s1, $0x4  }
0x21: {  	[sflag:s16] =	ssyncset.done $0x0;
	s3 =	sadd.s32 $0x280, s1  }
0x22: {  	s9 =	simm.s32 $0x0;
	[sflag:s16] =	ssyncadd.s32 $0xFFFFEC00;
	s6 =	sadd.s32 s4, s3  }
0x23: {  	[tilespmem:s17], [sflag:$0x2] =	stream.linear.gather [hbm4b:s6+s9], $0x1400, $0x38;
	[tilespmem:$0x1FF80] =	vst v63  }
0x24: {  	s3 =	sadd.s32 s5, s3  }
0x25: {  	[tilespmem:s18], [sflag:$0x2] =	stream.linear.gather [hbm4b:s3+s9], $0x1400, $0x38;
	[tilespmem:$0x1FF80] =	vst v63  }
0x26: {  	s9 =	simm.s32 $0x0  }
0x27: {  	[tilespmem:s20], [sflag:$0x3] =	stream.indirect.gather [hbm4b:s11+s19], $0x10, s9, s19, $0xb8;
	[tilespmem:$0x1FF80] =	vst v63  }
0x28: {  	s10 =	simm.s32 $0x80  }
0x29: {  	[tilespmem:s21], [sflag:$0x3] =	stream.indirect.gather [hbm4b:s11+s19], $0x10, s10, s19, $0xb8;
	[tilespmem:$0x1FF80] =	vst v63  }
0x2a: {  	s6 =	simm.s32 $0x100  }
0x2b: {  	[tilespmem:s22], [sflag:$0x4] =	stream.indirect.gather [hbm4b:s11+s19], $0x10, s6, s19, $0xb8;
	[tilespmem:$0x1FF80] =	vst v63  }
0x2c: {  	s9 =	simm.s32 $0x180  }
0x2d: {  	[tilespmem:s23], [sflag:$0x4] =	stream.indirect.gather [hbm4b:s11+s19], $0x10, s9, s19, $0xb8;
	[tilespmem:$0x1FF80] =	vst v63  }
0x2e: {  	_ =	swait.ge [sflag:s25], $0x800  }
0x2f: {  	[sflag:s25] =	ssyncset.done $0x0  }
0x30: {  	[sflag:s25] =	ssyncadd.s32 $0xFFFFF800  }
0x31: {  	_ =	swait.ge [sflag:s25], $0x800  }
0x32: {  	[sflag:s25] =	ssyncset.done $0x0  }
0x33: {  	s10 =	simm.s32 $0x1400;
	[sflag:s25] =	ssyncadd.s32 $0xFFFFF800  }
0x34: {  	[spmem:s2] =	stream.indirect.scatter.add.f32 [tilespmem:s20], [sflag:$0x5], $0x10, s10, s19, $0xb8;
	[tilespmem:$0x1FF80] =	vst v63  }
0x35: {  	s6 =	simm.s32 $0x1480  }
0x36: {  	[spmem:s2] =	stream.indirect.scatter.add.f32 [tilespmem:s21], [sflag:$0x5], $0x10, s6, s19, $0xb8;
	[tilespmem:$0x1FF80] =	vst v63  }
0x37: {  	_ =	swait.ge [sflag:s26], $0x800  }
0x38: {  	[sflag:s26] =	ssyncset.done $0x0  }
0x39: {  	[sflag:s26] =	ssyncadd.s32 $0xFFFFF800  }
0x3a: {  	_ =	swait.ge [sflag:s26], $0x800  }
0x3b: {  	[sflag:s26] =	ssyncset.done $0x0  }
0x3c: {  	s9 =	simm.s32 $0x1500;
	[sflag:s26] =	ssyncadd.s32 $0xFFFFF800  }
0x3d: {  	[spmem:s2] =	stream.indirect.scatter.add.f32 [tilespmem:s22], [sflag:$0x6], $0x10, s9, s19, $0xb8;
	[tilespmem:$0x1FF80] =	vst v63  }
0x3e: {  	s10 =	simm.s32 $0x1580  }
0x3f: {  	[spmem:s2] =	stream.indirect.scatter.add.f32 [tilespmem:s23], [sflag:$0x6], $0x10, s10, s19, $0xb8;
	[tilespmem:$0x1FF80] =	vst v63  }
0x40: {  	_ =	swait.ge [sflag:s28], $0x800  }
0x41: {  	[sflag:s28] =	ssyncset.done $0x0  }
0x42: {  	[sflag:s28] =	ssyncadd.s32 $0xFFFFF800  }
0x43: {  	_ =	swait.ge [sflag:s28], $0x800  }
0x44: {  	[sflag:s28] =	ssyncset.done $0x0  }
0x45: {  	[sflag:s28] =	ssyncadd.s32 $0xFFFFF800  }
0x46: {  	_ =	swait.ge [sflag:s29], $0x800  }
0x47: {  	[sflag:s29] =	ssyncset.done $0x0  }
0x48: {  	[sflag:s29] =	ssyncadd.s32 $0xFFFFF800  }
0x49: {  	_ =	swait.ge [sflag:s29], $0x800  }
0x4a: {  	s3 =	simm.s32 $0x800;
	s9 =	simm.s32 $0x1000;
	[sflag:s29] =	ssyncset.done $0x0  }
.LBB2_3:
0x4b: {  	s10 =	sshra.s32 s3, $0x2  }
0x4c: {  	[sflag:s29] =	ssyncadd.s32 $0xFFFFF800;
	s3 =	smov.u32 s9;
	s6 =	sadd.s32 $0x800, s9  }
0x4d: {  	[tilespmem:s20], [sflag:$0x3] =	stream.indirect.gather [hbm4b:s11+s19], $0x10, s10, s19, $0xb8;
	[tilespmem:$0x1FF80] =	vst v63  }
0x4e: {  	p0 =	sne.s32 s9, $0x4800;
	s9 =	sadd.s32 $0x80, s10  }
0x4f: {  	[tilespmem:s21], [sflag:$0x3] =	stream.indirect.gather [hbm4b:s11+s19], $0x10, s9, s19, $0xb8;
	[tilespmem:$0x1FF80] =	vst v63  }
0x50: {  	s9 =	sadd.s32 $0x100, s10  }
0x51: {  	[tilespmem:s22], [sflag:$0x4] =	stream.indirect.gather [hbm4b:s11+s19], $0x10, s9, s19, $0xb8;
	[tilespmem:$0x1FF80] =	vst v63  }
0x52: {  	s9 =	sadd.s32 $0x180, s10  }
0x53: {  	[tilespmem:s23], [sflag:$0x4] =	stream.indirect.gather [hbm4b:s11+s19], $0x10, s9, s19, $0xb8;
	[tilespmem:$0x1FF80] =	vst v63  }
0x54: {  	_ =	swait.ge [sflag:s25], $0x800  }
0x55: {  	[sflag:s25] =	ssyncset.done $0x0  }
0x56: {  	[sflag:s25] =	ssyncadd.s32 $0xFFFFF800  }
0x57: {  	_ =	swait.ge [sflag:s25], $0x800  }
0x58: {  	[sflag:s25] =	ssyncset.done $0x0  }
0x59: {  	s9 =	sadd.s32 $0x1400, s10;
	[sflag:s25] =	ssyncadd.s32 $0xFFFFF800  }
0x5a: {  	[spmem:s2] =	stream.indirect.scatter.add.f32 [tilespmem:s20], [sflag:$0x5], $0x10, s9, s19, $0xb8;
	[tilespmem:$0x1FF80] =	vst v63  }
0x5b: {  	s9 =	sadd.s32 $0x1480, s10  }
0x5c: {  	[spmem:s2] =	stream.indirect.scatter.add.f32 [tilespmem:s21], [sflag:$0x5], $0x10, s9, s19, $0xb8;
	[tilespmem:$0x1FF80] =	vst v63  }
0x5d: {  	_ =	swait.ge [sflag:s26], $0x800  }
0x5e: {  	[sflag:s26] =	ssyncset.done $0x0  }
0x5f: {  	[sflag:s26] =	ssyncadd.s32 $0xFFFFF800  }
0x60: {  	_ =	swait.ge [sflag:s26], $0x800  }
0x61: {  	[sflag:s26] =	ssyncset.done $0x0  }
0x62: {  	s9 =	sadd.s32 $0x1500, s10;
	[sflag:s26] =	ssyncadd.s32 $0xFFFFF800  }
0x63: {  	[spmem:s2] =	stream.indirect.scatter.add.f32 [tilespmem:s22], [sflag:$0x6], $0x10, s9, s19, $0xb8;
	[tilespmem:$0x1FF80] =	vst v63  }
0x64: {  	s9 =	sadd.s32 $0x1580, s10  }
0x65: {  	[spmem:s2] =	stream.indirect.scatter.add.f32 [tilespmem:s23], [sflag:$0x6], $0x10, s9, s19, $0xb8;
	[tilespmem:$0x1FF80] =	vst v63  }
0x66: {  	_ =	swait.ge [sflag:s28], $0x800  }
0x67: {  	[sflag:s28] =	ssyncset.done $0x0  }
0x68: {  	[sflag:s28] =	ssyncadd.s32 $0xFFFFF800  }
0x69: {  	_ =	swait.ge [sflag:s28], $0x800  }
0x6a: {  	[sflag:s28] =	ssyncset.done $0x0  }
0x6b: {  	[sflag:s28] =	ssyncadd.s32 $0xFFFFF800  }
.Ltmp0:
0x6c: {  	_ =	swait.ge [sflag:s29], $0x800;
	(pc) =	sbr.rel @p0 .LBB2_3-.Ltmp0, $4  }
0x6d: {  	[sflag:s29] =	ssyncset.done $0x0  }
0x6e: {  	[sflag:s29] =	ssyncadd.s32 $0xFFFFF800  }
0x6f: {  	_ =	swait.ge [sflag:s29], $0x800  }
0x70: {  	s9 =	smov.u32 s6;
	[sflag:s29] =	ssyncset.done $0x0  }
0x71: {  	s3 =	sshra.s32 s3, $0x2;
	[sflag:s29] =	ssyncadd.s32 $0xFFFFF800  }
0x72: {  	[tilespmem:s20], [sflag:$0x3] =	stream.indirect.gather [hbm4b:s11+s19], $0x10, s3, s19, $0xb8;
	[tilespmem:$0x1FF80] =	vst v63  }
0x73: {  	s6 =	sadd.s32 $0x80, s3  }
0x74: {  	[tilespmem:s21], [sflag:$0x3] =	stream.indirect.gather [hbm4b:s11+s19], $0x10, s6, s19, $0xb8;
	[tilespmem:$0x1FF80] =	vst v63  }
0x75: {  	s10 =	sadd.s32 $0x100, s3  }
0x76: {  	[tilespmem:s22], [sflag:$0x4] =	stream.indirect.gather [hbm4b:s11+s19], $0x10, s10, s19, $0xb8;
	[tilespmem:$0x1FF80] =	vst v63  }
0x77: {  	s9 =	sadd.s32 $0x180, s3  }
0x78: {  	[tilespmem:s23], [sflag:$0x4] =	stream.indirect.gather [hbm4b:s11+s19], $0x10, s9, s19, $0xb8;
	[tilespmem:$0x1FF80] =	vst v63  }
0x79: {  	_ =	swait.ge [sflag:s25], $0x800  }
0x7a: {  	[sflag:s25] =	ssyncset.done $0x0  }
0x7b: {  	[sflag:s25] =	ssyncadd.s32 $0xFFFFF800  }
0x7c: {  	_ =	swait.ge [sflag:s25], $0x800  }
0x7d: {  	[sflag:s25] =	ssyncset.done $0x0  }
0x7e: {  	s10 =	sadd.s32 $0x1400, s3;
	[sflag:s25] =	ssyncadd.s32 $0xFFFFF800  }
0x7f: {  	[spmem:s2] =	stream.indirect.scatter.add.f32 [tilespmem:s20], [sflag:$0x5], $0x10, s10, s19, $0xb8;
	[tilespmem:$0x1FF80] =	vst v63  }
0x80: {  	s9 =	sadd.s32 $0x1480, s3  }
0x81: {  	[spmem:s2] =	stream.indirect.scatter.add.f32 [tilespmem:s21], [sflag:$0x5], $0x10, s9, s19, $0xb8;
	[tilespmem:$0x1FF80] =	vst v63  }
0x82: {  	_ =	swait.ge [sflag:s26], $0x800  }
0x83: {  	[sflag:s26] =	ssyncset.done $0x0  }
0x84: {  	[sflag:s26] =	ssyncadd.s32 $0xFFFFF800  }
0x85: {  	_ =	swait.ge [sflag:s26], $0x800  }
0x86: {  	[sflag:s26] =	ssyncset.done $0x0  }
0x87: {  	s10 =	sadd.s32 $0x1500, s3;
	[sflag:s26] =	ssyncadd.s32 $0xFFFFF800  }
0x88: {  	[spmem:s2] =	stream.indirect.scatter.add.f32 [tilespmem:s22], [sflag:$0x6], $0x10, s10, s19, $0xb8;
	[tilespmem:$0x1FF80] =	vst v63  }
0x89: {  	s3 =	sadd.s32 $0x1580, s3  }
0x8a: {  	[spmem:s2] =	stream.indirect.scatter.add.f32 [tilespmem:s23], [sflag:$0x6], $0x10, s3, s19, $0xb8;
	[tilespmem:$0x1FF80] =	vst v63  }
0x8b: {  	_ =	swait.ge [sflag:s28], $0x800  }
0x8c: {  	[sflag:s28] =	ssyncset.done $0x0  }
0x8d: {  	[sflag:s28] =	ssyncadd.s32 $0xFFFFF800  }
0x8e: {  	_ =	swait.ge [sflag:s28], $0x800  }
0x8f: {  	[sflag:s28] =	ssyncset.done $0x0  }
0x90: {  	[sflag:s28] =	ssyncadd.s32 $0xFFFFF800  }
0x91: {  	_ =	swait.ge [sflag:s29], $0x800  }
0x92: {  	[sflag:s29] =	ssyncset.done $0x0  }
0x93: {  	[sflag:s29] =	ssyncadd.s32 $0xFFFFF800  }
0x94: {  	_ =	swait.ge [sflag:s29], $0x800  }
0x95: {  	[sflag:s29] =	ssyncset.done $0x0  }
0x96: {  	[sflag:s29] =	ssyncadd.s32 $0xFFFFF800  }
0x97: {  	_ =	swait.ge [sflag:s30], $0x1400  }
0x98: {  	[sflag:s30] =	ssyncset.done $0x0  }
0x99: {  	[sflag:s30] =	ssyncadd.s32 $0xFFFFEC00  }
0x9a: {  	_ =	swait.ge [sflag:s30], $0x1400  }
0x9b: {  	s1 =	sadd.s32 $0x500, s1;
	[sflag:s30] =	ssyncset.done $0x0  }
0x9c: {  	s9 =	sadd.s32 s4, s1;
	s10 =	simm.s32 $0x0;
	[sflag:s30] =	ssyncadd.s32 $0xFFFFEC00  }
0x9d: {  	[tilespmem:s10], [sflag:$0x1] =	stream.linear.gather [hbm4b:s9+s10], $0x1400, $0x38;
	[tilespmem:$0x1FF80] =	vst v63  }
0x9e: {  	s1 =	sadd.s32 s5, s1  }
0x9f: {  	[tilespmem:s15], [sflag:$0x1] =	stream.linear.gather [hbm4b:s1+s10], $0x1400, $0x38;
	[tilespmem:$0x1FF80] =	vst v63  }
0xa0: {  	s3 =	simm.s32 $0x2800  }
0xa1: {  	[tilespmem:s20], [sflag:$0x3] =	stream.indirect.gather [hbm4b:s11+s19], $0x10, s3, s19, $0xb8;
	[tilespmem:$0x1FF80] =	vst v63  }
0xa2: {  	s6 =	simm.s32 $0x2880  }
0xa3: {  	[tilespmem:s21], [sflag:$0x3] =	stream.indirect.gather [hbm4b:s11+s19], $0x10, s6, s19, $0xb8;
	[tilespmem:$0x1FF80] =	vst v63  }
0xa4: {  	s9 =	simm.s32 $0x2900  }
0xa5: {  	[tilespmem:s22], [sflag:$0x4] =	stream.indirect.gather [hbm4b:s11+s19], $0x10, s9, s19, $0xb8;
	[tilespmem:$0x1FF80] =	vst v63  }
0xa6: {  	s10 =	simm.s32 $0x2980  }
0xa7: {  	[tilespmem:s23], [sflag:$0x4] =	stream.indirect.gather [hbm4b:s11+s19], $0x10, s10, s19, $0xb8;
	[tilespmem:$0x1FF80] =	vst v63  }
0xa8: {  	_ =	swait.ge [sflag:s25], $0x800  }
0xa9: {  	[sflag:s25] =	ssyncset.done $0x0  }
0xaa: {  	[sflag:s25] =	ssyncadd.s32 $0xFFFFF800  }
0xab: {  	_ =	swait.ge [sflag:s25], $0x800  }
0xac: {  	[sflag:s25] =	ssyncset.done $0x0  }
0xad: {  	s3 =	simm.s32 $0x3C00;
	[sflag:s25] =	ssyncadd.s32 $0xFFFFF800  }
0xae: {  	[spmem:s2] =	stream.indirect.scatter.add.f32 [tilespmem:s20], [sflag:$0x5], $0x10, s3, s19, $0xb8;
	[tilespmem:$0x1FF80] =	vst v63  }
0xaf: {  	s6 =	simm.s32 $0x3C80  }
0xb0: {  	[spmem:s2] =	stream.indirect.scatter.add.f32 [tilespmem:s21], [sflag:$0x5], $0x10, s6, s19, $0xb8;
	[tilespmem:$0x1FF80] =	vst v63  }
0xb1: {  	_ =	swait.ge [sflag:s26], $0x800  }
0xb2: {  	[sflag:s26] =	ssyncset.done $0x0  }
0xb3: {  	[sflag:s26] =	ssyncadd.s32 $0xFFFFF800  }
0xb4: {  	_ =	swait.ge [sflag:s26], $0x800  }
0xb5: {  	[sflag:s26] =	ssyncset.done $0x0  }
0xb6: {  	s9 =	simm.s32 $0x3D00;
	[sflag:s26] =	ssyncadd.s32 $0xFFFFF800  }
0xb7: {  	[spmem:s2] =	stream.indirect.scatter.add.f32 [tilespmem:s22], [sflag:$0x6], $0x10, s9, s19, $0xb8;
	[tilespmem:$0x1FF80] =	vst v63  }
0xb8: {  	s10 =	simm.s32 $0x3D80  }
0xb9: {  	[spmem:s2] =	stream.indirect.scatter.add.f32 [tilespmem:s23], [sflag:$0x6], $0x10, s10, s19, $0xb8;
	[tilespmem:$0x1FF80] =	vst v63  }
0xba: {  	_ =	swait.ge [sflag:s28], $0x800  }
0xbb: {  	[sflag:s28] =	ssyncset.done $0x0  }
0xbc: {  	[sflag:s28] =	ssyncadd.s32 $0xFFFFF800  }
0xbd: {  	_ =	swait.ge [sflag:s28], $0x800  }
0xbe: {  	[sflag:s28] =	ssyncset.done $0x0  }
0xbf: {  	[sflag:s28] =	ssyncadd.s32 $0xFFFFF800  }
0xc0: {  	_ =	swait.ge [sflag:s29], $0x800  }
0xc1: {  	[sflag:s29] =	ssyncset.done $0x0  }
0xc2: {  	[sflag:s29] =	ssyncadd.s32 $0xFFFFF800  }
0xc3: {  	_ =	swait.ge [sflag:s29], $0x800  }
0xc4: {  	s1 =	simm.s32 $0x200;
	s3 =	simm.s32 $0x1000;
	[sflag:s29] =	ssyncset.done $0x0  }
.LBB2_5:
0xc5: {  	s10 =	sadd.s32 $0x2800, s1  }
0xc6: {  	[sflag:s29] =	ssyncadd.s32 $0xFFFFF800;
	s6 =	smov.u32 s3;
	s9 =	sadd.s32 $0x800, s3  }
0xc7: {  	[tilespmem:s20], [sflag:$0x3] =	stream.indirect.gather [hbm4b:s11+s19], $0x10, s10, s19, $0xb8;
	[tilespmem:$0x1FF80] =	vst v63  }
0xc8: {  	p0 =	sne.s32 s3, $0x4800;
	s3 =	sadd.s32 $0x2880, s1  }
0xc9: {  	[tilespmem:s21], [sflag:$0x3] =	stream.indirect.gather [hbm4b:s11+s19], $0x10, s3, s19, $0xb8;
	[tilespmem:$0x1FF80] =	vst v63  }
0xca: {  	s3 =	sadd.s32 $0x2900, s1  }
0xcb: {  	[tilespmem:s22], [sflag:$0x4] =	stream.indirect.gather [hbm4b:s11+s19], $0x10, s3, s19, $0xb8;
	[tilespmem:$0x1FF80] =	vst v63  }
0xcc: {  	s3 =	sadd.s32 $0x2980, s1  }
0xcd: {  	[tilespmem:s23], [sflag:$0x4] =	stream.indirect.gather [hbm4b:s11+s19], $0x10, s3, s19, $0xb8;
	[tilespmem:$0x1FF80] =	vst v63  }
0xce: {  	_ =	swait.ge [sflag:s25], $0x800  }
0xcf: {  	[sflag:s25] =	ssyncset.done $0x0  }
0xd0: {  	[sflag:s25] =	ssyncadd.s32 $0xFFFFF800  }
0xd1: {  	_ =	swait.ge [sflag:s25], $0x800  }
0xd2: {  	[sflag:s25] =	ssyncset.done $0x0  }
0xd3: {  	s3 =	sadd.s32 $0x3C00, s1;
	[sflag:s25] =	ssyncadd.s32 $0xFFFFF800  }
0xd4: {  	[spmem:s2] =	stream.indirect.scatter.add.f32 [tilespmem:s20], [sflag:$0x5], $0x10, s3, s19, $0xb8;
	[tilespmem:$0x1FF80] =	vst v63  }
0xd5: {  	s3 =	sadd.s32 $0x3C80, s1  }
0xd6: {  	[spmem:s2] =	stream.indirect.scatter.add.f32 [tilespmem:s21], [sflag:$0x5], $0x10, s3, s19, $0xb8;
	[tilespmem:$0x1FF80] =	vst v63  }
0xd7: {  	_ =	swait.ge [sflag:s26], $0x800  }
0xd8: {  	[sflag:s26] =	ssyncset.done $0x0  }
0xd9: {  	[sflag:s26] =	ssyncadd.s32 $0xFFFFF800  }
0xda: {  	_ =	swait.ge [sflag:s26], $0x800  }
0xdb: {  	[sflag:s26] =	ssyncset.done $0x0  }
0xdc: {  	s3 =	sadd.s32 $0x3D00, s1;
	[sflag:s26] =	ssyncadd.s32 $0xFFFFF800  }
0xdd: {  	[spmem:s2] =	stream.indirect.scatter.add.f32 [tilespmem:s22], [sflag:$0x6], $0x10, s3, s19, $0xb8;
	[tilespmem:$0x1FF80] =	vst v63  }
0xde: {  	s1 =	sadd.s32 $0x3D80, s1  }
0xdf: {  	[spmem:s2] =	stream.indirect.scatter.add.f32 [tilespmem:s23], [sflag:$0x6], $0x10, s1, s19, $0xb8;
	[tilespmem:$0x1FF80] =	vst v63  }
0xe0: {  	_ =	swait.ge [sflag:s28], $0x800  }
0xe1: {  	[sflag:s28] =	ssyncset.done $0x0  }
0xe2: {  	[sflag:s28] =	ssyncadd.s32 $0xFFFFF800  }
0xe3: {  	_ =	swait.ge [sflag:s28], $0x800  }
0xe4: {  	[sflag:s28] =	ssyncset.done $0x0  }
0xe5: {  	[sflag:s28] =	ssyncadd.s32 $0xFFFFF800  }
.Ltmp1:
0xe6: {  	_ =	swait.ge [sflag:s29], $0x800;
	(pc) =	sbr.rel @p0 .LBB2_5-.Ltmp1, $4  }
0xe7: {  	[sflag:s29] =	ssyncset.done $0x0  }
0xe8: {  	[sflag:s29] =	ssyncadd.s32 $0xFFFFF800  }
0xe9: {  	_ =	swait.ge [sflag:s29], $0x800  }
0xea: {  	s3 =	smov.u32 s9;
	s1 =	sshra.s32 s6, $0x2;
	[sflag:s29] =	ssyncset.done $0x0  }
0xeb: {  	s3 =	sadd.s32 $0x2800, s1;
	[sflag:s29] =	ssyncadd.s32 $0xFFFFF800  }
0xec: {  	[tilespmem:s20], [sflag:$0x3] =	stream.indirect.gather [hbm4b:s11+s19], $0x10, s3, s19, $0xb8;
	[tilespmem:$0x1FF80] =	vst v63  }
0xed: {  	s10 =	sadd.s32 $0x2880, s1  }
0xee: {  	[tilespmem:s21], [sflag:$0x3] =	stream.indirect.gather [hbm4b:s11+s19], $0x10, s10, s19, $0xb8;
	[tilespmem:$0x1FF80] =	vst v63  }
0xef: {  	s6 =	sadd.s32 $0x2900, s1  }
0xf0: {  	[tilespmem:s22], [sflag:$0x4] =	stream.indirect.gather [hbm4b:s11+s19], $0x10, s6, s19, $0xb8;
	[tilespmem:$0x1FF80] =	vst v63  }
0xf1: {  	s9 =	sadd.s32 $0x2980, s1  }
0xf2: {  	[tilespmem:s23], [sflag:$0x4] =	stream.indirect.gather [hbm4b:s11+s19], $0x10, s9, s19, $0xb8;
	[tilespmem:$0x1FF80] =	vst v63  }
0xf3: {  	_ =	swait.ge [sflag:s25], $0x800  }
0xf4: {  	[sflag:s25] =	ssyncset.done $0x0  }
0xf5: {  	[sflag:s25] =	ssyncadd.s32 $0xFFFFF800  }
0xf6: {  	_ =	swait.ge [sflag:s25], $0x800  }
0xf7: {  	[sflag:s25] =	ssyncset.done $0x0  }
0xf8: {  	s10 =	sadd.s32 $0x3C00, s1;
	[sflag:s25] =	ssyncadd.s32 $0xFFFFF800  }
0xf9: {  	[spmem:s2] =	stream.indirect.scatter.add.f32 [tilespmem:s20], [sflag:$0x5], $0x10, s10, s19, $0xb8;
	[tilespmem:$0x1FF80] =	vst v63  }
0xfa: {  	s6 =	sadd.s32 $0x3C80, s1  }
0xfb: {  	[spmem:s2] =	stream.indirect.scatter.add.f32 [tilespmem:s21], [sflag:$0x5], $0x10, s6, s19, $0xb8;
	[tilespmem:$0x1FF80] =	vst v63  }
0xfc: {  	_ =	swait.ge [sflag:s26], $0x800  }
0xfd: {  	[sflag:s26] =	ssyncset.done $0x0  }
0xfe: {  	[sflag:s26] =	ssyncadd.s32 $0xFFFFF800  }
0xff: {  	_ =	swait.ge [sflag:s26], $0x800  }
0x100: {  	[sflag:s26] =	ssyncset.done $0x0  }
0x101: {  	s9 =	sadd.s32 $0x3D00, s1;
	[sflag:s26] =	ssyncadd.s32 $0xFFFFF800  }
0x102: {  	[spmem:s2] =	stream.indirect.scatter.add.f32 [tilespmem:s22], [sflag:$0x6], $0x10, s9, s19, $0xb8;
	[tilespmem:$0x1FF80] =	vst v63  }
0x103: {  	s10 =	sadd.s32 $0x3D80, s1  }
0x104: {  	[spmem:s2] =	stream.indirect.scatter.add.f32 [tilespmem:s23], [sflag:$0x6], $0x10, s10, s19, $0xb8;
	[tilespmem:$0x1FF80] =	vst v63  }
0x105: {  	_ =	swait.ge [sflag:s28], $0x800  }
0x106: {  	[sflag:s28] =	ssyncset.done $0x0  }
0x107: {  	[sflag:s28] =	ssyncadd.s32 $0xFFFFF800  }
0x108: {  	_ =	swait.ge [sflag:s28], $0x800  }
0x109: {  	[sflag:s28] =	ssyncset.done $0x0  }
0x10a: {  	s0 =	sadd.s32 $0x1, s0;
	[sflag:s28] =	ssyncadd.s32 $0xFFFFF800  }
0x10b: {  	p0 =	sne.s32 s0, $0xA;
	_ =	swait.ge [sflag:s29], $0x800  }
.Ltmp2:
0x10c: {  	[sflag:s29] =	ssyncset.done $0x0;
	(pc) =	sbr.rel @p0 .LBB2_2-.Ltmp2, $4  }
0x10d: {  	[sflag:s29] =	ssyncadd.s32 $0xFFFFF800  }
0x10e: {  	_ =	swait.ge [sflag:s29], $0x800  }
0x10f: {  	[sflag:s29] =	ssyncset.done $0x0  }
0x110: {  	[sflag:s29] =	ssyncadd.s32 $0xFFFFF800  }
0x111: {  	_ =	swait.ge [sflag:s16], $0x1400  }
0x112: {  	[sflag:s16] =	ssyncset.done $0x0  }
0x113: {  	[sflag:s16] =	ssyncadd.s32 $0xFFFFEC00  }
0x114: {  	_ =	swait.ge [sflag:s16], $0x1400  }
0x115: {  	s31 =	sadd.s32 $0x1, s31;
	[sflag:s16] =	ssyncset.done $0x0  }
0x116: {  	p0 =	sne.s32 s31, s12;
	[sflag:s16] =	ssyncadd.s32 $0xFFFFEC00  }
.Ltmp3:
0x117: {  	[bflag:$0x0] =	sbarrier.arrive $0xFFFF;
	(pc) =	sbr.rel @p0 .LBB2_1-.Ltmp3, $4  }
0x118: {  	[hbm:s24], [sflag:s7] =	dma.local [spmem:s13], $0x31F0  }
0x119: {  	_ =	swait.ge [sflag:s14], $0x31F0  }
0x11a: {  	[sflag:s14] =	ssyncset.done $0x0  }
0x11b: {  	[sflag:s14] =	ssyncadd.s32 $0xFFFFCE10  }
0x11c: {  	_ =	sfence.sel $0x180000  }
0x11d: {  	[bflag:$0x0] =	sbarrier.arrive $0xFFFF  }
0x11e: {  	_ =	strace $0x90000050  }
0x11f: {  	s0 =	stileid.u32;
	[bflag:$0x2] =	sbarrier.arrive $0xFFFF  }
0x120: {  	p0 =	sne.s32 s0, $0x0;
	s0 =	rddreg [dreg:$0x2]  }
0x121: {  	s0 =	sadd.s32 @!p0 $0x100000, s0  }
0x122: {  	[sflag:s0] =	ssyncadd.tile.s32 @!p0 $0x1;
	_ =	shalt  }
.Lfunc_end2:
_tile_overlayer_lowered:
.L_overlay_start_2:
0x123: {  	(tag) =	ssettag $0x2  }
0x124: {  	s0 =	rddreg [dreg:$0x0];
	s2 =	stileid.u32  }
0x125: {  	s1 =	rddreg [dreg:$0x1];
	p0 =	sne.s32 s2, $0x0  }
0x126: {  	s3 =	rddreg [dreg:$0x2];
	[bflag:$0x3] =	sbarrier.arrive $0xFFFF;
	s2 =	simm.s32 @!p0 $0x1C07  }
0x127: {  	[timem:s3], [sflag:s2] =	dma.local @!p0 [hbm:s0], s1  }
0x128: {  	s0 =	simm.s32 @!p0 $0x7  }
0x129: {  	_ =	swait.ge @!p0 [sflag:s0], s1  }
0x12a: {  	s1 =	ssub.s32 @!p0 $0x0, s1;
	[sflag:s0] =	ssyncset.done @!p0 $0x0  }
0x12b: {  	[sflag:s0] =	ssyncadd.s32 @!p0 s1  }
0x12c: {  	[bflag:$0x3] =	sbarrier.arrive $0xFFFF  }
0x12d: {  	_ =	shalt  }

</sc_bundles>
